<compile_context>
chip_gen: v7x
topology: tpu7x:2x2x1
jax: 0.10.2.dev20260603
libtpu: 0.0.44.dev20260713+nightly
codegen_flags: <defaults>
</compile_context>

<pallas_src>
import functools

import jax
import jax.numpy as jnp
from jax import lax
from jax.experimental import pallas as pl
from jax.experimental.pallas import tpu as pltpu
from jax.experimental.pallas import tpu_sc as plsc

N = 320000
C = 128
K = 4
P = 16
CAT = 32

NC = 2
NS = 16
NW = NC * NS
ROWS_W = N // NW
B = 80
NCH = ROWS_W // B
LANES = 16



def _proj_body(x_ref, ws_ref, wn_ref, b_ref, zself_ref, zn_ref):
    xb = x_ref[...]
    zself_ref[...] = (
        jnp.dot(xb, ws_ref[...], preferred_element_type=jnp.float32)
        + b_ref[...]
    )
    for k in range(K):
        zn_ref[k] = jnp.dot(xb, wn_ref[k], preferred_element_type=jnp.float32)


@functools.lru_cache(maxsize=None)
def _make_project(n, bn):
    grid = n // bn
    return pl.pallas_call(
        _proj_body,
        grid=(grid,),
        in_specs=[
            pl.BlockSpec((bn, C), lambda i: (i, 0)),
            pl.BlockSpec((C, C), lambda i: (0, 0)),
            pl.BlockSpec((K, C, C), lambda i: (0, 0, 0)),
            pl.BlockSpec((1, C), lambda i: (0, 0)),
        ],
        out_specs=[
            pl.BlockSpec((bn, C), lambda i: (i, 0)),
            pl.BlockSpec((K, bn, C), lambda i: (0, i, 0)),
        ],
        out_shape=[
            jax.ShapeDtypeStruct((n, C), jnp.float32),
            jax.ShapeDtypeStruct((K, n, C), jnp.float32),
        ],
    )



def _sc_combine_rows(acc_v, gbuf_v):

    def row(r, carry):
        for cc in range(C // LANES):
            sl = pl.ds(cc * LANES, LANES)
            g01 = gbuf_v[0, r, sl] + gbuf_v[1, r, sl]
            g23 = gbuf_v[2, r, sl] + gbuf_v[3, r, sl]
            v = acc_v[r, sl] + (g01 + g23)
            acc_v[r, sl] = jnp.maximum(v, 0.0)
        return carry

    lax.fori_loop(0, B, row, 0)


def _sc_body(zself_hbm, znf_hbm, idx_hbm, out_hbm,
             idx0, idx1, acc0, acc1, gb0, gb1, sg0, sg1, si0, si1):
    wid = lax.axis_index("s") * NC + lax.axis_index("c")
    base_c = wid * NCH
    idxb, accb, gbb = (idx0, idx1), (acc0, acc1), (gb0, gb1)
    sgb, sib = (sg0, sg1), (si0, si1)

    def issue(ci, b):
        for k in range(K):
            pltpu.async_copy(znf_hbm.at[idxb[b].at[k]], gbb[b].at[k], sgb[b])
        pltpu.async_copy(
            zself_hbm.at[pl.ds((base_c + ci) * B, B)], accb[b], sgb[b])

    def drain(b):
        for k in range(K):
            pltpu.make_async_copy(
                znf_hbm.at[idxb[b].at[k]], gbb[b].at[k], sgb[b]).wait()
        pltpu.make_async_copy(
            zself_hbm.at[pl.ds(0, B)], accb[b], sgb[b]).wait()

    def issue_idx(ci, b):
        pltpu.async_copy(idx_hbm.at[base_c + ci], idxb[b], sib[b])

    def drain_idx(b):
        pltpu.make_async_copy(idx_hbm.at[0], idxb[b], sib[b]).wait()

    def process(ci, b):
        drain(b)

        @pl.when(ci + 1 < NCH)
        def _start_next():
            drain_idx(1 - b)
            issue(ci + 1, 1 - b)

        @pl.when(ci + 2 < NCH)
        def _prefetch_idx():
            issue_idx(ci + 2, b)

        _sc_combine_rows(accb[b], gbb[b])
        pltpu.sync_copy(accb[b], out_hbm.at[pl.ds((base_c + ci) * B, B)])

    pltpu.sync_copy(idx_hbm.at[base_c], idxb[0])
    issue(0, 0)
    issue_idx(1, 1)

    def pair(i, carry):
        ci = i * 2
        process(ci, 0)

        @pl.when(ci + 1 < NCH)
        def _odd():
            process(ci + 1, 1)

        return carry

    lax.fori_loop(0, (NCH + 1) // 2, pair, 0)


@functools.lru_cache(maxsize=None)
def _make_sc_conv():
    mesh = plsc.VectorSubcoreMesh(core_axis_name="c", subcore_axis_name="s",
                                  num_cores=NC, num_subcores=NS)
    scratch = [
        pltpu.VMEM((K, B), jnp.int32),
        pltpu.VMEM((K, B), jnp.int32),
        pltpu.VMEM((B, C), jnp.float32),
        pltpu.VMEM((B, C), jnp.float32),
        pltpu.VMEM((K, B, C), jnp.float32),
        pltpu.VMEM((K, B, C), jnp.float32),
        pltpu.SemaphoreType.DMA,
        pltpu.SemaphoreType.DMA,
        pltpu.SemaphoreType.DMA,
        pltpu.SemaphoreType.DMA,
    ]
    return pl.kernel(
        _sc_body,
        out_type=jax.ShapeDtypeStruct((N, C), jnp.float32),
        mesh=mesh,
        scratch_types=scratch,
    )



BN_POOL = 4000
NBLK = N // BN_POOL
BLK_PER_BIN = (N // P) // BN_POOL


def _pool_fc_body(h_ref, wf3_ref, bfc_ref, out_ref, pooled_ref):
    i = pl.program_id(0)
    r = i // BLK_PER_BIN
    s = jnp.sum(h_ref[...], axis=0, keepdims=True)

    @pl.when(i % BLK_PER_BIN == 0)
    def _init():
        pooled_ref[pl.ds(r, 1), :] = s

    @pl.when(i % BLK_PER_BIN != 0)
    def _acc():
        pooled_ref[pl.ds(r, 1), :] = pooled_ref[pl.ds(r, 1), :] + s

    @pl.when(i == NBLK - 1)
    def _fc():
        acc = bfc_ref[...]
        for p in range(P):
            acc = acc + jnp.dot(pooled_ref[p:p + 1, :], wf3_ref[p],
                                preferred_element_type=jnp.float32)
        out_ref[...] = acc


@functools.lru_cache(maxsize=None)
def _make_pool_fc():
    return pl.pallas_call(
        _pool_fc_body,
        grid=(NBLK,),
        in_specs=[
            pl.BlockSpec((BN_POOL, C), lambda i: (i, 0)),
            pl.BlockSpec((P, C, CAT), lambda i: (0, 0, 0)),
            pl.BlockSpec((1, CAT), lambda i: (0, 0)),
        ],
        out_specs=pl.BlockSpec((1, CAT), lambda i: (0, 0)),
        out_shape=jax.ShapeDtypeStruct((1, CAT), jnp.float32),
        scratch_shapes=[pltpu.VMEM((P, C), jnp.float32)],
    )



def _split_weights(W):
    Wr = W.reshape(C, K + 1, C)
    ws = Wr[:, 0, :].T
    wn = Wr[:, 1:, :].transpose(1, 2, 0)
    return ws, wn


def kernel(x, half_edges, W0, b0, W1, b1, W2, b2, Wfc, bfc):
    he = half_edges.astype(jnp.int32)
    idx_full = he.T + (jnp.arange(K, dtype=jnp.int32) * N)[:, None]
    idx_tiled = idx_full.reshape(K, NW * NCH, B).transpose(1, 0, 2)

    project = _make_project(N, 3200)
    sc_conv = _make_sc_conv()

    h = x
    for W, b in ((W0, b0), (W1, b1), (W2, b2)):
        ws, wn = _split_weights(W)
        zself, zn = project(h, ws, wn, b.reshape(1, C))
        znf = zn.reshape(K * N, C)
        h = sc_conv(zself, znf, idx_tiled)

    wf3 = Wfc.reshape(CAT, P, C).transpose(1, 2, 0) * (1.0 / (N // P))
    out = _make_pool_fc()(h, wf3, bfc.reshape(1, CAT))
    return out.reshape(CAT)

# --- scband reference (transcript-rebuilt; emitter-appended) ---
"""Pipeline reference for scband-half-edge-cnnmesh-model-41798621725040 (READ-ONLY COPY).

The authoritative reference and input builder live on the scoring server;
editing this copy changes nothing except your own understanding.
"""

import jax, jax.numpy as jnp
import numpy as np

N = 320000      # number of half-edges
C_IN = 128      # in_channel_num
C_MID = 128     # mid_channel_num
P = 16          # pool_output_size
CAT = 32        # category_num
K = 4           # neighbors per half-edge (next, prev, twin-next, twin-prev)


def setup_inputs(seed: int = 0) -> dict:
    key = jax.random.key(seed)
    ks = jax.random.split(key, 16)
    inp = {}
    inp["x"] = jax.random.normal(ks[0], (N, C_IN), dtype=jnp.float32)
    inp["half_edges"] = jax.random.randint(ks[1], (N, K), 0, N)
    # conv 0: in=C_IN, out=C_MID; convs 1,2: in=C_MID, out=C_MID
    inp["W0"] = jax.random.normal(ks[2], (C_MID, (K + 1) * C_IN), dtype=jnp.float32) * (1.0 / np.sqrt((K + 1) * C_IN))
    inp["b0"] = jnp.zeros((C_MID,), dtype=jnp.float32)
    inp["W1"] = jax.random.normal(ks[3], (C_MID, (K + 1) * C_MID), dtype=jnp.float32) * (1.0 / np.sqrt((K + 1) * C_MID))
    inp["b1"] = jnp.zeros((C_MID,), dtype=jnp.float32)
    inp["W2"] = jax.random.normal(ks[4], (C_MID, (K + 1) * C_MID), dtype=jnp.float32) * (1.0 / np.sqrt((K + 1) * C_MID))
    inp["b2"] = jnp.zeros((C_MID,), dtype=jnp.float32)
    inp["Wfc"] = jax.random.normal(ks[5], (CAT, P * C_MID), dtype=jnp.float32) * (1.0 / np.sqrt(P * C_MID))
    inp["bfc"] = jnp.zeros((CAT,), dtype=jnp.float32)
    return inp


def _half_edge_conv(x, half_edges, W, b):
    # gather the K neighbor half-edge features for every half-edge
    neigh = jnp.take(x, half_edges, axis=0)                      # [N, K, C]
    feat = jnp.concatenate([x[:, None, :], neigh], axis=1)       # [N, K+1, C]
    feat = feat.reshape(x.shape[0], -1)                          # [N, (K+1)*C]
    return jax.nn.relu(feat @ W.T + b)                           # [N, C_out]


def reference(x, half_edges, W0, b0, W1, b1, W2, b2, Wfc, bfc):
    h = _half_edge_conv(x, half_edges, W0, b0)
    h = _half_edge_conv(h, half_edges, W1, b1)
    h = _half_edge_conv(h, half_edges, W2, b2)                   # [N, C_MID]
    # AdaptiveAvgPool1d over the half-edge axis: [N, C] -> [P, C]
    ht = h.T                                                     # [C_MID, N]
    pooled = ht.reshape(C_MID, P, N // P).mean(axis=-1)          # [C_MID, P]
    flat = pooled.T.reshape(-1)                                  # [P * C_MID]
    out = Wfc @ flat + bfc                                       # [CAT]
    return out

if __name__ == "__main__":
    import jax
    _d = setup_inputs()
    print(jax.jit(kernel)(*tuple(_d.values())))

</pallas_src>

<mosaic_0001>
#map = affine_map<(d0, d1) -> (0, 0)>
#map1 = affine_map<(d0, d1) -> (0, 0, 0)>
module attributes {stable_mosaic.version = 14 : i64} {
  func.func @_sc_body(%arg0: i32, %arg1: i32, %arg2: memref<320000x128xf32, #tpu.memory_space<hbm>>, %arg3: memref<1280000x128xf32, #tpu.memory_space<hbm>>, %arg4: memref<4000x4x80xi32, #tpu.memory_space<hbm>>, %arg5: memref<320000x128xf32, #tpu.memory_space<hbm>>, %arg6: memref<4x80xi32, #tpu.memory_space<vmem>>, %arg7: memref<4x80xi32, #tpu.memory_space<vmem>>, %arg8: memref<80x128xf32, #tpu.memory_space<vmem>>, %arg9: memref<80x128xf32, #tpu.memory_space<vmem>>, %arg10: memref<4x80x128xf32, #tpu.memory_space<vmem>>, %arg11: memref<4x80x128xf32, #tpu.memory_space<vmem>>, %arg12: memref<!tpu.dma_semaphore, #tpu.memory_space<semaphore_mem>>, %arg13: memref<!tpu.dma_semaphore, #tpu.memory_space<semaphore_mem>>, %arg14: memref<!tpu.dma_semaphore, #tpu.memory_space<semaphore_mem>>, %arg15: memref<!tpu.dma_semaphore, #tpu.memory_space<semaphore_mem>>) attributes {dimension_semantics = [#tpu.dimension_semantics<core_parallel>, #tpu.dimension_semantics<subcore_parallel>], iteration_bounds = array<i64: 2, 16>, scalar_prefetch = 0 : i64, scratch_operands = 10 : i64, tpu.core_type = #tpu.core_type<sc_vector_subcore>, window_params = [{transform_indices = #map}, {transform_indices = #map}, {transform_indices = #map1}, {transform_indices = #map}]} {
    %mul3A = arith.constant 2 : i32
    %mul3A_0 = arith.muli %arg1, %mul3A : i32
    %add3A = arith.addi %mul3A_0, %arg0 : i32
    %mul3A_1 = arith.constant 125 : i32
    %mul3A_2 = arith.muli %add3A, %mul3A_1 : i32
    "tpu.region"() ({
      %run_scoped3A = tpu.sem_alloc : memref<!tpu.dma_semaphore, #tpu.memory_space<semaphore_mem>>
      %dma_start3A_73 = arith.constant 0 : i32
      %dma_start3A_74 = arith.constant 0 : i32
      %dma_start3A_75 = tpu.memref_slice %arg4[%mul3A_2, %dma_start3A_73, %dma_start3A_74] : memref<4000x4x80xi32, #tpu.memory_space<hbm>> -> memref<1x4x80xi32, #tpu.memory_space<hbm>>
      %dma_start3A_76 = tpu.memref_squeeze %dma_start3A_75 : memref<1x4x80xi32, #tpu.memory_space<hbm>> -> memref<4x80xi32, #tpu.memory_space<hbm>>
      %dma_start3A_77 = arith.constant 0 : i32
      %dma_start3A_78 = arith.constant 0 : i32
      %dma_start3A_79 = tpu.memref_slice %arg4[%mul3A_2, %dma_start3A_77, %dma_start3A_78] : memref<4000x4x80xi32, #tpu.memory_space<hbm>> -> memref<1x4x80xi32, #tpu.memory_space<hbm>>
      %dma_start3A_80 = tpu.memref_squeeze %dma_start3A_79 : memref<1x4x80xi32, #tpu.memory_space<hbm>> -> memref<4x80xi32, #tpu.memory_space<hbm>>
      tpu.enqueue_dma source(%dma_start3A_80 : memref<4x80xi32, #tpu.memory_space<hbm>>) target(%arg6 : memref<4x80xi32, #tpu.memory_space<vmem>>) target_semaphore(%run_scoped3A : memref<!tpu.dma_semaphore, #tpu.memory_space<semaphore_mem>>)
      %dma_wait3A = arith.constant 0 : i32
      %dma_wait3A_81 = arith.constant 0 : i32
      %dma_wait3A_82 = tpu.memref_slice %arg4[%mul3A_2, %dma_wait3A, %dma_wait3A_81] : memref<4000x4x80xi32, #tpu.memory_space<hbm>> -> memref<1x4x80xi32, #tpu.memory_space<hbm>>
      %dma_wait3A_83 = tpu.memref_squeeze %dma_wait3A_82 : memref<1x4x80xi32, #tpu.memory_space<hbm>> -> memref<4x80xi32, #tpu.memory_space<hbm>>
      %dma_wait3A_84 = arith.constant 0 : i32
      %dma_wait3A_85 = arith.constant 0 : i32
      %dma_wait3A_86 = tpu.memref_slice %arg4[%mul3A_2, %dma_wait3A_84, %dma_wait3A_85] : memref<4000x4x80xi32, #tpu.memory_space<hbm>> -> memref<1x4x80xi32, #tpu.memory_space<hbm>>
      %dma_wait3A_87 = tpu.memref_squeeze %dma_wait3A_86 : memref<1x4x80xi32, #tpu.memory_space<hbm>> -> memref<4x80xi32, #tpu.memory_space<hbm>>
      tpu.wait_dma2 semaphore(%run_scoped3A : memref<!tpu.dma_semaphore, #tpu.memory_space<semaphore_mem>>) src(%dma_wait3A_87 : memref<4x80xi32, #tpu.memory_space<hbm>>) dst(%arg6 : memref<4x80xi32, #tpu.memory_space<vmem>>)
      tpu.yield
    }) : () -> ()
    %dma_start3A = arith.constant 0 : i32
    %dma_start3A_3 = arith.constant 0 : i32
    %dma_start3A_4 = arith.constant 0 : i32
    %dma_start3A_5 = arith.constant 0 : i32
    %dma_start3A_6 = tpu.memref_slice %arg10[%dma_start3A_3, %dma_start3A_4, %dma_start3A_5] : memref<4x80x128xf32, #tpu.memory_space<vmem>> -> memref<1x80x128xf32, #tpu.memory_space<vmem>>
    %dma_start3A_7 = tpu.memref_squeeze %dma_start3A_6 : memref<1x80x128xf32, #tpu.memory_space<vmem>> -> memref<80x128xf32, #tpu.memory_space<vmem>>
    %dma_start3A_8 = arith.constant 0 : i32
    %dma_start3A_9 = tpu.memref_slice %arg6[%dma_start3A, %dma_start3A_8] : memref<4x80xi32, #tpu.memory_space<vmem>> -> memref<1x80xi32, #tpu.memory_space<vmem>>
    %dma_start3A_10 = tpu.memref_squeeze %dma_start3A_9 : memref<1x80xi32, #tpu.memory_space<vmem>> -> memref<80xi32, #tpu.memory_space<vmem>>
    %dma_start3A_11 = arith.constant 0 : i32
    %dma_start3A_12 = arith.constant 0 : i32
    %dma_start3A_13 = tpu.memref_slice %arg3[%dma_start3A_11, %dma_start3A_12] : memref<1280000x128xf32, #tpu.memory_space<hbm>> -> memref<1280000x128xf32, #tpu.memory_space<hbm>>
    tpu.enqueue_indirect_dma source(%dma_start3A_13 : memref<1280000x128xf32, #tpu.memory_space<hbm>>) target(%dma_start3A_7 : memref<80x128xf32, #tpu.memory_space<vmem>>) offsets(%dma_start3A_10 : memref<80xi32, #tpu.memory_space<vmem>>) semaphore(%arg12 : memref<!tpu.dma_semaphore, #tpu.memory_space<semaphore_mem>>)
    %dma_start3A_14 = arith.constant 1 : i32
    %dma_start3A_15 = arith.constant 1 : i32
    %dma_start3A_16 = arith.constant 0 : i32
    %dma_start3A_17 = arith.constant 0 : i32
    %dma_start3A_18 = tpu.memref_slice %arg10[%dma_start3A_15, %dma_start3A_16, %dma_start3A_17] : memref<4x80x128xf32, #tpu.memory_space<vmem>> -> memref<1x80x128xf32, #tpu.memory_space<vmem>>
    %dma_start3A_19 = tpu.memref_squeeze %dma_start3A_18 : memref<1x80x128xf32, #tpu.memory_space<vmem>> -> memref<80x128xf32, #tpu.memory_space<vmem>>
    %dma_start3A_20 = arith.constant 0 : i32
    %dma_start3A_21 = tpu.memref_slice %arg6[%dma_start3A_14, %dma_start3A_20] : memref<4x80xi32, #tpu.memory_space<vmem>> -> memref<1x80xi32, #tpu.memory_space<vmem>>
    %dma_start3A_22 = tpu.memref_squeeze %dma_start3A_21 : memref<1x80xi32, #tpu.memory_space<vmem>> -> memref<80xi32, #tpu.memory_space<vmem>>
    %dma_start3A_23 = arith.constant 0 : i32
    %dma_start3A_24 = arith.constant 0 : i32
    %dma_start3A_25 = tpu.memref_slice %arg3[%dma_start3A_23, %dma_start3A_24] : memref<1280000x128xf32, #tpu.memory_space<hbm>> -> memref<1280000x128xf32, #tpu.memory_space<hbm>>
    tpu.enqueue_indirect_dma source(%dma_start3A_25 : memref<1280000x128xf32, #tpu.memory_space<hbm>>) target(%dma_start3A_19 : memref<80x128xf32, #tpu.memory_space<vmem>>) offsets(%dma_start3A_22 : memref<80xi32, #tpu.memory_space<vmem>>) semaphore(%arg12 : memref<!tpu.dma_semaphore, #tpu.memory_space<semaphore_mem>>)
    %dma_start3A_26 = arith.constant 2 : i32
    %dma_start3A_27 = arith.constant 2 : i32
    %dma_start3A_28 = arith.constant 0 : i32
    %dma_start3A_29 = arith.constant 0 : i32
    %dma_start3A_30 = tpu.memref_slice %arg10[%dma_start3A_27, %dma_start3A_28, %dma_start3A_29] : memref<4x80x128xf32, #tpu.memory_space<vmem>> -> memref<1x80x128xf32, #tpu.memory_space<vmem>>
    %dma_start3A_31 = tpu.memref_squeeze %dma_start3A_30 : memref<1x80x128xf32, #tpu.memory_space<vmem>> -> memref<80x128xf32, #tpu.memory_space<vmem>>
    %dma_start3A_32 = arith.constant 0 : i32
    %dma_start3A_33 = tpu.memref_slice %arg6[%dma_start3A_26, %dma_start3A_32] : memref<4x80xi32, #tpu.memory_space<vmem>> -> memref<1x80xi32, #tpu.memory_space<vmem>>
    %dma_start3A_34 = tpu.memref_squeeze %dma_start3A_33 : memref<1x80xi32, #tpu.memory_space<vmem>> -> memref<80xi32, #tpu.memory_space<vmem>>
    %dma_start3A_35 = arith.constant 0 : i32
    %dma_start3A_36 = arith.constant 0 : i32
    %dma_start3A_37 = tpu.memref_slice %arg3[%dma_start3A_35, %dma_start3A_36] : memref<1280000x128xf32, #tpu.memory_space<hbm>> -> memref<1280000x128xf32, #tpu.memory_space<hbm>>
    tpu.enqueue_indirect_dma source(%dma_start3A_37 : memref<1280000x128xf32, #tpu.memory_space<hbm>>) target(%dma_start3A_31 : memref<80x128xf32, #tpu.memory_space<vmem>>) offsets(%dma_start3A_34 : memref<80xi32, #tpu.memory_space<vmem>>) semaphore(%arg12 : memref<!tpu.dma_semaphore, #tpu.memory_space<semaphore_mem>>)
    %dma_start3A_38 = arith.constant 3 : i32
    %dma_start3A_39 = arith.constant 3 : i32
    %dma_start3A_40 = arith.constant 0 : i32
    %dma_start3A_41 = arith.constant 0 : i32
    %dma_start3A_42 = tpu.memref_slice %arg10[%dma_start3A_39, %dma_start3A_40, %dma_start3A_41] : memref<4x80x128xf32, #tpu.memory_space<vmem>> -> memref<1x80x128xf32, #tpu.memory_space<vmem>>
    %dma_start3A_43 = tpu.memref_squeeze %dma_start3A_42 : memref<1x80x128xf32, #tpu.memory_space<vmem>> -> memref<80x128xf32, #tpu.memory_space<vmem>>
    %dma_start3A_44 = arith.constant 0 : i32
    %dma_start3A_45 = tpu.memref_slice %arg6[%dma_start3A_38, %dma_start3A_44] : memref<4x80xi32, #tpu.memory_space<vmem>> -> memref<1x80xi32, #tpu.memory_space<vmem>>
    %dma_start3A_46 = tpu.memref_squeeze %dma_start3A_45 : memref<1x80xi32, #tpu.memory_space<vmem>> -> memref<80xi32, #tpu.memory_space<vmem>>
    %dma_start3A_47 = arith.constant 0 : i32
    %dma_start3A_48 = arith.constant 0 : i32
    %dma_start3A_49 = tpu.memref_slice %arg3[%dma_start3A_47, %dma_start3A_48] : memref<1280000x128xf32, #tpu.memory_space<hbm>> -> memref<1280000x128xf32, #tpu.memory_space<hbm>>
    tpu.enqueue_indirect_dma source(%dma_start3A_49 : memref<1280000x128xf32, #tpu.memory_space<hbm>>) target(%dma_start3A_43 : memref<80x128xf32, #tpu.memory_space<vmem>>) offsets(%dma_start3A_46 : memref<80xi32, #tpu.memory_space<vmem>>) semaphore(%arg12 : memref<!tpu.dma_semaphore, #tpu.memory_space<semaphore_mem>>)
    %add3A_50 = arith.constant 0 : i32
    %add3A_51 = arith.addi %mul3A_2, %add3A_50 : i32
    %mul3A_52 = arith.constant 80 : i32
    %mul3A_53 = arith.muli %add3A_51, %mul3A_52 : i32
    %dma_start3A_54 = arith.constant 0 : i32
    %dma_start3A_55 = tpu.memref_slice %arg2[%mul3A_53, %dma_start3A_54] : memref<320000x128xf32, #tpu.memory_space<hbm>> -> memref<80x128xf32, #tpu.memory_space<hbm>>
    %dma_start3A_56 = arith.constant 0 : i32
    %dma_start3A_57 = tpu.memref_slice %arg2[%mul3A_53, %dma_start3A_56] : memref<320000x128xf32, #tpu.memory_space<hbm>> -> memref<80x128xf32, #tpu.memory_space<hbm>>
    tpu.enqueue_dma source(%dma_start3A_57 : memref<80x128xf32, #tpu.memory_space<hbm>>) target(%arg8 : memref<80x128xf32, #tpu.memory_space<vmem>>) target_semaphore(%arg12 : memref<!tpu.dma_semaphore, #tpu.memory_space<semaphore_mem>>)
    %add3A_58 = arith.constant 1 : i32
    %add3A_59 = arith.addi %mul3A_2, %add3A_58 : i32
    %dma_start3A_60 = arith.constant 0 : i32
    %dma_start3A_61 = arith.constant 0 : i32
    %dma_start3A_62 = tpu.memref_slice %arg4[%add3A_59, %dma_start3A_60, %dma_start3A_61] : memref<4000x4x80xi32, #tpu.memory_space<hbm>> -> memref<1x4x80xi32, #tpu.memory_space<hbm>>
    %dma_start3A_63 = tpu.memref_squeeze %dma_start3A_62 : memref<1x4x80xi32, #tpu.memory_space<hbm>> -> memref<4x80xi32, #tpu.memory_space<hbm>>
    %dma_start3A_64 = arith.constant 0 : i32
    %dma_start3A_65 = arith.constant 0 : i32
    %dma_start3A_66 = tpu.memref_slice %arg4[%add3A_59, %dma_start3A_64, %dma_start3A_65] : memref<4000x4x80xi32, #tpu.memory_space<hbm>> -> memref<1x4x80xi32, #tpu.memory_space<hbm>>
    %dma_start3A_67 = tpu.memref_squeeze %dma_start3A_66 : memref<1x4x80xi32, #tpu.memory_space<hbm>> -> memref<4x80xi32, #tpu.memory_space<hbm>>
    tpu.enqueue_dma source(%dma_start3A_67 : memref<4x80xi32, #tpu.memory_space<hbm>>) target(%arg7 : memref<4x80xi32, #tpu.memory_space<vmem>>) target_semaphore(%arg15 : memref<!tpu.dma_semaphore, #tpu.memory_space<semaphore_mem>>)
    %scan3A = arith.constant 0 : i32
    %scan3A_68 = arith.constant 0 : i32
    %scan3A_69 = arith.constant 63 : i32
    %scan3A_70 = arith.addi %scan3A_68, %scan3A_69 : i32
    %scan3A_71 = arith.constant 1 : i32
    scf.for %scan3A_73 = %scan3A_68 to %scan3A_70 step %scan3A_71  : i32 {
      %mul3A_74 = arith.constant 2 : i32
      %mul3A_75 = arith.muli %scan3A_73, %mul3A_74 : i32
      %dma_wait3A = arith.constant 0 : i32
      %dma_wait3A_76 = arith.constant 0 : i32
      %dma_wait3A_77 = arith.constant 0 : i32
      %dma_wait3A_78 = arith.constant 0 : i32
      %dma_wait3A_79 = tpu.memref_slice %arg10[%dma_wait3A_76, %dma_wait3A_77, %dma_wait3A_78] : memref<4x80x128xf32, #tpu.memory_space<vmem>> -> memref<1x80x128xf32, #tpu.memory_space<vmem>>
      %dma_wait3A_80 = tpu.memref_squeeze %dma_wait3A_79 : memref<1x80x128xf32, #tpu.memory_space<vmem>> -> memref<80x128xf32, #tpu.memory_space<vmem>>
      %dma_wait3A_81 = arith.constant 0 : i32
      %dma_wait3A_82 = tpu.memref_slice %arg6[%dma_wait3A, %dma_wait3A_81] : memref<4x80xi32, #tpu.memory_space<vmem>> -> memref<1x80xi32, #tpu.memory_space<vmem>>
      %dma_wait3A_83 = tpu.memref_squeeze %dma_wait3A_82 : memref<1x80xi32, #tpu.memory_space<vmem>> -> memref<80xi32, #tpu.memory_space<vmem>>
      %dma_wait3A_84 = arith.constant 0 : i32
      %dma_wait3A_85 = arith.constant 0 : i32
      %dma_wait3A_86 = tpu.memref_slice %arg3[%dma_wait3A_84, %dma_wait3A_85] : memref<1280000x128xf32, #tpu.memory_space<hbm>> -> memref<1280000x128xf32, #tpu.memory_space<hbm>>
      tpu.wait_indirect_dma semaphore(%arg12 : memref<!tpu.dma_semaphore, #tpu.memory_space<semaphore_mem>>) src(%dma_wait3A_86 : memref<1280000x128xf32, #tpu.memory_space<hbm>>) dst(%dma_wait3A_80 : memref<80x128xf32, #tpu.memory_space<vmem>>)
      %dma_wait3A_87 = arith.constant 1 : i32
      %dma_wait3A_88 = arith.constant 1 : i32
      %dma_wait3A_89 = arith.constant 0 : i32
      %dma_wait3A_90 = arith.constant 0 : i32
      %dma_wait3A_91 = tpu.memref_slice %arg10[%dma_wait3A_88, %dma_wait3A_89, %dma_wait3A_90] : memref<4x80x128xf32, #tpu.memory_space<vmem>> -> memref<1x80x128xf32, #tpu.memory_space<vmem>>
      %dma_wait3A_92 = tpu.memref_squeeze %dma_wait3A_91 : memref<1x80x128xf32, #tpu.memory_space<vmem>> -> memref<80x128xf32, #tpu.memory_space<vmem>>
      %dma_wait3A_93 = arith.constant 0 : i32
      %dma_wait3A_94 = tpu.memref_slice %arg6[%dma_wait3A_87, %dma_wait3A_93] : memref<4x80xi32, #tpu.memory_space<vmem>> -> memref<1x80xi32, #tpu.memory_space<vmem>>
      %dma_wait3A_95 = tpu.memref_squeeze %dma_wait3A_94 : memref<1x80xi32, #tpu.memory_space<vmem>> -> memref<80xi32, #tpu.memory_space<vmem>>
      %dma_wait3A_96 = arith.constant 0 : i32
      %dma_wait3A_97 = arith.constant 0 : i32
      %dma_wait3A_98 = tpu.memref_slice %arg3[%dma_wait3A_96, %dma_wait3A_97] : memref<1280000x128xf32, #tpu.memory_space<hbm>> -> memref<1280000x128xf32, #tpu.memory_space<hbm>>
      tpu.wait_indirect_dma semaphore(%arg12 : memref<!tpu.dma_semaphore, #tpu.memory_space<semaphore_mem>>) src(%dma_wait3A_98 : memref<1280000x128xf32, #tpu.memory_space<hbm>>) dst(%dma_wait3A_92 : memref<80x128xf32, #tpu.memory_space<vmem>>)
      %dma_wait3A_99 = arith.constant 2 : i32
      %dma_wait3A_100 = arith.constant 2 : i32
      %dma_wait3A_101 = arith.constant 0 : i32
      %dma_wait3A_102 = arith.constant 0 : i32
      %dma_wait3A_103 = tpu.memref_slice %arg10[%dma_wait3A_100, %dma_wait3A_101, %dma_wait3A_102] : memref<4x80x128xf32, #tpu.memory_space<vmem>> -> memref<1x80x128xf32, #tpu.memory_space<vmem>>
      %dma_wait3A_104 = tpu.memref_squeeze %dma_wait3A_103 : memref<1x80x128xf32, #tpu.memory_space<vmem>> -> memref<80x128xf32, #tpu.memory_space<vmem>>
      %dma_wait3A_105 = arith.constant 0 : i32
      %dma_wait3A_106 = tpu.memref_slice %arg6[%dma_wait3A_99, %dma_wait3A_105] : memref<4x80xi32, #tpu.memory_space<vmem>> -> memref<1x80xi32, #tpu.memory_space<vmem>>
      %dma_wait3A_107 = tpu.memref_squeeze %dma_wait3A_106 : memref<1x80xi32, #tpu.memory_space<vmem>> -> memref<80xi32, #tpu.memory_space<vmem>>
      %dma_wait3A_108 = arith.constant 0 : i32
      %dma_wait3A_109 = arith.constant 0 : i32
      %dma_wait3A_110 = tpu.memref_slice %arg3[%dma_wait3A_108, %dma_wait3A_109] : memref<1280000x128xf32, #tpu.memory_space<hbm>> -> memref<1280000x128xf32, #tpu.memory_space<hbm>>
      tpu.wait_indirect_dma semaphore(%arg12 : memref<!tpu.dma_semaphore, #tpu.memory_space<semaphore_mem>>) src(%dma_wait3A_110 : memref<1280000x128xf32, #tpu.memory_space<hbm>>) dst(%dma_wait3A_104 : memref<80x128xf32, #tpu.memory_space<vmem>>)
      %dma_wait3A_111 = arith.constant 3 : i32
      %dma_wait3A_112 = arith.constant 3 : i32
      %dma_wait3A_113 = arith.constant 0 : i32
      %dma_wait3A_114 = arith.constant 0 : i32
      %dma_wait3A_115 = tpu.memref_slice %arg10[%dma_wait3A_112, %dma_wait3A_113, %dma_wait3A_114] : memref<4x80x128xf32, #tpu.memory_space<vmem>> -> memref<1x80x128xf32, #tpu.memory_space<vmem>>
      %dma_wait3A_116 = tpu.memref_squeeze %dma_wait3A_115 : memref<1x80x128xf32, #tpu.memory_space<vmem>> -> memref<80x128xf32, #tpu.memory_space<vmem>>
      %dma_wait3A_117 = arith.constant 0 : i32
      %dma_wait3A_118 = tpu.memref_slice %arg6[%dma_wait3A_111, %dma_wait3A_117] : memref<4x80xi32, #tpu.memory_space<vmem>> -> memref<1x80xi32, #tpu.memory_space<vmem>>
      %dma_wait3A_119 = tpu.memref_squeeze %dma_wait3A_118 : memref<1x80xi32, #tpu.memory_space<vmem>> -> memref<80xi32, #tpu.memory_space<vmem>>
      %dma_wait3A_120 = arith.constant 0 : i32
      %dma_wait3A_121 = arith.constant 0 : i32
      %dma_wait3A_122 = tpu.memref_slice %arg3[%dma_wait3A_120, %dma_wait3A_121] : memref<1280000x128xf32, #tpu.memory_space<hbm>> -> memref<1280000x128xf32, #tpu.memory_space<hbm>>
      tpu.wait_indirect_dma semaphore(%arg12 : memref<!tpu.dma_semaphore, #tpu.memory_space<semaphore_mem>>) src(%dma_wait3A_122 : memref<1280000x128xf32, #tpu.memory_space<hbm>>) dst(%dma_wait3A_116 : memref<80x128xf32, #tpu.memory_space<vmem>>)
      %dma_wait3A_123 = arith.constant 0 : i32
      %dma_wait3A_124 = arith.constant 0 : i32
      %dma_wait3A_125 = tpu.memref_slice %arg2[%dma_wait3A_123, %dma_wait3A_124] : memref<320000x128xf32, #tpu.memory_space<hbm>> -> memref<80x128xf32, #tpu.memory_space<hbm>>
      %dma_wait3A_126 = arith.constant 0 : i32
      %dma_wait3A_127 = arith.constant 0 : i32
      %dma_wait3A_128 = tpu.memref_slice %arg2[%dma_wait3A_126, %dma_wait3A_127] : memref<320000x128xf32, #tpu.memory_space<hbm>> -> memref<80x128xf32, #tpu.memory_space<hbm>>
      tpu.wait_dma2 semaphore(%arg12 : memref<!tpu.dma_semaphore, #tpu.memory_space<semaphore_mem>>) src(%dma_wait3A_128 : memref<80x128xf32, #tpu.memory_space<hbm>>) dst(%arg8 : memref<80x128xf32, #tpu.memory_space<vmem>>)
      %add3A_129 = arith.constant 1 : i32
      %add3A_130 = arith.addi %mul3A_75, %add3A_129 : i32
      %lt3A = arith.constant 125 : i32
      %lt3A_131 = arith.cmpi slt, %add3A_130, %lt3A : i32
      %convert_element_type3A = arith.extui %lt3A_131 : i1 to i32
      %cond3A = arith.constant 0 : i32
      %cond3A_132 = arith.cmpi ne, %convert_element_type3A, %cond3A : i32
      scf.if %cond3A_132 {
        %dma_wait3A_156 = arith.constant 0 : i32
        %dma_wait3A_157 = arith.constant 0 : i32
        %dma_wait3A_158 = arith.constant 0 : i32
        %dma_wait3A_159 = tpu.memref_slice %arg4[%dma_wait3A_156, %dma_wait3A_157, %dma_wait3A_158] : memref<4000x4x80xi32, #tpu.memory_space<hbm>> -> memref<1x4x80xi32, #tpu.memory_space<hbm>>
        %dma_wait3A_160 = tpu.memref_squeeze %dma_wait3A_159 : memref<1x4x80xi32, #tpu.memory_space<hbm>> -> memref<4x80xi32, #tpu.memory_space<hbm>>
        %dma_wait3A_161 = arith.constant 0 : i32
        %dma_wait3A_162 = arith.constant 0 : i32
        %dma_wait3A_163 = tpu.memref_slice %arg4[%dma_wait3A_156, %dma_wait3A_161, %dma_wait3A_162] : memref<4000x4x80xi32, #tpu.memory_space<hbm>> -> memref<1x4x80xi32, #tpu.memory_space<hbm>>
        %dma_wait3A_164 = tpu.memref_squeeze %dma_wait3A_163 : memref<1x4x80xi32, #tpu.memory_space<hbm>> -> memref<4x80xi32, #tpu.memory_space<hbm>>
        tpu.wait_dma2 semaphore(%arg15 : memref<!tpu.dma_semaphore, #tpu.memory_space<semaphore_mem>>) src(%dma_wait3A_164 : memref<4x80xi32, #tpu.memory_space<hbm>>) dst(%arg7 : memref<4x80xi32, #tpu.memory_space<vmem>>)
        %add3A_165 = arith.constant 1 : i32
        %add3A_166 = arith.addi %mul3A_75, %add3A_165 : i32
        %dma_start3A_167 = arith.constant 0 : i32
        %dma_start3A_168 = arith.constant 0 : i32
        %dma_start3A_169 = arith.constant 0 : i32
        %dma_start3A_170 = arith.constant 0 : i32
        %dma_start3A_171 = tpu.memref_slice %arg11[%dma_start3A_168, %dma_start3A_169, %dma_start3A_170] : memref<4x80x128xf32, #tpu.memory_space<vmem>> -> memref<1x80x128xf32, #tpu.memory_space<vmem>>
        %dma_start3A_172 = tpu.memref_squeeze %dma_start3A_171 : memref<1x80x128xf32, #tpu.memory_space<vmem>> -> memref<80x128xf32, #tpu.memory_space<vmem>>
        %dma_start3A_173 = arith.constant 0 : i32
        %dma_start3A_174 = tpu.memref_slice %arg7[%dma_start3A_167, %dma_start3A_173] : memref<4x80xi32, #tpu.memory_space<vmem>> -> memref<1x80xi32, #tpu.memory_space<vmem>>
        %dma_start3A_175 = tpu.memref_squeeze %dma_start3A_174 : memref<1x80xi32, #tpu.memory_space<vmem>> -> memref<80xi32, #tpu.memory_space<vmem>>
        %dma_start3A_176 = arith.constant 0 : i32
        %dma_start3A_177 = arith.constant 0 : i32
        %dma_start3A_178 = tpu.memref_slice %arg3[%dma_start3A_176, %dma_start3A_177] : memref<1280000x128xf32, #tpu.memory_space<hbm>> -> memref<1280000x128xf32, #tpu.memory_space<hbm>>
        tpu.enqueue_indirect_dma source(%dma_start3A_178 : memref<1280000x128xf32, #tpu.memory_space<hbm>>) target(%dma_start3A_172 : memref<80x128xf32, #tpu.memory_space<vmem>>) offsets(%dma_start3A_175 : memref<80xi32, #tpu.memory_space<vmem>>) semaphore(%arg13 : memref<!tpu.dma_semaphore, #tpu.memory_space<semaphore_mem>>)
        %dma_start3A_179 = arith.constant 1 : i32
        %dma_start3A_180 = arith.constant 1 : i32
        %dma_start3A_181 = arith.constant 0 : i32
        %dma_start3A_182 = arith.constant 0 : i32
        %dma_start3A_183 = tpu.memref_slice %arg11[%dma_start3A_180, %dma_start3A_181, %dma_start3A_182] : memref<4x80x128xf32, #tpu.memory_space<vmem>> -> memref<1x80x128xf32, #tpu.memory_space<vmem>>
        %dma_start3A_184 = tpu.memref_squeeze %dma_start3A_183 : memref<1x80x128xf32, #tpu.memory_space<vmem>> -> memref<80x128xf32, #tpu.memory_space<vmem>>
        %dma_start3A_185 = arith.constant 0 : i32
        %dma_start3A_186 = tpu.memref_slice %arg7[%dma_start3A_179, %dma_start3A_185] : memref<4x80xi32, #tpu.memory_space<vmem>> -> memref<1x80xi32, #tpu.memory_space<vmem>>
        %dma_start3A_187 = tpu.memref_squeeze %dma_start3A_186 : memref<1x80xi32, #tpu.memory_space<vmem>> -> memref<80xi32, #tpu.memory_space<vmem>>
        %dma_start3A_188 = arith.constant 0 : i32
        %dma_start3A_189 = arith.constant 0 : i32
        %dma_start3A_190 = tpu.memref_slice %arg3[%dma_start3A_188, %dma_start3A_189] : memref<1280000x128xf32, #tpu.memory_space<hbm>> -> memref<1280000x128xf32, #tpu.memory_space<hbm>>
        tpu.enqueue_indirect_dma source(%dma_start3A_190 : memref<1280000x128xf32, #tpu.memory_space<hbm>>) target(%dma_start3A_184 : memref<80x128xf32, #tpu.memory_space<vmem>>) offsets(%dma_start3A_187 : memref<80xi32, #tpu.memory_space<vmem>>) semaphore(%arg13 : memref<!tpu.dma_semaphore, #tpu.memory_space<semaphore_mem>>)
        %dma_start3A_191 = arith.constant 2 : i32
        %dma_start3A_192 = arith.constant 2 : i32
        %dma_start3A_193 = arith.constant 0 : i32
        %dma_start3A_194 = arith.constant 0 : i32
        %dma_start3A_195 = tpu.memref_slice %arg11[%dma_start3A_192, %dma_start3A_193, %dma_start3A_194] : memref<4x80x128xf32, #tpu.memory_space<vmem>> -> memref<1x80x128xf32, #tpu.memory_space<vmem>>
        %dma_start3A_196 = tpu.memref_squeeze %dma_start3A_195 : memref<1x80x128xf32, #tpu.memory_space<vmem>> -> memref<80x128xf32, #tpu.memory_space<vmem>>
        %dma_start3A_197 = arith.constant 0 : i32
        %dma_start3A_198 = tpu.memref_slice %arg7[%dma_start3A_191, %dma_start3A_197] : memref<4x80xi32, #tpu.memory_space<vmem>> -> memref<1x80xi32, #tpu.memory_space<vmem>>
        %dma_start3A_199 = tpu.memref_squeeze %dma_start3A_198 : memref<1x80xi32, #tpu.memory_space<vmem>> -> memref<80xi32, #tpu.memory_space<vmem>>
        %dma_start3A_200 = arith.constant 0 : i32
        %dma_start3A_201 = arith.constant 0 : i32
        %dma_start3A_202 = tpu.memref_slice %arg3[%dma_start3A_200, %dma_start3A_201] : memref<1280000x128xf32, #tpu.memory_space<hbm>> -> memref<1280000x128xf32, #tpu.memory_space<hbm>>
        tpu.enqueue_indirect_dma source(%dma_start3A_202 : memref<1280000x128xf32, #tpu.memory_space<hbm>>) target(%dma_start3A_196 : memref<80x128xf32, #tpu.memory_space<vmem>>) offsets(%dma_start3A_199 : memref<80xi32, #tpu.memory_space<vmem>>) semaphore(%arg13 : memref<!tpu.dma_semaphore, #tpu.memory_space<semaphore_mem>>)
        %dma_start3A_203 = arith.constant 3 : i32
        %dma_start3A_204 = arith.constant 3 : i32
        %dma_start3A_205 = arith.constant 0 : i32
        %dma_start3A_206 = arith.constant 0 : i32
        %dma_start3A_207 = tpu.memref_slice %arg11[%dma_start3A_204, %dma_start3A_205, %dma_start3A_206] : memref<4x80x128xf32, #tpu.memory_space<vmem>> -> memref<1x80x128xf32, #tpu.memory_space<vmem>>
        %dma_start3A_208 = tpu.memref_squeeze %dma_start3A_207 : memref<1x80x128xf32, #tpu.memory_space<vmem>> -> memref<80x128xf32, #tpu.memory_space<vmem>>
        %dma_start3A_209 = arith.constant 0 : i32
        %dma_start3A_210 = tpu.memref_slice %arg7[%dma_start3A_203, %dma_start3A_209] : memref<4x80xi32, #tpu.memory_space<vmem>> -> memref<1x80xi32, #tpu.memory_space<vmem>>
        %dma_start3A_211 = tpu.memref_squeeze %dma_start3A_210 : memref<1x80xi32, #tpu.memory_space<vmem>> -> memref<80xi32, #tpu.memory_space<vmem>>
        %dma_start3A_212 = arith.constant 0 : i32
        %dma_start3A_213 = arith.constant 0 : i32
        %dma_start3A_214 = tpu.memref_slice %arg3[%dma_start3A_212, %dma_start3A_213] : memref<1280000x128xf32, #tpu.memory_space<hbm>> -> memref<1280000x128xf32, #tpu.memory_space<hbm>>
        tpu.enqueue_indirect_dma source(%dma_start3A_214 : memref<1280000x128xf32, #tpu.memory_space<hbm>>) target(%dma_start3A_208 : memref<80x128xf32, #tpu.memory_space<vmem>>) offsets(%dma_start3A_211 : memref<80xi32, #tpu.memory_space<vmem>>) semaphore(%arg13 : memref<!tpu.dma_semaphore, #tpu.memory_space<semaphore_mem>>)
        %add3A_215 = arith.addi %mul3A_2, %add3A_166 : i32
        %mul3A_216 = arith.constant 80 : i32
        %mul3A_217 = arith.muli %add3A_215, %mul3A_216 : i32
        %dma_start3A_218 = arith.constant 0 : i32
        %dma_start3A_219 = tpu.memref_slice %arg2[%mul3A_217, %dma_start3A_218] : memref<320000x128xf32, #tpu.memory_space<hbm>> -> memref<80x128xf32, #tpu.memory_space<hbm>>
        %dma_start3A_220 = arith.constant 0 : i32
        %dma_start3A_221 = tpu.memref_slice %arg2[%mul3A_217, %dma_start3A_220] : memref<320000x128xf32, #tpu.memory_space<hbm>> -> memref<80x128xf32, #tpu.memory_space<hbm>>
        tpu.enqueue_dma source(%dma_start3A_221 : memref<80x128xf32, #tpu.memory_space<hbm>>) target(%arg9 : memref<80x128xf32, #tpu.memory_space<vmem>>) target_semaphore(%arg13 : memref<!tpu.dma_semaphore, #tpu.memory_space<semaphore_mem>>)
      } else {
      }
      %add3A_133 = arith.constant 2 : i32
      %add3A_134 = arith.addi %mul3A_75, %add3A_133 : i32
      %lt3A_135 = arith.constant 125 : i32
      %lt3A_136 = arith.cmpi slt, %add3A_134, %lt3A_135 : i32
      %convert_element_type3A_137 = arith.extui %lt3A_136 : i1 to i32
      %cond3A_138 = arith.constant 0 : i32
      %cond3A_139 = arith.cmpi ne, %convert_element_type3A_137, %cond3A_138 : i32
      scf.if %cond3A_139 {
        %add3A_156 = arith.constant 2 : i32
        %add3A_157 = arith.addi %mul3A_75, %add3A_156 : i32
        %add3A_158 = arith.addi %mul3A_2, %add3A_157 : i32
        %dma_start3A_159 = arith.constant 0 : i32
        %dma_start3A_160 = arith.constant 0 : i32
        %dma_start3A_161 = tpu.memref_slice %arg4[%add3A_158, %dma_start3A_159, %dma_start3A_160] : memref<4000x4x80xi32, #tpu.memory_space<hbm>> -> memref<1x4x80xi32, #tpu.memory_space<hbm>>
        %dma_start3A_162 = tpu.memref_squeeze %dma_start3A_161 : memref<1x4x80xi32, #tpu.memory_space<hbm>> -> memref<4x80xi32, #tpu.memory_space<hbm>>
        %dma_start3A_163 = arith.constant 0 : i32
        %dma_start3A_164 = arith.constant 0 : i32
        %dma_start3A_165 = tpu.memref_slice %arg4[%add3A_158, %dma_start3A_163, %dma_start3A_164] : memref<4000x4x80xi32, #tpu.memory_space<hbm>> -> memref<1x4x80xi32, #tpu.memory_space<hbm>>
        %dma_start3A_166 = tpu.memref_squeeze %dma_start3A_165 : memref<1x4x80xi32, #tpu.memory_space<hbm>> -> memref<4x80xi32, #tpu.memory_space<hbm>>
        tpu.enqueue_dma source(%dma_start3A_166 : memref<4x80xi32, #tpu.memory_space<hbm>>) target(%arg6 : memref<4x80xi32, #tpu.memory_space<vmem>>) target_semaphore(%arg14 : memref<!tpu.dma_semaphore, #tpu.memory_space<semaphore_mem>>)
      } else {
      }
      %scan3A_140 = arith.constant 0 : i32
      %scan3A_141 = arith.constant 0 : i32
      %scan3A_142 = arith.constant 80 : i32
      %scan3A_143 = arith.addi %scan3A_141, %scan3A_142 : i32
      %scan3A_144 = arith.constant 1 : i32
      scf.for %scan3A_156 = %scan3A_141 to %scan3A_143 step %scan3A_144  : i32 {
        %get3A = arith.constant 0 : i32
        %get3A_157 = arith.index_cast %get3A : i32 to index
        %get3A_158 = arith.index_cast %scan3A_156 : i32 to index
        %get3A_159 = arith.constant 0 : index
        %get3A_160 = tpu.vector_load %arg10[%get3A_157, %get3A_158, %get3A_159] {strides = array<i32>} : memref<4x80x128xf32, #tpu.memory_space<vmem>>, vector<1x1x16xf32>,
        %get3A_161 = vector.shape_cast %get3A_160 : vector<1x1x16xf32> to vector<16xf32>
        %get3A_162 = arith.constant 1 : i32
        %get3A_163 = arith.index_cast %get3A_162 : i32 to index
        %get3A_164 = arith.index_cast %scan3A_156 : i32 to index
        %get3A_165 = arith.constant 0 : index
        %get3A_166 = tpu.vector_load %arg10[%get3A_163, %get3A_164, %get3A_165] {strides = array<i32>} : memref<4x80x128xf32, #tpu.memory_space<vmem>>, vector<1x1x16xf32>,
        %get3A_167 = vector.shape_cast %get3A_166 : vector<1x1x16xf32> to vector<16xf32>
        %add3A_168 = arith.addf %get3A_161, %get3A_167 : vector<16xf32>
        %get3A_169 = arith.constant 2 : i32
        %get3A_170 = arith.index_cast %get3A_169 : i32 to index
        %get3A_171 = arith.index_cast %scan3A_156 : i32 to index
        %get3A_172 = arith.constant 0 : index
        %get3A_173 = tpu.vector_load %arg10[%get3A_170, %get3A_171, %get3A_172] {strides = array<i32>} : memref<4x80x128xf32, #tpu.memory_space<vmem>>, vector<1x1x16xf32>,
        %get3A_174 = vector.shape_cast %get3A_173 : vector<1x1x16xf32> to vector<16xf32>
        %get3A_175 = arith.constant 3 : i32
        %get3A_176 = arith.index_cast %get3A_175 : i32 to index
        %get3A_177 = arith.index_cast %scan3A_156 : i32 to index
        %get3A_178 = arith.constant 0 : index
        %get3A_179 = tpu.vector_load %arg10[%get3A_176, %get3A_177, %get3A_178] {strides = array<i32>} : memref<4x80x128xf32, #tpu.memory_space<vmem>>, vector<1x1x16xf32>,
        %get3A_180 = vector.shape_cast %get3A_179 : vector<1x1x16xf32> to vector<16xf32>
        %add3A_181 = arith.addf %get3A_174, %get3A_180 : vector<16xf32>
        %get3A_182 = arith.index_cast %scan3A_156 : i32 to index
        %get3A_183 = arith.constant 0 : index
        %get3A_184 = tpu.vector_load %arg8[%get3A_182, %get3A_183] {strides = array<i32>} : memref<80x128xf32, #tpu.memory_space<vmem>>, vector<1x16xf32>,
        %get3A_185 = vector.shape_cast %get3A_184 : vector<1x16xf32> to vector<16xf32>
        %add3A_186 = arith.addf %add3A_168, %add3A_181 : vector<16xf32>
        %add3A_187 = arith.addf %get3A_185, %add3A_186 : vector<16xf32>
        %max3A = arith.constant 0.000000e+00 : f32
        %max3A_188 = vector.broadcast %max3A : f32 to vector<16xf32>
        %max3A_189 = arith.maximumf %add3A_187, %max3A_188 : vector<16xf32>
        %swap3A = arith.index_cast %scan3A_156 : i32 to index
        %swap3A_190 = arith.constant 0 : index
        %swap3A_191 = tpu.vector_load %arg8[%swap3A, %swap3A_190] {strides = array<i32>} : memref<80x128xf32, #tpu.memory_space<vmem>>, vector<1x16xf32>,
        %swap3A_192 = vector.shape_cast %swap3A_191 : vector<1x16xf32> to vector<16xf32>
        %swap3A_193 = vector.shape_cast %max3A_189 : vector<16xf32> to vector<1x16xf32>
        tpu.vector_store %arg8[%swap3A, %swap3A_190], %swap3A_193 {strides = array<i32>} : memref<80x128xf32, #tpu.memory_space<vmem>>, vector<1x16xf32>,
        %get3A_194 = arith.constant 0 : i32
        %get3A_195 = arith.index_cast %get3A_194 : i32 to index
        %get3A_196 = arith.index_cast %scan3A_156 : i32 to index
        %get3A_197 = arith.constant 16 : index
        %get3A_198 = tpu.vector_load %arg10[%get3A_195, %get3A_196, %get3A_197] {strides = array<i32>} : memref<4x80x128xf32, #tpu.memory_space<vmem>>, vector<1x1x16xf32>,
        %get3A_199 = vector.shape_cast %get3A_198 : vector<1x1x16xf32> to vector<16xf32>
        %get3A_200 = arith.constant 1 : i32
        %get3A_201 = arith.index_cast %get3A_200 : i32 to index
        %get3A_202 = arith.index_cast %scan3A_156 : i32 to index
        %get3A_203 = arith.constant 16 : index
        %get3A_204 = tpu.vector_load %arg10[%get3A_201, %get3A_202, %get3A_203] {strides = array<i32>} : memref<4x80x128xf32, #tpu.memory_space<vmem>>, vector<1x1x16xf32>,
        %get3A_205 = vector.shape_cast %get3A_204 : vector<1x1x16xf32> to vector<16xf32>
        %add3A_206 = arith.addf %get3A_199, %get3A_205 : vector<16xf32>
        %get3A_207 = arith.constant 2 : i32
        %get3A_208 = arith.index_cast %get3A_207 : i32 to index
        %get3A_209 = arith.index_cast %scan3A_156 : i32 to index
        %get3A_210 = arith.constant 16 : index
        %get3A_211 = tpu.vector_load %arg10[%get3A_208, %get3A_209, %get3A_210] {strides = array<i32>} : memref<4x80x128xf32, #tpu.memory_space<vmem>>, vector<1x1x16xf32>,
        %get3A_212 = vector.shape_cast %get3A_211 : vector<1x1x16xf32> to vector<16xf32>
        %get3A_213 = arith.constant 3 : i32
        %get3A_214 = arith.index_cast %get3A_213 : i32 to index
        %get3A_215 = arith.index_cast %scan3A_156 : i32 to index
        %get3A_216 = arith.constant 16 : index
        %get3A_217 = tpu.vector_load %arg10[%get3A_214, %get3A_215, %get3A_216] {strides = array<i32>} : memref<4x80x128xf32, #tpu.memory_space<vmem>>, vector<1x1x16xf32>,
        %get3A_218 = vector.shape_cast %get3A_217 : vector<1x1x16xf32> to vector<16xf32>
        %add3A_219 = arith.addf %get3A_212, %get3A_218 : vector<16xf32>
        %get3A_220 = arith.index_cast %scan3A_156 : i32 to index
        %get3A_221 = arith.constant 16 : index
        %get3A_222 = tpu.vector_load %arg8[%get3A_220, %get3A_221] {strides = array<i32>} : memref<80x128xf32, #tpu.memory_space<vmem>>, vector<1x16xf32>,
        %get3A_223 = vector.shape_cast %get3A_222 : vector<1x16xf32> to vector<16xf32>
        %add3A_224 = arith.addf %add3A_206, %add3A_219 : vector<16xf32>
        %add3A_225 = arith.addf %get3A_223, %add3A_224 : vector<16xf32>
        %max3A_226 = arith.constant 0.000000e+00 : f32
        %max3A_227 = vector.broadcast %max3A_226 : f32 to vector<16xf32>
        %max3A_228 = arith.maximumf %add3A_225, %max3A_227 : vector<16xf32>
        %swap3A_229 = arith.index_cast %scan3A_156 : i32 to index
        %swap3A_230 = arith.constant 16 : index
        %swap3A_231 = tpu.vector_load %arg8[%swap3A_229, %swap3A_230] {strides = array<i32>} : memref<80x128xf32, #tpu.memory_space<vmem>>, vector<1x16xf32>,
        %swap3A_232 = vector.shape_cast %swap3A_231 : vector<1x16xf32> to vector<16xf32>
        %swap3A_233 = vector.shape_cast %max3A_228 : vector<16xf32> to vector<1x16xf32>
        tpu.vector_store %arg8[%swap3A_229, %swap3A_230], %swap3A_233 {strides = array<i32>} : memref<80x128xf32, #tpu.memory_space<vmem>>, vector<1x16xf32>,
        %get3A_234 = arith.constant 0 : i32
        %get3A_235 = arith.index_cast %get3A_234 : i32 to index
        %get3A_236 = arith.index_cast %scan3A_156 : i32 to index
        %get3A_237 = arith.constant 32 : index
        %get3A_238 = tpu.vector_load %arg10[%get3A_235, %get3A_236, %get3A_237] {strides = array<i32>} : memref<4x80x128xf32, #tpu.memory_space<vmem>>, vector<1x1x16xf32>,
        %get3A_239 = vector.shape_cast %get3A_238 : vector<1x1x16xf32> to vector<16xf32>
        %get3A_240 = arith.constant 1 : i32
        %get3A_241 = arith.index_cast %get3A_240 : i32 to index
        %get3A_242 = arith.index_cast %scan3A_156 : i32 to index
        %get3A_243 = arith.constant 32 : index
        %get3A_244 = tpu.vector_load %arg10[%get3A_241, %get3A_242, %get3A_243] {strides = array<i32>} : memref<4x80x128xf32, #tpu.memory_space<vmem>>, vector<1x1x16xf32>,
        %get3A_245 = vector.shape_cast %get3A_244 : vector<1x1x16xf32> to vector<16xf32>
        %add3A_246 = arith.addf %get3A_239, %get3A_245 : vector<16xf32>
        %get3A_247 = arith.constant 2 : i32
        %get3A_248 = arith.index_cast %get3A_247 : i32 to index
        %get3A_249 = arith.index_cast %scan3A_156 : i32 to index
        %get3A_250 = arith.constant 32 : index
        %get3A_251 = tpu.vector_load %arg10[%get3A_248, %get3A_249, %get3A_250] {strides = array<i32>} : memref<4x80x128xf32, #tpu.memory_space<vmem>>, vector<1x1x16xf32>,
        %get3A_252 = vector.shape_cast %get3A_251 : vector<1x1x16xf32> to vector<16xf32>
        %get3A_253 = arith.constant 3 : i32
        %get3A_254 = arith.index_cast %get3A_253 : i32 to index
        %get3A_255 = arith.index_cast %scan3A_156 : i32 to index
        %get3A_256 = arith.constant 32 : index
        %get3A_257 = tpu.vector_load %arg10[%get3A_254, %get3A_255, %get3A_256] {strides = array<i32>} : memref<4x80x128xf32, #tpu.memory_space<vmem>>, vector<1x1x16xf32>,
        %get3A_258 = vector.shape_cast %get3A_257 : vector<1x1x16xf32> to vector<16xf32>
        %add3A_259 = arith.addf %get3A_252, %get3A_258 : vector<16xf32>
        %get3A_260 = arith.index_cast %scan3A_156 : i32 to index
        %get3A_261 = arith.constant 32 : index
        %get3A_262 = tpu.vector_load %arg8[%get3A_260, %get3A_261] {strides = array<i32>} : memref<80x128xf32, #tpu.memory_space<vmem>>, vector<1x16xf32>,
        %get3A_263 = vector.shape_cast %get3A_262 : vector<1x16xf32> to vector<16xf32>
        %add3A_264 = arith.addf %add3A_246, %add3A_259 : vector<16xf32>
        %add3A_265 = arith.addf %get3A_263, %add3A_264 : vector<16xf32>
        %max3A_266 = arith.constant 0.000000e+00 : f32
        %max3A_267 = vector.broadcast %max3A_266 : f32 to vector<16xf32>
        %max3A_268 = arith.maximumf %add3A_265, %max3A_267 : vector<16xf32>
        %swap3A_269 = arith.index_cast %scan3A_156 : i32 to index
        %swap3A_270 = arith.constant 32 : index
        %swap3A_271 = tpu.vector_load %arg8[%swap3A_269, %swap3A_270] {strides = array<i32>} : memref<80x128xf32, #tpu.memory_space<vmem>>, vector<1x16xf32>,
        %swap3A_272 = vector.shape_cast %swap3A_271 : vector<1x16xf32> to vector<16xf32>
        %swap3A_273 = vector.shape_cast %max3A_268 : vector<16xf32> to vector<1x16xf32>
        tpu.vector_store %arg8[%swap3A_269, %swap3A_270], %swap3A_273 {strides = array<i32>} : memref<80x128xf32, #tpu.memory_space<vmem>>, vector<1x16xf32>,
        %get3A_274 = arith.constant 0 : i32
        %get3A_275 = arith.index_cast %get3A_274 : i32 to index
        %get3A_276 = arith.index_cast %scan3A_156 : i32 to index
        %get3A_277 = arith.constant 48 : index
        %get3A_278 = tpu.vector_load %arg10[%get3A_275, %get3A_276, %get3A_277] {strides = array<i32>} : memref<4x80x128xf32, #tpu.memory_space<vmem>>, vector<1x1x16xf32>,
        %get3A_279 = vector.shape_cast %get3A_278 : vector<1x1x16xf32> to vector<16xf32>
        %get3A_280 = arith.constant 1 : i32
        %get3A_281 = arith.index_cast %get3A_280 : i32 to index
        %get3A_282 = arith.index_cast %scan3A_156 : i32 to index
        %get3A_283 = arith.constant 48 : index
        %get3A_284 = tpu.vector_load %arg10[%get3A_281, %get3A_282, %get3A_283] {strides = array<i32>} : memref<4x80x128xf32, #tpu.memory_space<vmem>>, vector<1x1x16xf32>,
        %get3A_285 = vector.shape_cast %get3A_284 : vector<1x1x16xf32> to vector<16xf32>
        %add3A_286 = arith.addf %get3A_279, %get3A_285 : vector<16xf32>
        %get3A_287 = arith.constant 2 : i32
        %get3A_288 = arith.index_cast %get3A_287 : i32 to index
        %get3A_289 = arith.index_cast %scan3A_156 : i32 to index
        %get3A_290 = arith.constant 48 : index
        %get3A_291 = tpu.vector_load %arg10[%get3A_288, %get3A_289, %get3A_290] {strides = array<i32>} : memref<4x80x128xf32, #tpu.memory_space<vmem>>, vector<1x1x16xf32>,
        %get3A_292 = vector.shape_cast %get3A_291 : vector<1x1x16xf32> to vector<16xf32>
        %get3A_293 = arith.constant 3 : i32
        %get3A_294 = arith.index_cast %get3A_293 : i32 to index
        %get3A_295 = arith.index_cast %scan3A_156 : i32 to index
        %get3A_296 = arith.constant 48 : index
        %get3A_297 = tpu.vector_load %arg10[%get3A_294, %get3A_295, %get3A_296] {strides = array<i32>} : memref<4x80x128xf32, #tpu.memory_space<vmem>>, vector<1x1x16xf32>,
        %get3A_298 = vector.shape_cast %get3A_297 : vector<1x1x16xf32> to vector<16xf32>
        %add3A_299 = arith.addf %get3A_292, %get3A_298 : vector<16xf32>
        %get3A_300 = arith.index_cast %scan3A_156 : i32 to index
        %get3A_301 = arith.constant 48 : index
        %get3A_302 = tpu.vector_load %arg8[%get3A_300, %get3A_301] {strides = array<i32>} : memref<80x128xf32, #tpu.memory_space<vmem>>, vector<1x16xf32>,
        %get3A_303 = vector.shape_cast %get3A_302 : vector<1x16xf32> to vector<16xf32>
        %add3A_304 = arith.addf %add3A_286, %add3A_299 : vector<16xf32>
        %add3A_305 = arith.addf %get3A_303, %add3A_304 : vector<16xf32>
        %max3A_306 = arith.constant 0.000000e+00 : f32
        %max3A_307 = vector.broadcast %max3A_306 : f32 to vector<16xf32>
        %max3A_308 = arith.maximumf %add3A_305, %max3A_307 : vector<16xf32>
        %swap3A_309 = arith.index_cast %scan3A_156 : i32 to index
        %swap3A_310 = arith.constant 48 : index
        %swap3A_311 = tpu.vector_load %arg8[%swap3A_309, %swap3A_310] {strides = array<i32>} : memref<80x128xf32, #tpu.memory_space<vmem>>, vector<1x16xf32>,
        %swap3A_312 = vector.shape_cast %swap3A_311 : vector<1x16xf32> to vector<16xf32>
        %swap3A_313 = vector.shape_cast %max3A_308 : vector<16xf32> to vector<1x16xf32>
        tpu.vector_store %arg8[%swap3A_309, %swap3A_310], %swap3A_313 {strides = array<i32>} : memref<80x128xf32, #tpu.memory_space<vmem>>, vector<1x16xf32>,
        %get3A_314 = arith.constant 0 : i32
        %get3A_315 = arith.index_cast %get3A_314 : i32 to index
        %get3A_316 = arith.index_cast %scan3A_156 : i32 to index
        %get3A_317 = arith.constant 64 : index
        %get3A_318 = tpu.vector_load %arg10[%get3A_315, %get3A_316, %get3A_317] {strides = array<i32>} : memref<4x80x128xf32, #tpu.memory_space<vmem>>, vector<1x1x16xf32>,
        %get3A_319 = vector.shape_cast %get3A_318 : vector<1x1x16xf32> to vector<16xf32>
        %get3A_320 = arith.constant 1 : i32
        %get3A_321 = arith.index_cast %get3A_320 : i32 to index
        %get3A_322 = arith.index_cast %scan3A_156 : i32 to index
        %get3A_323 = arith.constant 64 : index
        %get3A_324 = tpu.vector_load %arg10[%get3A_321, %get3A_322, %get3A_323] {strides = array<i32>} : memref<4x80x128xf32, #tpu.memory_space<vmem>>, vector<1x1x16xf32>,
        %get3A_325 = vector.shape_cast %get3A_324 : vector<1x1x16xf32> to vector<16xf32>
        %add3A_326 = arith.addf %get3A_319, %get3A_325 : vector<16xf32>
        %get3A_327 = arith.constant 2 : i32
        %get3A_328 = arith.index_cast %get3A_327 : i32 to index
        %get3A_329 = arith.index_cast %scan3A_156 : i32 to index
        %get3A_330 = arith.constant 64 : index
        %get3A_331 = tpu.vector_load %arg10[%get3A_328, %get3A_329, %get3A_330] {strides = array<i32>} : memref<4x80x128xf32, #tpu.memory_space<vmem>>, vector<1x1x16xf32>,
        %get3A_332 = vector.shape_cast %get3A_331 : vector<1x1x16xf32> to vector<16xf32>
        %get3A_333 = arith.constant 3 : i32
        %get3A_334 = arith.index_cast %get3A_333 : i32 to index
        %get3A_335 = arith.index_cast %scan3A_156 : i32 to index
        %get3A_336 = arith.constant 64 : index
        %get3A_337 = tpu.vector_load %arg10[%get3A_334, %get3A_335, %get3A_336] {strides = array<i32>} : memref<4x80x128xf32, #tpu.memory_space<vmem>>, vector<1x1x16xf32>,
        %get3A_338 = vector.shape_cast %get3A_337 : vector<1x1x16xf32> to vector<16xf32>
        %add3A_339 = arith.addf %get3A_332, %get3A_338 : vector<16xf32>
        %get3A_340 = arith.index_cast %scan3A_156 : i32 to index
        %get3A_341 = arith.constant 64 : index
        %get3A_342 = tpu.vector_load %arg8[%get3A_340, %get3A_341] {strides = array<i32>} : memref<80x128xf32, #tpu.memory_space<vmem>>, vector<1x16xf32>,
        %get3A_343 = vector.shape_cast %get3A_342 : vector<1x16xf32> to vector<16xf32>
        %add3A_344 = arith.addf %add3A_326, %add3A_339 : vector<16xf32>
        %add3A_345 = arith.addf %get3A_343, %add3A_344 : vector<16xf32>
        %max3A_346 = arith.constant 0.000000e+00 : f32
        %max3A_347 = vector.broadcast %max3A_346 : f32 to vector<16xf32>
        %max3A_348 = arith.maximumf %add3A_345, %max3A_347 : vector<16xf32>
        %swap3A_349 = arith.index_cast %scan3A_156 : i32 to index
        %swap3A_350 = arith.constant 64 : index
        %swap3A_351 = tpu.vector_load %arg8[%swap3A_349, %swap3A_350] {strides = array<i32>} : memref<80x128xf32, #tpu.memory_space<vmem>>, vector<1x16xf32>,
        %swap3A_352 = vector.shape_cast %swap3A_351 : vector<1x16xf32> to vector<16xf32>
        %swap3A_353 = vector.shape_cast %max3A_348 : vector<16xf32> to vector<1x16xf32>
        tpu.vector_store %arg8[%swap3A_349, %swap3A_350], %swap3A_353 {strides = array<i32>} : memref<80x128xf32, #tpu.memory_space<vmem>>, vector<1x16xf32>,
        %get3A_354 = arith.constant 0 : i32
        %get3A_355 = arith.index_cast %get3A_354 : i32 to index
        %get3A_356 = arith.index_cast %scan3A_156 : i32 to index
        %get3A_357 = arith.constant 80 : index
        %get3A_358 = tpu.vector_load %arg10[%get3A_355, %get3A_356, %get3A_357] {strides = array<i32>} : memref<4x80x128xf32, #tpu.memory_space<vmem>>, vector<1x1x16xf32>,
        %get3A_359 = vector.shape_cast %get3A_358 : vector<1x1x16xf32> to vector<16xf32>
        %get3A_360 = arith.constant 1 : i32
        %get3A_361 = arith.index_cast %get3A_360 : i32 to index
        %get3A_362 = arith.index_cast %scan3A_156 : i32 to index
        %get3A_363 = arith.constant 80 : index
        %get3A_364 = tpu.vector_load %arg10[%get3A_361, %get3A_362, %get3A_363] {strides = array<i32>} : memref<4x80x128xf32, #tpu.memory_space<vmem>>, vector<1x1x16xf32>,
        %get3A_365 = vector.shape_cast %get3A_364 : vector<1x1x16xf32> to vector<16xf32>
        %add3A_366 = arith.addf %get3A_359, %get3A_365 : vector<16xf32>
        %get3A_367 = arith.constant 2 : i32
        %get3A_368 = arith.index_cast %get3A_367 : i32 to index
        %get3A_369 = arith.index_cast %scan3A_156 : i32 to index
        %get3A_370 = arith.constant 80 : index
        %get3A_371 = tpu.vector_load %arg10[%get3A_368, %get3A_369, %get3A_370] {strides = array<i32>} : memref<4x80x128xf32, #tpu.memory_space<vmem>>, vector<1x1x16xf32>,
        %get3A_372 = vector.shape_cast %get3A_371 : vector<1x1x16xf32> to vector<16xf32>
        %get3A_373 = arith.constant 3 : i32
        %get3A_374 = arith.index_cast %get3A_373 : i32 to index
        %get3A_375 = arith.index_cast %scan3A_156 : i32 to index
        %get3A_376 = arith.constant 80 : index
        %get3A_377 = tpu.vector_load %arg10[%get3A_374, %get3A_375, %get3A_376] {strides = array<i32>} : memref<4x80x128xf32, #tpu.memory_space<vmem>>, vector<1x1x16xf32>,
        %get3A_378 = vector.shape_cast %get3A_377 : vector<1x1x16xf32> to vector<16xf32>
        %add3A_379 = arith.addf %get3A_372, %get3A_378 : vector<16xf32>
        %get3A_380 = arith.index_cast %scan3A_156 : i32 to index
        %get3A_381 = arith.constant 80 : index
        %get3A_382 = tpu.vector_load %arg8[%get3A_380, %get3A_381] {strides = array<i32>} : memref<80x128xf32, #tpu.memory_space<vmem>>, vector<1x16xf32>,
        %get3A_383 = vector.shape_cast %get3A_382 : vector<1x16xf32> to vector<16xf32>
        %add3A_384 = arith.addf %add3A_366, %add3A_379 : vector<16xf32>
        %add3A_385 = arith.addf %get3A_383, %add3A_384 : vector<16xf32>
        %max3A_386 = arith.constant 0.000000e+00 : f32
        %max3A_387 = vector.broadcast %max3A_386 : f32 to vector<16xf32>
        %max3A_388 = arith.maximumf %add3A_385, %max3A_387 : vector<16xf32>
        %swap3A_389 = arith.index_cast %scan3A_156 : i32 to index
        %swap3A_390 = arith.constant 80 : index
        %swap3A_391 = tpu.vector_load %arg8[%swap3A_389, %swap3A_390] {strides = array<i32>} : memref<80x128xf32, #tpu.memory_space<vmem>>, vector<1x16xf32>,
        %swap3A_392 = vector.shape_cast %swap3A_391 : vector<1x16xf32> to vector<16xf32>
        %swap3A_393 = vector.shape_cast %max3A_388 : vector<16xf32> to vector<1x16xf32>
        tpu.vector_store %arg8[%swap3A_389, %swap3A_390], %swap3A_393 {strides = array<i32>} : memref<80x128xf32, #tpu.memory_space<vmem>>, vector<1x16xf32>,
        %get3A_394 = arith.constant 0 : i32
        %get3A_395 = arith.index_cast %get3A_394 : i32 to index
        %get3A_396 = arith.index_cast %scan3A_156 : i32 to index
        %get3A_397 = arith.constant 96 : index
        %get3A_398 = tpu.vector_load %arg10[%get3A_395, %get3A_396, %get3A_397] {strides = array<i32>} : memref<4x80x128xf32, #tpu.memory_space<vmem>>, vector<1x1x16xf32>,
        %get3A_399 = vector.shape_cast %get3A_398 : vector<1x1x16xf32> to vector<16xf32>
        %get3A_400 = arith.constant 1 : i32
        %get3A_401 = arith.index_cast %get3A_400 : i32 to index
        %get3A_402 = arith.index_cast %scan3A_156 : i32 to index
        %get3A_403 = arith.constant 96 : index
        %get3A_404 = tpu.vector_load %arg10[%get3A_401, %get3A_402, %get3A_403] {strides = array<i32>} : memref<4x80x128xf32, #tpu.memory_space<vmem>>, vector<1x1x16xf32>,
        %get3A_405 = vector.shape_cast %get3A_404 : vector<1x1x16xf32> to vector<16xf32>
        %add3A_406 = arith.addf %get3A_399, %get3A_405 : vector<16xf32>
        %get3A_407 = arith.constant 2 : i32
        %get3A_408 = arith.index_cast %get3A_407 : i32 to index
        %get3A_409 = arith.index_cast %scan3A_156 : i32 to index
        %get3A_410 = arith.constant 96 : index
        %get3A_411 = tpu.vector_load %arg10[%get3A_408, %get3A_409, %get3A_410] {strides = array<i32>} : memref<4x80x128xf32, #tpu.memory_space<vmem>>, vector<1x1x16xf32>,
        %get3A_412 = vector.shape_cast %get3A_411 : vector<1x1x16xf32> to vector<16xf32>
        %get3A_413 = arith.constant 3 : i32
        %get3A_414 = arith.index_cast %get3A_413 : i32 to index
        %get3A_415 = arith.index_cast %scan3A_156 : i32 to index
        %get3A_416 = arith.constant 96 : index
        %get3A_417 = tpu.vector_load %arg10[%get3A_414, %get3A_415, %get3A_416] {strides = array<i32>} : memref<4x80x128xf32, #tpu.memory_space<vmem>>, vector<1x1x16xf32>,
        %get3A_418 = vector.shape_cast %get3A_417 : vector<1x1x16xf32> to vector<16xf32>
        %add3A_419 = arith.addf %get3A_412, %get3A_418 : vector<16xf32>
        %get3A_420 = arith.index_cast %scan3A_156 : i32 to index
        %get3A_421 = arith.constant 96 : index
        %get3A_422 = tpu.vector_load %arg8[%get3A_420, %get3A_421] {strides = array<i32>} : memref<80x128xf32, #tpu.memory_space<vmem>>, vector<1x16xf32>,
        %get3A_423 = vector.shape_cast %get3A_422 : vector<1x16xf32> to vector<16xf32>
        %add3A_424 = arith.addf %add3A_406, %add3A_419 : vector<16xf32>
        %add3A_425 = arith.addf %get3A_423, %add3A_424 : vector<16xf32>
        %max3A_426 = arith.constant 0.000000e+00 : f32
        %max3A_427 = vector.broadcast %max3A_426 : f32 to vector<16xf32>
        %max3A_428 = arith.maximumf %add3A_425, %max3A_427 : vector<16xf32>
        %swap3A_429 = arith.index_cast %scan3A_156 : i32 to index
        %swap3A_430 = arith.constant 96 : index
        %swap3A_431 = tpu.vector_load %arg8[%swap3A_429, %swap3A_430] {strides = array<i32>} : memref<80x128xf32, #tpu.memory_space<vmem>>, vector<1x16xf32>,
        %swap3A_432 = vector.shape_cast %swap3A_431 : vector<1x16xf32> to vector<16xf32>
        %swap3A_433 = vector.shape_cast %max3A_428 : vector<16xf32> to vector<1x16xf32>
        tpu.vector_store %arg8[%swap3A_429, %swap3A_430], %swap3A_433 {strides = array<i32>} : memref<80x128xf32, #tpu.memory_space<vmem>>, vector<1x16xf32>,
        %get3A_434 = arith.constant 0 : i32
        %get3A_435 = arith.index_cast %get3A_434 : i32 to index
        %get3A_436 = arith.index_cast %scan3A_156 : i32 to index
        %get3A_437 = arith.constant 112 : index
        %get3A_438 = tpu.vector_load %arg10[%get3A_435, %get3A_436, %get3A_437] {strides = array<i32>} : memref<4x80x128xf32, #tpu.memory_space<vmem>>, vector<1x1x16xf32>,
        %get3A_439 = vector.shape_cast %get3A_438 : vector<1x1x16xf32> to vector<16xf32>
        %get3A_440 = arith.constant 1 : i32
        %get3A_441 = arith.index_cast %get3A_440 : i32 to index
        %get3A_442 = arith.index_cast %scan3A_156 : i32 to index
        %get3A_443 = arith.constant 112 : index
        %get3A_444 = tpu.vector_load %arg10[%get3A_441, %get3A_442, %get3A_443] {strides = array<i32>} : memref<4x80x128xf32, #tpu.memory_space<vmem>>, vector<1x1x16xf32>,
        %get3A_445 = vector.shape_cast %get3A_444 : vector<1x1x16xf32> to vector<16xf32>
        %add3A_446 = arith.addf %get3A_439, %get3A_445 : vector<16xf32>
        %get3A_447 = arith.constant 2 : i32
        %get3A_448 = arith.index_cast %get3A_447 : i32 to index
        %get3A_449 = arith.index_cast %scan3A_156 : i32 to index
        %get3A_450 = arith.constant 112 : index
        %get3A_451 = tpu.vector_load %arg10[%get3A_448, %get3A_449, %get3A_450] {strides = array<i32>} : memref<4x80x128xf32, #tpu.memory_space<vmem>>, vector<1x1x16xf32>,
        %get3A_452 = vector.shape_cast %get3A_451 : vector<1x1x16xf32> to vector<16xf32>
        %get3A_453 = arith.constant 3 : i32
        %get3A_454 = arith.index_cast %get3A_453 : i32 to index
        %get3A_455 = arith.index_cast %scan3A_156 : i32 to index
        %get3A_456 = arith.constant 112 : index
        %get3A_457 = tpu.vector_load %arg10[%get3A_454, %get3A_455, %get3A_456] {strides = array<i32>} : memref<4x80x128xf32, #tpu.memory_space<vmem>>, vector<1x1x16xf32>,
        %get3A_458 = vector.shape_cast %get3A_457 : vector<1x1x16xf32> to vector<16xf32>
        %add3A_459 = arith.addf %get3A_452, %get3A_458 : vector<16xf32>
        %get3A_460 = arith.index_cast %scan3A_156 : i32 to index
        %get3A_461 = arith.constant 112 : index
        %get3A_462 = tpu.vector_load %arg8[%get3A_460, %get3A_461] {strides = array<i32>} : memref<80x128xf32, #tpu.memory_space<vmem>>, vector<1x16xf32>,
        %get3A_463 = vector.shape_cast %get3A_462 : vector<1x16xf32> to vector<16xf32>
        %add3A_464 = arith.addf %add3A_446, %add3A_459 : vector<16xf32>
        %add3A_465 = arith.addf %get3A_463, %add3A_464 : vector<16xf32>
        %max3A_466 = arith.constant 0.000000e+00 : f32
        %max3A_467 = vector.broadcast %max3A_466 : f32 to vector<16xf32>
        %max3A_468 = arith.maximumf %add3A_465, %max3A_467 : vector<16xf32>
        %swap3A_469 = arith.index_cast %scan3A_156 : i32 to index
        %swap3A_470 = arith.constant 112 : index
        %swap3A_471 = tpu.vector_load %arg8[%swap3A_469, %swap3A_470] {strides = array<i32>} : memref<80x128xf32, #tpu.memory_space<vmem>>, vector<1x16xf32>,
        %swap3A_472 = vector.shape_cast %swap3A_471 : vector<1x16xf32> to vector<16xf32>
        %swap3A_473 = vector.shape_cast %max3A_468 : vector<16xf32> to vector<1x16xf32>
        tpu.vector_store %arg8[%swap3A_469, %swap3A_470], %swap3A_473 {strides = array<i32>} : memref<80x128xf32, #tpu.memory_space<vmem>>, vector<1x16xf32>,
      }
      %scan3A_145 = arith.constant 80 : i32
      %add3A_146 = arith.addi %mul3A_2, %mul3A_75 : i32
      %mul3A_147 = arith.constant 80 : i32
      %mul3A_148 = arith.muli %add3A_146, %mul3A_147 : i32
      "tpu.region"() ({
        %run_scoped3A = tpu.sem_alloc : memref<!tpu.dma_semaphore, #tpu.memory_space<semaphore_mem>>
        %dma_start3A_156 = arith.constant 0 : i32
        %dma_start3A_157 = tpu.memref_slice %arg5[%mul3A_148, %dma_start3A_156] : memref<320000x128xf32, #tpu.memory_space<hbm>> -> memref<80x128xf32, #tpu.memory_space<hbm>>
        %dma_start3A_158 = arith.constant 0 : i32
        %dma_start3A_159 = tpu.memref_slice %arg5[%mul3A_148, %dma_start3A_158] : memref<320000x128xf32, #tpu.memory_space<hbm>> -> memref<80x128xf32, #tpu.memory_space<hbm>>
        tpu.enqueue_dma source(%arg8 : memref<80x128xf32, #tpu.memory_space<vmem>>) target(%dma_start3A_159 : memref<80x128xf32, #tpu.memory_space<hbm>>) target_semaphore(%run_scoped3A : memref<!tpu.dma_semaphore, #tpu.memory_space<semaphore_mem>>)
        %dma_wait3A_160 = arith.constant 0 : i32
        %dma_wait3A_161 = tpu.memref_slice %arg5[%mul3A_148, %dma_wait3A_160] : memref<320000x128xf32, #tpu.memory_space<hbm>> -> memref<80x128xf32, #tpu.memory_space<hbm>>
        %dma_wait3A_162 = arith.constant 0 : i32
        %dma_wait3A_163 = tpu.memref_slice %arg5[%mul3A_148, %dma_wait3A_162] : memref<320000x128xf32, #tpu.memory_space<hbm>> -> memref<80x128xf32, #tpu.memory_space<hbm>>
        tpu.wait_dma2 semaphore(%run_scoped3A : memref<!tpu.dma_semaphore, #tpu.memory_space<semaphore_mem>>) src(%arg8 : memref<80x128xf32, #tpu.memory_space<vmem>>) dst(%dma_wait3A_163 : memref<80x128xf32, #tpu.memory_space<hbm>>)
        tpu.yield
      }) : () -> ()
      %add3A_149 = arith.constant 1 : i32
      %add3A_150 = arith.addi %mul3A_75, %add3A_149 : i32
      %lt3A_151 = arith.constant 125 : i32
      %lt3A_152 = arith.cmpi slt, %add3A_150, %lt3A_151 : i32
      %convert_element_type3A_153 = arith.extui %lt3A_152 : i1 to i32
      %cond3A_154 = arith.constant 0 : i32
      %cond3A_155 = arith.cmpi ne, %convert_element_type3A_153, %cond3A_154 : i32
      scf.if %cond3A_155 {
        %add3A_156 = arith.constant 1 : i32
        %add3A_157 = arith.addi %mul3A_75, %add3A_156 : i32
        %dma_wait3A_158 = arith.constant 0 : i32
        %dma_wait3A_159 = arith.constant 0 : i32
        %dma_wait3A_160 = arith.constant 0 : i32
        %dma_wait3A_161 = arith.constant 0 : i32
        %dma_wait3A_162 = tpu.memref_slice %arg11[%dma_wait3A_159, %dma_wait3A_160, %dma_wait3A_161] : memref<4x80x128xf32, #tpu.memory_space<vmem>> -> memref<1x80x128xf32, #tpu.memory_space<vmem>>
        %dma_wait3A_163 = tpu.memref_squeeze %dma_wait3A_162 : memref<1x80x128xf32, #tpu.memory_space<vmem>> -> memref<80x128xf32, #tpu.memory_space<vmem>>
        %dma_wait3A_164 = arith.constant 0 : i32
        %dma_wait3A_165 = tpu.memref_slice %arg7[%dma_wait3A_158, %dma_wait3A_164] : memref<4x80xi32, #tpu.memory_space<vmem>> -> memref<1x80xi32, #tpu.memory_space<vmem>>
        %dma_wait3A_166 = tpu.memref_squeeze %dma_wait3A_165 : memref<1x80xi32, #tpu.memory_space<vmem>> -> memref<80xi32, #tpu.memory_space<vmem>>
        %dma_wait3A_167 = arith.constant 0 : i32
        %dma_wait3A_168 = arith.constant 0 : i32
        %dma_wait3A_169 = tpu.memref_slice %arg3[%dma_wait3A_167, %dma_wait3A_168] : memref<1280000x128xf32, #tpu.memory_space<hbm>> -> memref<1280000x128xf32, #tpu.memory_space<hbm>>
        tpu.wait_indirect_dma semaphore(%arg13 : memref<!tpu.dma_semaphore, #tpu.memory_space<semaphore_mem>>) src(%dma_wait3A_169 : memref<1280000x128xf32, #tpu.memory_space<hbm>>) dst(%dma_wait3A_163 : memref<80x128xf32, #tpu.memory_space<vmem>>)
        %dma_wait3A_170 = arith.constant 1 : i32
        %dma_wait3A_171 = arith.constant 1 : i32
        %dma_wait3A_172 = arith.constant 0 : i32
        %dma_wait3A_173 = arith.constant 0 : i32
        %dma_wait3A_174 = tpu.memref_slice %arg11[%dma_wait3A_171, %dma_wait3A_172, %dma_wait3A_173] : memref<4x80x128xf32, #tpu.memory_space<vmem>> -> memref<1x80x128xf32, #tpu.memory_space<vmem>>
        %dma_wait3A_175 = tpu.memref_squeeze %dma_wait3A_174 : memref<1x80x128xf32, #tpu.memory_space<vmem>> -> memref<80x128xf32, #tpu.memory_space<vmem>>
        %dma_wait3A_176 = arith.constant 0 : i32
        %dma_wait3A_177 = tpu.memref_slice %arg7[%dma_wait3A_170, %dma_wait3A_176] : memref<4x80xi32, #tpu.memory_space<vmem>> -> memref<1x80xi32, #tpu.memory_space<vmem>>
        %dma_wait3A_178 = tpu.memref_squeeze %dma_wait3A_177 : memref<1x80xi32, #tpu.memory_space<vmem>> -> memref<80xi32, #tpu.memory_space<vmem>>
        %dma_wait3A_179 = arith.constant 0 : i32
        %dma_wait3A_180 = arith.constant 0 : i32
        %dma_wait3A_181 = tpu.memref_slice %arg3[%dma_wait3A_179, %dma_wait3A_180] : memref<1280000x128xf32, #tpu.memory_space<hbm>> -> memref<1280000x128xf32, #tpu.memory_space<hbm>>
        tpu.wait_indirect_dma semaphore(%arg13 : memref<!tpu.dma_semaphore, #tpu.memory_space<semaphore_mem>>) src(%dma_wait3A_181 : memref<1280000x128xf32, #tpu.memory_space<hbm>>) dst(%dma_wait3A_175 : memref<80x128xf32, #tpu.memory_space<vmem>>)
        %dma_wait3A_182 = arith.constant 2 : i32
        %dma_wait3A_183 = arith.constant 2 : i32
        %dma_wait3A_184 = arith.constant 0 : i32
        %dma_wait3A_185 = arith.constant 0 : i32
        %dma_wait3A_186 = tpu.memref_slice %arg11[%dma_wait3A_183, %dma_wait3A_184, %dma_wait3A_185] : memref<4x80x128xf32, #tpu.memory_space<vmem>> -> memref<1x80x128xf32, #tpu.memory_space<vmem>>
        %dma_wait3A_187 = tpu.memref_squeeze %dma_wait3A_186 : memref<1x80x128xf32, #tpu.memory_space<vmem>> -> memref<80x128xf32, #tpu.memory_space<vmem>>
        %dma_wait3A_188 = arith.constant 0 : i32
        %dma_wait3A_189 = tpu.memref_slice %arg7[%dma_wait3A_182, %dma_wait3A_188] : memref<4x80xi32, #tpu.memory_space<vmem>> -> memref<1x80xi32, #tpu.memory_space<vmem>>
        %dma_wait3A_190 = tpu.memref_squeeze %dma_wait3A_189 : memref<1x80xi32, #tpu.memory_space<vmem>> -> memref<80xi32, #tpu.memory_space<vmem>>
        %dma_wait3A_191 = arith.constant 0 : i32
        %dma_wait3A_192 = arith.constant 0 : i32
        %dma_wait3A_193 = tpu.memref_slice %arg3[%dma_wait3A_191, %dma_wait3A_192] : memref<1280000x128xf32, #tpu.memory_space<hbm>> -> memref<1280000x128xf32, #tpu.memory_space<hbm>>
        tpu.wait_indirect_dma semaphore(%arg13 : memref<!tpu.dma_semaphore, #tpu.memory_space<semaphore_mem>>) src(%dma_wait3A_193 : memref<1280000x128xf32, #tpu.memory_space<hbm>>) dst(%dma_wait3A_187 : memref<80x128xf32, #tpu.memory_space<vmem>>)
        %dma_wait3A_194 = arith.constant 3 : i32
        %dma_wait3A_195 = arith.constant 3 : i32
        %dma_wait3A_196 = arith.constant 0 : i32
        %dma_wait3A_197 = arith.constant 0 : i32
        %dma_wait3A_198 = tpu.memref_slice %arg11[%dma_wait3A_195, %dma_wait3A_196, %dma_wait3A_197] : memref<4x80x128xf32, #tpu.memory_space<vmem>> -> memref<1x80x128xf32, #tpu.memory_space<vmem>>
        %dma_wait3A_199 = tpu.memref_squeeze %dma_wait3A_198 : memref<1x80x128xf32, #tpu.memory_space<vmem>> -> memref<80x128xf32, #tpu.memory_space<vmem>>
        %dma_wait3A_200 = arith.constant 0 : i32
        %dma_wait3A_201 = tpu.memref_slice %arg7[%dma_wait3A_194, %dma_wait3A_200] : memref<4x80xi32, #tpu.memory_space<vmem>> -> memref<1x80xi32, #tpu.memory_space<vmem>>
        %dma_wait3A_202 = tpu.memref_squeeze %dma_wait3A_201 : memref<1x80xi32, #tpu.memory_space<vmem>> -> memref<80xi32, #tpu.memory_space<vmem>>
        %dma_wait3A_203 = arith.constant 0 : i32
        %dma_wait3A_204 = arith.constant 0 : i32
        %dma_wait3A_205 = tpu.memref_slice %arg3[%dma_wait3A_203, %dma_wait3A_204] : memref<1280000x128xf32, #tpu.memory_space<hbm>> -> memref<1280000x128xf32, #tpu.memory_space<hbm>>
        tpu.wait_indirect_dma semaphore(%arg13 : memref<!tpu.dma_semaphore, #tpu.memory_space<semaphore_mem>>) src(%dma_wait3A_205 : memref<1280000x128xf32, #tpu.memory_space<hbm>>) dst(%dma_wait3A_199 : memref<80x128xf32, #tpu.memory_space<vmem>>)
        %dma_wait3A_206 = arith.constant 0 : i32
        %dma_wait3A_207 = arith.constant 0 : i32
        %dma_wait3A_208 = tpu.memref_slice %arg2[%dma_wait3A_206, %dma_wait3A_207] : memref<320000x128xf32, #tpu.memory_space<hbm>> -> memref<80x128xf32, #tpu.memory_space<hbm>>
        %dma_wait3A_209 = arith.constant 0 : i32
        %dma_wait3A_210 = arith.constant 0 : i32
        %dma_wait3A_211 = tpu.memref_slice %arg2[%dma_wait3A_209, %dma_wait3A_210] : memref<320000x128xf32, #tpu.memory_space<hbm>> -> memref<80x128xf32, #tpu.memory_space<hbm>>
        tpu.wait_dma2 semaphore(%arg13 : memref<!tpu.dma_semaphore, #tpu.memory_space<semaphore_mem>>) src(%dma_wait3A_211 : memref<80x128xf32, #tpu.memory_space<hbm>>) dst(%arg9 : memref<80x128xf32, #tpu.memory_space<vmem>>)
        %add3A_212 = arith.constant 1 : i32
        %add3A_213 = arith.addi %add3A_157, %add3A_212 : i32
        %lt3A_214 = arith.constant 125 : i32
        %lt3A_215 = arith.cmpi slt, %add3A_213, %lt3A_214 : i32
        %convert_element_type3A_216 = arith.extui %lt3A_215 : i1 to i32
        %cond3A_217 = arith.constant 0 : i32
        %cond3A_218 = arith.cmpi ne, %convert_element_type3A_216, %cond3A_217 : i32
        scf.if %cond3A_218 {
          %dma_wait3A_235 = arith.constant 0 : i32
          %dma_wait3A_236 = arith.constant 0 : i32
          %dma_wait3A_237 = arith.constant 0 : i32
          %dma_wait3A_238 = tpu.memref_slice %arg4[%dma_wait3A_235, %dma_wait3A_236, %dma_wait3A_237] : memref<4000x4x80xi32, #tpu.memory_space<hbm>> -> memref<1x4x80xi32, #tpu.memory_space<hbm>>
          %dma_wait3A_239 = tpu.memref_squeeze %dma_wait3A_238 : memref<1x4x80xi32, #tpu.memory_space<hbm>> -> memref<4x80xi32, #tpu.memory_space<hbm>>
          %dma_wait3A_240 = arith.constant 0 : i32
          %dma_wait3A_241 = arith.constant 0 : i32
          %dma_wait3A_242 = tpu.memref_slice %arg4[%dma_wait3A_235, %dma_wait3A_240, %dma_wait3A_241] : memref<4000x4x80xi32, #tpu.memory_space<hbm>> -> memref<1x4x80xi32, #tpu.memory_space<hbm>>
          %dma_wait3A_243 = tpu.memref_squeeze %dma_wait3A_242 : memref<1x4x80xi32, #tpu.memory_space<hbm>> -> memref<4x80xi32, #tpu.memory_space<hbm>>
          tpu.wait_dma2 semaphore(%arg14 : memref<!tpu.dma_semaphore, #tpu.memory_space<semaphore_mem>>) src(%dma_wait3A_243 : memref<4x80xi32, #tpu.memory_space<hbm>>) dst(%arg6 : memref<4x80xi32, #tpu.memory_space<vmem>>)
          %add3A_244 = arith.constant 1 : i32
          %add3A_245 = arith.addi %add3A_157, %add3A_244 : i32
          %dma_start3A_246 = arith.constant 0 : i32
          %dma_start3A_247 = arith.constant 0 : i32
          %dma_start3A_248 = arith.constant 0 : i32
          %dma_start3A_249 = arith.constant 0 : i32
          %dma_start3A_250 = tpu.memref_slice %arg10[%dma_start3A_247, %dma_start3A_248, %dma_start3A_249] : memref<4x80x128xf32, #tpu.memory_space<vmem>> -> memref<1x80x128xf32, #tpu.memory_space<vmem>>
          %dma_start3A_251 = tpu.memref_squeeze %dma_start3A_250 : memref<1x80x128xf32, #tpu.memory_space<vmem>> -> memref<80x128xf32, #tpu.memory_space<vmem>>
          %dma_start3A_252 = arith.constant 0 : i32
          %dma_start3A_253 = tpu.memref_slice %arg6[%dma_start3A_246, %dma_start3A_252] : memref<4x80xi32, #tpu.memory_space<vmem>> -> memref<1x80xi32, #tpu.memory_space<vmem>>
          %dma_start3A_254 = tpu.memref_squeeze %dma_start3A_253 : memref<1x80xi32, #tpu.memory_space<vmem>> -> memref<80xi32, #tpu.memory_space<vmem>>
          %dma_start3A_255 = arith.constant 0 : i32
          %dma_start3A_256 = arith.constant 0 : i32
          %dma_start3A_257 = tpu.memref_slice %arg3[%dma_start3A_255, %dma_start3A_256] : memref<1280000x128xf32, #tpu.memory_space<hbm>> -> memref<1280000x128xf32, #tpu.memory_space<hbm>>
          tpu.enqueue_indirect_dma source(%dma_start3A_257 : memref<1280000x128xf32, #tpu.memory_space<hbm>>) target(%dma_start3A_251 : memref<80x128xf32, #tpu.memory_space<vmem>>) offsets(%dma_start3A_254 : memref<80xi32, #tpu.memory_space<vmem>>) semaphore(%arg12 : memref<!tpu.dma_semaphore, #tpu.memory_space<semaphore_mem>>)
          %dma_start3A_258 = arith.constant 1 : i32
          %dma_start3A_259 = arith.constant 1 : i32
          %dma_start3A_260 = arith.constant 0 : i32
          %dma_start3A_261 = arith.constant 0 : i32
          %dma_start3A_262 = tpu.memref_slice %arg10[%dma_start3A_259, %dma_start3A_260, %dma_start3A_261] : memref<4x80x128xf32, #tpu.memory_space<vmem>> -> memref<1x80x128xf32, #tpu.memory_space<vmem>>
          %dma_start3A_263 = tpu.memref_squeeze %dma_start3A_262 : memref<1x80x128xf32, #tpu.memory_space<vmem>> -> memref<80x128xf32, #tpu.memory_space<vmem>>
          %dma_start3A_264 = arith.constant 0 : i32
          %dma_start3A_265 = tpu.memref_slice %arg6[%dma_start3A_258, %dma_start3A_264] : memref<4x80xi32, #tpu.memory_space<vmem>> -> memref<1x80xi32, #tpu.memory_space<vmem>>
          %dma_start3A_266 = tpu.memref_squeeze %dma_start3A_265 : memref<1x80xi32, #tpu.memory_space<vmem>> -> memref<80xi32, #tpu.memory_space<vmem>>
          %dma_start3A_267 = arith.constant 0 : i32
          %dma_start3A_268 = arith.constant 0 : i32
          %dma_start3A_269 = tpu.memref_slice %arg3[%dma_start3A_267, %dma_start3A_268] : memref<1280000x128xf32, #tpu.memory_space<hbm>> -> memref<1280000x128xf32, #tpu.memory_space<hbm>>
          tpu.enqueue_indirect_dma source(%dma_start3A_269 : memref<1280000x128xf32, #tpu.memory_space<hbm>>) target(%dma_start3A_263 : memref<80x128xf32, #tpu.memory_space<vmem>>) offsets(%dma_start3A_266 : memref<80xi32, #tpu.memory_space<vmem>>) semaphore(%arg12 : memref<!tpu.dma_semaphore, #tpu.memory_space<semaphore_mem>>)
          %dma_start3A_270 = arith.constant 2 : i32
          %dma_start3A_271 = arith.constant 2 : i32
          %dma_start3A_272 = arith.constant 0 : i32
          %dma_start3A_273 = arith.constant 0 : i32
          %dma_start3A_274 = tpu.memref_slice %arg10[%dma_start3A_271, %dma_start3A_272, %dma_start3A_273] : memref<4x80x128xf32, #tpu.memory_space<vmem>> -> memref<1x80x128xf32, #tpu.memory_space<vmem>>
          %dma_start3A_275 = tpu.memref_squeeze %dma_start3A_274 : memref<1x80x128xf32, #tpu.memory_space<vmem>> -> memref<80x128xf32, #tpu.memory_space<vmem>>
          %dma_start3A_276 = arith.constant 0 : i32
          %dma_start3A_277 = tpu.memref_slice %arg6[%dma_start3A_270, %dma_start3A_276] : memref<4x80xi32, #tpu.memory_space<vmem>> -> memref<1x80xi32, #tpu.memory_space<vmem>>
          %dma_start3A_278 = tpu.memref_squeeze %dma_start3A_277 : memref<1x80xi32, #tpu.memory_space<vmem>> -> memref<80xi32, #tpu.memory_space<vmem>>
          %dma_start3A_279 = arith.constant 0 : i32
          %dma_start3A_280 = arith.constant 0 : i32
          %dma_start3A_281 = tpu.memref_slice %arg3[%dma_start3A_279, %dma_start3A_280] : memref<1280000x128xf32, #tpu.memory_space<hbm>> -> memref<1280000x128xf32, #tpu.memory_space<hbm>>
          tpu.enqueue_indirect_dma source(%dma_start3A_281 : memref<1280000x128xf32, #tpu.memory_space<hbm>>) target(%dma_start3A_275 : memref<80x128xf32, #tpu.memory_space<vmem>>) offsets(%dma_start3A_278 : memref<80xi32, #tpu.memory_space<vmem>>) semaphore(%arg12 : memref<!tpu.dma_semaphore, #tpu.memory_space<semaphore_mem>>)
          %dma_start3A_282 = arith.constant 3 : i32
          %dma_start3A_283 = arith.constant 3 : i32
          %dma_start3A_284 = arith.constant 0 : i32
          %dma_start3A_285 = arith.constant 0 : i32
          %dma_start3A_286 = tpu.memref_slice %arg10[%dma_start3A_283, %dma_start3A_284, %dma_start3A_285] : memref<4x80x128xf32, #tpu.memory_space<vmem>> -> memref<1x80x128xf32, #tpu.memory_space<vmem>>
          %dma_start3A_287 = tpu.memref_squeeze %dma_start3A_286 : memref<1x80x128xf32, #tpu.memory_space<vmem>> -> memref<80x128xf32, #tpu.memory_space<vmem>>
          %dma_start3A_288 = arith.constant 0 : i32
          %dma_start3A_289 = tpu.memref_slice %arg6[%dma_start3A_282, %dma_start3A_288] : memref<4x80xi32, #tpu.memory_space<vmem>> -> memref<1x80xi32, #tpu.memory_space<vmem>>
          %dma_start3A_290 = tpu.memref_squeeze %dma_start3A_289 : memref<1x80xi32, #tpu.memory_space<vmem>> -> memref<80xi32, #tpu.memory_space<vmem>>
          %dma_start3A_291 = arith.constant 0 : i32
          %dma_start3A_292 = arith.constant 0 : i32
          %dma_start3A_293 = tpu.memref_slice %arg3[%dma_start3A_291, %dma_start3A_292] : memref<1280000x128xf32, #tpu.memory_space<hbm>> -> memref<1280000x128xf32, #tpu.memory_space<hbm>>
          tpu.enqueue_indirect_dma source(%dma_start3A_293 : memref<1280000x128xf32, #tpu.memory_space<hbm>>) target(%dma_start3A_287 : memref<80x128xf32, #tpu.memory_space<vmem>>) offsets(%dma_start3A_290 : memref<80xi32, #tpu.memory_space<vmem>>) semaphore(%arg12 : memref<!tpu.dma_semaphore, #tpu.memory_space<semaphore_mem>>)
          %add3A_294 = arith.addi %mul3A_2, %add3A_245 : i32
          %mul3A_295 = arith.constant 80 : i32
          %mul3A_296 = arith.muli %add3A_294, %mul3A_295 : i32
          %dma_start3A_297 = arith.constant 0 : i32
          %dma_start3A_298 = tpu.memref_slice %arg2[%mul3A_296, %dma_start3A_297] : memref<320000x128xf32, #tpu.memory_space<hbm>> -> memref<80x128xf32, #tpu.memory_space<hbm>>
          %dma_start3A_299 = arith.constant 0 : i32
          %dma_start3A_300 = tpu.memref_slice %arg2[%mul3A_296, %dma_start3A_299] : memref<320000x128xf32, #tpu.memory_space<hbm>> -> memref<80x128xf32, #tpu.memory_space<hbm>>
          tpu.enqueue_dma source(%dma_start3A_300 : memref<80x128xf32, #tpu.memory_space<hbm>>) target(%arg8 : memref<80x128xf32, #tpu.memory_space<vmem>>) target_semaphore(%arg12 : memref<!tpu.dma_semaphore, #tpu.memory_space<semaphore_mem>>)
        } else {
        }
        %add3A_219 = arith.constant 2 : i32
        %add3A_220 = arith.addi %add3A_157, %add3A_219 : i32
        %lt3A_221 = arith.constant 125 : i32
        %lt3A_222 = arith.cmpi slt, %add3A_220, %lt3A_221 : i32
        %convert_element_type3A_223 = arith.extui %lt3A_222 : i1 to i32
        %cond3A_224 = arith.constant 0 : i32
        %cond3A_225 = arith.cmpi ne, %convert_element_type3A_223, %cond3A_224 : i32
        scf.if %cond3A_225 {
          %add3A_235 = arith.constant 2 : i32
          %add3A_236 = arith.addi %add3A_157, %add3A_235 : i32
          %add3A_237 = arith.addi %mul3A_2, %add3A_236 : i32
          %dma_start3A_238 = arith.constant 0 : i32
          %dma_start3A_239 = arith.constant 0 : i32
          %dma_start3A_240 = tpu.memref_slice %arg4[%add3A_237, %dma_start3A_238, %dma_start3A_239] : memref<4000x4x80xi32, #tpu.memory_space<hbm>> -> memref<1x4x80xi32, #tpu.memory_space<hbm>>
          %dma_start3A_241 = tpu.memref_squeeze %dma_start3A_240 : memref<1x4x80xi32, #tpu.memory_space<hbm>> -> memref<4x80xi32, #tpu.memory_space<hbm>>
          %dma_start3A_242 = arith.constant 0 : i32
          %dma_start3A_243 = arith.constant 0 : i32
          %dma_start3A_244 = tpu.memref_slice %arg4[%add3A_237, %dma_start3A_242, %dma_start3A_243] : memref<4000x4x80xi32, #tpu.memory_space<hbm>> -> memref<1x4x80xi32, #tpu.memory_space<hbm>>
          %dma_start3A_245 = tpu.memref_squeeze %dma_start3A_244 : memref<1x4x80xi32, #tpu.memory_space<hbm>> -> memref<4x80xi32, #tpu.memory_space<hbm>>
          tpu.enqueue_dma source(%dma_start3A_245 : memref<4x80xi32, #tpu.memory_space<hbm>>) target(%arg7 : memref<4x80xi32, #tpu.memory_space<vmem>>) target_semaphore(%arg15 : memref<!tpu.dma_semaphore, #tpu.memory_space<semaphore_mem>>)
        } else {
        }
        %scan3A_226 = arith.constant 0 : i32
        %scan3A_227 = arith.constant 0 : i32
        %scan3A_228 = arith.constant 80 : i32
        %scan3A_229 = arith.addi %scan3A_227, %scan3A_228 : i32
        %scan3A_230 = arith.constant 1 : i32
        scf.for %scan3A_235 = %scan3A_227 to %scan3A_229 step %scan3A_230  : i32 {
          %get3A = arith.constant 0 : i32
          %get3A_236 = arith.index_cast %get3A : i32 to index
          %get3A_237 = arith.index_cast %scan3A_235 : i32 to index
          %get3A_238 = arith.constant 0 : index
          %get3A_239 = tpu.vector_load %arg11[%get3A_236, %get3A_237, %get3A_238] {strides = array<i32>} : memref<4x80x128xf32, #tpu.memory_space<vmem>>, vector<1x1x16xf32>,
          %get3A_240 = vector.shape_cast %get3A_239 : vector<1x1x16xf32> to vector<16xf32>
          %get3A_241 = arith.constant 1 : i32
          %get3A_242 = arith.index_cast %get3A_241 : i32 to index
          %get3A_243 = arith.index_cast %scan3A_235 : i32 to index
          %get3A_244 = arith.constant 0 : index
          %get3A_245 = tpu.vector_load %arg11[%get3A_242, %get3A_243, %get3A_244] {strides = array<i32>} : memref<4x80x128xf32, #tpu.memory_space<vmem>>, vector<1x1x16xf32>,
          %get3A_246 = vector.shape_cast %get3A_245 : vector<1x1x16xf32> to vector<16xf32>
          %add3A_247 = arith.addf %get3A_240, %get3A_246 : vector<16xf32>
          %get3A_248 = arith.constant 2 : i32
          %get3A_249 = arith.index_cast %get3A_248 : i32 to index
          %get3A_250 = arith.index_cast %scan3A_235 : i32 to index
          %get3A_251 = arith.constant 0 : index
          %get3A_252 = tpu.vector_load %arg11[%get3A_249, %get3A_250, %get3A_251] {strides = array<i32>} : memref<4x80x128xf32, #tpu.memory_space<vmem>>, vector<1x1x16xf32>,
          %get3A_253 = vector.shape_cast %get3A_252 : vector<1x1x16xf32> to vector<16xf32>
          %get3A_254 = arith.constant 3 : i32
          %get3A_255 = arith.index_cast %get3A_254 : i32 to index
          %get3A_256 = arith.index_cast %scan3A_235 : i32 to index
          %get3A_257 = arith.constant 0 : index
          %get3A_258 = tpu.vector_load %arg11[%get3A_255, %get3A_256, %get3A_257] {strides = array<i32>} : memref<4x80x128xf32, #tpu.memory_space<vmem>>, vector<1x1x16xf32>,
          %get3A_259 = vector.shape_cast %get3A_258 : vector<1x1x16xf32> to vector<16xf32>
          %add3A_260 = arith.addf %get3A_253, %get3A_259 : vector<16xf32>
          %get3A_261 = arith.index_cast %scan3A_235 : i32 to index
          %get3A_262 = arith.constant 0 : index
          %get3A_263 = tpu.vector_load %arg9[%get3A_261, %get3A_262] {strides = array<i32>} : memref<80x128xf32, #tpu.memory_space<vmem>>, vector<1x16xf32>,
          %get3A_264 = vector.shape_cast %get3A_263 : vector<1x16xf32> to vector<16xf32>
          %add3A_265 = arith.addf %add3A_247, %add3A_260 : vector<16xf32>
          %add3A_266 = arith.addf %get3A_264, %add3A_265 : vector<16xf32>
          %max3A = arith.constant 0.000000e+00 : f32
          %max3A_267 = vector.broadcast %max3A : f32 to vector<16xf32>
          %max3A_268 = arith.maximumf %add3A_266, %max3A_267 : vector<16xf32>
          %swap3A = arith.index_cast %scan3A_235 : i32 to index
          %swap3A_269 = arith.constant 0 : index
          %swap3A_270 = tpu.vector_load %arg9[%swap3A, %swap3A_269] {strides = array<i32>} : memref<80x128xf32, #tpu.memory_space<vmem>>, vector<1x16xf32>,
          %swap3A_271 = vector.shape_cast %swap3A_270 : vector<1x16xf32> to vector<16xf32>
          %swap3A_272 = vector.shape_cast %max3A_268 : vector<16xf32> to vector<1x16xf32>
          tpu.vector_store %arg9[%swap3A, %swap3A_269], %swap3A_272 {strides = array<i32>} : memref<80x128xf32, #tpu.memory_space<vmem>>, vector<1x16xf32>,
          %get3A_273 = arith.constant 0 : i32
          %get3A_274 = arith.index_cast %get3A_273 : i32 to index
          %get3A_275 = arith.index_cast %scan3A_235 : i32 to index
          %get3A_276 = arith.constant 16 : index
          %get3A_277 = tpu.vector_load %arg11[%get3A_274, %get3A_275, %get3A_276] {strides = array<i32>} : memref<4x80x128xf32, #tpu.memory_space<vmem>>, vector<1x1x16xf32>,
          %get3A_278 = vector.shape_cast %get3A_277 : vector<1x1x16xf32> to vector<16xf32>
          %get3A_279 = arith.constant 1 : i32
          %get3A_280 = arith.index_cast %get3A_279 : i32 to index
          %get3A_281 = arith.index_cast %scan3A_235 : i32 to index
          %get3A_282 = arith.constant 16 : index
          %get3A_283 = tpu.vector_load %arg11[%get3A_280, %get3A_281, %get3A_282] {strides = array<i32>} : memref<4x80x128xf32, #tpu.memory_space<vmem>>, vector<1x1x16xf32>,
          %get3A_284 = vector.shape_cast %get3A_283 : vector<1x1x16xf32> to vector<16xf32>
          %add3A_285 = arith.addf %get3A_278, %get3A_284 : vector<16xf32>
          %get3A_286 = arith.constant 2 : i32
          %get3A_287 = arith.index_cast %get3A_286 : i32 to index
          %get3A_288 = arith.index_cast %scan3A_235 : i32 to index
          %get3A_289 = arith.constant 16 : index
          %get3A_290 = tpu.vector_load %arg11[%get3A_287, %get3A_288, %get3A_289] {strides = array<i32>} : memref<4x80x128xf32, #tpu.memory_space<vmem>>, vector<1x1x16xf32>,
          %get3A_291 = vector.shape_cast %get3A_290 : vector<1x1x16xf32> to vector<16xf32>
          %get3A_292 = arith.constant 3 : i32
          %get3A_293 = arith.index_cast %get3A_292 : i32 to index
          %get3A_294 = arith.index_cast %scan3A_235 : i32 to index
          %get3A_295 = arith.constant 16 : index
          %get3A_296 = tpu.vector_load %arg11[%get3A_293, %get3A_294, %get3A_295] {strides = array<i32>} : memref<4x80x128xf32, #tpu.memory_space<vmem>>, vector<1x1x16xf32>,
          %get3A_297 = vector.shape_cast %get3A_296 : vector<1x1x16xf32> to vector<16xf32>
          %add3A_298 = arith.addf %get3A_291, %get3A_297 : vector<16xf32>
          %get3A_299 = arith.index_cast %scan3A_235 : i32 to index
          %get3A_300 = arith.constant 16 : index
          %get3A_301 = tpu.vector_load %arg9[%get3A_299, %get3A_300] {strides = array<i32>} : memref<80x128xf32, #tpu.memory_space<vmem>>, vector<1x16xf32>,
          %get3A_302 = vector.shape_cast %get3A_301 : vector<1x16xf32> to vector<16xf32>
          %add3A_303 = arith.addf %add3A_285, %add3A_298 : vector<16xf32>
          %add3A_304 = arith.addf %get3A_302, %add3A_303 : vector<16xf32>
          %max3A_305 = arith.constant 0.000000e+00 : f32
          %max3A_306 = vector.broadcast %max3A_305 : f32 to vector<16xf32>
          %max3A_307 = arith.maximumf %add3A_304, %max3A_306 : vector<16xf32>
          %swap3A_308 = arith.index_cast %scan3A_235 : i32 to index
          %swap3A_309 = arith.constant 16 : index
          %swap3A_310 = tpu.vector_load %arg9[%swap3A_308, %swap3A_309] {strides = array<i32>} : memref<80x128xf32, #tpu.memory_space<vmem>>, vector<1x16xf32>,
          %swap3A_311 = vector.shape_cast %swap3A_310 : vector<1x16xf32> to vector<16xf32>
          %swap3A_312 = vector.shape_cast %max3A_307 : vector<16xf32> to vector<1x16xf32>
          tpu.vector_store %arg9[%swap3A_308, %swap3A_309], %swap3A_312 {strides = array<i32>} : memref<80x128xf32, #tpu.memory_space<vmem>>, vector<1x16xf32>,
          %get3A_313 = arith.constant 0 : i32
          %get3A_314 = arith.index_cast %get3A_313 : i32 to index
          %get3A_315 = arith.index_cast %scan3A_235 : i32 to index
          %get3A_316 = arith.constant 32 : index
          %get3A_317 = tpu.vector_load %arg11[%get3A_314, %get3A_315, %get3A_316] {strides = array<i32>} : memref<4x80x128xf32, #tpu.memory_space<vmem>>, vector<1x1x16xf32>,
          %get3A_318 = vector.shape_cast %get3A_317 : vector<1x1x16xf32> to vector<16xf32>
          %get3A_319 = arith.constant 1 : i32
          %get3A_320 = arith.index_cast %get3A_319 : i32 to index
          %get3A_321 = arith.index_cast %scan3A_235 : i32 to index
          %get3A_322 = arith.constant 32 : index
          %get3A_323 = tpu.vector_load %arg11[%get3A_320, %get3A_321, %get3A_322] {strides = array<i32>} : memref<4x80x128xf32, #tpu.memory_space<vmem>>, vector<1x1x16xf32>,
          %get3A_324 = vector.shape_cast %get3A_323 : vector<1x1x16xf32> to vector<16xf32>
          %add3A_325 = arith.addf %get3A_318, %get3A_324 : vector<16xf32>
          %get3A_326 = arith.constant 2 : i32
          %get3A_327 = arith.index_cast %get3A_326 : i32 to index
          %get3A_328 = arith.index_cast %scan3A_235 : i32 to index
          %get3A_329 = arith.constant 32 : index
          %get3A_330 = tpu.vector_load %arg11[%get3A_327, %get3A_328, %get3A_329] {strides = array<i32>} : memref<4x80x128xf32, #tpu.memory_space<vmem>>, vector<1x1x16xf32>,
          %get3A_331 = vector.shape_cast %get3A_330 : vector<1x1x16xf32> to vector<16xf32>
          %get3A_332 = arith.constant 3 : i32
          %get3A_333 = arith.index_cast %get3A_332 : i32 to index
          %get3A_334 = arith.index_cast %scan3A_235 : i32 to index
          %get3A_335 = arith.constant 32 : index
          %get3A_336 = tpu.vector_load %arg11[%get3A_333, %get3A_334, %get3A_335] {strides = array<i32>} : memref<4x80x128xf32, #tpu.memory_space<vmem>>, vector<1x1x16xf32>,
          %get3A_337 = vector.shape_cast %get3A_336 : vector<1x1x16xf32> to vector<16xf32>
          %add3A_338 = arith.addf %get3A_331, %get3A_337 : vector<16xf32>
          %get3A_339 = arith.index_cast %scan3A_235 : i32 to index
          %get3A_340 = arith.constant 32 : index
          %get3A_341 = tpu.vector_load %arg9[%get3A_339, %get3A_340] {strides = array<i32>} : memref<80x128xf32, #tpu.memory_space<vmem>>, vector<1x16xf32>,
          %get3A_342 = vector.shape_cast %get3A_341 : vector<1x16xf32> to vector<16xf32>
          %add3A_343 = arith.addf %add3A_325, %add3A_338 : vector<16xf32>
          %add3A_344 = arith.addf %get3A_342, %add3A_343 : vector<16xf32>
          %max3A_345 = arith.constant 0.000000e+00 : f32
          %max3A_346 = vector.broadcast %max3A_345 : f32 to vector<16xf32>
          %max3A_347 = arith.maximumf %add3A_344, %max3A_346 : vector<16xf32>
          %swap3A_348 = arith.index_cast %scan3A_235 : i32 to index
          %swap3A_349 = arith.constant 32 : index
          %swap3A_350 = tpu.vector_load %arg9[%swap3A_348, %swap3A_349] {strides = array<i32>} : memref<80x128xf32, #tpu.memory_space<vmem>>, vector<1x16xf32>,
          %swap3A_351 = vector.shape_cast %swap3A_350 : vector<1x16xf32> to vector<16xf32>
          %swap3A_352 = vector.shape_cast %max3A_347 : vector<16xf32> to vector<1x16xf32>
          tpu.vector_store %arg9[%swap3A_348, %swap3A_349], %swap3A_352 {strides = array<i32>} : memref<80x128xf32, #tpu.memory_space<vmem>>, vector<1x16xf32>,
          %get3A_353 = arith.constant 0 : i32
          %get3A_354 = arith.index_cast %get3A_353 : i32 to index
          %get3A_355 = arith.index_cast %scan3A_235 : i32 to index
          %get3A_356 = arith.constant 48 : index
          %get3A_357 = tpu.vector_load %arg11[%get3A_354, %get3A_355, %get3A_356] {strides = array<i32>} : memref<4x80x128xf32, #tpu.memory_space<vmem>>, vector<1x1x16xf32>,
          %get3A_358 = vector.shape_cast %get3A_357 : vector<1x1x16xf32> to vector<16xf32>
          %get3A_359 = arith.constant 1 : i32
          %get3A_360 = arith.index_cast %get3A_359 : i32 to index
          %get3A_361 = arith.index_cast %scan3A_235 : i32 to index
          %get3A_362 = arith.constant 48 : index
          %get3A_363 = tpu.vector_load %arg11[%get3A_360, %get3A_361, %get3A_362] {strides = array<i32>} : memref<4x80x128xf32, #tpu.memory_space<vmem>>, vector<1x1x16xf32>,
          %get3A_364 = vector.shape_cast %get3A_363 : vector<1x1x16xf32> to vector<16xf32>
          %add3A_365 = arith.addf %get3A_358, %get3A_364 : vector<16xf32>
          %get3A_366 = arith.constant 2 : i32
          %get3A_367 = arith.index_cast %get3A_366 : i32 to index
          %get3A_368 = arith.index_cast %scan3A_235 : i32 to index
          %get3A_369 = arith.constant 48 : index
          %get3A_370 = tpu.vector_load %arg11[%get3A_367, %get3A_368, %get3A_369] {strides = array<i32>} : memref<4x80x128xf32, #tpu.memory_space<vmem>>, vector<1x1x16xf32>,
          %get3A_371 = vector.shape_cast %get3A_370 : vector<1x1x16xf32> to vector<16xf32>
          %get3A_372 = arith.constant 3 : i32
          %get3A_373 = arith.index_cast %get3A_372 : i32 to index
          %get3A_374 = arith.index_cast %scan3A_235 : i32 to index
          %get3A_375 = arith.constant 48 : index
          %get3A_376 = tpu.vector_load %arg11[%get3A_373, %get3A_374, %get3A_375] {strides = array<i32>} : memref<4x80x128xf32, #tpu.memory_space<vmem>>, vector<1x1x16xf32>,
          %get3A_377 = vector.shape_cast %get3A_376 : vector<1x1x16xf32> to vector<16xf32>
          %add3A_378 = arith.addf %get3A_371, %get3A_377 : vector<16xf32>
          %get3A_379 = arith.index_cast %scan3A_235 : i32 to index
          %get3A_380 = arith.constant 48 : index
          %get3A_381 = tpu.vector_load %arg9[%get3A_379, %get3A_380] {strides = array<i32>} : memref<80x128xf32, #tpu.memory_space<vmem>>, vector<1x16xf32>,
          %get3A_382 = vector.shape_cast %get3A_381 : vector<1x16xf32> to vector<16xf32>
          %add3A_383 = arith.addf %add3A_365, %add3A_378 : vector<16xf32>
          %add3A_384 = arith.addf %get3A_382, %add3A_383 : vector<16xf32>
          %max3A_385 = arith.constant 0.000000e+00 : f32
          %max3A_386 = vector.broadcast %max3A_385 : f32 to vector<16xf32>
          %max3A_387 = arith.maximumf %add3A_384, %max3A_386 : vector<16xf32>
          %swap3A_388 = arith.index_cast %scan3A_235 : i32 to index
          %swap3A_389 = arith.constant 48 : index
          %swap3A_390 = tpu.vector_load %arg9[%swap3A_388, %swap3A_389] {strides = array<i32>} : memref<80x128xf32, #tpu.memory_space<vmem>>, vector<1x16xf32>,
          %swap3A_391 = vector.shape_cast %swap3A_390 : vector<1x16xf32> to vector<16xf32>
          %swap3A_392 = vector.shape_cast %max3A_387 : vector<16xf32> to vector<1x16xf32>
          tpu.vector_store %arg9[%swap3A_388, %swap3A_389], %swap3A_392 {strides = array<i32>} : memref<80x128xf32, #tpu.memory_space<vmem>>, vector<1x16xf32>,
          %get3A_393 = arith.constant 0 : i32
          %get3A_394 = arith.index_cast %get3A_393 : i32 to index
          %get3A_395 = arith.index_cast %scan3A_235 : i32 to index
          %get3A_396 = arith.constant 64 : index
          %get3A_397 = tpu.vector_load %arg11[%get3A_394, %get3A_395, %get3A_396] {strides = array<i32>} : memref<4x80x128xf32, #tpu.memory_space<vmem>>, vector<1x1x16xf32>,
          %get3A_398 = vector.shape_cast %get3A_397 : vector<1x1x16xf32> to vector<16xf32>
          %get3A_399 = arith.constant 1 : i32
          %get3A_400 = arith.index_cast %get3A_399 : i32 to index
          %get3A_401 = arith.index_cast %scan3A_235 : i32 to index
          %get3A_402 = arith.constant 64 : index
          %get3A_403 = tpu.vector_load %arg11[%get3A_400, %get3A_401, %get3A_402] {strides = array<i32>} : memref<4x80x128xf32, #tpu.memory_space<vmem>>, vector<1x1x16xf32>,
          %get3A_404 = vector.shape_cast %get3A_403 : vector<1x1x16xf32> to vector<16xf32>
          %add3A_405 = arith.addf %get3A_398, %get3A_404 : vector<16xf32>
          %get3A_406 = arith.constant 2 : i32
          %get3A_407 = arith.index_cast %get3A_406 : i32 to index
          %get3A_408 = arith.index_cast %scan3A_235 : i32 to index
          %get3A_409 = arith.constant 64 : index
          %get3A_410 = tpu.vector_load %arg11[%get3A_407, %get3A_408, %get3A_409] {strides = array<i32>} : memref<4x80x128xf32, #tpu.memory_space<vmem>>, vector<1x1x16xf32>,
          %get3A_411 = vector.shape_cast %get3A_410 : vector<1x1x16xf32> to vector<16xf32>
          %get3A_412 = arith.constant 3 : i32
          %get3A_413 = arith.index_cast %get3A_412 : i32 to index
          %get3A_414 = arith.index_cast %scan3A_235 : i32 to index
          %get3A_415 = arith.constant 64 : index
          %get3A_416 = tpu.vector_load %arg11[%get3A_413, %get3A_414, %get3A_415] {strides = array<i32>} : memref<4x80x128xf32, #tpu.memory_space<vmem>>, vector<1x1x16xf32>,
          %get3A_417 = vector.shape_cast %get3A_416 : vector<1x1x16xf32> to vector<16xf32>
          %add3A_418 = arith.addf %get3A_411, %get3A_417 : vector<16xf32>
          %get3A_419 = arith.index_cast %scan3A_235 : i32 to index
          %get3A_420 = arith.constant 64 : index
          %get3A_421 = tpu.vector_load %arg9[%get3A_419, %get3A_420] {strides = array<i32>} : memref<80x128xf32, #tpu.memory_space<vmem>>, vector<1x16xf32>,
          %get3A_422 = vector.shape_cast %get3A_421 : vector<1x16xf32> to vector<16xf32>
          %add3A_423 = arith.addf %add3A_405, %add3A_418 : vector<16xf32>
          %add3A_424 = arith.addf %get3A_422, %add3A_423 : vector<16xf32>
          %max3A_425 = arith.constant 0.000000e+00 : f32
          %max3A_426 = vector.broadcast %max3A_425 : f32 to vector<16xf32>
          %max3A_427 = arith.maximumf %add3A_424, %max3A_426 : vector<16xf32>
          %swap3A_428 = arith.index_cast %scan3A_235 : i32 to index
          %swap3A_429 = arith.constant 64 : index
          %swap3A_430 = tpu.vector_load %arg9[%swap3A_428, %swap3A_429] {strides = array<i32>} : memref<80x128xf32, #tpu.memory_space<vmem>>, vector<1x16xf32>,
          %swap3A_431 = vector.shape_cast %swap3A_430 : vector<1x16xf32> to vector<16xf32>
          %swap3A_432 = vector.shape_cast %max3A_427 : vector<16xf32> to vector<1x16xf32>
          tpu.vector_store %arg9[%swap3A_428, %swap3A_429], %swap3A_432 {strides = array<i32>} : memref<80x128xf32, #tpu.memory_space<vmem>>, vector<1x16xf32>,
          %get3A_433 = arith.constant 0 : i32
          %get3A_434 = arith.index_cast %get3A_433 : i32 to index
          %get3A_435 = arith.index_cast %scan3A_235 : i32 to index
          %get3A_436 = arith.constant 80 : index
          %get3A_437 = tpu.vector_load %arg11[%get3A_434, %get3A_435, %get3A_436] {strides = array<i32>} : memref<4x80x128xf32, #tpu.memory_space<vmem>>, vector<1x1x16xf32>,
          %get3A_438 = vector.shape_cast %get3A_437 : vector<1x1x16xf32> to vector<16xf32>
          %get3A_439 = arith.constant 1 : i32
          %get3A_440 = arith.index_cast %get3A_439 : i32 to index
          %get3A_441 = arith.index_cast %scan3A_235 : i32 to index
          %get3A_442 = arith.constant 80 : index
          %get3A_443 = tpu.vector_load %arg11[%get3A_440, %get3A_441, %get3A_442] {strides = array<i32>} : memref<4x80x128xf32, #tpu.memory_space<vmem>>, vector<1x1x16xf32>,
          %get3A_444 = vector.shape_cast %get3A_443 : vector<1x1x16xf32> to vector<16xf32>
          %add3A_445 = arith.addf %get3A_438, %get3A_444 : vector<16xf32>
          %get3A_446 = arith.constant 2 : i32
          %get3A_447 = arith.index_cast %get3A_446 : i32 to index
          %get3A_448 = arith.index_cast %scan3A_235 : i32 to index
          %get3A_449 = arith.constant 80 : index
          %get3A_450 = tpu.vector_load %arg11[%get3A_447, %get3A_448, %get3A_449] {strides = array<i32>} : memref<4x80x128xf32, #tpu.memory_space<vmem>>, vector<1x1x16xf32>,
          %get3A_451 = vector.shape_cast %get3A_450 : vector<1x1x16xf32> to vector<16xf32>
          %get3A_452 = arith.constant 3 : i32
          %get3A_453 = arith.index_cast %get3A_452 : i32 to index
          %get3A_454 = arith.index_cast %scan3A_235 : i32 to index
          %get3A_455 = arith.constant 80 : index
          %get3A_456 = tpu.vector_load %arg11[%get3A_453, %get3A_454, %get3A_455] {strides = array<i32>} : memref<4x80x128xf32, #tpu.memory_space<vmem>>, vector<1x1x16xf32>,
          %get3A_457 = vector.shape_cast %get3A_456 : vector<1x1x16xf32> to vector<16xf32>
          %add3A_458 = arith.addf %get3A_451, %get3A_457 : vector<16xf32>
          %get3A_459 = arith.index_cast %scan3A_235 : i32 to index
          %get3A_460 = arith.constant 80 : index
          %get3A_461 = tpu.vector_load %arg9[%get3A_459, %get3A_460] {strides = array<i32>} : memref<80x128xf32, #tpu.memory_space<vmem>>, vector<1x16xf32>,
          %get3A_462 = vector.shape_cast %get3A_461 : vector<1x16xf32> to vector<16xf32>
          %add3A_463 = arith.addf %add3A_445, %add3A_458 : vector<16xf32>
          %add3A_464 = arith.addf %get3A_462, %add3A_463 : vector<16xf32>
          %max3A_465 = arith.constant 0.000000e+00 : f32
          %max3A_466 = vector.broadcast %max3A_465 : f32 to vector<16xf32>
          %max3A_467 = arith.maximumf %add3A_464, %max3A_466 : vector<16xf32>
          %swap3A_468 = arith.index_cast %scan3A_235 : i32 to index
          %swap3A_469 = arith.constant 80 : index
          %swap3A_470 = tpu.vector_load %arg9[%swap3A_468, %swap3A_469] {strides = array<i32>} : memref<80x128xf32, #tpu.memory_space<vmem>>, vector<1x16xf32>,
          %swap3A_471 = vector.shape_cast %swap3A_470 : vector<1x16xf32> to vector<16xf32>
          %swap3A_472 = vector.shape_cast %max3A_467 : vector<16xf32> to vector<1x16xf32>
          tpu.vector_store %arg9[%swap3A_468, %swap3A_469], %swap3A_472 {strides = array<i32>} : memref<80x128xf32, #tpu.memory_space<vmem>>, vector<1x16xf32>,
          %get3A_473 = arith.constant 0 : i32
          %get3A_474 = arith.index_cast %get3A_473 : i32 to index
          %get3A_475 = arith.index_cast %scan3A_235 : i32 to index
          %get3A_476 = arith.constant 96 : index
          %get3A_477 = tpu.vector_load %arg11[%get3A_474, %get3A_475, %get3A_476] {strides = array<i32>} : memref<4x80x128xf32, #tpu.memory_space<vmem>>, vector<1x1x16xf32>,
          %get3A_478 = vector.shape_cast %get3A_477 : vector<1x1x16xf32> to vector<16xf32>
          %get3A_479 = arith.constant 1 : i32
          %get3A_480 = arith.index_cast %get3A_479 : i32 to index
          %get3A_481 = arith.index_cast %scan3A_235 : i32 to index
          %get3A_482 = arith.constant 96 : index
          %get3A_483 = tpu.vector_load %arg11[%get3A_480, %get3A_481, %get3A_482] {strides = array<i32>} : memref<4x80x128xf32, #tpu.memory_space<vmem>>, vector<1x1x16xf32>,
          %get3A_484 = vector.shape_cast %get3A_483 : vector<1x1x16xf32> to vector<16xf32>
          %add3A_485 = arith.addf %get3A_478, %get3A_484 : vector<16xf32>
          %get3A_486 = arith.constant 2 : i32
          %get3A_487 = arith.index_cast %get3A_486 : i32 to index
          %get3A_488 = arith.index_cast %scan3A_235 : i32 to index
          %get3A_489 = arith.constant 96 : index
          %get3A_490 = tpu.vector_load %arg11[%get3A_487, %get3A_488, %get3A_489] {strides = array<i32>} : memref<4x80x128xf32, #tpu.memory_space<vmem>>, vector<1x1x16xf32>,
          %get3A_491 = vector.shape_cast %get3A_490 : vector<1x1x16xf32> to vector<16xf32>
          %get3A_492 = arith.constant 3 : i32
          %get3A_493 = arith.index_cast %get3A_492 : i32 to index
          %get3A_494 = arith.index_cast %scan3A_235 : i32 to index
          %get3A_495 = arith.constant 96 : index
          %get3A_496 = tpu.vector_load %arg11[%get3A_493, %get3A_494, %get3A_495] {strides = array<i32>} : memref<4x80x128xf32, #tpu.memory_space<vmem>>, vector<1x1x16xf32>,
          %get3A_497 = vector.shape_cast %get3A_496 : vector<1x1x16xf32> to vector<16xf32>
          %add3A_498 = arith.addf %get3A_491, %get3A_497 : vector<16xf32>
          %get3A_499 = arith.index_cast %scan3A_235 : i32 to index
          %get3A_500 = arith.constant 96 : index
          %get3A_501 = tpu.vector_load %arg9[%get3A_499, %get3A_500] {strides = array<i32>} : memref<80x128xf32, #tpu.memory_space<vmem>>, vector<1x16xf32>,
          %get3A_502 = vector.shape_cast %get3A_501 : vector<1x16xf32> to vector<16xf32>
          %add3A_503 = arith.addf %add3A_485, %add3A_498 : vector<16xf32>
          %add3A_504 = arith.addf %get3A_502, %add3A_503 : vector<16xf32>
          %max3A_505 = arith.constant 0.000000e+00 : f32
          %max3A_506 = vector.broadcast %max3A_505 : f32 to vector<16xf32>
          %max3A_507 = arith.maximumf %add3A_504, %max3A_506 : vector<16xf32>
          %swap3A_508 = arith.index_cast %scan3A_235 : i32 to index
          %swap3A_509 = arith.constant 96 : index
          %swap3A_510 = tpu.vector_load %arg9[%swap3A_508, %swap3A_509] {strides = array<i32>} : memref<80x128xf32, #tpu.memory_space<vmem>>, vector<1x16xf32>,
          %swap3A_511 = vector.shape_cast %swap3A_510 : vector<1x16xf32> to vector<16xf32>
          %swap3A_512 = vector.shape_cast %max3A_507 : vector<16xf32> to vector<1x16xf32>
          tpu.vector_store %arg9[%swap3A_508, %swap3A_509], %swap3A_512 {strides = array<i32>} : memref<80x128xf32, #tpu.memory_space<vmem>>, vector<1x16xf32>,
          %get3A_513 = arith.constant 0 : i32
          %get3A_514 = arith.index_cast %get3A_513 : i32 to index
          %get3A_515 = arith.index_cast %scan3A_235 : i32 to index
          %get3A_516 = arith.constant 112 : index
          %get3A_517 = tpu.vector_load %arg11[%get3A_514, %get3A_515, %get3A_516] {strides = array<i32>} : memref<4x80x128xf32, #tpu.memory_space<vmem>>, vector<1x1x16xf32>,
          %get3A_518 = vector.shape_cast %get3A_517 : vector<1x1x16xf32> to vector<16xf32>
          %get3A_519 = arith.constant 1 : i32
          %get3A_520 = arith.index_cast %get3A_519 : i32 to index
          %get3A_521 = arith.index_cast %scan3A_235 : i32 to index
          %get3A_522 = arith.constant 112 : index
          %get3A_523 = tpu.vector_load %arg11[%get3A_520, %get3A_521, %get3A_522] {strides = array<i32>} : memref<4x80x128xf32, #tpu.memory_space<vmem>>, vector<1x1x16xf32>,
          %get3A_524 = vector.shape_cast %get3A_523 : vector<1x1x16xf32> to vector<16xf32>
          %add3A_525 = arith.addf %get3A_518, %get3A_524 : vector<16xf32>
          %get3A_526 = arith.constant 2 : i32
          %get3A_527 = arith.index_cast %get3A_526 : i32 to index
          %get3A_528 = arith.index_cast %scan3A_235 : i32 to index
          %get3A_529 = arith.constant 112 : index
          %get3A_530 = tpu.vector_load %arg11[%get3A_527, %get3A_528, %get3A_529] {strides = array<i32>} : memref<4x80x128xf32, #tpu.memory_space<vmem>>, vector<1x1x16xf32>,
          %get3A_531 = vector.shape_cast %get3A_530 : vector<1x1x16xf32> to vector<16xf32>
          %get3A_532 = arith.constant 3 : i32
          %get3A_533 = arith.index_cast %get3A_532 : i32 to index
          %get3A_534 = arith.index_cast %scan3A_235 : i32 to index
          %get3A_535 = arith.constant 112 : index
          %get3A_536 = tpu.vector_load %arg11[%get3A_533, %get3A_534, %get3A_535] {strides = array<i32>} : memref<4x80x128xf32, #tpu.memory_space<vmem>>, vector<1x1x16xf32>,
          %get3A_537 = vector.shape_cast %get3A_536 : vector<1x1x16xf32> to vector<16xf32>
          %add3A_538 = arith.addf %get3A_531, %get3A_537 : vector<16xf32>
          %get3A_539 = arith.index_cast %scan3A_235 : i32 to index
          %get3A_540 = arith.constant 112 : index
          %get3A_541 = tpu.vector_load %arg9[%get3A_539, %get3A_540] {strides = array<i32>} : memref<80x128xf32, #tpu.memory_space<vmem>>, vector<1x16xf32>,
          %get3A_542 = vector.shape_cast %get3A_541 : vector<1x16xf32> to vector<16xf32>
          %add3A_543 = arith.addf %add3A_525, %add3A_538 : vector<16xf32>
          %add3A_544 = arith.addf %get3A_542, %add3A_543 : vector<16xf32>
          %max3A_545 = arith.constant 0.000000e+00 : f32
          %max3A_546 = vector.broadcast %max3A_545 : f32 to vector<16xf32>
          %max3A_547 = arith.maximumf %add3A_544, %max3A_546 : vector<16xf32>
          %swap3A_548 = arith.index_cast %scan3A_235 : i32 to index
          %swap3A_549 = arith.constant 112 : index
          %swap3A_550 = tpu.vector_load %arg9[%swap3A_548, %swap3A_549] {strides = array<i32>} : memref<80x128xf32, #tpu.memory_space<vmem>>, vector<1x16xf32>,
          %swap3A_551 = vector.shape_cast %swap3A_550 : vector<1x16xf32> to vector<16xf32>
          %swap3A_552 = vector.shape_cast %max3A_547 : vector<16xf32> to vector<1x16xf32>
          tpu.vector_store %arg9[%swap3A_548, %swap3A_549], %swap3A_552 {strides = array<i32>} : memref<80x128xf32, #tpu.memory_space<vmem>>, vector<1x16xf32>,
        }
        %scan3A_231 = arith.constant 80 : i32
        %add3A_232 = arith.addi %mul3A_2, %add3A_157 : i32
        %mul3A_233 = arith.constant 80 : i32
        %mul3A_234 = arith.muli %add3A_232, %mul3A_233 : i32
        "tpu.region"() ({
          %run_scoped3A = tpu.sem_alloc : memref<!tpu.dma_semaphore, #tpu.memory_space<semaphore_mem>>
          %dma_start3A_235 = arith.constant 0 : i32
          %dma_start3A_236 = tpu.memref_slice %arg5[%mul3A_234, %dma_start3A_235] : memref<320000x128xf32, #tpu.memory_space<hbm>> -> memref<80x128xf32, #tpu.memory_space<hbm>>
          %dma_start3A_237 = arith.constant 0 : i32
          %dma_start3A_238 = tpu.memref_slice %arg5[%mul3A_234, %dma_start3A_237] : memref<320000x128xf32, #tpu.memory_space<hbm>> -> memref<80x128xf32, #tpu.memory_space<hbm>>
          tpu.enqueue_dma source(%arg9 : memref<80x128xf32, #tpu.memory_space<vmem>>) target(%dma_start3A_238 : memref<80x128xf32, #tpu.memory_space<hbm>>) target_semaphore(%run_scoped3A : memref<!tpu.dma_semaphore, #tpu.memory_space<semaphore_mem>>)
          %dma_wait3A_239 = arith.constant 0 : i32
          %dma_wait3A_240 = tpu.memref_slice %arg5[%mul3A_234, %dma_wait3A_239] : memref<320000x128xf32, #tpu.memory_space<hbm>> -> memref<80x128xf32, #tpu.memory_space<hbm>>
          %dma_wait3A_241 = arith.constant 0 : i32
          %dma_wait3A_242 = tpu.memref_slice %arg5[%mul3A_234, %dma_wait3A_241] : memref<320000x128xf32, #tpu.memory_space<hbm>> -> memref<80x128xf32, #tpu.memory_space<hbm>>
          tpu.wait_dma2 semaphore(%run_scoped3A : memref<!tpu.dma_semaphore, #tpu.memory_space<semaphore_mem>>) src(%arg9 : memref<80x128xf32, #tpu.memory_space<vmem>>) dst(%dma_wait3A_242 : memref<80x128xf32, #tpu.memory_space<hbm>>)
          tpu.yield
        }) : () -> ()
      } else {
      }
    }
    %scan3A_72 = arith.constant 63 : i32
    return
  }
}

#map = affine_map<(d0, d1) -> (0, 0)>
#map1 = affine_map<(d0, d1) -> (0, 0, 0)>
module attributes {stable_mosaic.version = 14 : i64} {
  func.func @_sc_body(%arg0: i32, %arg1: i32, %arg2: memref<320000x128xf32, #tpu.memory_space<hbm>>, %arg3: memref<1280000x128xf32, #tpu.memory_space<hbm>>, %arg4: memref<4000x4x80xi32, #tpu.memory_space<hbm>>, %arg5: memref<320000x128xf32, #tpu.memory_space<hbm>>, %arg6: memref<4x80xi32, #tpu.memory_space<vmem>>, %arg7: memref<4x80xi32, #tpu.memory_space<vmem>>, %arg8: memref<80x128xf32, #tpu.memory_space<vmem>>, %arg9: memref<80x128xf32, #tpu.memory_space<vmem>>, %arg10: memref<4x80x128xf32, #tpu.memory_space<vmem>>, %arg11: memref<4x80x128xf32, #tpu.memory_space<vmem>>, %arg12: memref<!tpu.dma_semaphore, #tpu.memory_space<semaphore_mem>>, %arg13: memref<!tpu.dma_semaphore, #tpu.memory_space<semaphore_mem>>, %arg14: memref<!tpu.dma_semaphore, #tpu.memory_space<semaphore_mem>>, %arg15: memref<!tpu.dma_semaphore, #tpu.memory_space<semaphore_mem>>) attributes {dimension_semantics = [#tpu.dimension_semantics<core_parallel>, #tpu.dimension_semantics<subcore_parallel>], iteration_bounds = array<i64: 2, 16>, scalar_prefetch = 0 : i64, scratch_operands = 10 : i64, tpu.core_type = #tpu.core_type<sc_vector_subcore>, window_params = [{transform_indices = #map}, {transform_indices = #map}, {transform_indices = #map1}, {transform_indices = #map}]} {
    %mul3A = arith.constant 2 : i32
    %mul3A_0 = arith.muli %arg1, %mul3A : i32
    %add3A = arith.addi %mul3A_0, %arg0 : i32
    %mul3A_1 = arith.constant 125 : i32
    %mul3A_2 = arith.muli %add3A, %mul3A_1 : i32
    "tpu.region"() ({
      %run_scoped3A = tpu.sem_alloc : memref<!tpu.dma_semaphore, #tpu.memory_space<semaphore_mem>>
      %dma_start3A_73 = arith.constant 0 : i32
      %dma_start3A_74 = arith.constant 0 : i32
      %dma_start3A_75 = tpu.memref_slice %arg4[%mul3A_2, %dma_start3A_73, %dma_start3A_74] : memref<4000x4x80xi32, #tpu.memory_space<hbm>> -> memref<1x4x80xi32, #tpu.memory_space<hbm>>
      %dma_start3A_76 = tpu.memref_squeeze %dma_start3A_75 : memref<1x4x80xi32, #tpu.memory_space<hbm>> -> memref<4x80xi32, #tpu.memory_space<hbm>>
      %dma_start3A_77 = arith.constant 0 : i32
      %dma_start3A_78 = arith.constant 0 : i32
      %dma_start3A_79 = tpu.memref_slice %arg4[%mul3A_2, %dma_start3A_77, %dma_start3A_78] : memref<4000x4x80xi32, #tpu.memory_space<hbm>> -> memref<1x4x80xi32, #tpu.memory_space<hbm>>
      %dma_start3A_80 = tpu.memref_squeeze %dma_start3A_79 : memref<1x4x80xi32, #tpu.memory_space<hbm>> -> memref<4x80xi32, #tpu.memory_space<hbm>>
      tpu.enqueue_dma source(%dma_start3A_80 : memref<4x80xi32, #tpu.memory_space<hbm>>) target(%arg6 : memref<4x80xi32, #tpu.memory_space<vmem>>) target_semaphore(%run_scoped3A : memref<!tpu.dma_semaphore, #tpu.memory_space<semaphore_mem>>)
      %dma_wait3A = arith.constant 0 : i32
      %dma_wait3A_81 = arith.constant 0 : i32
      %dma_wait3A_82 = tpu.memref_slice %arg4[%mul3A_2, %dma_wait3A, %dma_wait3A_81] : memref<4000x4x80xi32, #tpu.memory_space<hbm>> -> memref<1x4x80xi32, #tpu.memory_space<hbm>>
      %dma_wait3A_83 = tpu.memref_squeeze %dma_wait3A_82 : memref<1x4x80xi32, #tpu.memory_space<hbm>> -> memref<4x80xi32, #tpu.memory_space<hbm>>
      %dma_wait3A_84 = arith.constant 0 : i32
      %dma_wait3A_85 = arith.constant 0 : i32
      %dma_wait3A_86 = tpu.memref_slice %arg4[%mul3A_2, %dma_wait3A_84, %dma_wait3A_85] : memref<4000x4x80xi32, #tpu.memory_space<hbm>> -> memref<1x4x80xi32, #tpu.memory_space<hbm>>
      %dma_wait3A_87 = tpu.memref_squeeze %dma_wait3A_86 : memref<1x4x80xi32, #tpu.memory_space<hbm>> -> memref<4x80xi32, #tpu.memory_space<hbm>>
      tpu.wait_dma2 semaphore(%run_scoped3A : memref<!tpu.dma_semaphore, #tpu.memory_space<semaphore_mem>>) src(%dma_wait3A_87 : memref<4x80xi32, #tpu.memory_space<hbm>>) dst(%arg6 : memref<4x80xi32, #tpu.memory_space<vmem>>)
      tpu.yield
    }) : () -> ()
    %dma_start3A = arith.constant 0 : i32
    %dma_start3A_3 = arith.constant 0 : i32
    %dma_start3A_4 = arith.constant 0 : i32
    %dma_start3A_5 = arith.constant 0 : i32
    %dma_start3A_6 = tpu.memref_slice %arg10[%dma_start3A_3, %dma_start3A_4, %dma_start3A_5] : memref<4x80x128xf32, #tpu.memory_space<vmem>> -> memref<1x80x128xf32, #tpu.memory_space<vmem>>
    %dma_start3A_7 = tpu.memref_squeeze %dma_start3A_6 : memref<1x80x128xf32, #tpu.memory_space<vmem>> -> memref<80x128xf32, #tpu.memory_space<vmem>>
    %dma_start3A_8 = arith.constant 0 : i32
    %dma_start3A_9 = tpu.memref_slice %arg6[%dma_start3A, %dma_start3A_8] : memref<4x80xi32, #tpu.memory_space<vmem>> -> memref<1x80xi32, #tpu.memory_space<vmem>>
    %dma_start3A_10 = tpu.memref_squeeze %dma_start3A_9 : memref<1x80xi32, #tpu.memory_space<vmem>> -> memref<80xi32, #tpu.memory_space<vmem>>
    %dma_start3A_11 = arith.constant 0 : i32
    %dma_start3A_12 = arith.constant 0 : i32
    %dma_start3A_13 = tpu.memref_slice %arg3[%dma_start3A_11, %dma_start3A_12] : memref<1280000x128xf32, #tpu.memory_space<hbm>> -> memref<1280000x128xf32, #tpu.memory_space<hbm>>
    tpu.enqueue_indirect_dma source(%dma_start3A_13 : memref<1280000x128xf32, #tpu.memory_space<hbm>>) target(%dma_start3A_7 : memref<80x128xf32, #tpu.memory_space<vmem>>) offsets(%dma_start3A_10 : memref<80xi32, #tpu.memory_space<vmem>>) semaphore(%arg12 : memref<!tpu.dma_semaphore, #tpu.memory_space<semaphore_mem>>)
    %dma_start3A_14 = arith.constant 1 : i32
    %dma_start3A_15 = arith.constant 1 : i32
    %dma_start3A_16 = arith.constant 0 : i32
    %dma_start3A_17 = arith.constant 0 : i32
    %dma_start3A_18 = tpu.memref_slice %arg10[%dma_start3A_15, %dma_start3A_16, %dma_start3A_17] : memref<4x80x128xf32, #tpu.memory_space<vmem>> -> memref<1x80x128xf32, #tpu.memory_space<vmem>>
    %dma_start3A_19 = tpu.memref_squeeze %dma_start3A_18 : memref<1x80x128xf32, #tpu.memory_space<vmem>> -> memref<80x128xf32, #tpu.memory_space<vmem>>
    %dma_start3A_20 = arith.constant 0 : i32
    %dma_start3A_21 = tpu.memref_slice %arg6[%dma_start3A_14, %dma_start3A_20] : memref<4x80xi32, #tpu.memory_space<vmem>> -> memref<1x80xi32, #tpu.memory_space<vmem>>
    %dma_start3A_22 = tpu.memref_squeeze %dma_start3A_21 : memref<1x80xi32, #tpu.memory_space<vmem>> -> memref<80xi32, #tpu.memory_space<vmem>>
    %dma_start3A_23 = arith.constant 0 : i32
    %dma_start3A_24 = arith.constant 0 : i32
    %dma_start3A_25 = tpu.memref_slice %arg3[%dma_start3A_23, %dma_start3A_24] : memref<1280000x128xf32, #tpu.memory_space<hbm>> -> memref<1280000x128xf32, #tpu.memory_space<hbm>>
    tpu.enqueue_indirect_dma source(%dma_start3A_25 : memref<1280000x128xf32, #tpu.memory_space<hbm>>) target(%dma_start3A_19 : memref<80x128xf32, #tpu.memory_space<vmem>>) offsets(%dma_start3A_22 : memref<80xi32, #tpu.memory_space<vmem>>) semaphore(%arg12 : memref<!tpu.dma_semaphore, #tpu.memory_space<semaphore_mem>>)
    %dma_start3A_26 = arith.constant 2 : i32
    %dma_start3A_27 = arith.constant 2 : i32
    %dma_start3A_28 = arith.constant 0 : i32
    %dma_start3A_29 = arith.constant 0 : i32
    %dma_start3A_30 = tpu.memref_slice %arg10[%dma_start3A_27, %dma_start3A_28, %dma_start3A_29] : memref<4x80x128xf32, #tpu.memory_space<vmem>> -> memref<1x80x128xf32, #tpu.memory_space<vmem>>
    %dma_start3A_31 = tpu.memref_squeeze %dma_start3A_30 : memref<1x80x128xf32, #tpu.memory_space<vmem>> -> memref<80x128xf32, #tpu.memory_space<vmem>>
    %dma_start3A_32 = arith.constant 0 : i32
    %dma_start3A_33 = tpu.memref_slice %arg6[%dma_start3A_26, %dma_start3A_32] : memref<4x80xi32, #tpu.memory_space<vmem>> -> memref<1x80xi32, #tpu.memory_space<vmem>>
    %dma_start3A_34 = tpu.memref_squeeze %dma_start3A_33 : memref<1x80xi32, #tpu.memory_space<vmem>> -> memref<80xi32, #tpu.memory_space<vmem>>
    %dma_start3A_35 = arith.constant 0 : i32
    %dma_start3A_36 = arith.constant 0 : i32
    %dma_start3A_37 = tpu.memref_slice %arg3[%dma_start3A_35, %dma_start3A_36] : memref<1280000x128xf32, #tpu.memory_space<hbm>> -> memref<1280000x128xf32, #tpu.memory_space<hbm>>
    tpu.enqueue_indirect_dma source(%dma_start3A_37 : memref<1280000x128xf32, #tpu.memory_space<hbm>>) target(%dma_start3A_31 : memref<80x128xf32, #tpu.memory_space<vmem>>) offsets(%dma_start3A_34 : memref<80xi32, #tpu.memory_space<vmem>>) semaphore(%arg12 : memref<!tpu.dma_semaphore, #tpu.memory_space<semaphore_mem>>)
    %dma_start3A_38 = arith.constant 3 : i32
    %dma_start3A_39 = arith.constant 3 : i32
    %dma_start3A_40 = arith.constant 0 : i32
    %dma_start3A_41 = arith.constant 0 : i32
    %dma_start3A_42 = tpu.memref_slice %arg10[%dma_start3A_39, %dma_start3A_40, %dma_start3A_41] : memref<4x80x128xf32, #tpu.memory_space<vmem>> -> memref<1x80x128xf32, #tpu.memory_space<vmem>>
    %dma_start3A_43 = tpu.memref_squeeze %dma_start3A_42 : memref<1x80x128xf32, #tpu.memory_space<vmem>> -> memref<80x128xf32, #tpu.memory_space<vmem>>
    %dma_start3A_44 = arith.constant 0 : i32
    %dma_start3A_45 = tpu.memref_slice %arg6[%dma_start3A_38, %dma_start3A_44] : memref<4x80xi32, #tpu.memory_space<vmem>> -> memref<1x80xi32, #tpu.memory_space<vmem>>
    %dma_start3A_46 = tpu.memref_squeeze %dma_start3A_45 : memref<1x80xi32, #tpu.memory_space<vmem>> -> memref<80xi32, #tpu.memory_space<vmem>>
    %dma_start3A_47 = arith.constant 0 : i32
    %dma_start3A_48 = arith.constant 0 : i32
    %dma_start3A_49 = tpu.memref_slice %arg3[%dma_start3A_47, %dma_start3A_48] : memref<1280000x128xf32, #tpu.memory_space<hbm>> -> memref<1280000x128xf32, #tpu.memory_space<hbm>>
    tpu.enqueue_indirect_dma source(%dma_start3A_49 : memref<1280000x128xf32, #tpu.memory_space<hbm>>) target(%dma_start3A_43 : memref<80x128xf32, #tpu.memory_space<vmem>>) offsets(%dma_start3A_46 : memref<80xi32, #tpu.memory_space<vmem>>) semaphore(%arg12 : memref<!tpu.dma_semaphore, #tpu.memory_space<semaphore_mem>>)
    %add3A_50 = arith.constant 0 : i32
    %add3A_51 = arith.addi %mul3A_2, %add3A_50 : i32
    %mul3A_52 = arith.constant 80 : i32
    %mul3A_53 = arith.muli %add3A_51, %mul3A_52 : i32
    %dma_start3A_54 = arith.constant 0 : i32
    %dma_start3A_55 = tpu.memref_slice %arg2[%mul3A_53, %dma_start3A_54] : memref<320000x128xf32, #tpu.memory_space<hbm>> -> memref<80x128xf32, #tpu.memory_space<hbm>>
    %dma_start3A_56 = arith.constant 0 : i32
    %dma_start3A_57 = tpu.memref_slice %arg2[%mul3A_53, %dma_start3A_56] : memref<320000x128xf32, #tpu.memory_space<hbm>> -> memref<80x128xf32, #tpu.memory_space<hbm>>
    tpu.enqueue_dma source(%dma_start3A_57 : memref<80x128xf32, #tpu.memory_space<hbm>>) target(%arg8 : memref<80x128xf32, #tpu.memory_space<vmem>>) target_semaphore(%arg12 : memref<!tpu.dma_semaphore, #tpu.memory_space<semaphore_mem>>)
    %add3A_58 = arith.constant 1 : i32
    %add3A_59 = arith.addi %mul3A_2, %add3A_58 : i32
    %dma_start3A_60 = arith.constant 0 : i32
    %dma_start3A_61 = arith.constant 0 : i32
    %dma_start3A_62 = tpu.memref_slice %arg4[%add3A_59, %dma_start3A_60, %dma_start3A_61] : memref<4000x4x80xi32, #tpu.memory_space<hbm>> -> memref<1x4x80xi32, #tpu.memory_space<hbm>>
    %dma_start3A_63 = tpu.memref_squeeze %dma_start3A_62 : memref<1x4x80xi32, #tpu.memory_space<hbm>> -> memref<4x80xi32, #tpu.memory_space<hbm>>
    %dma_start3A_64 = arith.constant 0 : i32
    %dma_start3A_65 = arith.constant 0 : i32
    %dma_start3A_66 = tpu.memref_slice %arg4[%add3A_59, %dma_start3A_64, %dma_start3A_65] : memref<4000x4x80xi32, #tpu.memory_space<hbm>> -> memref<1x4x80xi32, #tpu.memory_space<hbm>>
    %dma_start3A_67 = tpu.memref_squeeze %dma_start3A_66 : memref<1x4x80xi32, #tpu.memory_space<hbm>> -> memref<4x80xi32, #tpu.memory_space<hbm>>
    tpu.enqueue_dma source(%dma_start3A_67 : memref<4x80xi32, #tpu.memory_space<hbm>>) target(%arg7 : memref<4x80xi32, #tpu.memory_space<vmem>>) target_semaphore(%arg15 : memref<!tpu.dma_semaphore, #tpu.memory_space<semaphore_mem>>)
    %scan3A = arith.constant 0 : i32
    %scan3A_68 = arith.constant 0 : i32
    %scan3A_69 = arith.constant 63 : i32
    %scan3A_70 = arith.addi %scan3A_68, %scan3A_69 : i32
    %scan3A_71 = arith.constant 1 : i32
    scf.for %scan3A_73 = %scan3A_68 to %scan3A_70 step %scan3A_71  : i32 {
      %mul3A_74 = arith.constant 2 : i32
      %mul3A_75 = arith.muli %scan3A_73, %mul3A_74 : i32
      %dma_wait3A = arith.constant 0 : i32
      %dma_wait3A_76 = arith.constant 0 : i32
      %dma_wait3A_77 = arith.constant 0 : i32
      %dma_wait3A_78 = arith.constant 0 : i32
      %dma_wait3A_79 = tpu.memref_slice %arg10[%dma_wait3A_76, %dma_wait3A_77, %dma_wait3A_78] : memref<4x80x128xf32, #tpu.memory_space<vmem>> -> memref<1x80x128xf32, #tpu.memory_space<vmem>>
      %dma_wait3A_80 = tpu.memref_squeeze %dma_wait3A_79 : memref<1x80x128xf32, #tpu.memory_space<vmem>> -> memref<80x128xf32, #tpu.memory_space<vmem>>
      %dma_wait3A_81 = arith.constant 0 : i32
      %dma_wait3A_82 = tpu.memref_slice %arg6[%dma_wait3A, %dma_wait3A_81] : memref<4x80xi32, #tpu.memory_space<vmem>> -> memref<1x80xi32, #tpu.memory_space<vmem>>
      %dma_wait3A_83 = tpu.memref_squeeze %dma_wait3A_82 : memref<1x80xi32, #tpu.memory_space<vmem>> -> memref<80xi32, #tpu.memory_space<vmem>>
      %dma_wait3A_84 = arith.constant 0 : i32
      %dma_wait3A_85 = arith.constant 0 : i32
      %dma_wait3A_86 = tpu.memref_slice %arg3[%dma_wait3A_84, %dma_wait3A_85] : memref<1280000x128xf32, #tpu.memory_space<hbm>> -> memref<1280000x128xf32, #tpu.memory_space<hbm>>
      tpu.wait_indirect_dma semaphore(%arg12 : memref<!tpu.dma_semaphore, #tpu.memory_space<semaphore_mem>>) src(%dma_wait3A_86 : memref<1280000x128xf32, #tpu.memory_space<hbm>>) dst(%dma_wait3A_80 : memref<80x128xf32, #tpu.memory_space<vmem>>)
      %dma_wait3A_87 = arith.constant 1 : i32
      %dma_wait3A_88 = arith.constant 1 : i32
      %dma_wait3A_89 = arith.constant 0 : i32
      %dma_wait3A_90 = arith.constant 0 : i32
      %dma_wait3A_91 = tpu.memref_slice %arg10[%dma_wait3A_88, %dma_wait3A_89, %dma_wait3A_90] : memref<4x80x128xf32, #tpu.memory_space<vmem>> -> memref<1x80x128xf32, #tpu.memory_space<vmem>>
      %dma_wait3A_92 = tpu.memref_squeeze %dma_wait3A_91 : memref<1x80x128xf32, #tpu.memory_space<vmem>> -> memref<80x128xf32, #tpu.memory_space<vmem>>
      %dma_wait3A_93 = arith.constant 0 : i32
      %dma_wait3A_94 = tpu.memref_slice %arg6[%dma_wait3A_87, %dma_wait3A_93] : memref<4x80xi32, #tpu.memory_space<vmem>> -> memref<1x80xi32, #tpu.memory_space<vmem>>
      %dma_wait3A_95 = tpu.memref_squeeze %dma_wait3A_94 : memref<1x80xi32, #tpu.memory_space<vmem>> -> memref<80xi32, #tpu.memory_space<vmem>>
      %dma_wait3A_96 = arith.constant 0 : i32
      %dma_wait3A_97 = arith.constant 0 : i32
      %dma_wait3A_98 = tpu.memref_slice %arg3[%dma_wait3A_96, %dma_wait3A_97] : memref<1280000x128xf32, #tpu.memory_space<hbm>> -> memref<1280000x128xf32, #tpu.memory_space<hbm>>
      tpu.wait_indirect_dma semaphore(%arg12 : memref<!tpu.dma_semaphore, #tpu.memory_space<semaphore_mem>>) src(%dma_wait3A_98 : memref<1280000x128xf32, #tpu.memory_space<hbm>>) dst(%dma_wait3A_92 : memref<80x128xf32, #tpu.memory_space<vmem>>)
      %dma_wait3A_99 = arith.constant 2 : i32
      %dma_wait3A_100 = arith.constant 2 : i32
      %dma_wait3A_101 = arith.constant 0 : i32
      %dma_wait3A_102 = arith.constant 0 : i32
      %dma_wait3A_103 = tpu.memref_slice %arg10[%dma_wait3A_100, %dma_wait3A_101, %dma_wait3A_102] : memref<4x80x128xf32, #tpu.memory_space<vmem>> -> memref<1x80x128xf32, #tpu.memory_space<vmem>>
      %dma_wait3A_104 = tpu.memref_squeeze %dma_wait3A_103 : memref<1x80x128xf32, #tpu.memory_space<vmem>> -> memref<80x128xf32, #tpu.memory_space<vmem>>
      %dma_wait3A_105 = arith.constant 0 : i32
      %dma_wait3A_106 = tpu.memref_slice %arg6[%dma_wait3A_99, %dma_wait3A_105] : memref<4x80xi32, #tpu.memory_space<vmem>> -> memref<1x80xi32, #tpu.memory_space<vmem>>
      %dma_wait3A_107 = tpu.memref_squeeze %dma_wait3A_106 : memref<1x80xi32, #tpu.memory_space<vmem>> -> memref<80xi32, #tpu.memory_space<vmem>>
      %dma_wait3A_108 = arith.constant 0 : i32
      %dma_wait3A_109 = arith.constant 0 : i32
      %dma_wait3A_110 = tpu.memref_slice %arg3[%dma_wait3A_108, %dma_wait3A_109] : memref<1280000x128xf32, #tpu.memory_space<hbm>> -> memref<1280000x128xf32, #tpu.memory_space<hbm>>
      tpu.wait_indirect_dma semaphore(%arg12 : memref<!tpu.dma_semaphore, #tpu.memory_space<semaphore_mem>>) src(%dma_wait3A_110 : memref<1280000x128xf32, #tpu.memory_space<hbm>>) dst(%dma_wait3A_104 : memref<80x128xf32, #tpu.memory_space<vmem>>)
      %dma_wait3A_111 = arith.constant 3 : i32
      %dma_wait3A_112 = arith.constant 3 : i32
      %dma_wait3A_113 = arith.constant 0 : i32
      %dma_wait3A_114 = arith.constant 0 : i32
      %dma_wait3A_115 = tpu.memref_slice %arg10[%dma_wait3A_112, %dma_wait3A_113, %dma_wait3A_114] : memref<4x80x128xf32, #tpu.memory_space<vmem>> -> memref<1x80x128xf32, #tpu.memory_space<vmem>>
      %dma_wait3A_116 = tpu.memref_squeeze %dma_wait3A_115 : memref<1x80x128xf32, #tpu.memory_space<vmem>> -> memref<80x128xf32, #tpu.memory_space<vmem>>
      %dma_wait3A_117 = arith.constant 0 : i32
      %dma_wait3A_118 = tpu.memref_slice %arg6[%dma_wait3A_111, %dma_wait3A_117] : memref<4x80xi32, #tpu.memory_space<vmem>> -> memref<1x80xi32, #tpu.memory_space<vmem>>
      %dma_wait3A_119 = tpu.memref_squeeze %dma_wait3A_118 : memref<1x80xi32, #tpu.memory_space<vmem>> -> memref<80xi32, #tpu.memory_space<vmem>>
      %dma_wait3A_120 = arith.constant 0 : i32
      %dma_wait3A_121 = arith.constant 0 : i32
      %dma_wait3A_122 = tpu.memref_slice %arg3[%dma_wait3A_120, %dma_wait3A_121] : memref<1280000x128xf32, #tpu.memory_space<hbm>> -> memref<1280000x128xf32, #tpu.memory_space<hbm>>
      tpu.wait_indirect_dma semaphore(%arg12 : memref<!tpu.dma_semaphore, #tpu.memory_space<semaphore_mem>>) src(%dma_wait3A_122 : memref<1280000x128xf32, #tpu.memory_space<hbm>>) dst(%dma_wait3A_116 : memref<80x128xf32, #tpu.memory_space<vmem>>)
      %dma_wait3A_123 = arith.constant 0 : i32
      %dma_wait3A_124 = arith.constant 0 : i32
      %dma_wait3A_125 = tpu.memref_slice %arg2[%dma_wait3A_123, %dma_wait3A_124] : memref<320000x128xf32, #tpu.memory_space<hbm>> -> memref<80x128xf32, #tpu.memory_space<hbm>>
      %dma_wait3A_126 = arith.constant 0 : i32
      %dma_wait3A_127 = arith.constant 0 : i32
      %dma_wait3A_128 = tpu.memref_slice %arg2[%dma_wait3A_126, %dma_wait3A_127] : memref<320000x128xf32, #tpu.memory_space<hbm>> -> memref<80x128xf32, #tpu.memory_space<hbm>>
      tpu.wait_dma2 semaphore(%arg12 : memref<!tpu.dma_semaphore, #tpu.memory_space<semaphore_mem>>) src(%dma_wait3A_128 : memref<80x128xf32, #tpu.memory_space<hbm>>) dst(%arg8 : memref<80x128xf32, #tpu.memory_space<vmem>>)
      %add3A_129 = arith.constant 1 : i32
      %add3A_130 = arith.addi %mul3A_75, %add3A_129 : i32
      %lt3A = arith.constant 125 : i32
      %lt3A_131 = arith.cmpi slt, %add3A_130, %lt3A : i32
      %convert_element_type3A = arith.extui %lt3A_131 : i1 to i32
      %cond3A = arith.constant 0 : i32
      %cond3A_132 = arith.cmpi ne, %convert_element_type3A, %cond3A : i32
      scf.if %cond3A_132 {
        %dma_wait3A_156 = arith.constant 0 : i32
        %dma_wait3A_157 = arith.constant 0 : i32
        %dma_wait3A_158 = arith.constant 0 : i32
        %dma_wait3A_159 = tpu.memref_slice %arg4[%dma_wait3A_156, %dma_wait3A_157, %dma_wait3A_158] : memref<4000x4x80xi32, #tpu.memory_space<hbm>> -> memref<1x4x80xi32, #tpu.memory_space<hbm>>
        %dma_wait3A_160 = tpu.memref_squeeze %dma_wait3A_159 : memref<1x4x80xi32, #tpu.memory_space<hbm>> -> memref<4x80xi32, #tpu.memory_space<hbm>>
        %dma_wait3A_161 = arith.constant 0 : i32
        %dma_wait3A_162 = arith.constant 0 : i32
        %dma_wait3A_163 = tpu.memref_slice %arg4[%dma_wait3A_156, %dma_wait3A_161, %dma_wait3A_162] : memref<4000x4x80xi32, #tpu.memory_space<hbm>> -> memref<1x4x80xi32, #tpu.memory_space<hbm>>
        %dma_wait3A_164 = tpu.memref_squeeze %dma_wait3A_163 : memref<1x4x80xi32, #tpu.memory_space<hbm>> -> memref<4x80xi32, #tpu.memory_space<hbm>>
        tpu.wait_dma2 semaphore(%arg15 : memref<!tpu.dma_semaphore, #tpu.memory_space<semaphore_mem>>) src(%dma_wait3A_164 : memref<4x80xi32, #tpu.memory_space<hbm>>) dst(%arg7 : memref<4x80xi32, #tpu.memory_space<vmem>>)
        %add3A_165 = arith.constant 1 : i32
        %add3A_166 = arith.addi %mul3A_75, %add3A_165 : i32
        %dma_start3A_167 = arith.constant 0 : i32
        %dma_start3A_168 = arith.constant 0 : i32
        %dma_start3A_169 = arith.constant 0 : i32
        %dma_start3A_170 = arith.constant 0 : i32
        %dma_start3A_171 = tpu.memref_slice %arg11[%dma_start3A_168, %dma_start3A_169, %dma_start3A_170] : memref<4x80x128xf32, #tpu.memory_space<vmem>> -> memref<1x80x128xf32, #tpu.memory_space<vmem>>
        %dma_start3A_172 = tpu.memref_squeeze %dma_start3A_171 : memref<1x80x128xf32, #tpu.memory_space<vmem>> -> memref<80x128xf32, #tpu.memory_space<vmem>>
        %dma_start3A_173 = arith.constant 0 : i32
        %dma_start3A_174 = tpu.memref_slice %arg7[%dma_start3A_167, %dma_start3A_173] : memref<4x80xi32, #tpu.memory_space<vmem>> -> memref<1x80xi32, #tpu.memory_space<vmem>>
        %dma_start3A_175 = tpu.memref_squeeze %dma_start3A_174 : memref<1x80xi32, #tpu.memory_space<vmem>> -> memref<80xi32, #tpu.memory_space<vmem>>
        %dma_start3A_176 = arith.constant 0 : i32
        %dma_start3A_177 = arith.constant 0 : i32
        %dma_start3A_178 = tpu.memref_slice %arg3[%dma_start3A_176, %dma_start3A_177] : memref<1280000x128xf32, #tpu.memory_space<hbm>> -> memref<1280000x128xf32, #tpu.memory_space<hbm>>
        tpu.enqueue_indirect_dma source(%dma_start3A_178 : memref<1280000x128xf32, #tpu.memory_space<hbm>>) target(%dma_start3A_172 : memref<80x128xf32, #tpu.memory_space<vmem>>) offsets(%dma_start3A_175 : memref<80xi32, #tpu.memory_space<vmem>>) semaphore(%arg13 : memref<!tpu.dma_semaphore, #tpu.memory_space<semaphore_mem>>)
        %dma_start3A_179 = arith.constant 1 : i32
        %dma_start3A_180 = arith.constant 1 : i32
        %dma_start3A_181 = arith.constant 0 : i32
        %dma_start3A_182 = arith.constant 0 : i32
        %dma_start3A_183 = tpu.memref_slice %arg11[%dma_start3A_180, %dma_start3A_181, %dma_start3A_182] : memref<4x80x128xf32, #tpu.memory_space<vmem>> -> memref<1x80x128xf32, #tpu.memory_space<vmem>>
        %dma_start3A_184 = tpu.memref_squeeze %dma_start3A_183 : memref<1x80x128xf32, #tpu.memory_space<vmem>> -> memref<80x128xf32, #tpu.memory_space<vmem>>
        %dma_start3A_185 = arith.constant 0 : i32
        %dma_start3A_186 = tpu.memref_slice %arg7[%dma_start3A_179, %dma_start3A_185] : memref<4x80xi32, #tpu.memory_space<vmem>> -> memref<1x80xi32, #tpu.memory_space<vmem>>
        %dma_start3A_187 = tpu.memref_squeeze %dma_start3A_186 : memref<1x80xi32, #tpu.memory_space<vmem>> -> memref<80xi32, #tpu.memory_space<vmem>>
        %dma_start3A_188 = arith.constant 0 : i32
        %dma_start3A_189 = arith.constant 0 : i32
        %dma_start3A_190 = tpu.memref_slice %arg3[%dma_start3A_188, %dma_start3A_189] : memref<1280000x128xf32, #tpu.memory_space<hbm>> -> memref<1280000x128xf32, #tpu.memory_space<hbm>>
        tpu.enqueue_indirect_dma source(%dma_start3A_190 : memref<1280000x128xf32, #tpu.memory_space<hbm>>) target(%dma_start3A_184 : memref<80x128xf32, #tpu.memory_space<vmem>>) offsets(%dma_start3A_187 : memref<80xi32, #tpu.memory_space<vmem>>) semaphore(%arg13 : memref<!tpu.dma_semaphore, #tpu.memory_space<semaphore_mem>>)
        %dma_start3A_191 = arith.constant 2 : i32
        %dma_start3A_192 = arith.constant 2 : i32
        %dma_start3A_193 = arith.constant 0 : i32
        %dma_start3A_194 = arith.constant 0 : i32
        %dma_start3A_195 = tpu.memref_slice %arg11[%dma_start3A_192, %dma_start3A_193, %dma_start3A_194] : memref<4x80x128xf32, #tpu.memory_space<vmem>> -> memref<1x80x128xf32, #tpu.memory_space<vmem>>
        %dma_start3A_196 = tpu.memref_squeeze %dma_start3A_195 : memref<1x80x128xf32, #tpu.memory_space<vmem>> -> memref<80x128xf32, #tpu.memory_space<vmem>>
        %dma_start3A_197 = arith.constant 0 : i32
        %dma_start3A_198 = tpu.memref_slice %arg7[%dma_start3A_191, %dma_start3A_197] : memref<4x80xi32, #tpu.memory_space<vmem>> -> memref<1x80xi32, #tpu.memory_space<vmem>>
        %dma_start3A_199 = tpu.memref_squeeze %dma_start3A_198 : memref<1x80xi32, #tpu.memory_space<vmem>> -> memref<80xi32, #tpu.memory_space<vmem>>
        %dma_start3A_200 = arith.constant 0 : i32
        %dma_start3A_201 = arith.constant 0 : i32
        %dma_start3A_202 = tpu.memref_slice %arg3[%dma_start3A_200, %dma_start3A_201] : memref<1280000x128xf32, #tpu.memory_space<hbm>> -> memref<1280000x128xf32, #tpu.memory_space<hbm>>
        tpu.enqueue_indirect_dma source(%dma_start3A_202 : memref<1280000x128xf32, #tpu.memory_space<hbm>>) target(%dma_start3A_196 : memref<80x128xf32, #tpu.memory_space<vmem>>) offsets(%dma_start3A_199 : memref<80xi32, #tpu.memory_space<vmem>>) semaphore(%arg13 : memref<!tpu.dma_semaphore, #tpu.memory_space<semaphore_mem>>)
        %dma_start3A_203 = arith.constant 3 : i32
        %dma_start3A_204 = arith.constant 3 : i32
        %dma_start3A_205 = arith.constant 0 : i32
        %dma_start3A_206 = arith.constant 0 : i32
        %dma_start3A_207 = tpu.memref_slice %arg11[%dma_start3A_204, %dma_start3A_205, %dma_start3A_206] : memref<4x80x128xf32, #tpu.memory_space<vmem>> -> memref<1x80x128xf32, #tpu.memory_space<vmem>>
        %dma_start3A_208 = tpu.memref_squeeze %dma_start3A_207 : memref<1x80x128xf32, #tpu.memory_space<vmem>> -> memref<80x128xf32, #tpu.memory_space<vmem>>
        %dma_start3A_209 = arith.constant 0 : i32
        %dma_start3A_210 = tpu.memref_slice %arg7[%dma_start3A_203, %dma_start3A_209] : memref<4x80xi32, #tpu.memory_space<vmem>> -> memref<1x80xi32, #tpu.memory_space<vmem>>
        %dma_start3A_211 = tpu.memref_squeeze %dma_start3A_210 : memref<1x80xi32, #tpu.memory_space<vmem>> -> memref<80xi32, #tpu.memory_space<vmem>>
        %dma_start3A_212 = arith.constant 0 : i32
        %dma_start3A_213 = arith.constant 0 : i32
        %dma_start3A_214 = tpu.memref_slice %arg3[%dma_start3A_212, %dma_start3A_213] : memref<1280000x128xf32, #tpu.memory_space<hbm>> -> memref<1280000x128xf32, #tpu.memory_space<hbm>>
        tpu.enqueue_indirect_dma source(%dma_start3A_214 : memref<1280000x128xf32, #tpu.memory_space<hbm>>) target(%dma_start3A_208 : memref<80x128xf32, #tpu.memory_space<vmem>>) offsets(%dma_start3A_211 : memref<80xi32, #tpu.memory_space<vmem>>) semaphore(%arg13 : memref<!tpu.dma_semaphore, #tpu.memory_space<semaphore_mem>>)
        %add3A_215 = arith.addi %mul3A_2, %add3A_166 : i32
        %mul3A_216 = arith.constant 80 : i32
        %mul3A_217 = arith.muli %add3A_215, %mul3A_216 : i32
        %dma_start3A_218 = arith.constant 0 : i32
        %dma_start3A_219 = tpu.memref_slice %arg2[%mul3A_217, %dma_start3A_218] : memref<320000x128xf32, #tpu.memory_space<hbm>> -> memref<80x128xf32, #tpu.memory_space<hbm>>
        %dma_start3A_220 = arith.constant 0 : i32
        %dma_start3A_221 = tpu.memref_slice %arg2[%mul3A_217, %dma_start3A_220] : memref<320000x128xf32, #tpu.memory_space<hbm>> -> memref<80x128xf32, #tpu.memory_space<hbm>>
        tpu.enqueue_dma source(%dma_start3A_221 : memref<80x128xf32, #tpu.memory_space<hbm>>) target(%arg9 : memref<80x128xf32, #tpu.memory_space<vmem>>) target_semaphore(%arg13 : memref<!tpu.dma_semaphore, #tpu.memory_space<semaphore_mem>>)
      } else {
      }
      %add3A_133 = arith.constant 2 : i32
      %add3A_134 = arith.addi %mul3A_75, %add3A_133 : i32
      %lt3A_135 = arith.constant 125 : i32
      %lt3A_136 = arith.cmpi slt, %add3A_134, %lt3A_135 : i32
      %convert_element_type3A_137 = arith.extui %lt3A_136 : i1 to i32
      %cond3A_138 = arith.constant 0 : i32
      %cond3A_139 = arith.cmpi ne, %convert_element_type3A_137, %cond3A_138 : i32
      scf.if %cond3A_139 {
        %add3A_156 = arith.constant 2 : i32
        %add3A_157 = arith.addi %mul3A_75, %add3A_156 : i32
        %add3A_158 = arith.addi %mul3A_2, %add3A_157 : i32
        %dma_start3A_159 = arith.constant 0 : i32
        %dma_start3A_160 = arith.constant 0 : i32
        %dma_start3A_161 = tpu.memref_slice %arg4[%add3A_158, %dma_start3A_159, %dma_start3A_160] : memref<4000x4x80xi32, #tpu.memory_space<hbm>> -> memref<1x4x80xi32, #tpu.memory_space<hbm>>
        %dma_start3A_162 = tpu.memref_squeeze %dma_start3A_161 : memref<1x4x80xi32, #tpu.memory_space<hbm>> -> memref<4x80xi32, #tpu.memory_space<hbm>>
        %dma_start3A_163 = arith.constant 0 : i32
        %dma_start3A_164 = arith.constant 0 : i32
        %dma_start3A_165 = tpu.memref_slice %arg4[%add3A_158, %dma_start3A_163, %dma_start3A_164] : memref<4000x4x80xi32, #tpu.memory_space<hbm>> -> memref<1x4x80xi32, #tpu.memory_space<hbm>>
        %dma_start3A_166 = tpu.memref_squeeze %dma_start3A_165 : memref<1x4x80xi32, #tpu.memory_space<hbm>> -> memref<4x80xi32, #tpu.memory_space<hbm>>
        tpu.enqueue_dma source(%dma_start3A_166 : memref<4x80xi32, #tpu.memory_space<hbm>>) target(%arg6 : memref<4x80xi32, #tpu.memory_space<vmem>>) target_semaphore(%arg14 : memref<!tpu.dma_semaphore, #tpu.memory_space<semaphore_mem>>)
      } else {
      }
      %scan3A_140 = arith.constant 0 : i32
      %scan3A_141 = arith.constant 0 : i32
      %scan3A_142 = arith.constant 80 : i32
      %scan3A_143 = arith.addi %scan3A_141, %scan3A_142 : i32
      %scan3A_144 = arith.constant 1 : i32
      scf.for %scan3A_156 = %scan3A_141 to %scan3A_143 step %scan3A_144  : i32 {
        %get3A = arith.constant 0 : i32
        %get3A_157 = arith.index_cast %get3A : i32 to index
        %get3A_158 = arith.index_cast %scan3A_156 : i32 to index
        %get3A_159 = arith.constant 0 : index
        %get3A_160 = tpu.vector_load %arg10[%get3A_157, %get3A_158, %get3A_159] {strides = array<i32>} : memref<4x80x128xf32, #tpu.memory_space<vmem>>, vector<1x1x16xf32>,
        %get3A_161 = vector.shape_cast %get3A_160 : vector<1x1x16xf32> to vector<16xf32>
        %get3A_162 = arith.constant 1 : i32
        %get3A_163 = arith.index_cast %get3A_162 : i32 to index
        %get3A_164 = arith.index_cast %scan3A_156 : i32 to index
        %get3A_165 = arith.constant 0 : index
        %get3A_166 = tpu.vector_load %arg10[%get3A_163, %get3A_164, %get3A_165] {strides = array<i32>} : memref<4x80x128xf32, #tpu.memory_space<vmem>>, vector<1x1x16xf32>,
        %get3A_167 = vector.shape_cast %get3A_166 : vector<1x1x16xf32> to vector<16xf32>
        %add3A_168 = arith.addf %get3A_161, %get3A_167 : vector<16xf32>
        %get3A_169 = arith.constant 2 : i32
        %get3A_170 = arith.index_cast %get3A_169 : i32 to index
        %get3A_171 = arith.index_cast %scan3A_156 : i32 to index
        %get3A_172 = arith.constant 0 : index
        %get3A_173 = tpu.vector_load %arg10[%get3A_170, %get3A_171, %get3A_172] {strides = array<i32>} : memref<4x80x128xf32, #tpu.memory_space<vmem>>, vector<1x1x16xf32>,
        %get3A_174 = vector.shape_cast %get3A_173 : vector<1x1x16xf32> to vector<16xf32>
        %get3A_175 = arith.constant 3 : i32
        %get3A_176 = arith.index_cast %get3A_175 : i32 to index
        %get3A_177 = arith.index_cast %scan3A_156 : i32 to index
        %get3A_178 = arith.constant 0 : index
        %get3A_179 = tpu.vector_load %arg10[%get3A_176, %get3A_177, %get3A_178] {strides = array<i32>} : memref<4x80x128xf32, #tpu.memory_space<vmem>>, vector<1x1x16xf32>,
        %get3A_180 = vector.shape_cast %get3A_179 : vector<1x1x16xf32> to vector<16xf32>
        %add3A_181 = arith.addf %get3A_174, %get3A_180 : vector<16xf32>
        %get3A_182 = arith.index_cast %scan3A_156 : i32 to index
        %get3A_183 = arith.constant 0 : index
        %get3A_184 = tpu.vector_load %arg8[%get3A_182, %get3A_183] {strides = array<i32>} : memref<80x128xf32, #tpu.memory_space<vmem>>, vector<1x16xf32>,
        %get3A_185 = vector.shape_cast %get3A_184 : vector<1x16xf32> to vector<16xf32>
        %add3A_186 = arith.addf %add3A_168, %add3A_181 : vector<16xf32>
        %add3A_187 = arith.addf %get3A_185, %add3A_186 : vector<16xf32>
        %max3A = arith.constant 0.000000e+00 : f32
        %max3A_188 = vector.broadcast %max3A : f32 to vector<16xf32>
        %max3A_189 = arith.maximumf %add3A_187, %max3A_188 : vector<16xf32>
        %swap3A = arith.index_cast %scan3A_156 : i32 to index
        %swap3A_190 = arith.constant 0 : index
        %swap3A_191 = tpu.vector_load %arg8[%swap3A, %swap3A_190] {strides = array<i32>} : memref<80x128xf32, #tpu.memory_space<vmem>>, vector<1x16xf32>,
        %swap3A_192 = vector.shape_cast %swap3A_191 : vector<1x16xf32> to vector<16xf32>
        %swap3A_193 = vector.shape_cast %max3A_189 : vector<16xf32> to vector<1x16xf32>
        tpu.vector_store %arg8[%swap3A, %swap3A_190], %swap3A_193 {strides = array<i32>} : memref<80x128xf32, #tpu.memory_space<vmem>>, vector<1x16xf32>,
        %get3A_194 = arith.constant 0 : i32
        %get3A_195 = arith.index_cast %get3A_194 : i32 to index
        %get3A_196 = arith.index_cast %scan3A_156 : i32 to index
        %get3A_197 = arith.constant 16 : index
        %get3A_198 = tpu.vector_load %arg10[%get3A_195, %get3A_196, %get3A_197] {strides = array<i32>} : memref<4x80x128xf32, #tpu.memory_space<vmem>>, vector<1x1x16xf32>,
        %get3A_199 = vector.shape_cast %get3A_198 : vector<1x1x16xf32> to vector<16xf32>
        %get3A_200 = arith.constant 1 : i32
        %get3A_201 = arith.index_cast %get3A_200 : i32 to index
        %get3A_202 = arith.index_cast %scan3A_156 : i32 to index
        %get3A_203 = arith.constant 16 : index
        %get3A_204 = tpu.vector_load %arg10[%get3A_201, %get3A_202, %get3A_203] {strides = array<i32>} : memref<4x80x128xf32, #tpu.memory_space<vmem>>, vector<1x1x16xf32>,
        %get3A_205 = vector.shape_cast %get3A_204 : vector<1x1x16xf32> to vector<16xf32>
        %add3A_206 = arith.addf %get3A_199, %get3A_205 : vector<16xf32>
        %get3A_207 = arith.constant 2 : i32
        %get3A_208 = arith.index_cast %get3A_207 : i32 to index
        %get3A_209 = arith.index_cast %scan3A_156 : i32 to index
        %get3A_210 = arith.constant 16 : index
        %get3A_211 = tpu.vector_load %arg10[%get3A_208, %get3A_209, %get3A_210] {strides = array<i32>} : memref<4x80x128xf32, #tpu.memory_space<vmem>>, vector<1x1x16xf32>,
        %get3A_212 = vector.shape_cast %get3A_211 : vector<1x1x16xf32> to vector<16xf32>
        %get3A_213 = arith.constant 3 : i32
        %get3A_214 = arith.index_cast %get3A_213 : i32 to index
        %get3A_215 = arith.index_cast %scan3A_156 : i32 to index
        %get3A_216 = arith.constant 16 : index
        %get3A_217 = tpu.vector_load %arg10[%get3A_214, %get3A_215, %get3A_216] {strides = array<i32>} : memref<4x80x128xf32, #tpu.memory_space<vmem>>, vector<1x1x16xf32>,
        %get3A_218 = vector.shape_cast %get3A_217 : vector<1x1x16xf32> to vector<16xf32>
        %add3A_219 = arith.addf %get3A_212, %get3A_218 : vector<16xf32>
        %get3A_220 = arith.index_cast %scan3A_156 : i32 to index
        %get3A_221 = arith.constant 16 : index
        %get3A_222 = tpu.vector_load %arg8[%get3A_220, %get3A_221] {strides = array<i32>} : memref<80x128xf32, #tpu.memory_space<vmem>>, vector<1x16xf32>,
        %get3A_223 = vector.shape_cast %get3A_222 : vector<1x16xf32> to vector<16xf32>
        %add3A_224 = arith.addf %add3A_206, %add3A_219 : vector<16xf32>
        %add3A_225 = arith.addf %get3A_223, %add3A_224 : vector<16xf32>
        %max3A_226 = arith.constant 0.000000e+00 : f32
        %max3A_227 = vector.broadcast %max3A_226 : f32 to vector<16xf32>
        %max3A_228 = arith.maximumf %add3A_225, %max3A_227 : vector<16xf32>
        %swap3A_229 = arith.index_cast %scan3A_156 : i32 to index
        %swap3A_230 = arith.constant 16 : index
        %swap3A_231 = tpu.vector_load %arg8[%swap3A_229, %swap3A_230] {strides = array<i32>} : memref<80x128xf32, #tpu.memory_space<vmem>>, vector<1x16xf32>,
        %swap3A_232 = vector.shape_cast %swap3A_231 : vector<1x16xf32> to vector<16xf32>
        %swap3A_233 = vector.shape_cast %max3A_228 : vector<16xf32> to vector<1x16xf32>
        tpu.vector_store %arg8[%swap3A_229, %swap3A_230], %swap3A_233 {strides = array<i32>} : memref<80x128xf32, #tpu.memory_space<vmem>>, vector<1x16xf32>,
        %get3A_234 = arith.constant 0 : i32
        %get3A_235 = arith.index_cast %get3A_234 : i32 to index
        %get3A_236 = arith.index_cast %scan3A_156 : i32 to index
        %get3A_237 = arith.constant 32 : index
        %get3A_238 = tpu.vector_load %arg10[%get3A_235, %get3A_236, %get3A_237] {strides = array<i32>} : memref<4x80x128xf32, #tpu.memory_space<vmem>>, vector<1x1x16xf32>,
        %get3A_239 = vector.shape_cast %get3A_238 : vector<1x1x16xf32> to vector<16xf32>
        %get3A_240 = arith.constant 1 : i32
        %get3A_241 = arith.index_cast %get3A_240 : i32 to index
        %get3A_242 = arith.index_cast %scan3A_156 : i32 to index
        %get3A_243 = arith.constant 32 : index
        %get3A_244 = tpu.vector_load %arg10[%get3A_241, %get3A_242, %get3A_243] {strides = array<i32>} : memref<4x80x128xf32, #tpu.memory_space<vmem>>, vector<1x1x16xf32>,
        %get3A_245 = vector.shape_cast %get3A_244 : vector<1x1x16xf32> to vector<16xf32>
        %add3A_246 = arith.addf %get3A_239, %get3A_245 : vector<16xf32>
        %get3A_247 = arith.constant 2 : i32
        %get3A_248 = arith.index_cast %get3A_247 : i32 to index
        %get3A_249 = arith.index_cast %scan3A_156 : i32 to index
        %get3A_250 = arith.constant 32 : index
        %get3A_251 = tpu.vector_load %arg10[%get3A_248, %get3A_249, %get3A_250] {strides = array<i32>} : memref<4x80x128xf32, #tpu.memory_space<vmem>>, vector<1x1x16xf32>,
        %get3A_252 = vector.shape_cast %get3A_251 : vector<1x1x16xf32> to vector<16xf32>
        %get3A_253 = arith.constant 3 : i32
        %get3A_254 = arith.index_cast %get3A_253 : i32 to index
        %get3A_255 = arith.index_cast %scan3A_156 : i32 to index
        %get3A_256 = arith.constant 32 : index
        %get3A_257 = tpu.vector_load %arg10[%get3A_254, %get3A_255, %get3A_256] {strides = array<i32>} : memref<4x80x128xf32, #tpu.memory_space<vmem>>, vector<1x1x16xf32>,
        %get3A_258 = vector.shape_cast %get3A_257 : vector<1x1x16xf32> to vector<16xf32>
        %add3A_259 = arith.addf %get3A_252, %get3A_258 : vector<16xf32>
        %get3A_260 = arith.index_cast %scan3A_156 : i32 to index
        %get3A_261 = arith.constant 32 : index
        %get3A_262 = tpu.vector_load %arg8[%get3A_260, %get3A_261] {strides = array<i32>} : memref<80x128xf32, #tpu.memory_space<vmem>>, vector<1x16xf32>,
        %get3A_263 = vector.shape_cast %get3A_262 : vector<1x16xf32> to vector<16xf32>
        %add3A_264 = arith.addf %add3A_246, %add3A_259 : vector<16xf32>
        %add3A_265 = arith.addf %get3A_263, %add3A_264 : vector<16xf32>
        %max3A_266 = arith.constant 0.000000e+00 : f32
        %max3A_267 = vector.broadcast %max3A_266 : f32 to vector<16xf32>
        %max3A_268 = arith.maximumf %add3A_265, %max3A_267 : vector<16xf32>
        %swap3A_269 = arith.index_cast %scan3A_156 : i32 to index
        %swap3A_270 = arith.constant 32 : index
        %swap3A_271 = tpu.vector_load %arg8[%swap3A_269, %swap3A_270] {strides = array<i32>} : memref<80x128xf32, #tpu.memory_space<vmem>>, vector<1x16xf32>,
        %swap3A_272 = vector.shape_cast %swap3A_271 : vector<1x16xf32> to vector<16xf32>
        %swap3A_273 = vector.shape_cast %max3A_268 : vector<16xf32> to vector<1x16xf32>
        tpu.vector_store %arg8[%swap3A_269, %swap3A_270], %swap3A_273 {strides = array<i32>} : memref<80x128xf32, #tpu.memory_space<vmem>>, vector<1x16xf32>,
        %get3A_274 = arith.constant 0 : i32
        %get3A_275 = arith.index_cast %get3A_274 : i32 to index
        %get3A_276 = arith.index_cast %scan3A_156 : i32 to index
        %get3A_277 = arith.constant 48 : index
        %get3A_278 = tpu.vector_load %arg10[%get3A_275, %get3A_276, %get3A_277] {strides = array<i32>} : memref<4x80x128xf32, #tpu.memory_space<vmem>>, vector<1x1x16xf32>,
        %get3A_279 = vector.shape_cast %get3A_278 : vector<1x1x16xf32> to vector<16xf32>
        %get3A_280 = arith.constant 1 : i32
        %get3A_281 = arith.index_cast %get3A_280 : i32 to index
        %get3A_282 = arith.index_cast %scan3A_156 : i32 to index
        %get3A_283 = arith.constant 48 : index
        %get3A_284 = tpu.vector_load %arg10[%get3A_281, %get3A_282, %get3A_283] {strides = array<i32>} : memref<4x80x128xf32, #tpu.memory_space<vmem>>, vector<1x1x16xf32>,
        %get3A_285 = vector.shape_cast %get3A_284 : vector<1x1x16xf32> to vector<16xf32>
        %add3A_286 = arith.addf %get3A_279, %get3A_285 : vector<16xf32>
        %get3A_287 = arith.constant 2 : i32
        %get3A_288 = arith.index_cast %get3A_287 : i32 to index
        %get3A_289 = arith.index_cast %scan3A_156 : i32 to index
        %get3A_290 = arith.constant 48 : index
        %get3A_291 = tpu.vector_load %arg10[%get3A_288, %get3A_289, %get3A_290] {strides = array<i32>} : memref<4x80x128xf32, #tpu.memory_space<vmem>>, vector<1x1x16xf32>,
        %get3A_292 = vector.shape_cast %get3A_291 : vector<1x1x16xf32> to vector<16xf32>
        %get3A_293 = arith.constant 3 : i32
        %get3A_294 = arith.index_cast %get3A_293 : i32 to index
        %get3A_295 = arith.index_cast %scan3A_156 : i32 to index
        %get3A_296 = arith.constant 48 : index
        %get3A_297 = tpu.vector_load %arg10[%get3A_294, %get3A_295, %get3A_296] {strides = array<i32>} : memref<4x80x128xf32, #tpu.memory_space<vmem>>, vector<1x1x16xf32>,
        %get3A_298 = vector.shape_cast %get3A_297 : vector<1x1x16xf32> to vector<16xf32>
        %add3A_299 = arith.addf %get3A_292, %get3A_298 : vector<16xf32>
        %get3A_300 = arith.index_cast %scan3A_156 : i32 to index
        %get3A_301 = arith.constant 48 : index
        %get3A_302 = tpu.vector_load %arg8[%get3A_300, %get3A_301] {strides = array<i32>} : memref<80x128xf32, #tpu.memory_space<vmem>>, vector<1x16xf32>,
        %get3A_303 = vector.shape_cast %get3A_302 : vector<1x16xf32> to vector<16xf32>
        %add3A_304 = arith.addf %add3A_286, %add3A_299 : vector<16xf32>
        %add3A_305 = arith.addf %get3A_303, %add3A_304 : vector<16xf32>
        %max3A_306 = arith.constant 0.000000e+00 : f32
        %max3A_307 = vector.broadcast %max3A_306 : f32 to vector<16xf32>
        %max3A_308 = arith.maximumf %add3A_305, %max3A_307 : vector<16xf32>
        %swap3A_309 = arith.index_cast %scan3A_156 : i32 to index
        %swap3A_310 = arith.constant 48 : index
        %swap3A_311 = tpu.vector_load %arg8[%swap3A_309, %swap3A_310] {strides = array<i32>} : memref<80x128xf32, #tpu.memory_space<vmem>>, vector<1x16xf32>,
        %swap3A_312 = vector.shape_cast %swap3A_311 : vector<1x16xf32> to vector<16xf32>
        %swap3A_313 = vector.shape_cast %max3A_308 : vector<16xf32> to vector<1x16xf32>
        tpu.vector_store %arg8[%swap3A_309, %swap3A_310], %swap3A_313 {strides = array<i32>} : memref<80x128xf32, #tpu.memory_space<vmem>>, vector<1x16xf32>,
        %get3A_314 = arith.constant 0 : i32
        %get3A_315 = arith.index_cast %get3A_314 : i32 to index
        %get3A_316 = arith.index_cast %scan3A_156 : i32 to index
        %get3A_317 = arith.constant 64 : index
        %get3A_318 = tpu.vector_load %arg10[%get3A_315, %get3A_316, %get3A_317] {strides = array<i32>} : memref<4x80x128xf32, #tpu.memory_space<vmem>>, vector<1x1x16xf32>,
        %get3A_319 = vector.shape_cast %get3A_318 : vector<1x1x16xf32> to vector<16xf32>
        %get3A_320 = arith.constant 1 : i32
        %get3A_321 = arith.index_cast %get3A_320 : i32 to index
        %get3A_322 = arith.index_cast %scan3A_156 : i32 to index
        %get3A_323 = arith.constant 64 : index
        %get3A_324 = tpu.vector_load %arg10[%get3A_321, %get3A_322, %get3A_323] {strides = array<i32>} : memref<4x80x128xf32, #tpu.memory_space<vmem>>, vector<1x1x16xf32>,
        %get3A_325 = vector.shape_cast %get3A_324 : vector<1x1x16xf32> to vector<16xf32>
        %add3A_326 = arith.addf %get3A_319, %get3A_325 : vector<16xf32>
        %get3A_327 = arith.constant 2 : i32
        %get3A_328 = arith.index_cast %get3A_327 : i32 to index
        %get3A_329 = arith.index_cast %scan3A_156 : i32 to index
        %get3A_330 = arith.constant 64 : index
        %get3A_331 = tpu.vector_load %arg10[%get3A_328, %get3A_329, %get3A_330] {strides = array<i32>} : memref<4x80x128xf32, #tpu.memory_space<vmem>>, vector<1x1x16xf32>,
        %get3A_332 = vector.shape_cast %get3A_331 : vector<1x1x16xf32> to vector<16xf32>
        %get3A_333 = arith.constant 3 : i32
        %get3A_334 = arith.index_cast %get3A_333 : i32 to index
        %get3A_335 = arith.index_cast %scan3A_156 : i32 to index
        %get3A_336 = arith.constant 64 : index
        %get3A_337 = tpu.vector_load %arg10[%get3A_334, %get3A_335, %get3A_336] {strides = array<i32>} : memref<4x80x128xf32, #tpu.memory_space<vmem>>, vector<1x1x16xf32>,
        %get3A_338 = vector.shape_cast %get3A_337 : vector<1x1x16xf32> to vector<16xf32>
        %add3A_339 = arith.addf %get3A_332, %get3A_338 : vector<16xf32>
        %get3A_340 = arith.index_cast %scan3A_156 : i32 to index
        %get3A_341 = arith.constant 64 : index
        %get3A_342 = tpu.vector_load %arg8[%get3A_340, %get3A_341] {strides = array<i32>} : memref<80x128xf32, #tpu.memory_space<vmem>>, vector<1x16xf32>,
        %get3A_343 = vector.shape_cast %get3A_342 : vector<1x16xf32> to vector<16xf32>
        %add3A_344 = arith.addf %add3A_326, %add3A_339 : vector<16xf32>
        %add3A_345 = arith.addf %get3A_343, %add3A_344 : vector<16xf32>
        %max3A_346 = arith.constant 0.000000e+00 : f32
        %max3A_347 = vector.broadcast %max3A_346 : f32 to vector<16xf32>
        %max3A_348 = arith.maximumf %add3A_345, %max3A_347 : vector<16xf32>
        %swap3A_349 = arith.index_cast %scan3A_156 : i32 to index
        %swap3A_350 = arith.constant 64 : index
        %swap3A_351 = tpu.vector_load %arg8[%swap3A_349, %swap3A_350] {strides = array<i32>} : memref<80x128xf32, #tpu.memory_space<vmem>>, vector<1x16xf32>,
        %swap3A_352 = vector.shape_cast %swap3A_351 : vector<1x16xf32> to vector<16xf32>
        %swap3A_353 = vector.shape_cast %max3A_348 : vector<16xf32> to vector<1x16xf32>
        tpu.vector_store %arg8[%swap3A_349, %swap3A_350], %swap3A_353 {strides = array<i32>} : memref<80x128xf32, #tpu.memory_space<vmem>>, vector<1x16xf32>,
        %get3A_354 = arith.constant 0 : i32
        %get3A_355 = arith.index_cast %get3A_354 : i32 to index
        %get3A_356 = arith.index_cast %scan3A_156 : i32 to index
        %get3A_357 = arith.constant 80 : index
        %get3A_358 = tpu.vector_load %arg10[%get3A_355, %get3A_356, %get3A_357] {strides = array<i32>} : memref<4x80x128xf32, #tpu.memory_space<vmem>>, vector<1x1x16xf32>,
        %get3A_359 = vector.shape_cast %get3A_358 : vector<1x1x16xf32> to vector<16xf32>
        %get3A_360 = arith.constant 1 : i32
        %get3A_361 = arith.index_cast %get3A_360 : i32 to index
        %get3A_362 = arith.index_cast %scan3A_156 : i32 to index
        %get3A_363 = arith.constant 80 : index
        %get3A_364 = tpu.vector_load %arg10[%get3A_361, %get3A_362, %get3A_363] {strides = array<i32>} : memref<4x80x128xf32, #tpu.memory_space<vmem>>, vector<1x1x16xf32>,
        %get3A_365 = vector.shape_cast %get3A_364 : vector<1x1x16xf32> to vector<16xf32>
        %add3A_366 = arith.addf %get3A_359, %get3A_365 : vector<16xf32>
        %get3A_367 = arith.constant 2 : i32
        %get3A_368 = arith.index_cast %get3A_367 : i32 to index
        %get3A_369 = arith.index_cast %scan3A_156 : i32 to index
        %get3A_370 = arith.constant 80 : index
        %get3A_371 = tpu.vector_load %arg10[%get3A_368, %get3A_369, %get3A_370] {strides = array<i32>} : memref<4x80x128xf32, #tpu.memory_space<vmem>>, vector<1x1x16xf32>,
        %get3A_372 = vector.shape_cast %get3A_371 : vector<1x1x16xf32> to vector<16xf32>
        %get3A_373 = arith.constant 3 : i32
        %get3A_374 = arith.index_cast %get3A_373 : i32 to index
        %get3A_375 = arith.index_cast %scan3A_156 : i32 to index
        %get3A_376 = arith.constant 80 : index
        %get3A_377 = tpu.vector_load %arg10[%get3A_374, %get3A_375, %get3A_376] {strides = array<i32>} : memref<4x80x128xf32, #tpu.memory_space<vmem>>, vector<1x1x16xf32>,
        %get3A_378 = vector.shape_cast %get3A_377 : vector<1x1x16xf32> to vector<16xf32>
        %add3A_379 = arith.addf %get3A_372, %get3A_378 : vector<16xf32>
        %get3A_380 = arith.index_cast %scan3A_156 : i32 to index
        %get3A_381 = arith.constant 80 : index
        %get3A_382 = tpu.vector_load %arg8[%get3A_380, %get3A_381] {strides = array<i32>} : memref<80x128xf32, #tpu.memory_space<vmem>>, vector<1x16xf32>,
        %get3A_383 = vector.shape_cast %get3A_382 : vector<1x16xf32> to vector<16xf32>
        %add3A_384 = arith.addf %add3A_366, %add3A_379 : vector<16xf32>
        %add3A_385 = arith.addf %get3A_383, %add3A_384 : vector<16xf32>
        %max3A_386 = arith.constant 0.000000e+00 : f32
        %max3A_387 = vector.broadcast %max3A_386 : f32 to vector<16xf32>
        %max3A_388 = arith.maximumf %add3A_385, %max3A_387 : vector<16xf32>
        %swap3A_389 = arith.index_cast %scan3A_156 : i32 to index
        %swap3A_390 = arith.constant 80 : index
        %swap3A_391 = tpu.vector_load %arg8[%swap3A_389, %swap3A_390] {strides = array<i32>} : memref<80x128xf32, #tpu.memory_space<vmem>>, vector<1x16xf32>,
        %swap3A_392 = vector.shape_cast %swap3A_391 : vector<1x16xf32> to vector<16xf32>
        %swap3A_393 = vector.shape_cast %max3A_388 : vector<16xf32> to vector<1x16xf32>
        tpu.vector_store %arg8[%swap3A_389, %swap3A_390], %swap3A_393 {strides = array<i32>} : memref<80x128xf32, #tpu.memory_space<vmem>>, vector<1x16xf32>,
        %get3A_394 = arith.constant 0 : i32
        %get3A_395 = arith.index_cast %get3A_394 : i32 to index
        %get3A_396 = arith.index_cast %scan3A_156 : i32 to index
        %get3A_397 = arith.constant 96 : index
        %get3A_398 = tpu.vector_load %arg10[%get3A_395, %get3A_396, %get3A_397] {strides = array<i32>} : memref<4x80x128xf32, #tpu.memory_space<vmem>>, vector<1x1x16xf32>,
        %get3A_399 = vector.shape_cast %get3A_398 : vector<1x1x16xf32> to vector<16xf32>
        %get3A_400 = arith.constant 1 : i32
        %get3A_401 = arith.index_cast %get3A_400 : i32 to index
        %get3A_402 = arith.index_cast %scan3A_156 : i32 to index
        %get3A_403 = arith.constant 96 : index
        %get3A_404 = tpu.vector_load %arg10[%get3A_401, %get3A_402, %get3A_403] {strides = array<i32>} : memref<4x80x128xf32, #tpu.memory_space<vmem>>, vector<1x1x16xf32>,
        %get3A_405 = vector.shape_cast %get3A_404 : vector<1x1x16xf32> to vector<16xf32>
        %add3A_406 = arith.addf %get3A_399, %get3A_405 : vector<16xf32>
        %get3A_407 = arith.constant 2 : i32
        %get3A_408 = arith.index_cast %get3A_407 : i32 to index
        %get3A_409 = arith.index_cast %scan3A_156 : i32 to index
        %get3A_410 = arith.constant 96 : index
        %get3A_411 = tpu.vector_load %arg10[%get3A_408, %get3A_409, %get3A_410] {strides = array<i32>} : memref<4x80x128xf32, #tpu.memory_space<vmem>>, vector<1x1x16xf32>,
        %get3A_412 = vector.shape_cast %get3A_411 : vector<1x1x16xf32> to vector<16xf32>
        %get3A_413 = arith.constant 3 : i32
        %get3A_414 = arith.index_cast %get3A_413 : i32 to index
        %get3A_415 = arith.index_cast %scan3A_156 : i32 to index
        %get3A_416 = arith.constant 96 : index
        %get3A_417 = tpu.vector_load %arg10[%get3A_414, %get3A_415, %get3A_416] {strides = array<i32>} : memref<4x80x128xf32, #tpu.memory_space<vmem>>, vector<1x1x16xf32>,
        %get3A_418 = vector.shape_cast %get3A_417 : vector<1x1x16xf32> to vector<16xf32>
        %add3A_419 = arith.addf %get3A_412, %get3A_418 : vector<16xf32>
        %get3A_420 = arith.index_cast %scan3A_156 : i32 to index
        %get3A_421 = arith.constant 96 : index
        %get3A_422 = tpu.vector_load %arg8[%get3A_420, %get3A_421] {strides = array<i32>} : memref<80x128xf32, #tpu.memory_space<vmem>>, vector<1x16xf32>,
        %get3A_423 = vector.shape_cast %get3A_422 : vector<1x16xf32> to vector<16xf32>
        %add3A_424 = arith.addf %add3A_406, %add3A_419 : vector<16xf32>
        %add3A_425 = arith.addf %get3A_423, %add3A_424 : vector<16xf32>
        %max3A_426 = arith.constant 0.000000e+00 : f32
        %max3A_427 = vector.broadcast %max3A_426 : f32 to vector<16xf32>
        %max3A_428 = arith.maximumf %add3A_425, %max3A_427 : vector<16xf32>
        %swap3A_429 = arith.index_cast %scan3A_156 : i32 to index
        %swap3A_430 = arith.constant 96 : index
        %swap3A_431 = tpu.vector_load %arg8[%swap3A_429, %swap3A_430] {strides = array<i32>} : memref<80x128xf32, #tpu.memory_space<vmem>>, vector<1x16xf32>,
        %swap3A_432 = vector.shape_cast %swap3A_431 : vector<1x16xf32> to vector<16xf32>
        %swap3A_433 = vector.shape_cast %max3A_428 : vector<16xf32> to vector<1x16xf32>
        tpu.vector_store %arg8[%swap3A_429, %swap3A_430], %swap3A_433 {strides = array<i32>} : memref<80x128xf32, #tpu.memory_space<vmem>>, vector<1x16xf32>,
        %get3A_434 = arith.constant 0 : i32
        %get3A_435 = arith.index_cast %get3A_434 : i32 to index
        %get3A_436 = arith.index_cast %scan3A_156 : i32 to index
        %get3A_437 = arith.constant 112 : index
        %get3A_438 = tpu.vector_load %arg10[%get3A_435, %get3A_436, %get3A_437] {strides = array<i32>} : memref<4x80x128xf32, #tpu.memory_space<vmem>>, vector<1x1x16xf32>,
        %get3A_439 = vector.shape_cast %get3A_438 : vector<1x1x16xf32> to vector<16xf32>
        %get3A_440 = arith.constant 1 : i32
        %get3A_441 = arith.index_cast %get3A_440 : i32 to index
        %get3A_442 = arith.index_cast %scan3A_156 : i32 to index
        %get3A_443 = arith.constant 112 : index
        %get3A_444 = tpu.vector_load %arg10[%get3A_441, %get3A_442, %get3A_443] {strides = array<i32>} : memref<4x80x128xf32, #tpu.memory_space<vmem>>, vector<1x1x16xf32>,
        %get3A_445 = vector.shape_cast %get3A_444 : vector<1x1x16xf32> to vector<16xf32>
        %add3A_446 = arith.addf %get3A_439, %get3A_445 : vector<16xf32>
        %get3A_447 = arith.constant 2 : i32
        %get3A_448 = arith.index_cast %get3A_447 : i32 to index
        %get3A_449 = arith.index_cast %scan3A_156 : i32 to index
        %get3A_450 = arith.constant 112 : index
        %get3A_451 = tpu.vector_load %arg10[%get3A_448, %get3A_449, %get3A_450] {strides = array<i32>} : memref<4x80x128xf32, #tpu.memory_space<vmem>>, vector<1x1x16xf32>,
        %get3A_452 = vector.shape_cast %get3A_451 : vector<1x1x16xf32> to vector<16xf32>
        %get3A_453 = arith.constant 3 : i32
        %get3A_454 = arith.index_cast %get3A_453 : i32 to index
        %get3A_455 = arith.index_cast %scan3A_156 : i32 to index
        %get3A_456 = arith.constant 112 : index
        %get3A_457 = tpu.vector_load %arg10[%get3A_454, %get3A_455, %get3A_456] {strides = array<i32>} : memref<4x80x128xf32, #tpu.memory_space<vmem>>, vector<1x1x16xf32>,
        %get3A_458 = vector.shape_cast %get3A_457 : vector<1x1x16xf32> to vector<16xf32>
        %add3A_459 = arith.addf %get3A_452, %get3A_458 : vector<16xf32>
        %get3A_460 = arith.index_cast %scan3A_156 : i32 to index
        %get3A_461 = arith.constant 112 : index
        %get3A_462 = tpu.vector_load %arg8[%get3A_460, %get3A_461] {strides = array<i32>} : memref<80x128xf32, #tpu.memory_space<vmem>>, vector<1x16xf32>,
        %get3A_463 = vector.shape_cast %get3A_462 : vector<1x16xf32> to vector<16xf32>
        %add3A_464 = arith.addf %add3A_446, %add3A_459 : vector<16xf32>
        %add3A_465 = arith.addf %get3A_463, %add3A_464 : vector<16xf32>
        %max3A_466 = arith.constant 0.000000e+00 : f32
        %max3A_467 = vector.broadcast %max3A_466 : f32 to vector<16xf32>
        %max3A_468 = arith.maximumf %add3A_465, %max3A_467 : vector<16xf32>
        %swap3A_469 = arith.index_cast %scan3A_156 : i32 to index
        %swap3A_470 = arith.constant 112 : index
        %swap3A_471 = tpu.vector_load %arg8[%swap3A_469, %swap3A_470] {strides = array<i32>} : memref<80x128xf32, #tpu.memory_space<vmem>>, vector<1x16xf32>,
        %swap3A_472 = vector.shape_cast %swap3A_471 : vector<1x16xf32> to vector<16xf32>
        %swap3A_473 = vector.shape_cast %max3A_468 : vector<16xf32> to vector<1x16xf32>
        tpu.vector_store %arg8[%swap3A_469, %swap3A_470], %swap3A_473 {strides = array<i32>} : memref<80x128xf32, #tpu.memory_space<vmem>>, vector<1x16xf32>,
      }
      %scan3A_145 = arith.constant 80 : i32
      %add3A_146 = arith.addi %mul3A_2, %mul3A_75 : i32
      %mul3A_147 = arith.constant 80 : i32
      %mul3A_148 = arith.muli %add3A_146, %mul3A_147 : i32
      "tpu.region"() ({
        %run_scoped3A = tpu.sem_alloc : memref<!tpu.dma_semaphore, #tpu.memory_space<semaphore_mem>>
        %dma_start3A_156 = arith.constant 0 : i32
        %dma_start3A_157 = tpu.memref_slice %arg5[%mul3A_148, %dma_start3A_156] : memref<320000x128xf32, #tpu.memory_space<hbm>> -> memref<80x128xf32, #tpu.memory_space<hbm>>
        %dma_start3A_158 = arith.constant 0 : i32
        %dma_start3A_159 = tpu.memref_slice %arg5[%mul3A_148, %dma_start3A_158] : memref<320000x128xf32, #tpu.memory_space<hbm>> -> memref<80x128xf32, #tpu.memory_space<hbm>>
        tpu.enqueue_dma source(%arg8 : memref<80x128xf32, #tpu.memory_space<vmem>>) target(%dma_start3A_159 : memref<80x128xf32, #tpu.memory_space<hbm>>) target_semaphore(%run_scoped3A : memref<!tpu.dma_semaphore, #tpu.memory_space<semaphore_mem>>)
        %dma_wait3A_160 = arith.constant 0 : i32
        %dma_wait3A_161 = tpu.memref_slice %arg5[%mul3A_148, %dma_wait3A_160] : memref<320000x128xf32, #tpu.memory_space<hbm>> -> memref<80x128xf32, #tpu.memory_space<hbm>>
        %dma_wait3A_162 = arith.constant 0 : i32
        %dma_wait3A_163 = tpu.memref_slice %arg5[%mul3A_148, %dma_wait3A_162] : memref<320000x128xf32, #tpu.memory_space<hbm>> -> memref<80x128xf32, #tpu.memory_space<hbm>>
        tpu.wait_dma2 semaphore(%run_scoped3A : memref<!tpu.dma_semaphore, #tpu.memory_space<semaphore_mem>>) src(%arg8 : memref<80x128xf32, #tpu.memory_space<vmem>>) dst(%dma_wait3A_163 : memref<80x128xf32, #tpu.memory_space<hbm>>)
        tpu.yield
      }) : () -> ()
      %add3A_149 = arith.constant 1 : i32
      %add3A_150 = arith.addi %mul3A_75, %add3A_149 : i32
      %lt3A_151 = arith.constant 125 : i32
      %lt3A_152 = arith.cmpi slt, %add3A_150, %lt3A_151 : i32
      %convert_element_type3A_153 = arith.extui %lt3A_152 : i1 to i32
      %cond3A_154 = arith.constant 0 : i32
      %cond3A_155 = arith.cmpi ne, %convert_element_type3A_153, %cond3A_154 : i32
      scf.if %cond3A_155 {
        %add3A_156 = arith.constant 1 : i32
        %add3A_157 = arith.addi %mul3A_75, %add3A_156 : i32
        %dma_wait3A_158 = arith.constant 0 : i32
        %dma_wait3A_159 = arith.constant 0 : i32
        %dma_wait3A_160 = arith.constant 0 : i32
        %dma_wait3A_161 = arith.constant 0 : i32
        %dma_wait3A_162 = tpu.memref_slice %arg11[%dma_wait3A_159, %dma_wait3A_160, %dma_wait3A_161] : memref<4x80x128xf32, #tpu.memory_space<vmem>> -> memref<1x80x128xf32, #tpu.memory_space<vmem>>
        %dma_wait3A_163 = tpu.memref_squeeze %dma_wait3A_162 : memref<1x80x128xf32, #tpu.memory_space<vmem>> -> memref<80x128xf32, #tpu.memory_space<vmem>>
        %dma_wait3A_164 = arith.constant 0 : i32
        %dma_wait3A_165 = tpu.memref_slice %arg7[%dma_wait3A_158, %dma_wait3A_164] : memref<4x80xi32, #tpu.memory_space<vmem>> -> memref<1x80xi32, #tpu.memory_space<vmem>>
        %dma_wait3A_166 = tpu.memref_squeeze %dma_wait3A_165 : memref<1x80xi32, #tpu.memory_space<vmem>> -> memref<80xi32, #tpu.memory_space<vmem>>
        %dma_wait3A_167 = arith.constant 0 : i32
        %dma_wait3A_168 = arith.constant 0 : i32
        %dma_wait3A_169 = tpu.memref_slice %arg3[%dma_wait3A_167, %dma_wait3A_168] : memref<1280000x128xf32, #tpu.memory_space<hbm>> -> memref<1280000x128xf32, #tpu.memory_space<hbm>>
        tpu.wait_indirect_dma semaphore(%arg13 : memref<!tpu.dma_semaphore, #tpu.memory_space<semaphore_mem>>) src(%dma_wait3A_169 : memref<1280000x128xf32, #tpu.memory_space<hbm>>) dst(%dma_wait3A_163 : memref<80x128xf32, #tpu.memory_space<vmem>>)
        %dma_wait3A_170 = arith.constant 1 : i32
        %dma_wait3A_171 = arith.constant 1 : i32
        %dma_wait3A_172 = arith.constant 0 : i32
        %dma_wait3A_173 = arith.constant 0 : i32
        %dma_wait3A_174 = tpu.memref_slice %arg11[%dma_wait3A_171, %dma_wait3A_172, %dma_wait3A_173] : memref<4x80x128xf32, #tpu.memory_space<vmem>> -> memref<1x80x128xf32, #tpu.memory_space<vmem>>
        %dma_wait3A_175 = tpu.memref_squeeze %dma_wait3A_174 : memref<1x80x128xf32, #tpu.memory_space<vmem>> -> memref<80x128xf32, #tpu.memory_space<vmem>>
        %dma_wait3A_176 = arith.constant 0 : i32
        %dma_wait3A_177 = tpu.memref_slice %arg7[%dma_wait3A_170, %dma_wait3A_176] : memref<4x80xi32, #tpu.memory_space<vmem>> -> memref<1x80xi32, #tpu.memory_space<vmem>>
        %dma_wait3A_178 = tpu.memref_squeeze %dma_wait3A_177 : memref<1x80xi32, #tpu.memory_space<vmem>> -> memref<80xi32, #tpu.memory_space<vmem>>
        %dma_wait3A_179 = arith.constant 0 : i32
        %dma_wait3A_180 = arith.constant 0 : i32
        %dma_wait3A_181 = tpu.memref_slice %arg3[%dma_wait3A_179, %dma_wait3A_180] : memref<1280000x128xf32, #tpu.memory_space<hbm>> -> memref<1280000x128xf32, #tpu.memory_space<hbm>>
        tpu.wait_indirect_dma semaphore(%arg13 : memref<!tpu.dma_semaphore, #tpu.memory_space<semaphore_mem>>) src(%dma_wait3A_181 : memref<1280000x128xf32, #tpu.memory_space<hbm>>) dst(%dma_wait3A_175 : memref<80x128xf32, #tpu.memory_space<vmem>>)
        %dma_wait3A_182 = arith.constant 2 : i32
        %dma_wait3A_183 = arith.constant 2 : i32
        %dma_wait3A_184 = arith.constant 0 : i32
        %dma_wait3A_185 = arith.constant 0 : i32
        %dma_wait3A_186 = tpu.memref_slice %arg11[%dma_wait3A_183, %dma_wait3A_184, %dma_wait3A_185] : memref<4x80x128xf32, #tpu.memory_space<vmem>> -> memref<1x80x128xf32, #tpu.memory_space<vmem>>
        %dma_wait3A_187 = tpu.memref_squeeze %dma_wait3A_186 : memref<1x80x128xf32, #tpu.memory_space<vmem>> -> memref<80x128xf32, #tpu.memory_space<vmem>>
        %dma_wait3A_188 = arith.constant 0 : i32
        %dma_wait3A_189 = tpu.memref_slice %arg7[%dma_wait3A_182, %dma_wait3A_188] : memref<4x80xi32, #tpu.memory_space<vmem>> -> memref<1x80xi32, #tpu.memory_space<vmem>>
        %dma_wait3A_190 = tpu.memref_squeeze %dma_wait3A_189 : memref<1x80xi32, #tpu.memory_space<vmem>> -> memref<80xi32, #tpu.memory_space<vmem>>
        %dma_wait3A_191 = arith.constant 0 : i32
        %dma_wait3A_192 = arith.constant 0 : i32
        %dma_wait3A_193 = tpu.memref_slice %arg3[%dma_wait3A_191, %dma_wait3A_192] : memref<1280000x128xf32, #tpu.memory_space<hbm>> -> memref<1280000x128xf32, #tpu.memory_space<hbm>>
        tpu.wait_indirect_dma semaphore(%arg13 : memref<!tpu.dma_semaphore, #tpu.memory_space<semaphore_mem>>) src(%dma_wait3A_193 : memref<1280000x128xf32, #tpu.memory_space<hbm>>) dst(%dma_wait3A_187 : memref<80x128xf32, #tpu.memory_space<vmem>>)
        %dma_wait3A_194 = arith.constant 3 : i32
        %dma_wait3A_195 = arith.constant 3 : i32
        %dma_wait3A_196 = arith.constant 0 : i32
        %dma_wait3A_197 = arith.constant 0 : i32
        %dma_wait3A_198 = tpu.memref_slice %arg11[%dma_wait3A_195, %dma_wait3A_196, %dma_wait3A_197] : memref<4x80x128xf32, #tpu.memory_space<vmem>> -> memref<1x80x128xf32, #tpu.memory_space<vmem>>
        %dma_wait3A_199 = tpu.memref_squeeze %dma_wait3A_198 : memref<1x80x128xf32, #tpu.memory_space<vmem>> -> memref<80x128xf32, #tpu.memory_space<vmem>>
        %dma_wait3A_200 = arith.constant 0 : i32
        %dma_wait3A_201 = tpu.memref_slice %arg7[%dma_wait3A_194, %dma_wait3A_200] : memref<4x80xi32, #tpu.memory_space<vmem>> -> memref<1x80xi32, #tpu.memory_space<vmem>>
        %dma_wait3A_202 = tpu.memref_squeeze %dma_wait3A_201 : memref<1x80xi32, #tpu.memory_space<vmem>> -> memref<80xi32, #tpu.memory_space<vmem>>
        %dma_wait3A_203 = arith.constant 0 : i32
        %dma_wait3A_204 = arith.constant 0 : i32
        %dma_wait3A_205 = tpu.memref_slice %arg3[%dma_wait3A_203, %dma_wait3A_204] : memref<1280000x128xf32, #tpu.memory_space<hbm>> -> memref<1280000x128xf32, #tpu.memory_space<hbm>>
        tpu.wait_indirect_dma semaphore(%arg13 : memref<!tpu.dma_semaphore, #tpu.memory_space<semaphore_mem>>) src(%dma_wait3A_205 : memref<1280000x128xf32, #tpu.memory_space<hbm>>) dst(%dma_wait3A_199 : memref<80x128xf32, #tpu.memory_space<vmem>>)
        %dma_wait3A_206 = arith.constant 0 : i32
        %dma_wait3A_207 = arith.constant 0 : i32
        %dma_wait3A_208 = tpu.memref_slice %arg2[%dma_wait3A_206, %dma_wait3A_207] : memref<320000x128xf32, #tpu.memory_space<hbm>> -> memref<80x128xf32, #tpu.memory_space<hbm>>
        %dma_wait3A_209 = arith.constant 0 : i32
        %dma_wait3A_210 = arith.constant 0 : i32
        %dma_wait3A_211 = tpu.memref_slice %arg2[%dma_wait3A_209, %dma_wait3A_210] : memref<320000x128xf32, #tpu.memory_space<hbm>> -> memref<80x128xf32, #tpu.memory_space<hbm>>
        tpu.wait_dma2 semaphore(%arg13 : memref<!tpu.dma_semaphore, #tpu.memory_space<semaphore_mem>>) src(%dma_wait3A_211 : memref<80x128xf32, #tpu.memory_space<hbm>>) dst(%arg9 : memref<80x128xf32, #tpu.memory_space<vmem>>)
        %add3A_212 = arith.constant 1 : i32
        %add3A_213 = arith.addi %add3A_157, %add3A_212 : i32
        %lt3A_214 = arith.constant 125 : i32
        %lt3A_215 = arith.cmpi slt, %add3A_213, %lt3A_214 : i32
        %convert_element_type3A_216 = arith.extui %lt3A_215 : i1 to i32
        %cond3A_217 = arith.constant 0 : i32
        %cond3A_218 = arith.cmpi ne, %convert_element_type3A_216, %cond3A_217 : i32
        scf.if %cond3A_218 {
          %dma_wait3A_235 = arith.constant 0 : i32
          %dma_wait3A_236 = arith.constant 0 : i32
          %dma_wait3A_237 = arith.constant 0 : i32
          %dma_wait3A_238 = tpu.memref_slice %arg4[%dma_wait3A_235, %dma_wait3A_236, %dma_wait3A_237] : memref<4000x4x80xi32, #tpu.memory_space<hbm>> -> memref<1x4x80xi32, #tpu.memory_space<hbm>>
          %dma_wait3A_239 = tpu.memref_squeeze %dma_wait3A_238 : memref<1x4x80xi32, #tpu.memory_space<hbm>> -> memref<4x80xi32, #tpu.memory_space<hbm>>
          %dma_wait3A_240 = arith.constant 0 : i32
          %dma_wait3A_241 = arith.constant 0 : i32
          %dma_wait3A_242 = tpu.memref_slice %arg4[%dma_wait3A_235, %dma_wait3A_240, %dma_wait3A_241] : memref<4000x4x80xi32, #tpu.memory_space<hbm>> -> memref<1x4x80xi32, #tpu.memory_space<hbm>>
          %dma_wait3A_243 = tpu.memref_squeeze %dma_wait3A_242 : memref<1x4x80xi32, #tpu.memory_space<hbm>> -> memref<4x80xi32, #tpu.memory_space<hbm>>
          tpu.wait_dma2 semaphore(%arg14 : memref<!tpu.dma_semaphore, #tpu.memory_space<semaphore_mem>>) src(%dma_wait3A_243 : memref<4x80xi32, #tpu.memory_space<hbm>>) dst(%arg6 : memref<4x80xi32, #tpu.memory_space<vmem>>)
          %add3A_244 = arith.constant 1 : i32
          %add3A_245 = arith.addi %add3A_157, %add3A_244 : i32
          %dma_start3A_246 = arith.constant 0 : i32
          %dma_start3A_247 = arith.constant 0 : i32
          %dma_start3A_248 = arith.constant 0 : i32
          %dma_start3A_249 = arith.constant 0 : i32
          %dma_start3A_250 = tpu.memref_slice %arg10[%dma_start3A_247, %dma_start3A_248, %dma_start3A_249] : memref<4x80x128xf32, #tpu.memory_space<vmem>> -> memref<1x80x128xf32, #tpu.memory_space<vmem>>
          %dma_start3A_251 = tpu.memref_squeeze %dma_start3A_250 : memref<1x80x128xf32, #tpu.memory_space<vmem>> -> memref<80x128xf32, #tpu.memory_space<vmem>>
          %dma_start3A_252 = arith.constant 0 : i32
          %dma_start3A_253 = tpu.memref_slice %arg6[%dma_start3A_246, %dma_start3A_252] : memref<4x80xi32, #tpu.memory_space<vmem>> -> memref<1x80xi32, #tpu.memory_space<vmem>>
          %dma_start3A_254 = tpu.memref_squeeze %dma_start3A_253 : memref<1x80xi32, #tpu.memory_space<vmem>> -> memref<80xi32, #tpu.memory_space<vmem>>
          %dma_start3A_255 = arith.constant 0 : i32
          %dma_start3A_256 = arith.constant 0 : i32
          %dma_start3A_257 = tpu.memref_slice %arg3[%dma_start3A_255, %dma_start3A_256] : memref<1280000x128xf32, #tpu.memory_space<hbm>> -> memref<1280000x128xf32, #tpu.memory_space<hbm>>
          tpu.enqueue_indirect_dma source(%dma_start3A_257 : memref<1280000x128xf32, #tpu.memory_space<hbm>>) target(%dma_start3A_251 : memref<80x128xf32, #tpu.memory_space<vmem>>) offsets(%dma_start3A_254 : memref<80xi32, #tpu.memory_space<vmem>>) semaphore(%arg12 : memref<!tpu.dma_semaphore, #tpu.memory_space<semaphore_mem>>)
          %dma_start3A_258 = arith.constant 1 : i32
          %dma_start3A_259 = arith.constant 1 : i32
          %dma_start3A_260 = arith.constant 0 : i32
          %dma_start3A_261 = arith.constant 0 : i32
          %dma_start3A_262 = tpu.memref_slice %arg10[%dma_start3A_259, %dma_start3A_260, %dma_start3A_261] : memref<4x80x128xf32, #tpu.memory_space<vmem>> -> memref<1x80x128xf32, #tpu.memory_space<vmem>>
          %dma_start3A_263 = tpu.memref_squeeze %dma_start3A_262 : memref<1x80x128xf32, #tpu.memory_space<vmem>> -> memref<80x128xf32, #tpu.memory_space<vmem>>
          %dma_start3A_264 = arith.constant 0 : i32
          %dma_start3A_265 = tpu.memref_slice %arg6[%dma_start3A_258, %dma_start3A_264] : memref<4x80xi32, #tpu.memory_space<vmem>> -> memref<1x80xi32, #tpu.memory_space<vmem>>
          %dma_start3A_266 = tpu.memref_squeeze %dma_start3A_265 : memref<1x80xi32, #tpu.memory_space<vmem>> -> memref<80xi32, #tpu.memory_space<vmem>>
          %dma_start3A_267 = arith.constant 0 : i32
          %dma_start3A_268 = arith.constant 0 : i32
          %dma_start3A_269 = tpu.memref_slice %arg3[%dma_start3A_267, %dma_start3A_268] : memref<1280000x128xf32, #tpu.memory_space<hbm>> -> memref<1280000x128xf32, #tpu.memory_space<hbm>>
          tpu.enqueue_indirect_dma source(%dma_start3A_269 : memref<1280000x128xf32, #tpu.memory_space<hbm>>) target(%dma_start3A_263 : memref<80x128xf32, #tpu.memory_space<vmem>>) offsets(%dma_start3A_266 : memref<80xi32, #tpu.memory_space<vmem>>) semaphore(%arg12 : memref<!tpu.dma_semaphore, #tpu.memory_space<semaphore_mem>>)
          %dma_start3A_270 = arith.constant 2 : i32
          %dma_start3A_271 = arith.constant 2 : i32
          %dma_start3A_272 = arith.constant 0 : i32
          %dma_start3A_273 = arith.constant 0 : i32
          %dma_start3A_274 = tpu.memref_slice %arg10[%dma_start3A_271, %dma_start3A_272, %dma_start3A_273] : memref<4x80x128xf32, #tpu.memory_space<vmem>> -> memref<1x80x128xf32, #tpu.memory_space<vmem>>
          %dma_start3A_275 = tpu.memref_squeeze %dma_start3A_274 : memref<1x80x128xf32, #tpu.memory_space<vmem>> -> memref<80x128xf32, #tpu.memory_space<vmem>>
          %dma_start3A_276 = arith.constant 0 : i32
          %dma_start3A_277 = tpu.memref_slice %arg6[%dma_start3A_270, %dma_start3A_276] : memref<4x80xi32, #tpu.memory_space<vmem>> -> memref<1x80xi32, #tpu.memory_space<vmem>>
          %dma_start3A_278 = tpu.memref_squeeze %dma_start3A_277 : memref<1x80xi32, #tpu.memory_space<vmem>> -> memref<80xi32, #tpu.memory_space<vmem>>
          %dma_start3A_279 = arith.constant 0 : i32
          %dma_start3A_280 = arith.constant 0 : i32
          %dma_start3A_281 = tpu.memref_slice %arg3[%dma_start3A_279, %dma_start3A_280] : memref<1280000x128xf32, #tpu.memory_space<hbm>> -> memref<1280000x128xf32, #tpu.memory_space<hbm>>
          tpu.enqueue_indirect_dma source(%dma_start3A_281 : memref<1280000x128xf32, #tpu.memory_space<hbm>>) target(%dma_start3A_275 : memref<80x128xf32, #tpu.memory_space<vmem>>) offsets(%dma_start3A_278 : memref<80xi32, #tpu.memory_space<vmem>>) semaphore(%arg12 : memref<!tpu.dma_semaphore, #tpu.memory_space<semaphore_mem>>)
          %dma_start3A_282 = arith.constant 3 : i32
          %dma_start3A_283 = arith.constant 3 : i32
          %dma_start3A_284 = arith.constant 0 : i32
          %dma_start3A_285 = arith.constant 0 : i32
          %dma_start3A_286 = tpu.memref_slice %arg10[%dma_start3A_283, %dma_start3A_284, %dma_start3A_285] : memref<4x80x128xf32, #tpu.memory_space<vmem>> -> memref<1x80x128xf32, #tpu.memory_space<vmem>>
          %dma_start3A_287 = tpu.memref_squeeze %dma_start3A_286 : memref<1x80x128xf32, #tpu.memory_space<vmem>> -> memref<80x128xf32, #tpu.memory_space<vmem>>
          %dma_start3A_288 = arith.constant 0 : i32
          %dma_start3A_289 = tpu.memref_slice %arg6[%dma_start3A_282, %dma_start3A_288] : memref<4x80xi32, #tpu.memory_space<vmem>> -> memref<1x80xi32, #tpu.memory_space<vmem>>
          %dma_start3A_290 = tpu.memref_squeeze %dma_start3A_289 : memref<1x80xi32, #tpu.memory_space<vmem>> -> memref<80xi32, #tpu.memory_space<vmem>>
          %dma_start3A_291 = arith.constant 0 : i32
          %dma_start3A_292 = arith.constant 0 : i32
          %dma_start3A_293 = tpu.memref_slice %arg3[%dma_start3A_291, %dma_start3A_292] : memref<1280000x128xf32, #tpu.memory_space<hbm>> -> memref<1280000x128xf32, #tpu.memory_space<hbm>>
          tpu.enqueue_indirect_dma source(%dma_start3A_293 : memref<1280000x128xf32, #tpu.memory_space<hbm>>) target(%dma_start3A_287 : memref<80x128xf32, #tpu.memory_space<vmem>>) offsets(%dma_start3A_290 : memref<80xi32, #tpu.memory_space<vmem>>) semaphore(%arg12 : memref<!tpu.dma_semaphore, #tpu.memory_space<semaphore_mem>>)
          %add3A_294 = arith.addi %mul3A_2, %add3A_245 : i32
          %mul3A_295 = arith.constant 80 : i32
          %mul3A_296 = arith.muli %add3A_294, %mul3A_295 : i32
          %dma_start3A_297 = arith.constant 0 : i32
          %dma_start3A_298 = tpu.memref_slice %arg2[%mul3A_296, %dma_start3A_297] : memref<320000x128xf32, #tpu.memory_space<hbm>> -> memref<80x128xf32, #tpu.memory_space<hbm>>
          %dma_start3A_299 = arith.constant 0 : i32
          %dma_start3A_300 = tpu.memref_slice %arg2[%mul3A_296, %dma_start3A_299] : memref<320000x128xf32, #tpu.memory_space<hbm>> -> memref<80x128xf32, #tpu.memory_space<hbm>>
          tpu.enqueue_dma source(%dma_start3A_300 : memref<80x128xf32, #tpu.memory_space<hbm>>) target(%arg8 : memref<80x128xf32, #tpu.memory_space<vmem>>) target_semaphore(%arg12 : memref<!tpu.dma_semaphore, #tpu.memory_space<semaphore_mem>>)
        } else {
        }
        %add3A_219 = arith.constant 2 : i32
        %add3A_220 = arith.addi %add3A_157, %add3A_219 : i32
        %lt3A_221 = arith.constant 125 : i32
        %lt3A_222 = arith.cmpi slt, %add3A_220, %lt3A_221 : i32
        %convert_element_type3A_223 = arith.extui %lt3A_222 : i1 to i32
        %cond3A_224 = arith.constant 0 : i32
        %cond3A_225 = arith.cmpi ne, %convert_element_type3A_223, %cond3A_224 : i32
        scf.if %cond3A_225 {
          %add3A_235 = arith.constant 2 : i32
          %add3A_236 = arith.addi %add3A_157, %add3A_235 : i32
          %add3A_237 = arith.addi %mul3A_2, %add3A_236 : i32
          %dma_start3A_238 = arith.constant 0 : i32
          %dma_start3A_239 = arith.constant 0 : i32
          %dma_start3A_240 = tpu.memref_slice %arg4[%add3A_237, %dma_start3A_238, %dma_start3A_239] : memref<4000x4x80xi32, #tpu.memory_space<hbm>> -> memref<1x4x80xi32, #tpu.memory_space<hbm>>
          %dma_start3A_241 = tpu.memref_squeeze %dma_start3A_240 : memref<1x4x80xi32, #tpu.memory_space<hbm>> -> memref<4x80xi32, #tpu.memory_space<hbm>>
          %dma_start3A_242 = arith.constant 0 : i32
          %dma_start3A_243 = arith.constant 0 : i32
          %dma_start3A_244 = tpu.memref_slice %arg4[%add3A_237, %dma_start3A_242, %dma_start3A_243] : memref<4000x4x80xi32, #tpu.memory_space<hbm>> -> memref<1x4x80xi32, #tpu.memory_space<hbm>>
          %dma_start3A_245 = tpu.memref_squeeze %dma_start3A_244 : memref<1x4x80xi32, #tpu.memory_space<hbm>> -> memref<4x80xi32, #tpu.memory_space<hbm>>
          tpu.enqueue_dma source(%dma_start3A_245 : memref<4x80xi32, #tpu.memory_space<hbm>>) target(%arg7 : memref<4x80xi32, #tpu.memory_space<vmem>>) target_semaphore(%arg15 : memref<!tpu.dma_semaphore, #tpu.memory_space<semaphore_mem>>)
        } else {
        }
        %scan3A_226 = arith.constant 0 : i32
        %scan3A_227 = arith.constant 0 : i32
        %scan3A_228 = arith.constant 80 : i32
        %scan3A_229 = arith.addi %scan3A_227, %scan3A_228 : i32
        %scan3A_230 = arith.constant 1 : i32
        scf.for %scan3A_235 = %scan3A_227 to %scan3A_229 step %scan3A_230  : i32 {
          %get3A = arith.constant 0 : i32
          %get3A_236 = arith.index_cast %get3A : i32 to index
          %get3A_237 = arith.index_cast %scan3A_235 : i32 to index
          %get3A_238 = arith.constant 0 : index
          %get3A_239 = tpu.vector_load %arg11[%get3A_236, %get3A_237, %get3A_238] {strides = array<i32>} : memref<4x80x128xf32, #tpu.memory_space<vmem>>, vector<1x1x16xf32>,
          %get3A_240 = vector.shape_cast %get3A_239 : vector<1x1x16xf32> to vector<16xf32>
          %get3A_241 = arith.constant 1 : i32
          %get3A_242 = arith.index_cast %get3A_241 : i32 to index
          %get3A_243 = arith.index_cast %scan3A_235 : i32 to index
          %get3A_244 = arith.constant 0 : index
          %get3A_245 = tpu.vector_load %arg11[%get3A_242, %get3A_243, %get3A_244] {strides = array<i32>} : memref<4x80x128xf32, #tpu.memory_space<vmem>>, vector<1x1x16xf32>,
          %get3A_246 = vector.shape_cast %get3A_245 : vector<1x1x16xf32> to vector<16xf32>
          %add3A_247 = arith.addf %get3A_240, %get3A_246 : vector<16xf32>
          %get3A_248 = arith.constant 2 : i32
          %get3A_249 = arith.index_cast %get3A_248 : i32 to index
          %get3A_250 = arith.index_cast %scan3A_235 : i32 to index
          %get3A_251 = arith.constant 0 : index
          %get3A_252 = tpu.vector_load %arg11[%get3A_249, %get3A_250, %get3A_251] {strides = array<i32>} : memref<4x80x128xf32, #tpu.memory_space<vmem>>, vector<1x1x16xf32>,
          %get3A_253 = vector.shape_cast %get3A_252 : vector<1x1x16xf32> to vector<16xf32>
          %get3A_254 = arith.constant 3 : i32
          %get3A_255 = arith.index_cast %get3A_254 : i32 to index
          %get3A_256 = arith.index_cast %scan3A_235 : i32 to index
          %get3A_257 = arith.constant 0 : index
          %get3A_258 = tpu.vector_load %arg11[%get3A_255, %get3A_256, %get3A_257] {strides = array<i32>} : memref<4x80x128xf32, #tpu.memory_space<vmem>>, vector<1x1x16xf32>,
          %get3A_259 = vector.shape_cast %get3A_258 : vector<1x1x16xf32> to vector<16xf32>
          %add3A_260 = arith.addf %get3A_253, %get3A_259 : vector<16xf32>
          %get3A_261 = arith.index_cast %scan3A_235 : i32 to index
          %get3A_262 = arith.constant 0 : index
          %get3A_263 = tpu.vector_load %arg9[%get3A_261, %get3A_262] {strides = array<i32>} : memref<80x128xf32, #tpu.memory_space<vmem>>, vector<1x16xf32>,
          %get3A_264 = vector.shape_cast %get3A_263 : vector<1x16xf32> to vector<16xf32>
          %add3A_265 = arith.addf %add3A_247, %add3A_260 : vector<16xf32>
          %add3A_266 = arith.addf %get3A_264, %add3A_265 : vector<16xf32>
          %max3A = arith.constant 0.000000e+00 : f32
          %max3A_267 = vector.broadcast %max3A : f32 to vector<16xf32>
          %max3A_268 = arith.maximumf %add3A_266, %max3A_267 : vector<16xf32>
          %swap3A = arith.index_cast %scan3A_235 : i32 to index
          %swap3A_269 = arith.constant 0 : index
          %swap3A_270 = tpu.vector_load %arg9[%swap3A, %swap3A_269] {strides = array<i32>} : memref<80x128xf32, #tpu.memory_space<vmem>>, vector<1x16xf32>,
          %swap3A_271 = vector.shape_cast %swap3A_270 : vector<1x16xf32> to vector<16xf32>
          %swap3A_272 = vector.shape_cast %max3A_268 : vector<16xf32> to vector<1x16xf32>
          tpu.vector_store %arg9[%swap3A, %swap3A_269], %swap3A_272 {strides = array<i32>} : memref<80x128xf32, #tpu.memory_space<vmem>>, vector<1x16xf32>,
          %get3A_273 = arith.constant 0 : i32
          %get3A_274 = arith.index_cast %get3A_273 : i32 to index
          %get3A_275 = arith.index_cast %scan3A_235 : i32 to index
          %get3A_276 = arith.constant 16 : index
          %get3A_277 = tpu.vector_load %arg11[%get3A_274, %get3A_275, %get3A_276] {strides = array<i32>} : memref<4x80x128xf32, #tpu.memory_space<vmem>>, vector<1x1x16xf32>,
          %get3A_278 = vector.shape_cast %get3A_277 : vector<1x1x16xf32> to vector<16xf32>
          %get3A_279 = arith.constant 1 : i32
          %get3A_280 = arith.index_cast %get3A_279 : i32 to index
          %get3A_281 = arith.index_cast %scan3A_235 : i32 to index
          %get3A_282 = arith.constant 16 : index
          %get3A_283 = tpu.vector_load %arg11[%get3A_280, %get3A_281, %get3A_282] {strides = array<i32>} : memref<4x80x128xf32, #tpu.memory_space<vmem>>, vector<1x1x16xf32>,
          %get3A_284 = vector.shape_cast %get3A_283 : vector<1x1x16xf32> to vector<16xf32>
          %add3A_285 = arith.addf %get3A_278, %get3A_284 : vector<16xf32>
          %get3A_286 = arith.constant 2 : i32
          %get3A_287 = arith.index_cast %get3A_286 : i32 to index
          %get3A_288 = arith.index_cast %scan3A_235 : i32 to index
          %get3A_289 = arith.constant 16 : index
          %get3A_290 = tpu.vector_load %arg11[%get3A_287, %get3A_288, %get3A_289] {strides = array<i32>} : memref<4x80x128xf32, #tpu.memory_space<vmem>>, vector<1x1x16xf32>,
          %get3A_291 = vector.shape_cast %get3A_290 : vector<1x1x16xf32> to vector<16xf32>
          %get3A_292 = arith.constant 3 : i32
          %get3A_293 = arith.index_cast %get3A_292 : i32 to index
          %get3A_294 = arith.index_cast %scan3A_235 : i32 to index
          %get3A_295 = arith.constant 16 : index
          %get3A_296 = tpu.vector_load %arg11[%get3A_293, %get3A_294, %get3A_295] {strides = array<i32>} : memref<4x80x128xf32, #tpu.memory_space<vmem>>, vector<1x1x16xf32>,
          %get3A_297 = vector.shape_cast %get3A_296 : vector<1x1x16xf32> to vector<16xf32>
          %add3A_298 = arith.addf %get3A_291, %get3A_297 : vector<16xf32>
          %get3A_299 = arith.index_cast %scan3A_235 : i32 to index
          %get3A_300 = arith.constant 16 : index
          %get3A_301 = tpu.vector_load %arg9[%get3A_299, %get3A_300] {strides = array<i32>} : memref<80x128xf32, #tpu.memory_space<vmem>>, vector<1x16xf32>,
          %get3A_302 = vector.shape_cast %get3A_301 : vector<1x16xf32> to vector<16xf32>
          %add3A_303 = arith.addf %add3A_285, %add3A_298 : vector<16xf32>
          %add3A_304 = arith.addf %get3A_302, %add3A_303 : vector<16xf32>
          %max3A_305 = arith.constant 0.000000e+00 : f32
          %max3A_306 = vector.broadcast %max3A_305 : f32 to vector<16xf32>
          %max3A_307 = arith.maximumf %add3A_304, %max3A_306 : vector<16xf32>
          %swap3A_308 = arith.index_cast %scan3A_235 : i32 to index
          %swap3A_309 = arith.constant 16 : index
          %swap3A_310 = tpu.vector_load %arg9[%swap3A_308, %swap3A_309] {strides = array<i32>} : memref<80x128xf32, #tpu.memory_space<vmem>>, vector<1x16xf32>,
          %swap3A_311 = vector.shape_cast %swap3A_310 : vector<1x16xf32> to vector<16xf32>
          %swap3A_312 = vector.shape_cast %max3A_307 : vector<16xf32> to vector<1x16xf32>
          tpu.vector_store %arg9[%swap3A_308, %swap3A_309], %swap3A_312 {strides = array<i32>} : memref<80x128xf32, #tpu.memory_space<vmem>>, vector<1x16xf32>,
          %get3A_313 = arith.constant 0 : i32
          %get3A_314 = arith.index_cast %get3A_313 : i32 to index
          %get3A_315 = arith.index_cast %scan3A_235 : i32 to index
          %get3A_316 = arith.constant 32 : index
          %get3A_317 = tpu.vector_load %arg11[%get3A_314, %get3A_315, %get3A_316] {strides = array<i32>} : memref<4x80x128xf32, #tpu.memory_space<vmem>>, vector<1x1x16xf32>,
          %get3A_318 = vector.shape_cast %get3A_317 : vector<1x1x16xf32> to vector<16xf32>
          %get3A_319 = arith.constant 1 : i32
          %get3A_320 = arith.index_cast %get3A_319 : i32 to index
          %get3A_321 = arith.index_cast %scan3A_235 : i32 to index
          %get3A_322 = arith.constant 32 : index
          %get3A_323 = tpu.vector_load %arg11[%get3A_320, %get3A_321, %get3A_322] {strides = array<i32>} : memref<4x80x128xf32, #tpu.memory_space<vmem>>, vector<1x1x16xf32>,
          %get3A_324 = vector.shape_cast %get3A_323 : vector<1x1x16xf32> to vector<16xf32>
          %add3A_325 = arith.addf %get3A_318, %get3A_324 : vector<16xf32>
          %get3A_326 = arith.constant 2 : i32
          %get3A_327 = arith.index_cast %get3A_326 : i32 to index
          %get3A_328 = arith.index_cast %scan3A_235 : i32 to index
          %get3A_329 = arith.constant 32 : index
          %get3A_330 = tpu.vector_load %arg11[%get3A_327, %get3A_328, %get3A_329] {strides = array<i32>} : memref<4x80x128xf32, #tpu.memory_space<vmem>>, vector<1x1x16xf32>,
          %get3A_331 = vector.shape_cast %get3A_330 : vector<1x1x16xf32> to vector<16xf32>
          %get3A_332 = arith.constant 3 : i32
          %get3A_333 = arith.index_cast %get3A_332 : i32 to index
          %get3A_334 = arith.index_cast %scan3A_235 : i32 to index
          %get3A_335 = arith.constant 32 : index
          %get3A_336 = tpu.vector_load %arg11[%get3A_333, %get3A_334, %get3A_335] {strides = array<i32>} : memref<4x80x128xf32, #tpu.memory_space<vmem>>, vector<1x1x16xf32>,
          %get3A_337 = vector.shape_cast %get3A_336 : vector<1x1x16xf32> to vector<16xf32>
          %add3A_338 = arith.addf %get3A_331, %get3A_337 : vector<16xf32>
          %get3A_339 = arith.index_cast %scan3A_235 : i32 to index
          %get3A_340 = arith.constant 32 : index
          %get3A_341 = tpu.vector_load %arg9[%get3A_339, %get3A_340] {strides = array<i32>} : memref<80x128xf32, #tpu.memory_space<vmem>>, vector<1x16xf32>,
          %get3A_342 = vector.shape_cast %get3A_341 : vector<1x16xf32> to vector<16xf32>
          %add3A_343 = arith.addf %add3A_325, %add3A_338 : vector<16xf32>
          %add3A_344 = arith.addf %get3A_342, %add3A_343 : vector<16xf32>
          %max3A_345 = arith.constant 0.000000e+00 : f32
          %max3A_346 = vector.broadcast %max3A_345 : f32 to vector<16xf32>
          %max3A_347 = arith.maximumf %add3A_344, %max3A_346 : vector<16xf32>
          %swap3A_348 = arith.index_cast %scan3A_235 : i32 to index
          %swap3A_349 = arith.constant 32 : index
          %swap3A_350 = tpu.vector_load %arg9[%swap3A_348, %swap3A_349] {strides = array<i32>} : memref<80x128xf32, #tpu.memory_space<vmem>>, vector<1x16xf32>,
          %swap3A_351 = vector.shape_cast %swap3A_350 : vector<1x16xf32> to vector<16xf32>
          %swap3A_352 = vector.shape_cast %max3A_347 : vector<16xf32> to vector<1x16xf32>
          tpu.vector_store %arg9[%swap3A_348, %swap3A_349], %swap3A_352 {strides = array<i32>} : memref<80x128xf32, #tpu.memory_space<vmem>>, vector<1x16xf32>,
          %get3A_353 = arith.constant 0 : i32
          %get3A_354 = arith.index_cast %get3A_353 : i32 to index
          %get3A_355 = arith.index_cast %scan3A_235 : i32 to index
          %get3A_356 = arith.constant 48 : index
          %get3A_357 = tpu.vector_load %arg11[%get3A_354, %get3A_355, %get3A_356] {strides = array<i32>} : memref<4x80x128xf32, #tpu.memory_space<vmem>>, vector<1x1x16xf32>,
          %get3A_358 = vector.shape_cast %get3A_357 : vector<1x1x16xf32> to vector<16xf32>
          %get3A_359 = arith.constant 1 : i32
          %get3A_360 = arith.index_cast %get3A_359 : i32 to index
          %get3A_361 = arith.index_cast %scan3A_235 : i32 to index
          %get3A_362 = arith.constant 48 : index
          %get3A_363 = tpu.vector_load %arg11[%get3A_360, %get3A_361, %get3A_362] {strides = array<i32>} : memref<4x80x128xf32, #tpu.memory_space<vmem>>, vector<1x1x16xf32>,
          %get3A_364 = vector.shape_cast %get3A_363 : vector<1x1x16xf32> to vector<16xf32>
          %add3A_365 = arith.addf %get3A_358, %get3A_364 : vector<16xf32>
          %get3A_366 = arith.constant 2 : i32
          %get3A_367 = arith.index_cast %get3A_366 : i32 to index
          %get3A_368 = arith.index_cast %scan3A_235 : i32 to index
          %get3A_369 = arith.constant 48 : index
          %get3A_370 = tpu.vector_load %arg11[%get3A_367, %get3A_368, %get3A_369] {strides = array<i32>} : memref<4x80x128xf32, #tpu.memory_space<vmem>>, vector<1x1x16xf32>,
          %get3A_371 = vector.shape_cast %get3A_370 : vector<1x1x16xf32> to vector<16xf32>
          %get3A_372 = arith.constant 3 : i32
          %get3A_373 = arith.index_cast %get3A_372 : i32 to index
          %get3A_374 = arith.index_cast %scan3A_235 : i32 to index
          %get3A_375 = arith.constant 48 : index
          %get3A_376 = tpu.vector_load %arg11[%get3A_373, %get3A_374, %get3A_375] {strides = array<i32>} : memref<4x80x128xf32, #tpu.memory_space<vmem>>, vector<1x1x16xf32>,
          %get3A_377 = vector.shape_cast %get3A_376 : vector<1x1x16xf32> to vector<16xf32>
          %add3A_378 = arith.addf %get3A_371, %get3A_377 : vector<16xf32>
          %get3A_379 = arith.index_cast %scan3A_235 : i32 to index
          %get3A_380 = arith.constant 48 : index
          %get3A_381 = tpu.vector_load %arg9[%get3A_379, %get3A_380] {strides = array<i32>} : memref<80x128xf32, #tpu.memory_space<vmem>>, vector<1x16xf32>,
          %get3A_382 = vector.shape_cast %get3A_381 : vector<1x16xf32> to vector<16xf32>
          %add3A_383 = arith.addf %add3A_365, %add3A_378 : vector<16xf32>
          %add3A_384 = arith.addf %get3A_382, %add3A_383 : vector<16xf32>
          %max3A_385 = arith.constant 0.000000e+00 : f32
          %max3A_386 = vector.broadcast %max3A_385 : f32 to vector<16xf32>
          %max3A_387 = arith.maximumf %add3A_384, %max3A_386 : vector<16xf32>
          %swap3A_388 = arith.index_cast %scan3A_235 : i32 to index
          %swap3A_389 = arith.constant 48 : index
          %swap3A_390 = tpu.vector_load %arg9[%swap3A_388, %swap3A_389] {strides = array<i32>} : memref<80x128xf32, #tpu.memory_space<vmem>>, vector<1x16xf32>,
          %swap3A_391 = vector.shape_cast %swap3A_390 : vector<1x16xf32> to vector<16xf32>
          %swap3A_392 = vector.shape_cast %max3A_387 : vector<16xf32> to vector<1x16xf32>
          tpu.vector_store %arg9[%swap3A_388, %swap3A_389], %swap3A_392 {strides = array<i32>} : memref<80x128xf32, #tpu.memory_space<vmem>>, vector<1x16xf32>,
          %get3A_393 = arith.constant 0 : i32
          %get3A_394 = arith.index_cast %get3A_393 : i32 to index
          %get3A_395 = arith.index_cast %scan3A_235 : i32 to index
          %get3A_396 = arith.constant 64 : index
          %get3A_397 = tpu.vector_load %arg11[%get3A_394, %get3A_395, %get3A_396] {strides = array<i32>} : memref<4x80x128xf32, #tpu.memory_space<vmem>>, vector<1x1x16xf32>,
          %get3A_398 = vector.shape_cast %get3A_397 : vector<1x1x16xf32> to vector<16xf32>
          %get3A_399 = arith.constant 1 : i32
          %get3A_400 = arith.index_cast %get3A_399 : i32 to index
          %get3A_401 = arith.index_cast %scan3A_235 : i32 to index
          %get3A_402 = arith.constant 64 : index
          %get3A_403 = tpu.vector_load %arg11[%get3A_400, %get3A_401, %get3A_402] {strides = array<i32>} : memref<4x80x128xf32, #tpu.memory_space<vmem>>, vector<1x1x16xf32>,
          %get3A_404 = vector.shape_cast %get3A_403 : vector<1x1x16xf32> to vector<16xf32>
          %add3A_405 = arith.addf %get3A_398, %get3A_404 : vector<16xf32>
          %get3A_406 = arith.constant 2 : i32
          %get3A_407 = arith.index_cast %get3A_406 : i32 to index
          %get3A_408 = arith.index_cast %scan3A_235 : i32 to index
          %get3A_409 = arith.constant 64 : index
          %get3A_410 = tpu.vector_load %arg11[%get3A_407, %get3A_408, %get3A_409] {strides = array<i32>} : memref<4x80x128xf32, #tpu.memory_space<vmem>>, vector<1x1x16xf32>,
          %get3A_411 = vector.shape_cast %get3A_410 : vector<1x1x16xf32> to vector<16xf32>
          %get3A_412 = arith.constant 3 : i32
          %get3A_413 = arith.index_cast %get3A_412 : i32 to index
          %get3A_414 = arith.index_cast %scan3A_235 : i32 to index
          %get3A_415 = arith.constant 64 : index
          %get3A_416 = tpu.vector_load %arg11[%get3A_413, %get3A_414, %get3A_415] {strides = array<i32>} : memref<4x80x128xf32, #tpu.memory_space<vmem>>, vector<1x1x16xf32>,
          %get3A_417 = vector.shape_cast %get3A_416 : vector<1x1x16xf32> to vector<16xf32>
          %add3A_418 = arith.addf %get3A_411, %get3A_417 : vector<16xf32>
          %get3A_419 = arith.index_cast %scan3A_235 : i32 to index
          %get3A_420 = arith.constant 64 : index
          %get3A_421 = tpu.vector_load %arg9[%get3A_419, %get3A_420] {strides = array<i32>} : memref<80x128xf32, #tpu.memory_space<vmem>>, vector<1x16xf32>,
          %get3A_422 = vector.shape_cast %get3A_421 : vector<1x16xf32> to vector<16xf32>
          %add3A_423 = arith.addf %add3A_405, %add3A_418 : vector<16xf32>
          %add3A_424 = arith.addf %get3A_422, %add3A_423 : vector<16xf32>
          %max3A_425 = arith.constant 0.000000e+00 : f32
          %max3A_426 = vector.broadcast %max3A_425 : f32 to vector<16xf32>
          %max3A_427 = arith.maximumf %add3A_424, %max3A_426 : vector<16xf32>
          %swap3A_428 = arith.index_cast %scan3A_235 : i32 to index
          %swap3A_429 = arith.constant 64 : index
          %swap3A_430 = tpu.vector_load %arg9[%swap3A_428, %swap3A_429] {strides = array<i32>} : memref<80x128xf32, #tpu.memory_space<vmem>>, vector<1x16xf32>,
          %swap3A_431 = vector.shape_cast %swap3A_430 : vector<1x16xf32> to vector<16xf32>
          %swap3A_432 = vector.shape_cast %max3A_427 : vector<16xf32> to vector<1x16xf32>
          tpu.vector_store %arg9[%swap3A_428, %swap3A_429], %swap3A_432 {strides = array<i32>} : memref<80x128xf32, #tpu.memory_space<vmem>>, vector<1x16xf32>,
          %get3A_433 = arith.constant 0 : i32
          %get3A_434 = arith.index_cast %get3A_433 : i32 to index
          %get3A_435 = arith.index_cast %scan3A_235 : i32 to index
          %get3A_436 = arith.constant 80 : index
          %get3A_437 = tpu.vector_load %arg11[%get3A_434, %get3A_435, %get3A_436] {strides = array<i32>} : memref<4x80x128xf32, #tpu.memory_space<vmem>>, vector<1x1x16xf32>,
          %get3A_438 = vector.shape_cast %get3A_437 : vector<1x1x16xf32> to vector<16xf32>
          %get3A_439 = arith.constant 1 : i32
          %get3A_440 = arith.index_cast %get3A_439 : i32 to index
          %get3A_441 = arith.index_cast %scan3A_235 : i32 to index
          %get3A_442 = arith.constant 80 : index
          %get3A_443 = tpu.vector_load %arg11[%get3A_440, %get3A_441, %get3A_442] {strides = array<i32>} : memref<4x80x128xf32, #tpu.memory_space<vmem>>, vector<1x1x16xf32>,
          %get3A_444 = vector.shape_cast %get3A_443 : vector<1x1x16xf32> to vector<16xf32>
          %add3A_445 = arith.addf %get3A_438, %get3A_444 : vector<16xf32>
          %get3A_446 = arith.constant 2 : i32
          %get3A_447 = arith.index_cast %get3A_446 : i32 to index
          %get3A_448 = arith.index_cast %scan3A_235 : i32 to index
          %get3A_449 = arith.constant 80 : index
          %get3A_450 = tpu.vector_load %arg11[%get3A_447, %get3A_448, %get3A_449] {strides = array<i32>} : memref<4x80x128xf32, #tpu.memory_space<vmem>>, vector<1x1x16xf32>,
          %get3A_451 = vector.shape_cast %get3A_450 : vector<1x1x16xf32> to vector<16xf32>
          %get3A_452 = arith.constant 3 : i32
          %get3A_453 = arith.index_cast %get3A_452 : i32 to index
          %get3A_454 = arith.index_cast %scan3A_235 : i32 to index
          %get3A_455 = arith.constant 80 : index
          %get3A_456 = tpu.vector_load %arg11[%get3A_453, %get3A_454, %get3A_455] {strides = array<i32>} : memref<4x80x128xf32, #tpu.memory_space<vmem>>, vector<1x1x16xf32>,
          %get3A_457 = vector.shape_cast %get3A_456 : vector<1x1x16xf32> to vector<16xf32>
          %add3A_458 = arith.addf %get3A_451, %get3A_457 : vector<16xf32>
          %get3A_459 = arith.index_cast %scan3A_235 : i32 to index
          %get3A_460 = arith.constant 80 : index
          %get3A_461 = tpu.vector_load %arg9[%get3A_459, %get3A_460] {strides = array<i32>} : memref<80x128xf32, #tpu.memory_space<vmem>>, vector<1x16xf32>,
          %get3A_462 = vector.shape_cast %get3A_461 : vector<1x16xf32> to vector<16xf32>
          %add3A_463 = arith.addf %add3A_445, %add3A_458 : vector<16xf32>
          %add3A_464 = arith.addf %get3A_462, %add3A_463 : vector<16xf32>
          %max3A_465 = arith.constant 0.000000e+00 : f32
          %max3A_466 = vector.broadcast %max3A_465 : f32 to vector<16xf32>
          %max3A_467 = arith.maximumf %add3A_464, %max3A_466 : vector<16xf32>
          %swap3A_468 = arith.index_cast %scan3A_235 : i32 to index
          %swap3A_469 = arith.constant 80 : index
          %swap3A_470 = tpu.vector_load %arg9[%swap3A_468, %swap3A_469] {strides = array<i32>} : memref<80x128xf32, #tpu.memory_space<vmem>>, vector<1x16xf32>,
          %swap3A_471 = vector.shape_cast %swap3A_470 : vector<1x16xf32> to vector<16xf32>
          %swap3A_472 = vector.shape_cast %max3A_467 : vector<16xf32> to vector<1x16xf32>
          tpu.vector_store %arg9[%swap3A_468, %swap3A_469], %swap3A_472 {strides = array<i32>} : memref<80x128xf32, #tpu.memory_space<vmem>>, vector<1x16xf32>,
          %get3A_473 = arith.constant 0 : i32
          %get3A_474 = arith.index_cast %get3A_473 : i32 to index
          %get3A_475 = arith.index_cast %scan3A_235 : i32 to index
          %get3A_476 = arith.constant 96 : index
          %get3A_477 = tpu.vector_load %arg11[%get3A_474, %get3A_475, %get3A_476] {strides = array<i32>} : memref<4x80x128xf32, #tpu.memory_space<vmem>>, vector<1x1x16xf32>,
          %get3A_478 = vector.shape_cast %get3A_477 : vector<1x1x16xf32> to vector<16xf32>
          %get3A_479 = arith.constant 1 : i32
          %get3A_480 = arith.index_cast %get3A_479 : i32 to index
          %get3A_481 = arith.index_cast %scan3A_235 : i32 to index
          %get3A_482 = arith.constant 96 : index
          %get3A_483 = tpu.vector_load %arg11[%get3A_480, %get3A_481, %get3A_482] {strides = array<i32>} : memref<4x80x128xf32, #tpu.memory_space<vmem>>, vector<1x1x16xf32>,
          %get3A_484 = vector.shape_cast %get3A_483 : vector<1x1x16xf32> to vector<16xf32>
          %add3A_485 = arith.addf %get3A_478, %get3A_484 : vector<16xf32>
          %get3A_486 = arith.constant 2 : i32
          %get3A_487 = arith.index_cast %get3A_486 : i32 to index
          %get3A_488 = arith.index_cast %scan3A_235 : i32 to index
          %get3A_489 = arith.constant 96 : index
          %get3A_490 = tpu.vector_load %arg11[%get3A_487, %get3A_488, %get3A_489] {strides = array<i32>} : memref<4x80x128xf32, #tpu.memory_space<vmem>>, vector<1x1x16xf32>,
          %get3A_491 = vector.shape_cast %get3A_490 : vector<1x1x16xf32> to vector<16xf32>
          %get3A_492 = arith.constant 3 : i32
          %get3A_493 = arith.index_cast %get3A_492 : i32 to index
          %get3A_494 = arith.index_cast %scan3A_235 : i32 to index
          %get3A_495 = arith.constant 96 : index
          %get3A_496 = tpu.vector_load %arg11[%get3A_493, %get3A_494, %get3A_495] {strides = array<i32>} : memref<4x80x128xf32, #tpu.memory_space<vmem>>, vector<1x1x16xf32>,
          %get3A_497 = vector.shape_cast %get3A_496 : vector<1x1x16xf32> to vector<16xf32>
          %add3A_498 = arith.addf %get3A_491, %get3A_497 : vector<16xf32>
          %get3A_499 = arith.index_cast %scan3A_235 : i32 to index
          %get3A_500 = arith.constant 96 : index
          %get3A_501 = tpu.vector_load %arg9[%get3A_499, %get3A_500] {strides = array<i32>} : memref<80x128xf32, #tpu.memory_space<vmem>>, vector<1x16xf32>,
          %get3A_502 = vector.shape_cast %get3A_501 : vector<1x16xf32> to vector<16xf32>
          %add3A_503 = arith.addf %add3A_485, %add3A_498 : vector<16xf32>
          %add3A_504 = arith.addf %get3A_502, %add3A_503 : vector<16xf32>
          %max3A_505 = arith.constant 0.000000e+00 : f32
          %max3A_506 = vector.broadcast %max3A_505 : f32 to vector<16xf32>
          %max3A_507 = arith.maximumf %add3A_504, %max3A_506 : vector<16xf32>
          %swap3A_508 = arith.index_cast %scan3A_235 : i32 to index
          %swap3A_509 = arith.constant 96 : index
          %swap3A_510 = tpu.vector_load %arg9[%swap3A_508, %swap3A_509] {strides = array<i32>} : memref<80x128xf32, #tpu.memory_space<vmem>>, vector<1x16xf32>,
          %swap3A_511 = vector.shape_cast %swap3A_510 : vector<1x16xf32> to vector<16xf32>
          %swap3A_512 = vector.shape_cast %max3A_507 : vector<16xf32> to vector<1x16xf32>
          tpu.vector_store %arg9[%swap3A_508, %swap3A_509], %swap3A_512 {strides = array<i32>} : memref<80x128xf32, #tpu.memory_space<vmem>>, vector<1x16xf32>,
          %get3A_513 = arith.constant 0 : i32
          %get3A_514 = arith.index_cast %get3A_513 : i32 to index
          %get3A_515 = arith.index_cast %scan3A_235 : i32 to index
          %get3A_516 = arith.constant 112 : index
          %get3A_517 = tpu.vector_load %arg11[%get3A_514, %get3A_515, %get3A_516] {strides = array<i32>} : memref<4x80x128xf32, #tpu.memory_space<vmem>>, vector<1x1x16xf32>,
          %get3A_518 = vector.shape_cast %get3A_517 : vector<1x1x16xf32> to vector<16xf32>
          %get3A_519 = arith.constant 1 : i32
          %get3A_520 = arith.index_cast %get3A_519 : i32 to index
          %get3A_521 = arith.index_cast %scan3A_235 : i32 to index
          %get3A_522 = arith.constant 112 : index
          %get3A_523 = tpu.vector_load %arg11[%get3A_520, %get3A_521, %get3A_522] {strides = array<i32>} : memref<4x80x128xf32, #tpu.memory_space<vmem>>, vector<1x1x16xf32>,
          %get3A_524 = vector.shape_cast %get3A_523 : vector<1x1x16xf32> to vector<16xf32>
          %add3A_525 = arith.addf %get3A_518, %get3A_524 : vector<16xf32>
          %get3A_526 = arith.constant 2 : i32
          %get3A_527 = arith.index_cast %get3A_526 : i32 to index
          %get3A_528 = arith.index_cast %scan3A_235 : i32 to index
          %get3A_529 = arith.constant 112 : index
          %get3A_530 = tpu.vector_load %arg11[%get3A_527, %get3A_528, %get3A_529] {strides = array<i32>} : memref<4x80x128xf32, #tpu.memory_space<vmem>>, vector<1x1x16xf32>,
          %get3A_531 = vector.shape_cast %get3A_530 : vector<1x1x16xf32> to vector<16xf32>
          %get3A_532 = arith.constant 3 : i32
          %get3A_533 = arith.index_cast %get3A_532 : i32 to index
          %get3A_534 = arith.index_cast %scan3A_235 : i32 to index
          %get3A_535 = arith.constant 112 : index
          %get3A_536 = tpu.vector_load %arg11[%get3A_533, %get3A_534, %get3A_535] {strides = array<i32>} : memref<4x80x128xf32, #tpu.memory_space<vmem>>, vector<1x1x16xf32>,
          %get3A_537 = vector.shape_cast %get3A_536 : vector<1x1x16xf32> to vector<16xf32>
          %add3A_538 = arith.addf %get3A_531, %get3A_537 : vector<16xf32>
          %get3A_539 = arith.index_cast %scan3A_235 : i32 to index
          %get3A_540 = arith.constant 112 : index
          %get3A_541 = tpu.vector_load %arg9[%get3A_539, %get3A_540] {strides = array<i32>} : memref<80x128xf32, #tpu.memory_space<vmem>>, vector<1x16xf32>,
          %get3A_542 = vector.shape_cast %get3A_541 : vector<1x16xf32> to vector<16xf32>
          %add3A_543 = arith.addf %add3A_525, %add3A_538 : vector<16xf32>
          %add3A_544 = arith.addf %get3A_542, %add3A_543 : vector<16xf32>
          %max3A_545 = arith.constant 0.000000e+00 : f32
          %max3A_546 = vector.broadcast %max3A_545 : f32 to vector<16xf32>
          %max3A_547 = arith.maximumf %add3A_544, %max3A_546 : vector<16xf32>
          %swap3A_548 = arith.index_cast %scan3A_235 : i32 to index
          %swap3A_549 = arith.constant 112 : index
          %swap3A_550 = tpu.vector_load %arg9[%swap3A_548, %swap3A_549] {strides = array<i32>} : memref<80x128xf32, #tpu.memory_space<vmem>>, vector<1x16xf32>,
          %swap3A_551 = vector.shape_cast %swap3A_550 : vector<1x16xf32> to vector<16xf32>
          %swap3A_552 = vector.shape_cast %max3A_547 : vector<16xf32> to vector<1x16xf32>
          tpu.vector_store %arg9[%swap3A_548, %swap3A_549], %swap3A_552 {strides = array<i32>} : memref<80x128xf32, #tpu.memory_space<vmem>>, vector<1x16xf32>,
        }
        %scan3A_231 = arith.constant 80 : i32
        %add3A_232 = arith.addi %mul3A_2, %add3A_157 : i32
        %mul3A_233 = arith.constant 80 : i32
        %mul3A_234 = arith.muli %add3A_232, %mul3A_233 : i32
        "tpu.region"() ({
          %run_scoped3A = tpu.sem_alloc : memref<!tpu.dma_semaphore, #tpu.memory_space<semaphore_mem>>
          %dma_start3A_235 = arith.constant 0 : i32
          %dma_start3A_236 = tpu.memref_slice %arg5[%mul3A_234, %dma_start3A_235] : memref<320000x128xf32, #tpu.memory_space<hbm>> -> memref<80x128xf32, #tpu.memory_space<hbm>>
          %dma_start3A_237 = arith.constant 0 : i32
          %dma_start3A_238 = tpu.memref_slice %arg5[%mul3A_234, %dma_start3A_237] : memref<320000x128xf32, #tpu.memory_space<hbm>> -> memref<80x128xf32, #tpu.memory_space<hbm>>
          tpu.enqueue_dma source(%arg9 : memref<80x128xf32, #tpu.memory_space<vmem>>) target(%dma_start3A_238 : memref<80x128xf32, #tpu.memory_space<hbm>>) target_semaphore(%run_scoped3A : memref<!tpu.dma_semaphore, #tpu.memory_space<semaphore_mem>>)
          %dma_wait3A_239 = arith.constant 0 : i32
          %dma_wait3A_240 = tpu.memref_slice %arg5[%mul3A_234, %dma_wait3A_239] : memref<320000x128xf32, #tpu.memory_space<hbm>> -> memref<80x128xf32, #tpu.memory_space<hbm>>
          %dma_wait3A_241 = arith.constant 0 : i32
          %dma_wait3A_242 = tpu.memref_slice %arg5[%mul3A_234, %dma_wait3A_241] : memref<320000x128xf32, #tpu.memory_space<hbm>> -> memref<80x128xf32, #tpu.memory_space<hbm>>
          tpu.wait_dma2 semaphore(%run_scoped3A : memref<!tpu.dma_semaphore, #tpu.memory_space<semaphore_mem>>) src(%arg9 : memref<80x128xf32, #tpu.memory_space<vmem>>) dst(%dma_wait3A_242 : memref<80x128xf32, #tpu.memory_space<hbm>>)
          tpu.yield
        }) : () -> ()
      } else {
      }
    }
    %scan3A_72 = arith.constant 63 : i32
    return
  }
}

#map = affine_map<(d0, d1) -> (0, 0)>
#map1 = affine_map<(d0, d1) -> (0, 0, 0)>
module attributes {stable_mosaic.version = 14 : i64} {
  func.func @_sc_body(%arg0: i32, %arg1: i32, %arg2: memref<320000x128xf32, #tpu.memory_space<hbm>>, %arg3: memref<1280000x128xf32, #tpu.memory_space<hbm>>, %arg4: memref<4000x4x80xi32, #tpu.memory_space<hbm>>, %arg5: memref<320000x128xf32, #tpu.memory_space<hbm>>, %arg6: memref<4x80xi32, #tpu.memory_space<vmem>>, %arg7: memref<4x80xi32, #tpu.memory_space<vmem>>, %arg8: memref<80x128xf32, #tpu.memory_space<vmem>>, %arg9: memref<80x128xf32, #tpu.memory_space<vmem>>, %arg10: memref<4x80x128xf32, #tpu.memory_space<vmem>>, %arg11: memref<4x80x128xf32, #tpu.memory_space<vmem>>, %arg12: memref<!tpu.dma_semaphore, #tpu.memory_space<semaphore_mem>>, %arg13: memref<!tpu.dma_semaphore, #tpu.memory_space<semaphore_mem>>, %arg14: memref<!tpu.dma_semaphore, #tpu.memory_space<semaphore_mem>>, %arg15: memref<!tpu.dma_semaphore, #tpu.memory_space<semaphore_mem>>) attributes {dimension_semantics = [#tpu.dimension_semantics<core_parallel>, #tpu.dimension_semantics<subcore_parallel>], iteration_bounds = array<i64: 2, 16>, scalar_prefetch = 0 : i64, scratch_operands = 10 : i64, tpu.core_type = #tpu.core_type<sc_vector_subcore>, window_params = [{transform_indices = #map}, {transform_indices = #map}, {transform_indices = #map1}, {transform_indices = #map}]} {
    %mul3A = arith.constant 2 : i32
    %mul3A_0 = arith.muli %arg1, %mul3A : i32
    %add3A = arith.addi %mul3A_0, %arg0 : i32
    %mul3A_1 = arith.constant 125 : i32
    %mul3A_2 = arith.muli %add3A, %mul3A_1 : i32
    "tpu.region"() ({
      %run_scoped3A = tpu.sem_alloc : memref<!tpu.dma_semaphore, #tpu.memory_space<semaphore_mem>>
      %dma_start3A_73 = arith.constant 0 : i32
      %dma_start3A_74 = arith.constant 0 : i32
      %dma_start3A_75 = tpu.memref_slice %arg4[%mul3A_2, %dma_start3A_73, %dma_start3A_74] : memref<4000x4x80xi32, #tpu.memory_space<hbm>> -> memref<1x4x80xi32, #tpu.memory_space<hbm>>
      %dma_start3A_76 = tpu.memref_squeeze %dma_start3A_75 : memref<1x4x80xi32, #tpu.memory_space<hbm>> -> memref<4x80xi32, #tpu.memory_space<hbm>>
      %dma_start3A_77 = arith.constant 0 : i32
      %dma_start3A_78 = arith.constant 0 : i32
      %dma_start3A_79 = tpu.memref_slice %arg4[%mul3A_2, %dma_start3A_77, %dma_start3A_78] : memref<4000x4x80xi32, #tpu.memory_space<hbm>> -> memref<1x4x80xi32, #tpu.memory_space<hbm>>
      %dma_start3A_80 = tpu.memref_squeeze %dma_start3A_79 : memref<1x4x80xi32, #tpu.memory_space<hbm>> -> memref<4x80xi32, #tpu.memory_space<hbm>>
      tpu.enqueue_dma source(%dma_start3A_80 : memref<4x80xi32, #tpu.memory_space<hbm>>) target(%arg6 : memref<4x80xi32, #tpu.memory_space<vmem>>) target_semaphore(%run_scoped3A : memref<!tpu.dma_semaphore, #tpu.memory_space<semaphore_mem>>)
      %dma_wait3A = arith.constant 0 : i32
      %dma_wait3A_81 = arith.constant 0 : i32
      %dma_wait3A_82 = tpu.memref_slice %arg4[%mul3A_2, %dma_wait3A, %dma_wait3A_81] : memref<4000x4x80xi32, #tpu.memory_space<hbm>> -> memref<1x4x80xi32, #tpu.memory_space<hbm>>
      %dma_wait3A_83 = tpu.memref_squeeze %dma_wait3A_82 : memref<1x4x80xi32, #tpu.memory_space<hbm>> -> memref<4x80xi32, #tpu.memory_space<hbm>>
      %dma_wait3A_84 = arith.constant 0 : i32
      %dma_wait3A_85 = arith.constant 0 : i32
      %dma_wait3A_86 = tpu.memref_slice %arg4[%mul3A_2, %dma_wait3A_84, %dma_wait3A_85] : memref<4000x4x80xi32, #tpu.memory_space<hbm>> -> memref<1x4x80xi32, #tpu.memory_space<hbm>>
      %dma_wait3A_87 = tpu.memref_squeeze %dma_wait3A_86 : memref<1x4x80xi32, #tpu.memory_space<hbm>> -> memref<4x80xi32, #tpu.memory_space<hbm>>
      tpu.wait_dma2 semaphore(%run_scoped3A : memref<!tpu.dma_semaphore, #tpu.memory_space<semaphore_mem>>) src(%dma_wait3A_87 : memref<4x80xi32, #tpu.memory_space<hbm>>) dst(%arg6 : memref<4x80xi32, #tpu.memory_space<vmem>>)
      tpu.yield
    }) : () -> ()
    %dma_start3A = arith.constant 0 : i32
    %dma_start3A_3 = arith.constant 0 : i32
    %dma_start3A_4 = arith.constant 0 : i32
    %dma_start3A_5 = arith.constant 0 : i32
    %dma_start3A_6 = tpu.memref_slice %arg10[%dma_start3A_3, %dma_start3A_4, %dma_start3A_5] : memref<4x80x128xf32, #tpu.memory_space<vmem>> -> memref<1x80x128xf32, #tpu.memory_space<vmem>>
    %dma_start3A_7 = tpu.memref_squeeze %dma_start3A_6 : memref<1x80x128xf32, #tpu.memory_space<vmem>> -> memref<80x128xf32, #tpu.memory_space<vmem>>
    %dma_start3A_8 = arith.constant 0 : i32
    %dma_start3A_9 = tpu.memref_slice %arg6[%dma_start3A, %dma_start3A_8] : memref<4x80xi32, #tpu.memory_space<vmem>> -> memref<1x80xi32, #tpu.memory_space<vmem>>
    %dma_start3A_10 = tpu.memref_squeeze %dma_start3A_9 : memref<1x80xi32, #tpu.memory_space<vmem>> -> memref<80xi32, #tpu.memory_space<vmem>>
    %dma_start3A_11 = arith.constant 0 : i32
    %dma_start3A_12 = arith.constant 0 : i32
    %dma_start3A_13 = tpu.memref_slice %arg3[%dma_start3A_11, %dma_start3A_12] : memref<1280000x128xf32, #tpu.memory_space<hbm>> -> memref<1280000x128xf32, #tpu.memory_space<hbm>>
    tpu.enqueue_indirect_dma source(%dma_start3A_13 : memref<1280000x128xf32, #tpu.memory_space<hbm>>) target(%dma_start3A_7 : memref<80x128xf32, #tpu.memory_space<vmem>>) offsets(%dma_start3A_10 : memref<80xi32, #tpu.memory_space<vmem>>) semaphore(%arg12 : memref<!tpu.dma_semaphore, #tpu.memory_space<semaphore_mem>>)
    %dma_start3A_14 = arith.constant 1 : i32
    %dma_start3A_15 = arith.constant 1 : i32
    %dma_start3A_16 = arith.constant 0 : i32
    %dma_start3A_17 = arith.constant 0 : i32
    %dma_start3A_18 = tpu.memref_slice %arg10[%dma_start3A_15, %dma_start3A_16, %dma_start3A_17] : memref<4x80x128xf32, #tpu.memory_space<vmem>> -> memref<1x80x128xf32, #tpu.memory_space<vmem>>
    %dma_start3A_19 = tpu.memref_squeeze %dma_start3A_18 : memref<1x80x128xf32, #tpu.memory_space<vmem>> -> memref<80x128xf32, #tpu.memory_space<vmem>>
    %dma_start3A_20 = arith.constant 0 : i32
    %dma_start3A_21 = tpu.memref_slice %arg6[%dma_start3A_14, %dma_start3A_20] : memref<4x80xi32, #tpu.memory_space<vmem>> -> memref<1x80xi32, #tpu.memory_space<vmem>>
    %dma_start3A_22 = tpu.memref_squeeze %dma_start3A_21 : memref<1x80xi32, #tpu.memory_space<vmem>> -> memref<80xi32, #tpu.memory_space<vmem>>
    %dma_start3A_23 = arith.constant 0 : i32
    %dma_start3A_24 = arith.constant 0 : i32
    %dma_start3A_25 = tpu.memref_slice %arg3[%dma_start3A_23, %dma_start3A_24] : memref<1280000x128xf32, #tpu.memory_space<hbm>> -> memref<1280000x128xf32, #tpu.memory_space<hbm>>
    tpu.enqueue_indirect_dma source(%dma_start3A_25 : memref<1280000x128xf32, #tpu.memory_space<hbm>>) target(%dma_start3A_19 : memref<80x128xf32, #tpu.memory_space<vmem>>) offsets(%dma_start3A_22 : memref<80xi32, #tpu.memory_space<vmem>>) semaphore(%arg12 : memref<!tpu.dma_semaphore, #tpu.memory_space<semaphore_mem>>)
    %dma_start3A_26 = arith.constant 2 : i32
    %dma_start3A_27 = arith.constant 2 : i32
    %dma_start3A_28 = arith.constant 0 : i32
    %dma_start3A_29 = arith.constant 0 : i32
    %dma_start3A_30 = tpu.memref_slice %arg10[%dma_start3A_27, %dma_start3A_28, %dma_start3A_29] : memref<4x80x128xf32, #tpu.memory_space<vmem>> -> memref<1x80x128xf32, #tpu.memory_space<vmem>>
    %dma_start3A_31 = tpu.memref_squeeze %dma_start3A_30 : memref<1x80x128xf32, #tpu.memory_space<vmem>> -> memref<80x128xf32, #tpu.memory_space<vmem>>
    %dma_start3A_32 = arith.constant 0 : i32
    %dma_start3A_33 = tpu.memref_slice %arg6[%dma_start3A_26, %dma_start3A_32] : memref<4x80xi32, #tpu.memory_space<vmem>> -> memref<1x80xi32, #tpu.memory_space<vmem>>
    %dma_start3A_34 = tpu.memref_squeeze %dma_start3A_33 : memref<1x80xi32, #tpu.memory_space<vmem>> -> memref<80xi32, #tpu.memory_space<vmem>>
    %dma_start3A_35 = arith.constant 0 : i32
    %dma_start3A_36 = arith.constant 0 : i32
    %dma_start3A_37 = tpu.memref_slice %arg3[%dma_start3A_35, %dma_start3A_36] : memref<1280000x128xf32, #tpu.memory_space<hbm>> -> memref<1280000x128xf32, #tpu.memory_space<hbm>>
    tpu.enqueue_indirect_dma source(%dma_start3A_37 : memref<1280000x128xf32, #tpu.memory_space<hbm>>) target(%dma_start3A_31 : memref<80x128xf32, #tpu.memory_space<vmem>>) offsets(%dma_start3A_34 : memref<80xi32, #tpu.memory_space<vmem>>) semaphore(%arg12 : memref<!tpu.dma_semaphore, #tpu.memory_space<semaphore_mem>>)
    %dma_start3A_38 = arith.constant 3 : i32
    %dma_start3A_39 = arith.constant 3 : i32
    %dma_start3A_40 = arith.constant 0 : i32
    %dma_start3A_41 = arith.constant 0 : i32
    %dma_start3A_42 = tpu.memref_slice %arg10[%dma_start3A_39, %dma_start3A_40, %dma_start3A_41] : memref<4x80x128xf32, #tpu.memory_space<vmem>> -> memref<1x80x128xf32, #tpu.memory_space<vmem>>
    %dma_start3A_43 = tpu.memref_squeeze %dma_start3A_42 : memref<1x80x128xf32, #tpu.memory_space<vmem>> -> memref<80x128xf32, #tpu.memory_space<vmem>>
    %dma_start3A_44 = arith.constant 0 : i32
    %dma_start3A_45 = tpu.memref_slice %arg6[%dma_start3A_38, %dma_start3A_44] : memref<4x80xi32, #tpu.memory_space<vmem>> -> memref<1x80xi32, #tpu.memory_space<vmem>>
    %dma_start3A_46 = tpu.memref_squeeze %dma_start3A_45 : memref<1x80xi32, #tpu.memory_space<vmem>> -> memref<80xi32, #tpu.memory_space<vmem>>
    %dma_start3A_47 = arith.constant 0 : i32
    %dma_start3A_48 = arith.constant 0 : i32
    %dma_start3A_49 = tpu.memref_slice %arg3[%dma_start3A_47, %dma_start3A_48] : memref<1280000x128xf32, #tpu.memory_space<hbm>> -> memref<1280000x128xf32, #tpu.memory_space<hbm>>
    tpu.enqueue_indirect_dma source(%dma_start3A_49 : memref<1280000x128xf32, #tpu.memory_space<hbm>>) target(%dma_start3A_43 : memref<80x128xf32, #tpu.memory_space<vmem>>) offsets(%dma_start3A_46 : memref<80xi32, #tpu.memory_space<vmem>>) semaphore(%arg12 : memref<!tpu.dma_semaphore, #tpu.memory_space<semaphore_mem>>)
    %add3A_50 = arith.constant 0 : i32
    %add3A_51 = arith.addi %mul3A_2, %add3A_50 : i32
    %mul3A_52 = arith.constant 80 : i32
    %mul3A_53 = arith.muli %add3A_51, %mul3A_52 : i32
    %dma_start3A_54 = arith.constant 0 : i32
    %dma_start3A_55 = tpu.memref_slice %arg2[%mul3A_53, %dma_start3A_54] : memref<320000x128xf32, #tpu.memory_space<hbm>> -> memref<80x128xf32, #tpu.memory_space<hbm>>
    %dma_start3A_56 = arith.constant 0 : i32
    %dma_start3A_57 = tpu.memref_slice %arg2[%mul3A_53, %dma_start3A_56] : memref<320000x128xf32, #tpu.memory_space<hbm>> -> memref<80x128xf32, #tpu.memory_space<hbm>>
    tpu.enqueue_dma source(%dma_start3A_57 : memref<80x128xf32, #tpu.memory_space<hbm>>) target(%arg8 : memref<80x128xf32, #tpu.memory_space<vmem>>) target_semaphore(%arg12 : memref<!tpu.dma_semaphore, #tpu.memory_space<semaphore_mem>>)
    %add3A_58 = arith.constant 1 : i32
    %add3A_59 = arith.addi %mul3A_2, %add3A_58 : i32
    %dma_start3A_60 = arith.constant 0 : i32
    %dma_start3A_61 = arith.constant 0 : i32
    %dma_start3A_62 = tpu.memref_slice %arg4[%add3A_59, %dma_start3A_60, %dma_start3A_61] : memref<4000x4x80xi32, #tpu.memory_space<hbm>> -> memref<1x4x80xi32, #tpu.memory_space<hbm>>
    %dma_start3A_63 = tpu.memref_squeeze %dma_start3A_62 : memref<1x4x80xi32, #tpu.memory_space<hbm>> -> memref<4x80xi32, #tpu.memory_space<hbm>>
    %dma_start3A_64 = arith.constant 0 : i32
    %dma_start3A_65 = arith.constant 0 : i32
    %dma_start3A_66 = tpu.memref_slice %arg4[%add3A_59, %dma_start3A_64, %dma_start3A_65] : memref<4000x4x80xi32, #tpu.memory_space<hbm>> -> memref<1x4x80xi32, #tpu.memory_space<hbm>>
    %dma_start3A_67 = tpu.memref_squeeze %dma_start3A_66 : memref<1x4x80xi32, #tpu.memory_space<hbm>> -> memref<4x80xi32, #tpu.memory_space<hbm>>
    tpu.enqueue_dma source(%dma_start3A_67 : memref<4x80xi32, #tpu.memory_space<hbm>>) target(%arg7 : memref<4x80xi32, #tpu.memory_space<vmem>>) target_semaphore(%arg15 : memref<!tpu.dma_semaphore, #tpu.memory_space<semaphore_mem>>)
    %scan3A = arith.constant 0 : i32
    %scan3A_68 = arith.constant 0 : i32
    %scan3A_69 = arith.constant 63 : i32
    %scan3A_70 = arith.addi %scan3A_68, %scan3A_69 : i32
    %scan3A_71 = arith.constant 1 : i32
    scf.for %scan3A_73 = %scan3A_68 to %scan3A_70 step %scan3A_71  : i32 {
      %mul3A_74 = arith.constant 2 : i32
      %mul3A_75 = arith.muli %scan3A_73, %mul3A_74 : i32
      %dma_wait3A = arith.constant 0 : i32
      %dma_wait3A_76 = arith.constant 0 : i32
      %dma_wait3A_77 = arith.constant 0 : i32
      %dma_wait3A_78 = arith.constant 0 : i32
      %dma_wait3A_79 = tpu.memref_slice %arg10[%dma_wait3A_76, %dma_wait3A_77, %dma_wait3A_78] : memref<4x80x128xf32, #tpu.memory_space<vmem>> -> memref<1x80x128xf32, #tpu.memory_space<vmem>>
      %dma_wait3A_80 = tpu.memref_squeeze %dma_wait3A_79 : memref<1x80x128xf32, #tpu.memory_space<vmem>> -> memref<80x128xf32, #tpu.memory_space<vmem>>
      %dma_wait3A_81 = arith.constant 0 : i32
      %dma_wait3A_82 = tpu.memref_slice %arg6[%dma_wait3A, %dma_wait3A_81] : memref<4x80xi32, #tpu.memory_space<vmem>> -> memref<1x80xi32, #tpu.memory_space<vmem>>
      %dma_wait3A_83 = tpu.memref_squeeze %dma_wait3A_82 : memref<1x80xi32, #tpu.memory_space<vmem>> -> memref<80xi32, #tpu.memory_space<vmem>>
      %dma_wait3A_84 = arith.constant 0 : i32
      %dma_wait3A_85 = arith.constant 0 : i32
      %dma_wait3A_86 = tpu.memref_slice %arg3[%dma_wait3A_84, %dma_wait3A_85] : memref<1280000x128xf32, #tpu.memory_space<hbm>> -> memref<1280000x128xf32, #tpu.memory_space<hbm>>
      tpu.wait_indirect_dma semaphore(%arg12 : memref<!tpu.dma_semaphore, #tpu.memory_space<semaphore_mem>>) src(%dma_wait3A_86 : memref<1280000x128xf32, #tpu.memory_space<hbm>>) dst(%dma_wait3A_80 : memref<80x128xf32, #tpu.memory_space<vmem>>)
      %dma_wait3A_87 = arith.constant 1 : i32
      %dma_wait3A_88 = arith.constant 1 : i32
      %dma_wait3A_89 = arith.constant 0 : i32
      %dma_wait3A_90 = arith.constant 0 : i32
      %dma_wait3A_91 = tpu.memref_slice %arg10[%dma_wait3A_88, %dma_wait3A_89, %dma_wait3A_90] : memref<4x80x128xf32, #tpu.memory_space<vmem>> -> memref<1x80x128xf32, #tpu.memory_space<vmem>>
      %dma_wait3A_92 = tpu.memref_squeeze %dma_wait3A_91 : memref<1x80x128xf32, #tpu.memory_space<vmem>> -> memref<80x128xf32, #tpu.memory_space<vmem>>
      %dma_wait3A_93 = arith.constant 0 : i32
      %dma_wait3A_94 = tpu.memref_slice %arg6[%dma_wait3A_87, %dma_wait3A_93] : memref<4x80xi32, #tpu.memory_space<vmem>> -> memref<1x80xi32, #tpu.memory_space<vmem>>
      %dma_wait3A_95 = tpu.memref_squeeze %dma_wait3A_94 : memref<1x80xi32, #tpu.memory_space<vmem>> -> memref<80xi32, #tpu.memory_space<vmem>>
      %dma_wait3A_96 = arith.constant 0 : i32
      %dma_wait3A_97 = arith.constant 0 : i32
      %dma_wait3A_98 = tpu.memref_slice %arg3[%dma_wait3A_96, %dma_wait3A_97] : memref<1280000x128xf32, #tpu.memory_space<hbm>> -> memref<1280000x128xf32, #tpu.memory_space<hbm>>
      tpu.wait_indirect_dma semaphore(%arg12 : memref<!tpu.dma_semaphore, #tpu.memory_space<semaphore_mem>>) src(%dma_wait3A_98 : memref<1280000x128xf32, #tpu.memory_space<hbm>>) dst(%dma_wait3A_92 : memref<80x128xf32, #tpu.memory_space<vmem>>)
      %dma_wait3A_99 = arith.constant 2 : i32
      %dma_wait3A_100 = arith.constant 2 : i32
      %dma_wait3A_101 = arith.constant 0 : i32
      %dma_wait3A_102 = arith.constant 0 : i32
      %dma_wait3A_103 = tpu.memref_slice %arg10[%dma_wait3A_100, %dma_wait3A_101, %dma_wait3A_102] : memref<4x80x128xf32, #tpu.memory_space<vmem>> -> memref<1x80x128xf32, #tpu.memory_space<vmem>>
      %dma_wait3A_104 = tpu.memref_squeeze %dma_wait3A_103 : memref<1x80x128xf32, #tpu.memory_space<vmem>> -> memref<80x128xf32, #tpu.memory_space<vmem>>
      %dma_wait3A_105 = arith.constant 0 : i32
      %dma_wait3A_106 = tpu.memref_slice %arg6[%dma_wait3A_99, %dma_wait3A_105] : memref<4x80xi32, #tpu.memory_space<vmem>> -> memref<1x80xi32, #tpu.memory_space<vmem>>
      %dma_wait3A_107 = tpu.memref_squeeze %dma_wait3A_106 : memref<1x80xi32, #tpu.memory_space<vmem>> -> memref<80xi32, #tpu.memory_space<vmem>>
      %dma_wait3A_108 = arith.constant 0 : i32
      %dma_wait3A_109 = arith.constant 0 : i32
      %dma_wait3A_110 = tpu.memref_slice %arg3[%dma_wait3A_108, %dma_wait3A_109] : memref<1280000x128xf32, #tpu.memory_space<hbm>> -> memref<1280000x128xf32, #tpu.memory_space<hbm>>
      tpu.wait_indirect_dma semaphore(%arg12 : memref<!tpu.dma_semaphore, #tpu.memory_space<semaphore_mem>>) src(%dma_wait3A_110 : memref<1280000x128xf32, #tpu.memory_space<hbm>>) dst(%dma_wait3A_104 : memref<80x128xf32, #tpu.memory_space<vmem>>)
      %dma_wait3A_111 = arith.constant 3 : i32
      %dma_wait3A_112 = arith.constant 3 : i32
      %dma_wait3A_113 = arith.constant 0 : i32
      %dma_wait3A_114 = arith.constant 0 : i32
      %dma_wait3A_115 = tpu.memref_slice %arg10[%dma_wait3A_112, %dma_wait3A_113, %dma_wait3A_114] : memref<4x80x128xf32, #tpu.memory_space<vmem>> -> memref<1x80x128xf32, #tpu.memory_space<vmem>>
      %dma_wait3A_116 = tpu.memref_squeeze %dma_wait3A_115 : memref<1x80x128xf32, #tpu.memory_space<vmem>> -> memref<80x128xf32, #tpu.memory_space<vmem>>
      %dma_wait3A_117 = arith.constant 0 : i32
      %dma_wait3A_118 = tpu.memref_slice %arg6[%dma_wait3A_111, %dma_wait3A_117] : memref<4x80xi32, #tpu.memory_space<vmem>> -> memref<1x80xi32, #tpu.memory_space<vmem>>
      %dma_wait3A_119 = tpu.memref_squeeze %dma_wait3A_118 : memref<1x80xi32, #tpu.memory_space<vmem>> -> memref<80xi32, #tpu.memory_space<vmem>>
      %dma_wait3A_120 = arith.constant 0 : i32
      %dma_wait3A_121 = arith.constant 0 : i32
      %dma_wait3A_122 = tpu.memref_slice %arg3[%dma_wait3A_120, %dma_wait3A_121] : memref<1280000x128xf32, #tpu.memory_space<hbm>> -> memref<1280000x128xf32, #tpu.memory_space<hbm>>
      tpu.wait_indirect_dma semaphore(%arg12 : memref<!tpu.dma_semaphore, #tpu.memory_space<semaphore_mem>>) src(%dma_wait3A_122 : memref<1280000x128xf32, #tpu.memory_space<hbm>>) dst(%dma_wait3A_116 : memref<80x128xf32, #tpu.memory_space<vmem>>)
      %dma_wait3A_123 = arith.constant 0 : i32
      %dma_wait3A_124 = arith.constant 0 : i32
      %dma_wait3A_125 = tpu.memref_slice %arg2[%dma_wait3A_123, %dma_wait3A_124] : memref<320000x128xf32, #tpu.memory_space<hbm>> -> memref<80x128xf32, #tpu.memory_space<hbm>>
      %dma_wait3A_126 = arith.constant 0 : i32
      %dma_wait3A_127 = arith.constant 0 : i32
      %dma_wait3A_128 = tpu.memref_slice %arg2[%dma_wait3A_126, %dma_wait3A_127] : memref<320000x128xf32, #tpu.memory_space<hbm>> -> memref<80x128xf32, #tpu.memory_space<hbm>>
      tpu.wait_dma2 semaphore(%arg12 : memref<!tpu.dma_semaphore, #tpu.memory_space<semaphore_mem>>) src(%dma_wait3A_128 : memref<80x128xf32, #tpu.memory_space<hbm>>) dst(%arg8 : memref<80x128xf32, #tpu.memory_space<vmem>>)
      %add3A_129 = arith.constant 1 : i32
      %add3A_130 = arith.addi %mul3A_75, %add3A_129 : i32
      %lt3A = arith.constant 125 : i32
      %lt3A_131 = arith.cmpi slt, %add3A_130, %lt3A : i32
      %convert_element_type3A = arith.extui %lt3A_131 : i1 to i32
      %cond3A = arith.constant 0 : i32
      %cond3A_132 = arith.cmpi ne, %convert_element_type3A, %cond3A : i32
      scf.if %cond3A_132 {
        %dma_wait3A_156 = arith.constant 0 : i32
        %dma_wait3A_157 = arith.constant 0 : i32
        %dma_wait3A_158 = arith.constant 0 : i32
        %dma_wait3A_159 = tpu.memref_slice %arg4[%dma_wait3A_156, %dma_wait3A_157, %dma_wait3A_158] : memref<4000x4x80xi32, #tpu.memory_space<hbm>> -> memref<1x4x80xi32, #tpu.memory_space<hbm>>
        %dma_wait3A_160 = tpu.memref_squeeze %dma_wait3A_159 : memref<1x4x80xi32, #tpu.memory_space<hbm>> -> memref<4x80xi32, #tpu.memory_space<hbm>>
        %dma_wait3A_161 = arith.constant 0 : i32
        %dma_wait3A_162 = arith.constant 0 : i32
        %dma_wait3A_163 = tpu.memref_slice %arg4[%dma_wait3A_156, %dma_wait3A_161, %dma_wait3A_162] : memref<4000x4x80xi32, #tpu.memory_space<hbm>> -> memref<1x4x80xi32, #tpu.memory_space<hbm>>
        %dma_wait3A_164 = tpu.memref_squeeze %dma_wait3A_163 : memref<1x4x80xi32, #tpu.memory_space<hbm>> -> memref<4x80xi32, #tpu.memory_space<hbm>>
        tpu.wait_dma2 semaphore(%arg15 : memref<!tpu.dma_semaphore, #tpu.memory_space<semaphore_mem>>) src(%dma_wait3A_164 : memref<4x80xi32, #tpu.memory_space<hbm>>) dst(%arg7 : memref<4x80xi32, #tpu.memory_space<vmem>>)
        %add3A_165 = arith.constant 1 : i32
        %add3A_166 = arith.addi %mul3A_75, %add3A_165 : i32
        %dma_start3A_167 = arith.constant 0 : i32
        %dma_start3A_168 = arith.constant 0 : i32
        %dma_start3A_169 = arith.constant 0 : i32
        %dma_start3A_170 = arith.constant 0 : i32
        %dma_start3A_171 = tpu.memref_slice %arg11[%dma_start3A_168, %dma_start3A_169, %dma_start3A_170] : memref<4x80x128xf32, #tpu.memory_space<vmem>> -> memref<1x80x128xf32, #tpu.memory_space<vmem>>
        %dma_start3A_172 = tpu.memref_squeeze %dma_start3A_171 : memref<1x80x128xf32, #tpu.memory_space<vmem>> -> memref<80x128xf32, #tpu.memory_space<vmem>>
        %dma_start3A_173 = arith.constant 0 : i32
        %dma_start3A_174 = tpu.memref_slice %arg7[%dma_start3A_167, %dma_start3A_173] : memref<4x80xi32, #tpu.memory_space<vmem>> -> memref<1x80xi32, #tpu.memory_space<vmem>>
        %dma_start3A_175 = tpu.memref_squeeze %dma_start3A_174 : memref<1x80xi32, #tpu.memory_space<vmem>> -> memref<80xi32, #tpu.memory_space<vmem>>
        %dma_start3A_176 = arith.constant 0 : i32
        %dma_start3A_177 = arith.constant 0 : i32
        %dma_start3A_178 = tpu.memref_slice %arg3[%dma_start3A_176, %dma_start3A_177] : memref<1280000x128xf32, #tpu.memory_space<hbm>> -> memref<1280000x128xf32, #tpu.memory_space<hbm>>
        tpu.enqueue_indirect_dma source(%dma_start3A_178 : memref<1280000x128xf32, #tpu.memory_space<hbm>>) target(%dma_start3A_172 : memref<80x128xf32, #tpu.memory_space<vmem>>) offsets(%dma_start3A_175 : memref<80xi32, #tpu.memory_space<vmem>>) semaphore(%arg13 : memref<!tpu.dma_semaphore, #tpu.memory_space<semaphore_mem>>)
        %dma_start3A_179 = arith.constant 1 : i32
        %dma_start3A_180 = arith.constant 1 : i32
        %dma_start3A_181 = arith.constant 0 : i32
        %dma_start3A_182 = arith.constant 0 : i32
        %dma_start3A_183 = tpu.memref_slice %arg11[%dma_start3A_180, %dma_start3A_181, %dma_start3A_182] : memref<4x80x128xf32, #tpu.memory_space<vmem>> -> memref<1x80x128xf32, #tpu.memory_space<vmem>>
        %dma_start3A_184 = tpu.memref_squeeze %dma_start3A_183 : memref<1x80x128xf32, #tpu.memory_space<vmem>> -> memref<80x128xf32, #tpu.memory_space<vmem>>
        %dma_start3A_185 = arith.constant 0 : i32
        %dma_start3A_186 = tpu.memref_slice %arg7[%dma_start3A_179, %dma_start3A_185] : memref<4x80xi32, #tpu.memory_space<vmem>> -> memref<1x80xi32, #tpu.memory_space<vmem>>
        %dma_start3A_187 = tpu.memref_squeeze %dma_start3A_186 : memref<1x80xi32, #tpu.memory_space<vmem>> -> memref<80xi32, #tpu.memory_space<vmem>>
        %dma_start3A_188 = arith.constant 0 : i32
        %dma_start3A_189 = arith.constant 0 : i32
        %dma_start3A_190 = tpu.memref_slice %arg3[%dma_start3A_188, %dma_start3A_189] : memref<1280000x128xf32, #tpu.memory_space<hbm>> -> memref<1280000x128xf32, #tpu.memory_space<hbm>>
        tpu.enqueue_indirect_dma source(%dma_start3A_190 : memref<1280000x128xf32, #tpu.memory_space<hbm>>) target(%dma_start3A_184 : memref<80x128xf32, #tpu.memory_space<vmem>>) offsets(%dma_start3A_187 : memref<80xi32, #tpu.memory_space<vmem>>) semaphore(%arg13 : memref<!tpu.dma_semaphore, #tpu.memory_space<semaphore_mem>>)
        %dma_start3A_191 = arith.constant 2 : i32
        %dma_start3A_192 = arith.constant 2 : i32
        %dma_start3A_193 = arith.constant 0 : i32
        %dma_start3A_194 = arith.constant 0 : i32
        %dma_start3A_195 = tpu.memref_slice %arg11[%dma_start3A_192, %dma_start3A_193, %dma_start3A_194] : memref<4x80x128xf32, #tpu.memory_space<vmem>> -> memref<1x80x128xf32, #tpu.memory_space<vmem>>
        %dma_start3A_196 = tpu.memref_squeeze %dma_start3A_195 : memref<1x80x128xf32, #tpu.memory_space<vmem>> -> memref<80x128xf32, #tpu.memory_space<vmem>>
        %dma_start3A_197 = arith.constant 0 : i32
        %dma_start3A_198 = tpu.memref_slice %arg7[%dma_start3A_191, %dma_start3A_197] : memref<4x80xi32, #tpu.memory_space<vmem>> -> memref<1x80xi32, #tpu.memory_space<vmem>>
        %dma_start3A_199 = tpu.memref_squeeze %dma_start3A_198 : memref<1x80xi32, #tpu.memory_space<vmem>> -> memref<80xi32, #tpu.memory_space<vmem>>
        %dma_start3A_200 = arith.constant 0 : i32
        %dma_start3A_201 = arith.constant 0 : i32
        %dma_start3A_202 = tpu.memref_slice %arg3[%dma_start3A_200, %dma_start3A_201] : memref<1280000x128xf32, #tpu.memory_space<hbm>> -> memref<1280000x128xf32, #tpu.memory_space<hbm>>
        tpu.enqueue_indirect_dma source(%dma_start3A_202 : memref<1280000x128xf32, #tpu.memory_space<hbm>>) target(%dma_start3A_196 : memref<80x128xf32, #tpu.memory_space<vmem>>) offsets(%dma_start3A_199 : memref<80xi32, #tpu.memory_space<vmem>>) semaphore(%arg13 : memref<!tpu.dma_semaphore, #tpu.memory_space<semaphore_mem>>)
        %dma_start3A_203 = arith.constant 3 : i32
        %dma_start3A_204 = arith.constant 3 : i32
        %dma_start3A_205 = arith.constant 0 : i32
        %dma_start3A_206 = arith.constant 0 : i32
        %dma_start3A_207 = tpu.memref_slice %arg11[%dma_start3A_204, %dma_start3A_205, %dma_start3A_206] : memref<4x80x128xf32, #tpu.memory_space<vmem>> -> memref<1x80x128xf32, #tpu.memory_space<vmem>>
        %dma_start3A_208 = tpu.memref_squeeze %dma_start3A_207 : memref<1x80x128xf32, #tpu.memory_space<vmem>> -> memref<80x128xf32, #tpu.memory_space<vmem>>
        %dma_start3A_209 = arith.constant 0 : i32
        %dma_start3A_210 = tpu.memref_slice %arg7[%dma_start3A_203, %dma_start3A_209] : memref<4x80xi32, #tpu.memory_space<vmem>> -> memref<1x80xi32, #tpu.memory_space<vmem>>
        %dma_start3A_211 = tpu.memref_squeeze %dma_start3A_210 : memref<1x80xi32, #tpu.memory_space<vmem>> -> memref<80xi32, #tpu.memory_space<vmem>>
        %dma_start3A_212 = arith.constant 0 : i32
        %dma_start3A_213 = arith.constant 0 : i32
        %dma_start3A_214 = tpu.memref_slice %arg3[%dma_start3A_212, %dma_start3A_213] : memref<1280000x128xf32, #tpu.memory_space<hbm>> -> memref<1280000x128xf32, #tpu.memory_space<hbm>>
        tpu.enqueue_indirect_dma source(%dma_start3A_214 : memref<1280000x128xf32, #tpu.memory_space<hbm>>) target(%dma_start3A_208 : memref<80x128xf32, #tpu.memory_space<vmem>>) offsets(%dma_start3A_211 : memref<80xi32, #tpu.memory_space<vmem>>) semaphore(%arg13 : memref<!tpu.dma_semaphore, #tpu.memory_space<semaphore_mem>>)
        %add3A_215 = arith.addi %mul3A_2, %add3A_166 : i32
        %mul3A_216 = arith.constant 80 : i32
        %mul3A_217 = arith.muli %add3A_215, %mul3A_216 : i32
        %dma_start3A_218 = arith.constant 0 : i32
        %dma_start3A_219 = tpu.memref_slice %arg2[%mul3A_217, %dma_start3A_218] : memref<320000x128xf32, #tpu.memory_space<hbm>> -> memref<80x128xf32, #tpu.memory_space<hbm>>
        %dma_start3A_220 = arith.constant 0 : i32
        %dma_start3A_221 = tpu.memref_slice %arg2[%mul3A_217, %dma_start3A_220] : memref<320000x128xf32, #tpu.memory_space<hbm>> -> memref<80x128xf32, #tpu.memory_space<hbm>>
        tpu.enqueue_dma source(%dma_start3A_221 : memref<80x128xf32, #tpu.memory_space<hbm>>) target(%arg9 : memref<80x128xf32, #tpu.memory_space<vmem>>) target_semaphore(%arg13 : memref<!tpu.dma_semaphore, #tpu.memory_space<semaphore_mem>>)
      } else {
      }
      %add3A_133 = arith.constant 2 : i32
      %add3A_134 = arith.addi %mul3A_75, %add3A_133 : i32
      %lt3A_135 = arith.constant 125 : i32
      %lt3A_136 = arith.cmpi slt, %add3A_134, %lt3A_135 : i32
      %convert_element_type3A_137 = arith.extui %lt3A_136 : i1 to i32
      %cond3A_138 = arith.constant 0 : i32
      %cond3A_139 = arith.cmpi ne, %convert_element_type3A_137, %cond3A_138 : i32
      scf.if %cond3A_139 {
        %add3A_156 = arith.constant 2 : i32
        %add3A_157 = arith.addi %mul3A_75, %add3A_156 : i32
        %add3A_158 = arith.addi %mul3A_2, %add3A_157 : i32
        %dma_start3A_159 = arith.constant 0 : i32
        %dma_start3A_160 = arith.constant 0 : i32
        %dma_start3A_161 = tpu.memref_slice %arg4[%add3A_158, %dma_start3A_159, %dma_start3A_160] : memref<4000x4x80xi32, #tpu.memory_space<hbm>> -> memref<1x4x80xi32, #tpu.memory_space<hbm>>
        %dma_start3A_162 = tpu.memref_squeeze %dma_start3A_161 : memref<1x4x80xi32, #tpu.memory_space<hbm>> -> memref<4x80xi32, #tpu.memory_space<hbm>>
        %dma_start3A_163 = arith.constant 0 : i32
        %dma_start3A_164 = arith.constant 0 : i32
        %dma_start3A_165 = tpu.memref_slice %arg4[%add3A_158, %dma_start3A_163, %dma_start3A_164] : memref<4000x4x80xi32, #tpu.memory_space<hbm>> -> memref<1x4x80xi32, #tpu.memory_space<hbm>>
        %dma_start3A_166 = tpu.memref_squeeze %dma_start3A_165 : memref<1x4x80xi32, #tpu.memory_space<hbm>> -> memref<4x80xi32, #tpu.memory_space<hbm>>
        tpu.enqueue_dma source(%dma_start3A_166 : memref<4x80xi32, #tpu.memory_space<hbm>>) target(%arg6 : memref<4x80xi32, #tpu.memory_space<vmem>>) target_semaphore(%arg14 : memref<!tpu.dma_semaphore, #tpu.memory_space<semaphore_mem>>)
      } else {
      }
      %scan3A_140 = arith.constant 0 : i32
      %scan3A_141 = arith.constant 0 : i32
      %scan3A_142 = arith.constant 80 : i32
      %scan3A_143 = arith.addi %scan3A_141, %scan3A_142 : i32
      %scan3A_144 = arith.constant 1 : i32
      scf.for %scan3A_156 = %scan3A_141 to %scan3A_143 step %scan3A_144  : i32 {
        %get3A = arith.constant 0 : i32
        %get3A_157 = arith.index_cast %get3A : i32 to index
        %get3A_158 = arith.index_cast %scan3A_156 : i32 to index
        %get3A_159 = arith.constant 0 : index
        %get3A_160 = tpu.vector_load %arg10[%get3A_157, %get3A_158, %get3A_159] {strides = array<i32>} : memref<4x80x128xf32, #tpu.memory_space<vmem>>, vector<1x1x16xf32>,
        %get3A_161 = vector.shape_cast %get3A_160 : vector<1x1x16xf32> to vector<16xf32>
        %get3A_162 = arith.constant 1 : i32
        %get3A_163 = arith.index_cast %get3A_162 : i32 to index
        %get3A_164 = arith.index_cast %scan3A_156 : i32 to index
        %get3A_165 = arith.constant 0 : index
        %get3A_166 = tpu.vector_load %arg10[%get3A_163, %get3A_164, %get3A_165] {strides = array<i32>} : memref<4x80x128xf32, #tpu.memory_space<vmem>>, vector<1x1x16xf32>,
        %get3A_167 = vector.shape_cast %get3A_166 : vector<1x1x16xf32> to vector<16xf32>
        %add3A_168 = arith.addf %get3A_161, %get3A_167 : vector<16xf32>
        %get3A_169 = arith.constant 2 : i32
        %get3A_170 = arith.index_cast %get3A_169 : i32 to index
        %get3A_171 = arith.index_cast %scan3A_156 : i32 to index
        %get3A_172 = arith.constant 0 : index
        %get3A_173 = tpu.vector_load %arg10[%get3A_170, %get3A_171, %get3A_172] {strides = array<i32>} : memref<4x80x128xf32, #tpu.memory_space<vmem>>, vector<1x1x16xf32>,
        %get3A_174 = vector.shape_cast %get3A_173 : vector<1x1x16xf32> to vector<16xf32>
        %get3A_175 = arith.constant 3 : i32
        %get3A_176 = arith.index_cast %get3A_175 : i32 to index
        %get3A_177 = arith.index_cast %scan3A_156 : i32 to index
        %get3A_178 = arith.constant 0 : index
        %get3A_179 = tpu.vector_load %arg10[%get3A_176, %get3A_177, %get3A_178] {strides = array<i32>} : memref<4x80x128xf32, #tpu.memory_space<vmem>>, vector<1x1x16xf32>,
        %get3A_180 = vector.shape_cast %get3A_179 : vector<1x1x16xf32> to vector<16xf32>
        %add3A_181 = arith.addf %get3A_174, %get3A_180 : vector<16xf32>
        %get3A_182 = arith.index_cast %scan3A_156 : i32 to index
        %get3A_183 = arith.constant 0 : index
        %get3A_184 = tpu.vector_load %arg8[%get3A_182, %get3A_183] {strides = array<i32>} : memref<80x128xf32, #tpu.memory_space<vmem>>, vector<1x16xf32>,
        %get3A_185 = vector.shape_cast %get3A_184 : vector<1x16xf32> to vector<16xf32>
        %add3A_186 = arith.addf %add3A_168, %add3A_181 : vector<16xf32>
        %add3A_187 = arith.addf %get3A_185, %add3A_186 : vector<16xf32>
        %max3A = arith.constant 0.000000e+00 : f32
        %max3A_188 = vector.broadcast %max3A : f32 to vector<16xf32>
        %max3A_189 = arith.maximumf %add3A_187, %max3A_188 : vector<16xf32>
        %swap3A = arith.index_cast %scan3A_156 : i32 to index
        %swap3A_190 = arith.constant 0 : index
        %swap3A_191 = tpu.vector_load %arg8[%swap3A, %swap3A_190] {strides = array<i32>} : memref<80x128xf32, #tpu.memory_space<vmem>>, vector<1x16xf32>,
        %swap3A_192 = vector.shape_cast %swap3A_191 : vector<1x16xf32> to vector<16xf32>
        %swap3A_193 = vector.shape_cast %max3A_189 : vector<16xf32> to vector<1x16xf32>
        tpu.vector_store %arg8[%swap3A, %swap3A_190], %swap3A_193 {strides = array<i32>} : memref<80x128xf32, #tpu.memory_space<vmem>>, vector<1x16xf32>,
        %get3A_194 = arith.constant 0 : i32
        %get3A_195 = arith.index_cast %get3A_194 : i32 to index
        %get3A_196 = arith.index_cast %scan3A_156 : i32 to index
        %get3A_197 = arith.constant 16 : index
        %get3A_198 = tpu.vector_load %arg10[%get3A_195, %get3A_196, %get3A_197] {strides = array<i32>} : memref<4x80x128xf32, #tpu.memory_space<vmem>>, vector<1x1x16xf32>,
        %get3A_199 = vector.shape_cast %get3A_198 : vector<1x1x16xf32> to vector<16xf32>
        %get3A_200 = arith.constant 1 : i32
        %get3A_201 = arith.index_cast %get3A_200 : i32 to index
        %get3A_202 = arith.index_cast %scan3A_156 : i32 to index
        %get3A_203 = arith.constant 16 : index
        %get3A_204 = tpu.vector_load %arg10[%get3A_201, %get3A_202, %get3A_203] {strides = array<i32>} : memref<4x80x128xf32, #tpu.memory_space<vmem>>, vector<1x1x16xf32>,
        %get3A_205 = vector.shape_cast %get3A_204 : vector<1x1x16xf32> to vector<16xf32>
        %add3A_206 = arith.addf %get3A_199, %get3A_205 : vector<16xf32>
        %get3A_207 = arith.constant 2 : i32
        %get3A_208 = arith.index_cast %get3A_207 : i32 to index
        %get3A_209 = arith.index_cast %scan3A_156 : i32 to index
        %get3A_210 = arith.constant 16 : index
        %get3A_211 = tpu.vector_load %arg10[%get3A_208, %get3A_209, %get3A_210] {strides = array<i32>} : memref<4x80x128xf32, #tpu.memory_space<vmem>>, vector<1x1x16xf32>,
        %get3A_212 = vector.shape_cast %get3A_211 : vector<1x1x16xf32> to vector<16xf32>
        %get3A_213 = arith.constant 3 : i32
        %get3A_214 = arith.index_cast %get3A_213 : i32 to index
        %get3A_215 = arith.index_cast %scan3A_156 : i32 to index
        %get3A_216 = arith.constant 16 : index
        %get3A_217 = tpu.vector_load %arg10[%get3A_214, %get3A_215, %get3A_216] {strides = array<i32>} : memref<4x80x128xf32, #tpu.memory_space<vmem>>, vector<1x1x16xf32>,
        %get3A_218 = vector.shape_cast %get3A_217 : vector<1x1x16xf32> to vector<16xf32>
        %add3A_219 = arith.addf %get3A_212, %get3A_218 : vector<16xf32>
        %get3A_220 = arith.index_cast %scan3A_156 : i32 to index
        %get3A_221 = arith.constant 16 : index
        %get3A_222 = tpu.vector_load %arg8[%get3A_220, %get3A_221] {strides = array<i32>} : memref<80x128xf32, #tpu.memory_space<vmem>>, vector<1x16xf32>,
        %get3A_223 = vector.shape_cast %get3A_222 : vector<1x16xf32> to vector<16xf32>
        %add3A_224 = arith.addf %add3A_206, %add3A_219 : vector<16xf32>
        %add3A_225 = arith.addf %get3A_223, %add3A_224 : vector<16xf32>
        %max3A_226 = arith.constant 0.000000e+00 : f32
        %max3A_227 = vector.broadcast %max3A_226 : f32 to vector<16xf32>
        %max3A_228 = arith.maximumf %add3A_225, %max3A_227 : vector<16xf32>
        %swap3A_229 = arith.index_cast %scan3A_156 : i32 to index
        %swap3A_230 = arith.constant 16 : index
        %swap3A_231 = tpu.vector_load %arg8[%swap3A_229, %swap3A_230] {strides = array<i32>} : memref<80x128xf32, #tpu.memory_space<vmem>>, vector<1x16xf32>,
        %swap3A_232 = vector.shape_cast %swap3A_231 : vector<1x16xf32> to vector<16xf32>
        %swap3A_233 = vector.shape_cast %max3A_228 : vector<16xf32> to vector<1x16xf32>
        tpu.vector_store %arg8[%swap3A_229, %swap3A_230], %swap3A_233 {strides = array<i32>} : memref<80x128xf32, #tpu.memory_space<vmem>>, vector<1x16xf32>,
        %get3A_234 = arith.constant 0 : i32
        %get3A_235 = arith.index_cast %get3A_234 : i32 to index
        %get3A_236 = arith.index_cast %scan3A_156 : i32 to index
        %get3A_237 = arith.constant 32 : index
        %get3A_238 = tpu.vector_load %arg10[%get3A_235, %get3A_236, %get3A_237] {strides = array<i32>} : memref<4x80x128xf32, #tpu.memory_space<vmem>>, vector<1x1x16xf32>,
        %get3A_239 = vector.shape_cast %get3A_238 : vector<1x1x16xf32> to vector<16xf32>
        %get3A_240 = arith.constant 1 : i32
        %get3A_241 = arith.index_cast %get3A_240 : i32 to index
        %get3A_242 = arith.index_cast %scan3A_156 : i32 to index
        %get3A_243 = arith.constant 32 : index
        %get3A_244 = tpu.vector_load %arg10[%get3A_241, %get3A_242, %get3A_243] {strides = array<i32>} : memref<4x80x128xf32, #tpu.memory_space<vmem>>, vector<1x1x16xf32>,
        %get3A_245 = vector.shape_cast %get3A_244 : vector<1x1x16xf32> to vector<16xf32>
        %add3A_246 = arith.addf %get3A_239, %get3A_245 : vector<16xf32>
        %get3A_247 = arith.constant 2 : i32
        %get3A_248 = arith.index_cast %get3A_247 : i32 to index
        %get3A_249 = arith.index_cast %scan3A_156 : i32 to index
        %get3A_250 = arith.constant 32 : index
        %get3A_251 = tpu.vector_load %arg10[%get3A_248, %get3A_249, %get3A_250] {strides = array<i32>} : memref<4x80x128xf32, #tpu.memory_space<vmem>>, vector<1x1x16xf32>,
        %get3A_252 = vector.shape_cast %get3A_251 : vector<1x1x16xf32> to vector<16xf32>
        %get3A_253 = arith.constant 3 : i32
        %get3A_254 = arith.index_cast %get3A_253 : i32 to index
        %get3A_255 = arith.index_cast %scan3A_156 : i32 to index
        %get3A_256 = arith.constant 32 : index
        %get3A_257 = tpu.vector_load %arg10[%get3A_254, %get3A_255, %get3A_256] {strides = array<i32>} : memref<4x80x128xf32, #tpu.memory_space<vmem>>, vector<1x1x16xf32>,
        %get3A_258 = vector.shape_cast %get3A_257 : vector<1x1x16xf32> to vector<16xf32>
        %add3A_259 = arith.addf %get3A_252, %get3A_258 : vector<16xf32>
        %get3A_260 = arith.index_cast %scan3A_156 : i32 to index
        %get3A_261 = arith.constant 32 : index
        %get3A_262 = tpu.vector_load %arg8[%get3A_260, %get3A_261] {strides = array<i32>} : memref<80x128xf32, #tpu.memory_space<vmem>>, vector<1x16xf32>,
        %get3A_263 = vector.shape_cast %get3A_262 : vector<1x16xf32> to vector<16xf32>
        %add3A_264 = arith.addf %add3A_246, %add3A_259 : vector<16xf32>
        %add3A_265 = arith.addf %get3A_263, %add3A_264 : vector<16xf32>
        %max3A_266 = arith.constant 0.000000e+00 : f32
        %max3A_267 = vector.broadcast %max3A_266 : f32 to vector<16xf32>
        %max3A_268 = arith.maximumf %add3A_265, %max3A_267 : vector<16xf32>
        %swap3A_269 = arith.index_cast %scan3A_156 : i32 to index
        %swap3A_270 = arith.constant 32 : index
        %swap3A_271 = tpu.vector_load %arg8[%swap3A_269, %swap3A_270] {strides = array<i32>} : memref<80x128xf32, #tpu.memory_space<vmem>>, vector<1x16xf32>,
        %swap3A_272 = vector.shape_cast %swap3A_271 : vector<1x16xf32> to vector<16xf32>
        %swap3A_273 = vector.shape_cast %max3A_268 : vector<16xf32> to vector<1x16xf32>
        tpu.vector_store %arg8[%swap3A_269, %swap3A_270], %swap3A_273 {strides = array<i32>} : memref<80x128xf32, #tpu.memory_space<vmem>>, vector<1x16xf32>,
        %get3A_274 = arith.constant 0 : i32
        %get3A_275 = arith.index_cast %get3A_274 : i32 to index
        %get3A_276 = arith.index_cast %scan3A_156 : i32 to index
        %get3A_277 = arith.constant 48 : index
        %get3A_278 = tpu.vector_load %arg10[%get3A_275, %get3A_276, %get3A_277] {strides = array<i32>} : memref<4x80x128xf32, #tpu.memory_space<vmem>>, vector<1x1x16xf32>,
        %get3A_279 = vector.shape_cast %get3A_278 : vector<1x1x16xf32> to vector<16xf32>
        %get3A_280 = arith.constant 1 : i32
        %get3A_281 = arith.index_cast %get3A_280 : i32 to index
        %get3A_282 = arith.index_cast %scan3A_156 : i32 to index
        %get3A_283 = arith.constant 48 : index
        %get3A_284 = tpu.vector_load %arg10[%get3A_281, %get3A_282, %get3A_283] {strides = array<i32>} : memref<4x80x128xf32, #tpu.memory_space<vmem>>, vector<1x1x16xf32>,
        %get3A_285 = vector.shape_cast %get3A_284 : vector<1x1x16xf32> to vector<16xf32>
        %add3A_286 = arith.addf %get3A_279, %get3A_285 : vector<16xf32>
        %get3A_287 = arith.constant 2 : i32
        %get3A_288 = arith.index_cast %get3A_287 : i32 to index
        %get3A_289 = arith.index_cast %scan3A_156 : i32 to index
        %get3A_290 = arith.constant 48 : index
        %get3A_291 = tpu.vector_load %arg10[%get3A_288, %get3A_289, %get3A_290] {strides = array<i32>} : memref<4x80x128xf32, #tpu.memory_space<vmem>>, vector<1x1x16xf32>,
        %get3A_292 = vector.shape_cast %get3A_291 : vector<1x1x16xf32> to vector<16xf32>
        %get3A_293 = arith.constant 3 : i32
        %get3A_294 = arith.index_cast %get3A_293 : i32 to index
        %get3A_295 = arith.index_cast %scan3A_156 : i32 to index
        %get3A_296 = arith.constant 48 : index
        %get3A_297 = tpu.vector_load %arg10[%get3A_294, %get3A_295, %get3A_296] {strides = array<i32>} : memref<4x80x128xf32, #tpu.memory_space<vmem>>, vector<1x1x16xf32>,
        %get3A_298 = vector.shape_cast %get3A_297 : vector<1x1x16xf32> to vector<16xf32>
        %add3A_299 = arith.addf %get3A_292, %get3A_298 : vector<16xf32>
        %get3A_300 = arith.index_cast %scan3A_156 : i32 to index
        %get3A_301 = arith.constant 48 : index
        %get3A_302 = tpu.vector_load %arg8[%get3A_300, %get3A_301] {strides = array<i32>} : memref<80x128xf32, #tpu.memory_space<vmem>>, vector<1x16xf32>,
        %get3A_303 = vector.shape_cast %get3A_302 : vector<1x16xf32> to vector<16xf32>
        %add3A_304 = arith.addf %add3A_286, %add3A_299 : vector<16xf32>
        %add3A_305 = arith.addf %get3A_303, %add3A_304 : vector<16xf32>
        %max3A_306 = arith.constant 0.000000e+00 : f32
        %max3A_307 = vector.broadcast %max3A_306 : f32 to vector<16xf32>
        %max3A_308 = arith.maximumf %add3A_305, %max3A_307 : vector<16xf32>
        %swap3A_309 = arith.index_cast %scan3A_156 : i32 to index
        %swap3A_310 = arith.constant 48 : index
        %swap3A_311 = tpu.vector_load %arg8[%swap3A_309, %swap3A_310] {strides = array<i32>} : memref<80x128xf32, #tpu.memory_space<vmem>>, vector<1x16xf32>,
        %swap3A_312 = vector.shape_cast %swap3A_311 : vector<1x16xf32> to vector<16xf32>
        %swap3A_313 = vector.shape_cast %max3A_308 : vector<16xf32> to vector<1x16xf32>
        tpu.vector_store %arg8[%swap3A_309, %swap3A_310], %swap3A_313 {strides = array<i32>} : memref<80x128xf32, #tpu.memory_space<vmem>>, vector<1x16xf32>,
        %get3A_314 = arith.constant 0 : i32
        %get3A_315 = arith.index_cast %get3A_314 : i32 to index
        %get3A_316 = arith.index_cast %scan3A_156 : i32 to index
        %get3A_317 = arith.constant 64 : index
        %get3A_318 = tpu.vector_load %arg10[%get3A_315, %get3A_316, %get3A_317] {strides = array<i32>} : memref<4x80x128xf32, #tpu.memory_space<vmem>>, vector<1x1x16xf32>,
        %get3A_319 = vector.shape_cast %get3A_318 : vector<1x1x16xf32> to vector<16xf32>
        %get3A_320 = arith.constant 1 : i32
        %get3A_321 = arith.index_cast %get3A_320 : i32 to index
        %get3A_322 = arith.index_cast %scan3A_156 : i32 to index
        %get3A_323 = arith.constant 64 : index
        %get3A_324 = tpu.vector_load %arg10[%get3A_321, %get3A_322, %get3A_323] {strides = array<i32>} : memref<4x80x128xf32, #tpu.memory_space<vmem>>, vector<1x1x16xf32>,
        %get3A_325 = vector.shape_cast %get3A_324 : vector<1x1x16xf32> to vector<16xf32>
        %add3A_326 = arith.addf %get3A_319, %get3A_325 : vector<16xf32>
        %get3A_327 = arith.constant 2 : i32
        %get3A_328 = arith.index_cast %get3A_327 : i32 to index
        %get3A_329 = arith.index_cast %scan3A_156 : i32 to index
        %get3A_330 = arith.constant 64 : index
        %get3A_331 = tpu.vector_load %arg10[%get3A_328, %get3A_329, %get3A_330] {strides = array<i32>} : memref<4x80x128xf32, #tpu.memory_space<vmem>>, vector<1x1x16xf32>,
        %get3A_332 = vector.shape_cast %get3A_331 : vector<1x1x16xf32> to vector<16xf32>
        %get3A_333 = arith.constant 3 : i32
        %get3A_334 = arith.index_cast %get3A_333 : i32 to index
        %get3A_335 = arith.index_cast %scan3A_156 : i32 to index
        %get3A_336 = arith.constant 64 : index
        %get3A_337 = tpu.vector_load %arg10[%get3A_334, %get3A_335, %get3A_336] {strides = array<i32>} : memref<4x80x128xf32, #tpu.memory_space<vmem>>, vector<1x1x16xf32>,
        %get3A_338 = vector.shape_cast %get3A_337 : vector<1x1x16xf32> to vector<16xf32>
        %add3A_339 = arith.addf %get3A_332, %get3A_338 : vector<16xf32>
        %get3A_340 = arith.index_cast %scan3A_156 : i32 to index
        %get3A_341 = arith.constant 64 : index
        %get3A_342 = tpu.vector_load %arg8[%get3A_340, %get3A_341] {strides = array<i32>} : memref<80x128xf32, #tpu.memory_space<vmem>>, vector<1x16xf32>,
        %get3A_343 = vector.shape_cast %get3A_342 : vector<1x16xf32> to vector<16xf32>
        %add3A_344 = arith.addf %add3A_326, %add3A_339 : vector<16xf32>
        %add3A_345 = arith.addf %get3A_343, %add3A_344 : vector<16xf32>
        %max3A_346 = arith.constant 0.000000e+00 : f32
        %max3A_347 = vector.broadcast %max3A_346 : f32 to vector<16xf32>
        %max3A_348 = arith.maximumf %add3A_345, %max3A_347 : vector<16xf32>
        %swap3A_349 = arith.index_cast %scan3A_156 : i32 to index
        %swap3A_350 = arith.constant 64 : index
        %swap3A_351 = tpu.vector_load %arg8[%swap3A_349, %swap3A_350] {strides = array<i32>} : memref<80x128xf32, #tpu.memory_space<vmem>>, vector<1x16xf32>,
        %swap3A_352 = vector.shape_cast %swap3A_351 : vector<1x16xf32> to vector<16xf32>
        %swap3A_353 = vector.shape_cast %max3A_348 : vector<16xf32> to vector<1x16xf32>
        tpu.vector_store %arg8[%swap3A_349, %swap3A_350], %swap3A_353 {strides = array<i32>} : memref<80x128xf32, #tpu.memory_space<vmem>>, vector<1x16xf32>,
        %get3A_354 = arith.constant 0 : i32
        %get3A_355 = arith.index_cast %get3A_354 : i32 to index
        %get3A_356 = arith.index_cast %scan3A_156 : i32 to index
        %get3A_357 = arith.constant 80 : index
        %get3A_358 = tpu.vector_load %arg10[%get3A_355, %get3A_356, %get3A_357] {strides = array<i32>} : memref<4x80x128xf32, #tpu.memory_space<vmem>>, vector<1x1x16xf32>,
        %get3A_359 = vector.shape_cast %get3A_358 : vector<1x1x16xf32> to vector<16xf32>
        %get3A_360 = arith.constant 1 : i32
        %get3A_361 = arith.index_cast %get3A_360 : i32 to index
        %get3A_362 = arith.index_cast %scan3A_156 : i32 to index
        %get3A_363 = arith.constant 80 : index
        %get3A_364 = tpu.vector_load %arg10[%get3A_361, %get3A_362, %get3A_363] {strides = array<i32>} : memref<4x80x128xf32, #tpu.memory_space<vmem>>, vector<1x1x16xf32>,
        %get3A_365 = vector.shape_cast %get3A_364 : vector<1x1x16xf32> to vector<16xf32>
        %add3A_366 = arith.addf %get3A_359, %get3A_365 : vector<16xf32>
        %get3A_367 = arith.constant 2 : i32
        %get3A_368 = arith.index_cast %get3A_367 : i32 to index
        %get3A_369 = arith.index_cast %scan3A_156 : i32 to index
        %get3A_370 = arith.constant 80 : index
        %get3A_371 = tpu.vector_load %arg10[%get3A_368, %get3A_369, %get3A_370] {strides = array<i32>} : memref<4x80x128xf32, #tpu.memory_space<vmem>>, vector<1x1x16xf32>,
        %get3A_372 = vector.shape_cast %get3A_371 : vector<1x1x16xf32> to vector<16xf32>
        %get3A_373 = arith.constant 3 : i32
        %get3A_374 = arith.index_cast %get3A_373 : i32 to index
        %get3A_375 = arith.index_cast %scan3A_156 : i32 to index
        %get3A_376 = arith.constant 80 : index
        %get3A_377 = tpu.vector_load %arg10[%get3A_374, %get3A_375, %get3A_376] {strides = array<i32>} : memref<4x80x128xf32, #tpu.memory_space<vmem>>, vector<1x1x16xf32>,
        %get3A_378 = vector.shape_cast %get3A_377 : vector<1x1x16xf32> to vector<16xf32>
        %add3A_379 = arith.addf %get3A_372, %get3A_378 : vector<16xf32>
        %get3A_380 = arith.index_cast %scan3A_156 : i32 to index
        %get3A_381 = arith.constant 80 : index
        %get3A_382 = tpu.vector_load %arg8[%get3A_380, %get3A_381] {strides = array<i32>} : memref<80x128xf32, #tpu.memory_space<vmem>>, vector<1x16xf32>,
        %get3A_383 = vector.shape_cast %get3A_382 : vector<1x16xf32> to vector<16xf32>
        %add3A_384 = arith.addf %add3A_366, %add3A_379 : vector<16xf32>
        %add3A_385 = arith.addf %get3A_383, %add3A_384 : vector<16xf32>
        %max3A_386 = arith.constant 0.000000e+00 : f32
        %max3A_387 = vector.broadcast %max3A_386 : f32 to vector<16xf32>
        %max3A_388 = arith.maximumf %add3A_385, %max3A_387 : vector<16xf32>
        %swap3A_389 = arith.index_cast %scan3A_156 : i32 to index
        %swap3A_390 = arith.constant 80 : index
        %swap3A_391 = tpu.vector_load %arg8[%swap3A_389, %swap3A_390] {strides = array<i32>} : memref<80x128xf32, #tpu.memory_space<vmem>>, vector<1x16xf32>,
        %swap3A_392 = vector.shape_cast %swap3A_391 : vector<1x16xf32> to vector<16xf32>
        %swap3A_393 = vector.shape_cast %max3A_388 : vector<16xf32> to vector<1x16xf32>
        tpu.vector_store %arg8[%swap3A_389, %swap3A_390], %swap3A_393 {strides = array<i32>} : memref<80x128xf32, #tpu.memory_space<vmem>>, vector<1x16xf32>,
        %get3A_394 = arith.constant 0 : i32
        %get3A_395 = arith.index_cast %get3A_394 : i32 to index
        %get3A_396 = arith.index_cast %scan3A_156 : i32 to index
        %get3A_397 = arith.constant 96 : index
        %get3A_398 = tpu.vector_load %arg10[%get3A_395, %get3A_396, %get3A_397] {strides = array<i32>} : memref<4x80x128xf32, #tpu.memory_space<vmem>>, vector<1x1x16xf32>,
        %get3A_399 = vector.shape_cast %get3A_398 : vector<1x1x16xf32> to vector<16xf32>
        %get3A_400 = arith.constant 1 : i32
        %get3A_401 = arith.index_cast %get3A_400 : i32 to index
        %get3A_402 = arith.index_cast %scan3A_156 : i32 to index
        %get3A_403 = arith.constant 96 : index
        %get3A_404 = tpu.vector_load %arg10[%get3A_401, %get3A_402, %get3A_403] {strides = array<i32>} : memref<4x80x128xf32, #tpu.memory_space<vmem>>, vector<1x1x16xf32>,
        %get3A_405 = vector.shape_cast %get3A_404 : vector<1x1x16xf32> to vector<16xf32>
        %add3A_406 = arith.addf %get3A_399, %get3A_405 : vector<16xf32>
        %get3A_407 = arith.constant 2 : i32
        %get3A_408 = arith.index_cast %get3A_407 : i32 to index
        %get3A_409 = arith.index_cast %scan3A_156 : i32 to index
        %get3A_410 = arith.constant 96 : index
        %get3A_411 = tpu.vector_load %arg10[%get3A_408, %get3A_409, %get3A_410] {strides = array<i32>} : memref<4x80x128xf32, #tpu.memory_space<vmem>>, vector<1x1x16xf32>,
        %get3A_412 = vector.shape_cast %get3A_411 : vector<1x1x16xf32> to vector<16xf32>
        %get3A_413 = arith.constant 3 : i32
        %get3A_414 = arith.index_cast %get3A_413 : i32 to index
        %get3A_415 = arith.index_cast %scan3A_156 : i32 to index
        %get3A_416 = arith.constant 96 : index
        %get3A_417 = tpu.vector_load %arg10[%get3A_414, %get3A_415, %get3A_416] {strides = array<i32>} : memref<4x80x128xf32, #tpu.memory_space<vmem>>, vector<1x1x16xf32>,
        %get3A_418 = vector.shape_cast %get3A_417 : vector<1x1x16xf32> to vector<16xf32>
        %add3A_419 = arith.addf %get3A_412, %get3A_418 : vector<16xf32>
        %get3A_420 = arith.index_cast %scan3A_156 : i32 to index
        %get3A_421 = arith.constant 96 : index
        %get3A_422 = tpu.vector_load %arg8[%get3A_420, %get3A_421] {strides = array<i32>} : memref<80x128xf32, #tpu.memory_space<vmem>>, vector<1x16xf32>,
        %get3A_423 = vector.shape_cast %get3A_422 : vector<1x16xf32> to vector<16xf32>
        %add3A_424 = arith.addf %add3A_406, %add3A_419 : vector<16xf32>
        %add3A_425 = arith.addf %get3A_423, %add3A_424 : vector<16xf32>
        %max3A_426 = arith.constant 0.000000e+00 : f32
        %max3A_427 = vector.broadcast %max3A_426 : f32 to vector<16xf32>
        %max3A_428 = arith.maximumf %add3A_425, %max3A_427 : vector<16xf32>
        %swap3A_429 = arith.index_cast %scan3A_156 : i32 to index
        %swap3A_430 = arith.constant 96 : index
        %swap3A_431 = tpu.vector_load %arg8[%swap3A_429, %swap3A_430] {strides = array<i32>} : memref<80x128xf32, #tpu.memory_space<vmem>>, vector<1x16xf32>,
        %swap3A_432 = vector.shape_cast %swap3A_431 : vector<1x16xf32> to vector<16xf32>
        %swap3A_433 = vector.shape_cast %max3A_428 : vector<16xf32> to vector<1x16xf32>
        tpu.vector_store %arg8[%swap3A_429, %swap3A_430], %swap3A_433 {strides = array<i32>} : memref<80x128xf32, #tpu.memory_space<vmem>>, vector<1x16xf32>,
        %get3A_434 = arith.constant 0 : i32
        %get3A_435 = arith.index_cast %get3A_434 : i32 to index
        %get3A_436 = arith.index_cast %scan3A_156 : i32 to index
        %get3A_437 = arith.constant 112 : index
        %get3A_438 = tpu.vector_load %arg10[%get3A_435, %get3A_436, %get3A_437] {strides = array<i32>} : memref<4x80x128xf32, #tpu.memory_space<vmem>>, vector<1x1x16xf32>,
        %get3A_439 = vector.shape_cast %get3A_438 : vector<1x1x16xf32> to vector<16xf32>
        %get3A_440 = arith.constant 1 : i32
        %get3A_441 = arith.index_cast %get3A_440 : i32 to index
        %get3A_442 = arith.index_cast %scan3A_156 : i32 to index
        %get3A_443 = arith.constant 112 : index
        %get3A_444 = tpu.vector_load %arg10[%get3A_441, %get3A_442, %get3A_443] {strides = array<i32>} : memref<4x80x128xf32, #tpu.memory_space<vmem>>, vector<1x1x16xf32>,
        %get3A_445 = vector.shape_cast %get3A_444 : vector<1x1x16xf32> to vector<16xf32>
        %add3A_446 = arith.addf %get3A_439, %get3A_445 : vector<16xf32>
        %get3A_447 = arith.constant 2 : i32
        %get3A_448 = arith.index_cast %get3A_447 : i32 to index
        %get3A_449 = arith.index_cast %scan3A_156 : i32 to index
        %get3A_450 = arith.constant 112 : index
        %get3A_451 = tpu.vector_load %arg10[%get3A_448, %get3A_449, %get3A_450] {strides = array<i32>} : memref<4x80x128xf32, #tpu.memory_space<vmem>>, vector<1x1x16xf32>,
        %get3A_452 = vector.shape_cast %get3A_451 : vector<1x1x16xf32> to vector<16xf32>
        %get3A_453 = arith.constant 3 : i32
        %get3A_454 = arith.index_cast %get3A_453 : i32 to index
        %get3A_455 = arith.index_cast %scan3A_156 : i32 to index
        %get3A_456 = arith.constant 112 : index
        %get3A_457 = tpu.vector_load %arg10[%get3A_454, %get3A_455, %get3A_456] {strides = array<i32>} : memref<4x80x128xf32, #tpu.memory_space<vmem>>, vector<1x1x16xf32>,
        %get3A_458 = vector.shape_cast %get3A_457 : vector<1x1x16xf32> to vector<16xf32>
        %add3A_459 = arith.addf %get3A_452, %get3A_458 : vector<16xf32>
        %get3A_460 = arith.index_cast %scan3A_156 : i32 to index
        %get3A_461 = arith.constant 112 : index
        %get3A_462 = tpu.vector_load %arg8[%get3A_460, %get3A_461] {strides = array<i32>} : memref<80x128xf32, #tpu.memory_space<vmem>>, vector<1x16xf32>,
        %get3A_463 = vector.shape_cast %get3A_462 : vector<1x16xf32> to vector<16xf32>
        %add3A_464 = arith.addf %add3A_446, %add3A_459 : vector<16xf32>
        %add3A_465 = arith.addf %get3A_463, %add3A_464 : vector<16xf32>
        %max3A_466 = arith.constant 0.000000e+00 : f32
        %max3A_467 = vector.broadcast %max3A_466 : f32 to vector<16xf32>
        %max3A_468 = arith.maximumf %add3A_465, %max3A_467 : vector<16xf32>
        %swap3A_469 = arith.index_cast %scan3A_156 : i32 to index
        %swap3A_470 = arith.constant 112 : index
        %swap3A_471 = tpu.vector_load %arg8[%swap3A_469, %swap3A_470] {strides = array<i32>} : memref<80x128xf32, #tpu.memory_space<vmem>>, vector<1x16xf32>,
        %swap3A_472 = vector.shape_cast %swap3A_471 : vector<1x16xf32> to vector<16xf32>
        %swap3A_473 = vector.shape_cast %max3A_468 : vector<16xf32> to vector<1x16xf32>
        tpu.vector_store %arg8[%swap3A_469, %swap3A_470], %swap3A_473 {strides = array<i32>} : memref<80x128xf32, #tpu.memory_space<vmem>>, vector<1x16xf32>,
      }
      %scan3A_145 = arith.constant 80 : i32
      %add3A_146 = arith.addi %mul3A_2, %mul3A_75 : i32
      %mul3A_147 = arith.constant 80 : i32
      %mul3A_148 = arith.muli %add3A_146, %mul3A_147 : i32
      "tpu.region"() ({
        %run_scoped3A = tpu.sem_alloc : memref<!tpu.dma_semaphore, #tpu.memory_space<semaphore_mem>>
        %dma_start3A_156 = arith.constant 0 : i32
        %dma_start3A_157 = tpu.memref_slice %arg5[%mul3A_148, %dma_start3A_156] : memref<320000x128xf32, #tpu.memory_space<hbm>> -> memref<80x128xf32, #tpu.memory_space<hbm>>
        %dma_start3A_158 = arith.constant 0 : i32
        %dma_start3A_159 = tpu.memref_slice %arg5[%mul3A_148, %dma_start3A_158] : memref<320000x128xf32, #tpu.memory_space<hbm>> -> memref<80x128xf32, #tpu.memory_space<hbm>>
        tpu.enqueue_dma source(%arg8 : memref<80x128xf32, #tpu.memory_space<vmem>>) target(%dma_start3A_159 : memref<80x128xf32, #tpu.memory_space<hbm>>) target_semaphore(%run_scoped3A : memref<!tpu.dma_semaphore, #tpu.memory_space<semaphore_mem>>)
        %dma_wait3A_160 = arith.constant 0 : i32
        %dma_wait3A_161 = tpu.memref_slice %arg5[%mul3A_148, %dma_wait3A_160] : memref<320000x128xf32, #tpu.memory_space<hbm>> -> memref<80x128xf32, #tpu.memory_space<hbm>>
        %dma_wait3A_162 = arith.constant 0 : i32
        %dma_wait3A_163 = tpu.memref_slice %arg5[%mul3A_148, %dma_wait3A_162] : memref<320000x128xf32, #tpu.memory_space<hbm>> -> memref<80x128xf32, #tpu.memory_space<hbm>>
        tpu.wait_dma2 semaphore(%run_scoped3A : memref<!tpu.dma_semaphore, #tpu.memory_space<semaphore_mem>>) src(%arg8 : memref<80x128xf32, #tpu.memory_space<vmem>>) dst(%dma_wait3A_163 : memref<80x128xf32, #tpu.memory_space<hbm>>)
        tpu.yield
      }) : () -> ()
      %add3A_149 = arith.constant 1 : i32
      %add3A_150 = arith.addi %mul3A_75, %add3A_149 : i32
      %lt3A_151 = arith.constant 125 : i32
      %lt3A_152 = arith.cmpi slt, %add3A_150, %lt3A_151 : i32
      %convert_element_type3A_153 = arith.extui %lt3A_152 : i1 to i32
      %cond3A_154 = arith.constant 0 : i32
      %cond3A_155 = arith.cmpi ne, %convert_element_type3A_153, %cond3A_154 : i32
      scf.if %cond3A_155 {
        %add3A_156 = arith.constant 1 : i32
        %add3A_157 = arith.addi %mul3A_75, %add3A_156 : i32
        %dma_wait3A_158 = arith.constant 0 : i32
        %dma_wait3A_159 = arith.constant 0 : i32
        %dma_wait3A_160 = arith.constant 0 : i32
        %dma_wait3A_161 = arith.constant 0 : i32
        %dma_wait3A_162 = tpu.memref_slice %arg11[%dma_wait3A_159, %dma_wait3A_160, %dma_wait3A_161] : memref<4x80x128xf32, #tpu.memory_space<vmem>> -> memref<1x80x128xf32, #tpu.memory_space<vmem>>
        %dma_wait3A_163 = tpu.memref_squeeze %dma_wait3A_162 : memref<1x80x128xf32, #tpu.memory_space<vmem>> -> memref<80x128xf32, #tpu.memory_space<vmem>>
        %dma_wait3A_164 = arith.constant 0 : i32
        %dma_wait3A_165 = tpu.memref_slice %arg7[%dma_wait3A_158, %dma_wait3A_164] : memref<4x80xi32, #tpu.memory_space<vmem>> -> memref<1x80xi32, #tpu.memory_space<vmem>>
        %dma_wait3A_166 = tpu.memref_squeeze %dma_wait3A_165 : memref<1x80xi32, #tpu.memory_space<vmem>> -> memref<80xi32, #tpu.memory_space<vmem>>
        %dma_wait3A_167 = arith.constant 0 : i32
        %dma_wait3A_168 = arith.constant 0 : i32
        %dma_wait3A_169 = tpu.memref_slice %arg3[%dma_wait3A_167, %dma_wait3A_168] : memref<1280000x128xf32, #tpu.memory_space<hbm>> -> memref<1280000x128xf32, #tpu.memory_space<hbm>>
        tpu.wait_indirect_dma semaphore(%arg13 : memref<!tpu.dma_semaphore, #tpu.memory_space<semaphore_mem>>) src(%dma_wait3A_169 : memref<1280000x128xf32, #tpu.memory_space<hbm>>) dst(%dma_wait3A_163 : memref<80x128xf32, #tpu.memory_space<vmem>>)
        %dma_wait3A_170 = arith.constant 1 : i32
        %dma_wait3A_171 = arith.constant 1 : i32
        %dma_wait3A_172 = arith.constant 0 : i32
        %dma_wait3A_173 = arith.constant 0 : i32
        %dma_wait3A_174 = tpu.memref_slice %arg11[%dma_wait3A_171, %dma_wait3A_172, %dma_wait3A_173] : memref<4x80x128xf32, #tpu.memory_space<vmem>> -> memref<1x80x128xf32, #tpu.memory_space<vmem>>
        %dma_wait3A_175 = tpu.memref_squeeze %dma_wait3A_174 : memref<1x80x128xf32, #tpu.memory_space<vmem>> -> memref<80x128xf32, #tpu.memory_space<vmem>>
        %dma_wait3A_176 = arith.constant 0 : i32
        %dma_wait3A_177 = tpu.memref_slice %arg7[%dma_wait3A_170, %dma_wait3A_176] : memref<4x80xi32, #tpu.memory_space<vmem>> -> memref<1x80xi32, #tpu.memory_space<vmem>>
        %dma_wait3A_178 = tpu.memref_squeeze %dma_wait3A_177 : memref<1x80xi32, #tpu.memory_space<vmem>> -> memref<80xi32, #tpu.memory_space<vmem>>
        %dma_wait3A_179 = arith.constant 0 : i32
        %dma_wait3A_180 = arith.constant 0 : i32
        %dma_wait3A_181 = tpu.memref_slice %arg3[%dma_wait3A_179, %dma_wait3A_180] : memref<1280000x128xf32, #tpu.memory_space<hbm>> -> memref<1280000x128xf32, #tpu.memory_space<hbm>>
        tpu.wait_indirect_dma semaphore(%arg13 : memref<!tpu.dma_semaphore, #tpu.memory_space<semaphore_mem>>) src(%dma_wait3A_181 : memref<1280000x128xf32, #tpu.memory_space<hbm>>) dst(%dma_wait3A_175 : memref<80x128xf32, #tpu.memory_space<vmem>>)
        %dma_wait3A_182 = arith.constant 2 : i32
        %dma_wait3A_183 = arith.constant 2 : i32
        %dma_wait3A_184 = arith.constant 0 : i32
        %dma_wait3A_185 = arith.constant 0 : i32
        %dma_wait3A_186 = tpu.memref_slice %arg11[%dma_wait3A_183, %dma_wait3A_184, %dma_wait3A_185] : memref<4x80x128xf32, #tpu.memory_space<vmem>> -> memref<1x80x128xf32, #tpu.memory_space<vmem>>
        %dma_wait3A_187 = tpu.memref_squeeze %dma_wait3A_186 : memref<1x80x128xf32, #tpu.memory_space<vmem>> -> memref<80x128xf32, #tpu.memory_space<vmem>>
        %dma_wait3A_188 = arith.constant 0 : i32
        %dma_wait3A_189 = tpu.memref_slice %arg7[%dma_wait3A_182, %dma_wait3A_188] : memref<4x80xi32, #tpu.memory_space<vmem>> -> memref<1x80xi32, #tpu.memory_space<vmem>>
        %dma_wait3A_190 = tpu.memref_squeeze %dma_wait3A_189 : memref<1x80xi32, #tpu.memory_space<vmem>> -> memref<80xi32, #tpu.memory_space<vmem>>
        %dma_wait3A_191 = arith.constant 0 : i32
        %dma_wait3A_192 = arith.constant 0 : i32
        %dma_wait3A_193 = tpu.memref_slice %arg3[%dma_wait3A_191, %dma_wait3A_192] : memref<1280000x128xf32, #tpu.memory_space<hbm>> -> memref<1280000x128xf32, #tpu.memory_space<hbm>>
        tpu.wait_indirect_dma semaphore(%arg13 : memref<!tpu.dma_semaphore, #tpu.memory_space<semaphore_mem>>) src(%dma_wait3A_193 : memref<1280000x128xf32, #tpu.memory_space<hbm>>) dst(%dma_wait3A_187 : memref<80x128xf32, #tpu.memory_space<vmem>>)
        %dma_wait3A_194 = arith.constant 3 : i32
        %dma_wait3A_195 = arith.constant 3 : i32
        %dma_wait3A_196 = arith.constant 0 : i32
        %dma_wait3A_197 = arith.constant 0 : i32
        %dma_wait3A_198 = tpu.memref_slice %arg11[%dma_wait3A_195, %dma_wait3A_196, %dma_wait3A_197] : memref<4x80x128xf32, #tpu.memory_space<vmem>> -> memref<1x80x128xf32, #tpu.memory_space<vmem>>
        %dma_wait3A_199 = tpu.memref_squeeze %dma_wait3A_198 : memref<1x80x128xf32, #tpu.memory_space<vmem>> -> memref<80x128xf32, #tpu.memory_space<vmem>>
        %dma_wait3A_200 = arith.constant 0 : i32
        %dma_wait3A_201 = tpu.memref_slice %arg7[%dma_wait3A_194, %dma_wait3A_200] : memref<4x80xi32, #tpu.memory_space<vmem>> -> memref<1x80xi32, #tpu.memory_space<vmem>>
        %dma_wait3A_202 = tpu.memref_squeeze %dma_wait3A_201 : memref<1x80xi32, #tpu.memory_space<vmem>> -> memref<80xi32, #tpu.memory_space<vmem>>
        %dma_wait3A_203 = arith.constant 0 : i32
        %dma_wait3A_204 = arith.constant 0 : i32
        %dma_wait3A_205 = tpu.memref_slice %arg3[%dma_wait3A_203, %dma_wait3A_204] : memref<1280000x128xf32, #tpu.memory_space<hbm>> -> memref<1280000x128xf32, #tpu.memory_space<hbm>>
        tpu.wait_indirect_dma semaphore(%arg13 : memref<!tpu.dma_semaphore, #tpu.memory_space<semaphore_mem>>) src(%dma_wait3A_205 : memref<1280000x128xf32, #tpu.memory_space<hbm>>) dst(%dma_wait3A_199 : memref<80x128xf32, #tpu.memory_space<vmem>>)
        %dma_wait3A_206 = arith.constant 0 : i32
        %dma_wait3A_207 = arith.constant 0 : i32
        %dma_wait3A_208 = tpu.memref_slice %arg2[%dma_wait3A_206, %dma_wait3A_207] : memref<320000x128xf32, #tpu.memory_space<hbm>> -> memref<80x128xf32, #tpu.memory_space<hbm>>
        %dma_wait3A_209 = arith.constant 0 : i32
        %dma_wait3A_210 = arith.constant 0 : i32
        %dma_wait3A_211 = tpu.memref_slice %arg2[%dma_wait3A_209, %dma_wait3A_210] : memref<320000x128xf32, #tpu.memory_space<hbm>> -> memref<80x128xf32, #tpu.memory_space<hbm>>
        tpu.wait_dma2 semaphore(%arg13 : memref<!tpu.dma_semaphore, #tpu.memory_space<semaphore_mem>>) src(%dma_wait3A_211 : memref<80x128xf32, #tpu.memory_space<hbm>>) dst(%arg9 : memref<80x128xf32, #tpu.memory_space<vmem>>)
        %add3A_212 = arith.constant 1 : i32
        %add3A_213 = arith.addi %add3A_157, %add3A_212 : i32
        %lt3A_214 = arith.constant 125 : i32
        %lt3A_215 = arith.cmpi slt, %add3A_213, %lt3A_214 : i32
        %convert_element_type3A_216 = arith.extui %lt3A_215 : i1 to i32
        %cond3A_217 = arith.constant 0 : i32
        %cond3A_218 = arith.cmpi ne, %convert_element_type3A_216, %cond3A_217 : i32
        scf.if %cond3A_218 {
          %dma_wait3A_235 = arith.constant 0 : i32
          %dma_wait3A_236 = arith.constant 0 : i32
          %dma_wait3A_237 = arith.constant 0 : i32
          %dma_wait3A_238 = tpu.memref_slice %arg4[%dma_wait3A_235, %dma_wait3A_236, %dma_wait3A_237] : memref<4000x4x80xi32, #tpu.memory_space<hbm>> -> memref<1x4x80xi32, #tpu.memory_space<hbm>>
          %dma_wait3A_239 = tpu.memref_squeeze %dma_wait3A_238 : memref<1x4x80xi32, #tpu.memory_space<hbm>> -> memref<4x80xi32, #tpu.memory_space<hbm>>
          %dma_wait3A_240 = arith.constant 0 : i32
          %dma_wait3A_241 = arith.constant 0 : i32
          %dma_wait3A_242 = tpu.memref_slice %arg4[%dma_wait3A_235, %dma_wait3A_240, %dma_wait3A_241] : memref<4000x4x80xi32, #tpu.memory_space<hbm>> -> memref<1x4x80xi32, #tpu.memory_space<hbm>>
          %dma_wait3A_243 = tpu.memref_squeeze %dma_wait3A_242 : memref<1x4x80xi32, #tpu.memory_space<hbm>> -> memref<4x80xi32, #tpu.memory_space<hbm>>
          tpu.wait_dma2 semaphore(%arg14 : memref<!tpu.dma_semaphore, #tpu.memory_space<semaphore_mem>>) src(%dma_wait3A_243 : memref<4x80xi32, #tpu.memory_space<hbm>>) dst(%arg6 : memref<4x80xi32, #tpu.memory_space<vmem>>)
          %add3A_244 = arith.constant 1 : i32
          %add3A_245 = arith.addi %add3A_157, %add3A_244 : i32
          %dma_start3A_246 = arith.constant 0 : i32
          %dma_start3A_247 = arith.constant 0 : i32
          %dma_start3A_248 = arith.constant 0 : i32
          %dma_start3A_249 = arith.constant 0 : i32
          %dma_start3A_250 = tpu.memref_slice %arg10[%dma_start3A_247, %dma_start3A_248, %dma_start3A_249] : memref<4x80x128xf32, #tpu.memory_space<vmem>> -> memref<1x80x128xf32, #tpu.memory_space<vmem>>
          %dma_start3A_251 = tpu.memref_squeeze %dma_start3A_250 : memref<1x80x128xf32, #tpu.memory_space<vmem>> -> memref<80x128xf32, #tpu.memory_space<vmem>>
          %dma_start3A_252 = arith.constant 0 : i32
          %dma_start3A_253 = tpu.memref_slice %arg6[%dma_start3A_246, %dma_start3A_252] : memref<4x80xi32, #tpu.memory_space<vmem>> -> memref<1x80xi32, #tpu.memory_space<vmem>>
          %dma_start3A_254 = tpu.memref_squeeze %dma_start3A_253 : memref<1x80xi32, #tpu.memory_space<vmem>> -> memref<80xi32, #tpu.memory_space<vmem>>
          %dma_start3A_255 = arith.constant 0 : i32
          %dma_start3A_256 = arith.constant 0 : i32
          %dma_start3A_257 = tpu.memref_slice %arg3[%dma_start3A_255, %dma_start3A_256] : memref<1280000x128xf32, #tpu.memory_space<hbm>> -> memref<1280000x128xf32, #tpu.memory_space<hbm>>
          tpu.enqueue_indirect_dma source(%dma_start3A_257 : memref<1280000x128xf32, #tpu.memory_space<hbm>>) target(%dma_start3A_251 : memref<80x128xf32, #tpu.memory_space<vmem>>) offsets(%dma_start3A_254 : memref<80xi32, #tpu.memory_space<vmem>>) semaphore(%arg12 : memref<!tpu.dma_semaphore, #tpu.memory_space<semaphore_mem>>)
          %dma_start3A_258 = arith.constant 1 : i32
          %dma_start3A_259 = arith.constant 1 : i32
          %dma_start3A_260 = arith.constant 0 : i32
          %dma_start3A_261 = arith.constant 0 : i32
          %dma_start3A_262 = tpu.memref_slice %arg10[%dma_start3A_259, %dma_start3A_260, %dma_start3A_261] : memref<4x80x128xf32, #tpu.memory_space<vmem>> -> memref<1x80x128xf32, #tpu.memory_space<vmem>>
          %dma_start3A_263 = tpu.memref_squeeze %dma_start3A_262 : memref<1x80x128xf32, #tpu.memory_space<vmem>> -> memref<80x128xf32, #tpu.memory_space<vmem>>
          %dma_start3A_264 = arith.constant 0 : i32
          %dma_start3A_265 = tpu.memref_slice %arg6[%dma_start3A_258, %dma_start3A_264] : memref<4x80xi32, #tpu.memory_space<vmem>> -> memref<1x80xi32, #tpu.memory_space<vmem>>
          %dma_start3A_266 = tpu.memref_squeeze %dma_start3A_265 : memref<1x80xi32, #tpu.memory_space<vmem>> -> memref<80xi32, #tpu.memory_space<vmem>>
          %dma_start3A_267 = arith.constant 0 : i32
          %dma_start3A_268 = arith.constant 0 : i32
          %dma_start3A_269 = tpu.memref_slice %arg3[%dma_start3A_267, %dma_start3A_268] : memref<1280000x128xf32, #tpu.memory_space<hbm>> -> memref<1280000x128xf32, #tpu.memory_space<hbm>>
          tpu.enqueue_indirect_dma source(%dma_start3A_269 : memref<1280000x128xf32, #tpu.memory_space<hbm>>) target(%dma_start3A_263 : memref<80x128xf32, #tpu.memory_space<vmem>>) offsets(%dma_start3A_266 : memref<80xi32, #tpu.memory_space<vmem>>) semaphore(%arg12 : memref<!tpu.dma_semaphore, #tpu.memory_space<semaphore_mem>>)
          %dma_start3A_270 = arith.constant 2 : i32
          %dma_start3A_271 = arith.constant 2 : i32
          %dma_start3A_272 = arith.constant 0 : i32
          %dma_start3A_273 = arith.constant 0 : i32
          %dma_start3A_274 = tpu.memref_slice %arg10[%dma_start3A_271, %dma_start3A_272, %dma_start3A_273] : memref<4x80x128xf32, #tpu.memory_space<vmem>> -> memref<1x80x128xf32, #tpu.memory_space<vmem>>
          %dma_start3A_275 = tpu.memref_squeeze %dma_start3A_274 : memref<1x80x128xf32, #tpu.memory_space<vmem>> -> memref<80x128xf32, #tpu.memory_space<vmem>>
          %dma_start3A_276 = arith.constant 0 : i32
          %dma_start3A_277 = tpu.memref_slice %arg6[%dma_start3A_270, %dma_start3A_276] : memref<4x80xi32, #tpu.memory_space<vmem>> -> memref<1x80xi32, #tpu.memory_space<vmem>>
          %dma_start3A_278 = tpu.memref_squeeze %dma_start3A_277 : memref<1x80xi32, #tpu.memory_space<vmem>> -> memref<80xi32, #tpu.memory_space<vmem>>
          %dma_start3A_279 = arith.constant 0 : i32
          %dma_start3A_280 = arith.constant 0 : i32
          %dma_start3A_281 = tpu.memref_slice %arg3[%dma_start3A_279, %dma_start3A_280] : memref<1280000x128xf32, #tpu.memory_space<hbm>> -> memref<1280000x128xf32, #tpu.memory_space<hbm>>
          tpu.enqueue_indirect_dma source(%dma_start3A_281 : memref<1280000x128xf32, #tpu.memory_space<hbm>>) target(%dma_start3A_275 : memref<80x128xf32, #tpu.memory_space<vmem>>) offsets(%dma_start3A_278 : memref<80xi32, #tpu.memory_space<vmem>>) semaphore(%arg12 : memref<!tpu.dma_semaphore, #tpu.memory_space<semaphore_mem>>)
          %dma_start3A_282 = arith.constant 3 : i32
          %dma_start3A_283 = arith.constant 3 : i32
          %dma_start3A_284 = arith.constant 0 : i32
          %dma_start3A_285 = arith.constant 0 : i32
          %dma_start3A_286 = tpu.memref_slice %arg10[%dma_start3A_283, %dma_start3A_284, %dma_start3A_285] : memref<4x80x128xf32, #tpu.memory_space<vmem>> -> memref<1x80x128xf32, #tpu.memory_space<vmem>>
          %dma_start3A_287 = tpu.memref_squeeze %dma_start3A_286 : memref<1x80x128xf32, #tpu.memory_space<vmem>> -> memref<80x128xf32, #tpu.memory_space<vmem>>
          %dma_start3A_288 = arith.constant 0 : i32
          %dma_start3A_289 = tpu.memref_slice %arg6[%dma_start3A_282, %dma_start3A_288] : memref<4x80xi32, #tpu.memory_space<vmem>> -> memref<1x80xi32, #tpu.memory_space<vmem>>
          %dma_start3A_290 = tpu.memref_squeeze %dma_start3A_289 : memref<1x80xi32, #tpu.memory_space<vmem>> -> memref<80xi32, #tpu.memory_space<vmem>>
          %dma_start3A_291 = arith.constant 0 : i32
          %dma_start3A_292 = arith.constant 0 : i32
          %dma_start3A_293 = tpu.memref_slice %arg3[%dma_start3A_291, %dma_start3A_292] : memref<1280000x128xf32, #tpu.memory_space<hbm>> -> memref<1280000x128xf32, #tpu.memory_space<hbm>>
          tpu.enqueue_indirect_dma source(%dma_start3A_293 : memref<1280000x128xf32, #tpu.memory_space<hbm>>) target(%dma_start3A_287 : memref<80x128xf32, #tpu.memory_space<vmem>>) offsets(%dma_start3A_290 : memref<80xi32, #tpu.memory_space<vmem>>) semaphore(%arg12 : memref<!tpu.dma_semaphore, #tpu.memory_space<semaphore_mem>>)
          %add3A_294 = arith.addi %mul3A_2, %add3A_245 : i32
          %mul3A_295 = arith.constant 80 : i32
          %mul3A_296 = arith.muli %add3A_294, %mul3A_295 : i32
          %dma_start3A_297 = arith.constant 0 : i32
          %dma_start3A_298 = tpu.memref_slice %arg2[%mul3A_296, %dma_start3A_297] : memref<320000x128xf32, #tpu.memory_space<hbm>> -> memref<80x128xf32, #tpu.memory_space<hbm>>
          %dma_start3A_299 = arith.constant 0 : i32
          %dma_start3A_300 = tpu.memref_slice %arg2[%mul3A_296, %dma_start3A_299] : memref<320000x128xf32, #tpu.memory_space<hbm>> -> memref<80x128xf32, #tpu.memory_space<hbm>>
          tpu.enqueue_dma source(%dma_start3A_300 : memref<80x128xf32, #tpu.memory_space<hbm>>) target(%arg8 : memref<80x128xf32, #tpu.memory_space<vmem>>) target_semaphore(%arg12 : memref<!tpu.dma_semaphore, #tpu.memory_space<semaphore_mem>>)
        } else {
        }
        %add3A_219 = arith.constant 2 : i32
        %add3A_220 = arith.addi %add3A_157, %add3A_219 : i32
        %lt3A_221 = arith.constant 125 : i32
        %lt3A_222 = arith.cmpi slt, %add3A_220, %lt3A_221 : i32
        %convert_element_type3A_223 = arith.extui %lt3A_222 : i1 to i32
        %cond3A_224 = arith.constant 0 : i32
        %cond3A_225 = arith.cmpi ne, %convert_element_type3A_223, %cond3A_224 : i32
        scf.if %cond3A_225 {
          %add3A_235 = arith.constant 2 : i32
          %add3A_236 = arith.addi %add3A_157, %add3A_235 : i32
          %add3A_237 = arith.addi %mul3A_2, %add3A_236 : i32
          %dma_start3A_238 = arith.constant 0 : i32
          %dma_start3A_239 = arith.constant 0 : i32
          %dma_start3A_240 = tpu.memref_slice %arg4[%add3A_237, %dma_start3A_238, %dma_start3A_239] : memref<4000x4x80xi32, #tpu.memory_space<hbm>> -> memref<1x4x80xi32, #tpu.memory_space<hbm>>
          %dma_start3A_241 = tpu.memref_squeeze %dma_start3A_240 : memref<1x4x80xi32, #tpu.memory_space<hbm>> -> memref<4x80xi32, #tpu.memory_space<hbm>>
          %dma_start3A_242 = arith.constant 0 : i32
          %dma_start3A_243 = arith.constant 0 : i32
          %dma_start3A_244 = tpu.memref_slice %arg4[%add3A_237, %dma_start3A_242, %dma_start3A_243] : memref<4000x4x80xi32, #tpu.memory_space<hbm>> -> memref<1x4x80xi32, #tpu.memory_space<hbm>>
          %dma_start3A_245 = tpu.memref_squeeze %dma_start3A_244 : memref<1x4x80xi32, #tpu.memory_space<hbm>> -> memref<4x80xi32, #tpu.memory_space<hbm>>
          tpu.enqueue_dma source(%dma_start3A_245 : memref<4x80xi32, #tpu.memory_space<hbm>>) target(%arg7 : memref<4x80xi32, #tpu.memory_space<vmem>>) target_semaphore(%arg15 : memref<!tpu.dma_semaphore, #tpu.memory_space<semaphore_mem>>)
        } else {
        }
        %scan3A_226 = arith.constant 0 : i32
        %scan3A_227 = arith.constant 0 : i32
        %scan3A_228 = arith.constant 80 : i32
        %scan3A_229 = arith.addi %scan3A_227, %scan3A_228 : i32
        %scan3A_230 = arith.constant 1 : i32
        scf.for %scan3A_235 = %scan3A_227 to %scan3A_229 step %scan3A_230  : i32 {
          %get3A = arith.constant 0 : i32
          %get3A_236 = arith.index_cast %get3A : i32 to index
          %get3A_237 = arith.index_cast %scan3A_235 : i32 to index
          %get3A_238 = arith.constant 0 : index
          %get3A_239 = tpu.vector_load %arg11[%get3A_236, %get3A_237, %get3A_238] {strides = array<i32>} : memref<4x80x128xf32, #tpu.memory_space<vmem>>, vector<1x1x16xf32>,
          %get3A_240 = vector.shape_cast %get3A_239 : vector<1x1x16xf32> to vector<16xf32>
          %get3A_241 = arith.constant 1 : i32
          %get3A_242 = arith.index_cast %get3A_241 : i32 to index
          %get3A_243 = arith.index_cast %scan3A_235 : i32 to index
          %get3A_244 = arith.constant 0 : index
          %get3A_245 = tpu.vector_load %arg11[%get3A_242, %get3A_243, %get3A_244] {strides = array<i32>} : memref<4x80x128xf32, #tpu.memory_space<vmem>>, vector<1x1x16xf32>,
          %get3A_246 = vector.shape_cast %get3A_245 : vector<1x1x16xf32> to vector<16xf32>
          %add3A_247 = arith.addf %get3A_240, %get3A_246 : vector<16xf32>
          %get3A_248 = arith.constant 2 : i32
          %get3A_249 = arith.index_cast %get3A_248 : i32 to index
          %get3A_250 = arith.index_cast %scan3A_235 : i32 to index
          %get3A_251 = arith.constant 0 : index
          %get3A_252 = tpu.vector_load %arg11[%get3A_249, %get3A_250, %get3A_251] {strides = array<i32>} : memref<4x80x128xf32, #tpu.memory_space<vmem>>, vector<1x1x16xf32>,
          %get3A_253 = vector.shape_cast %get3A_252 : vector<1x1x16xf32> to vector<16xf32>
          %get3A_254 = arith.constant 3 : i32
          %get3A_255 = arith.index_cast %get3A_254 : i32 to index
          %get3A_256 = arith.index_cast %scan3A_235 : i32 to index
          %get3A_257 = arith.constant 0 : index
          %get3A_258 = tpu.vector_load %arg11[%get3A_255, %get3A_256, %get3A_257] {strides = array<i32>} : memref<4x80x128xf32, #tpu.memory_space<vmem>>, vector<1x1x16xf32>,
          %get3A_259 = vector.shape_cast %get3A_258 : vector<1x1x16xf32> to vector<16xf32>
          %add3A_260 = arith.addf %get3A_253, %get3A_259 : vector<16xf32>
          %get3A_261 = arith.index_cast %scan3A_235 : i32 to index
          %get3A_262 = arith.constant 0 : index
          %get3A_263 = tpu.vector_load %arg9[%get3A_261, %get3A_262] {strides = array<i32>} : memref<80x128xf32, #tpu.memory_space<vmem>>, vector<1x16xf32>,
          %get3A_264 = vector.shape_cast %get3A_263 : vector<1x16xf32> to vector<16xf32>
          %add3A_265 = arith.addf %add3A_247, %add3A_260 : vector<16xf32>
          %add3A_266 = arith.addf %get3A_264, %add3A_265 : vector<16xf32>
          %max3A = arith.constant 0.000000e+00 : f32
          %max3A_267 = vector.broadcast %max3A : f32 to vector<16xf32>
          %max3A_268 = arith.maximumf %add3A_266, %max3A_267 : vector<16xf32>
          %swap3A = arith.index_cast %scan3A_235 : i32 to index
          %swap3A_269 = arith.constant 0 : index
          %swap3A_270 = tpu.vector_load %arg9[%swap3A, %swap3A_269] {strides = array<i32>} : memref<80x128xf32, #tpu.memory_space<vmem>>, vector<1x16xf32>,
          %swap3A_271 = vector.shape_cast %swap3A_270 : vector<1x16xf32> to vector<16xf32>
          %swap3A_272 = vector.shape_cast %max3A_268 : vector<16xf32> to vector<1x16xf32>
          tpu.vector_store %arg9[%swap3A, %swap3A_269], %swap3A_272 {strides = array<i32>} : memref<80x128xf32, #tpu.memory_space<vmem>>, vector<1x16xf32>,
          %get3A_273 = arith.constant 0 : i32
          %get3A_274 = arith.index_cast %get3A_273 : i32 to index
          %get3A_275 = arith.index_cast %scan3A_235 : i32 to index
          %get3A_276 = arith.constant 16 : index
          %get3A_277 = tpu.vector_load %arg11[%get3A_274, %get3A_275, %get3A_276] {strides = array<i32>} : memref<4x80x128xf32, #tpu.memory_space<vmem>>, vector<1x1x16xf32>,
          %get3A_278 = vector.shape_cast %get3A_277 : vector<1x1x16xf32> to vector<16xf32>
          %get3A_279 = arith.constant 1 : i32
          %get3A_280 = arith.index_cast %get3A_279 : i32 to index
          %get3A_281 = arith.index_cast %scan3A_235 : i32 to index
          %get3A_282 = arith.constant 16 : index
          %get3A_283 = tpu.vector_load %arg11[%get3A_280, %get3A_281, %get3A_282] {strides = array<i32>} : memref<4x80x128xf32, #tpu.memory_space<vmem>>, vector<1x1x16xf32>,
          %get3A_284 = vector.shape_cast %get3A_283 : vector<1x1x16xf32> to vector<16xf32>
          %add3A_285 = arith.addf %get3A_278, %get3A_284 : vector<16xf32>
          %get3A_286 = arith.constant 2 : i32
          %get3A_287 = arith.index_cast %get3A_286 : i32 to index
          %get3A_288 = arith.index_cast %scan3A_235 : i32 to index
          %get3A_289 = arith.constant 16 : index
          %get3A_290 = tpu.vector_load %arg11[%get3A_287, %get3A_288, %get3A_289] {strides = array<i32>} : memref<4x80x128xf32, #tpu.memory_space<vmem>>, vector<1x1x16xf32>,
          %get3A_291 = vector.shape_cast %get3A_290 : vector<1x1x16xf32> to vector<16xf32>
          %get3A_292 = arith.constant 3 : i32
          %get3A_293 = arith.index_cast %get3A_292 : i32 to index
          %get3A_294 = arith.index_cast %scan3A_235 : i32 to index
          %get3A_295 = arith.constant 16 : index
          %get3A_296 = tpu.vector_load %arg11[%get3A_293, %get3A_294, %get3A_295] {strides = array<i32>} : memref<4x80x128xf32, #tpu.memory_space<vmem>>, vector<1x1x16xf32>,
          %get3A_297 = vector.shape_cast %get3A_296 : vector<1x1x16xf32> to vector<16xf32>
          %add3A_298 = arith.addf %get3A_291, %get3A_297 : vector<16xf32>
          %get3A_299 = arith.index_cast %scan3A_235 : i32 to index
          %get3A_300 = arith.constant 16 : index
          %get3A_301 = tpu.vector_load %arg9[%get3A_299, %get3A_300] {strides = array<i32>} : memref<80x128xf32, #tpu.memory_space<vmem>>, vector<1x16xf32>,
          %get3A_302 = vector.shape_cast %get3A_301 : vector<1x16xf32> to vector<16xf32>
          %add3A_303 = arith.addf %add3A_285, %add3A_298 : vector<16xf32>
          %add3A_304 = arith.addf %get3A_302, %add3A_303 : vector<16xf32>
          %max3A_305 = arith.constant 0.000000e+00 : f32
          %max3A_306 = vector.broadcast %max3A_305 : f32 to vector<16xf32>
          %max3A_307 = arith.maximumf %add3A_304, %max3A_306 : vector<16xf32>
          %swap3A_308 = arith.index_cast %scan3A_235 : i32 to index
          %swap3A_309 = arith.constant 16 : index
          %swap3A_310 = tpu.vector_load %arg9[%swap3A_308, %swap3A_309] {strides = array<i32>} : memref<80x128xf32, #tpu.memory_space<vmem>>, vector<1x16xf32>,
          %swap3A_311 = vector.shape_cast %swap3A_310 : vector<1x16xf32> to vector<16xf32>
          %swap3A_312 = vector.shape_cast %max3A_307 : vector<16xf32> to vector<1x16xf32>
          tpu.vector_store %arg9[%swap3A_308, %swap3A_309], %swap3A_312 {strides = array<i32>} : memref<80x128xf32, #tpu.memory_space<vmem>>, vector<1x16xf32>,
          %get3A_313 = arith.constant 0 : i32
          %get3A_314 = arith.index_cast %get3A_313 : i32 to index
          %get3A_315 = arith.index_cast %scan3A_235 : i32 to index
          %get3A_316 = arith.constant 32 : index
          %get3A_317 = tpu.vector_load %arg11[%get3A_314, %get3A_315, %get3A_316] {strides = array<i32>} : memref<4x80x128xf32, #tpu.memory_space<vmem>>, vector<1x1x16xf32>,
          %get3A_318 = vector.shape_cast %get3A_317 : vector<1x1x16xf32> to vector<16xf32>
          %get3A_319 = arith.constant 1 : i32
          %get3A_320 = arith.index_cast %get3A_319 : i32 to index
          %get3A_321 = arith.index_cast %scan3A_235 : i32 to index
          %get3A_322 = arith.constant 32 : index
          %get3A_323 = tpu.vector_load %arg11[%get3A_320, %get3A_321, %get3A_322] {strides = array<i32>} : memref<4x80x128xf32, #tpu.memory_space<vmem>>, vector<1x1x16xf32>,
          %get3A_324 = vector.shape_cast %get3A_323 : vector<1x1x16xf32> to vector<16xf32>
          %add3A_325 = arith.addf %get3A_318, %get3A_324 : vector<16xf32>
          %get3A_326 = arith.constant 2 : i32
          %get3A_327 = arith.index_cast %get3A_326 : i32 to index
          %get3A_328 = arith.index_cast %scan3A_235 : i32 to index
          %get3A_329 = arith.constant 32 : index
          %get3A_330 = tpu.vector_load %arg11[%get3A_327, %get3A_328, %get3A_329] {strides = array<i32>} : memref<4x80x128xf32, #tpu.memory_space<vmem>>, vector<1x1x16xf32>,
          %get3A_331 = vector.shape_cast %get3A_330 : vector<1x1x16xf32> to vector<16xf32>
          %get3A_332 = arith.constant 3 : i32
          %get3A_333 = arith.index_cast %get3A_332 : i32 to index
          %get3A_334 = arith.index_cast %scan3A_235 : i32 to index
          %get3A_335 = arith.constant 32 : index
          %get3A_336 = tpu.vector_load %arg11[%get3A_333, %get3A_334, %get3A_335] {strides = array<i32>} : memref<4x80x128xf32, #tpu.memory_space<vmem>>, vector<1x1x16xf32>,
          %get3A_337 = vector.shape_cast %get3A_336 : vector<1x1x16xf32> to vector<16xf32>
          %add3A_338 = arith.addf %get3A_331, %get3A_337 : vector<16xf32>
          %get3A_339 = arith.index_cast %scan3A_235 : i32 to index
          %get3A_340 = arith.constant 32 : index
          %get3A_341 = tpu.vector_load %arg9[%get3A_339, %get3A_340] {strides = array<i32>} : memref<80x128xf32, #tpu.memory_space<vmem>>, vector<1x16xf32>,
          %get3A_342 = vector.shape_cast %get3A_341 : vector<1x16xf32> to vector<16xf32>
          %add3A_343 = arith.addf %add3A_325, %add3A_338 : vector<16xf32>
          %add3A_344 = arith.addf %get3A_342, %add3A_343 : vector<16xf32>
          %max3A_345 = arith.constant 0.000000e+00 : f32
          %max3A_346 = vector.broadcast %max3A_345 : f32 to vector<16xf32>
          %max3A_347 = arith.maximumf %add3A_344, %max3A_346 : vector<16xf32>
          %swap3A_348 = arith.index_cast %scan3A_235 : i32 to index
          %swap3A_349 = arith.constant 32 : index
          %swap3A_350 = tpu.vector_load %arg9[%swap3A_348, %swap3A_349] {strides = array<i32>} : memref<80x128xf32, #tpu.memory_space<vmem>>, vector<1x16xf32>,
          %swap3A_351 = vector.shape_cast %swap3A_350 : vector<1x16xf32> to vector<16xf32>
          %swap3A_352 = vector.shape_cast %max3A_347 : vector<16xf32> to vector<1x16xf32>
          tpu.vector_store %arg9[%swap3A_348, %swap3A_349], %swap3A_352 {strides = array<i32>} : memref<80x128xf32, #tpu.memory_space<vmem>>, vector<1x16xf32>,
          %get3A_353 = arith.constant 0 : i32
          %get3A_354 = arith.index_cast %get3A_353 : i32 to index
          %get3A_355 = arith.index_cast %scan3A_235 : i32 to index
          %get3A_356 = arith.constant 48 : index
          %get3A_357 = tpu.vector_load %arg11[%get3A_354, %get3A_355, %get3A_356] {strides = array<i32>} : memref<4x80x128xf32, #tpu.memory_space<vmem>>, vector<1x1x16xf32>,
          %get3A_358 = vector.shape_cast %get3A_357 : vector<1x1x16xf32> to vector<16xf32>
          %get3A_359 = arith.constant 1 : i32
          %get3A_360 = arith.index_cast %get3A_359 : i32 to index
          %get3A_361 = arith.index_cast %scan3A_235 : i32 to index
          %get3A_362 = arith.constant 48 : index
          %get3A_363 = tpu.vector_load %arg11[%get3A_360, %get3A_361, %get3A_362] {strides = array<i32>} : memref<4x80x128xf32, #tpu.memory_space<vmem>>, vector<1x1x16xf32>,
          %get3A_364 = vector.shape_cast %get3A_363 : vector<1x1x16xf32> to vector<16xf32>
          %add3A_365 = arith.addf %get3A_358, %get3A_364 : vector<16xf32>
          %get3A_366 = arith.constant 2 : i32
          %get3A_367 = arith.index_cast %get3A_366 : i32 to index
          %get3A_368 = arith.index_cast %scan3A_235 : i32 to index
          %get3A_369 = arith.constant 48 : index
          %get3A_370 = tpu.vector_load %arg11[%get3A_367, %get3A_368, %get3A_369] {strides = array<i32>} : memref<4x80x128xf32, #tpu.memory_space<vmem>>, vector<1x1x16xf32>,
          %get3A_371 = vector.shape_cast %get3A_370 : vector<1x1x16xf32> to vector<16xf32>
          %get3A_372 = arith.constant 3 : i32
          %get3A_373 = arith.index_cast %get3A_372 : i32 to index
          %get3A_374 = arith.index_cast %scan3A_235 : i32 to index
          %get3A_375 = arith.constant 48 : index
          %get3A_376 = tpu.vector_load %arg11[%get3A_373, %get3A_374, %get3A_375] {strides = array<i32>} : memref<4x80x128xf32, #tpu.memory_space<vmem>>, vector<1x1x16xf32>,
          %get3A_377 = vector.shape_cast %get3A_376 : vector<1x1x16xf32> to vector<16xf32>
          %add3A_378 = arith.addf %get3A_371, %get3A_377 : vector<16xf32>
          %get3A_379 = arith.index_cast %scan3A_235 : i32 to index
          %get3A_380 = arith.constant 48 : index
          %get3A_381 = tpu.vector_load %arg9[%get3A_379, %get3A_380] {strides = array<i32>} : memref<80x128xf32, #tpu.memory_space<vmem>>, vector<1x16xf32>,
          %get3A_382 = vector.shape_cast %get3A_381 : vector<1x16xf32> to vector<16xf32>
          %add3A_383 = arith.addf %add3A_365, %add3A_378 : vector<16xf32>
          %add3A_384 = arith.addf %get3A_382, %add3A_383 : vector<16xf32>
          %max3A_385 = arith.constant 0.000000e+00 : f32
          %max3A_386 = vector.broadcast %max3A_385 : f32 to vector<16xf32>
          %max3A_387 = arith.maximumf %add3A_384, %max3A_386 : vector<16xf32>
          %swap3A_388 = arith.index_cast %scan3A_235 : i32 to index
          %swap3A_389 = arith.constant 48 : index
          %swap3A_390 = tpu.vector_load %arg9[%swap3A_388, %swap3A_389] {strides = array<i32>} : memref<80x128xf32, #tpu.memory_space<vmem>>, vector<1x16xf32>,
          %swap3A_391 = vector.shape_cast %swap3A_390 : vector<1x16xf32> to vector<16xf32>
          %swap3A_392 = vector.shape_cast %max3A_387 : vector<16xf32> to vector<1x16xf32>
          tpu.vector_store %arg9[%swap3A_388, %swap3A_389], %swap3A_392 {strides = array<i32>} : memref<80x128xf32, #tpu.memory_space<vmem>>, vector<1x16xf32>,
          %get3A_393 = arith.constant 0 : i32
          %get3A_394 = arith.index_cast %get3A_393 : i32 to index
          %get3A_395 = arith.index_cast %scan3A_235 : i32 to index
          %get3A_396 = arith.constant 64 : index
          %get3A_397 = tpu.vector_load %arg11[%get3A_394, %get3A_395, %get3A_396] {strides = array<i32>} : memref<4x80x128xf32, #tpu.memory_space<vmem>>, vector<1x1x16xf32>,
          %get3A_398 = vector.shape_cast %get3A_397 : vector<1x1x16xf32> to vector<16xf32>
          %get3A_399 = arith.constant 1 : i32
          %get3A_400 = arith.index_cast %get3A_399 : i32 to index
          %get3A_401 = arith.index_cast %scan3A_235 : i32 to index
          %get3A_402 = arith.constant 64 : index
          %get3A_403 = tpu.vector_load %arg11[%get3A_400, %get3A_401, %get3A_402] {strides = array<i32>} : memref<4x80x128xf32, #tpu.memory_space<vmem>>, vector<1x1x16xf32>,
          %get3A_404 = vector.shape_cast %get3A_403 : vector<1x1x16xf32> to vector<16xf32>
          %add3A_405 = arith.addf %get3A_398, %get3A_404 : vector<16xf32>
          %get3A_406 = arith.constant 2 : i32
          %get3A_407 = arith.index_cast %get3A_406 : i32 to index
          %get3A_408 = arith.index_cast %scan3A_235 : i32 to index
          %get3A_409 = arith.constant 64 : index
          %get3A_410 = tpu.vector_load %arg11[%get3A_407, %get3A_408, %get3A_409] {strides = array<i32>} : memref<4x80x128xf32, #tpu.memory_space<vmem>>, vector<1x1x16xf32>,
          %get3A_411 = vector.shape_cast %get3A_410 : vector<1x1x16xf32> to vector<16xf32>
          %get3A_412 = arith.constant 3 : i32
          %get3A_413 = arith.index_cast %get3A_412 : i32 to index
          %get3A_414 = arith.index_cast %scan3A_235 : i32 to index
          %get3A_415 = arith.constant 64 : index
          %get3A_416 = tpu.vector_load %arg11[%get3A_413, %get3A_414, %get3A_415] {strides = array<i32>} : memref<4x80x128xf32, #tpu.memory_space<vmem>>, vector<1x1x16xf32>,
          %get3A_417 = vector.shape_cast %get3A_416 : vector<1x1x16xf32> to vector<16xf32>
          %add3A_418 = arith.addf %get3A_411, %get3A_417 : vector<16xf32>
          %get3A_419 = arith.index_cast %scan3A_235 : i32 to index
          %get3A_420 = arith.constant 64 : index
          %get3A_421 = tpu.vector_load %arg9[%get3A_419, %get3A_420] {strides = array<i32>} : memref<80x128xf32, #tpu.memory_space<vmem>>, vector<1x16xf32>,
          %get3A_422 = vector.shape_cast %get3A_421 : vector<1x16xf32> to vector<16xf32>
          %add3A_423 = arith.addf %add3A_405, %add3A_418 : vector<16xf32>
          %add3A_424 = arith.addf %get3A_422, %add3A_423 : vector<16xf32>
          %max3A_425 = arith.constant 0.000000e+00 : f32
          %max3A_426 = vector.broadcast %max3A_425 : f32 to vector<16xf32>
          %max3A_427 = arith.maximumf %add3A_424, %max3A_426 : vector<16xf32>
          %swap3A_428 = arith.index_cast %scan3A_235 : i32 to index
          %swap3A_429 = arith.constant 64 : index
          %swap3A_430 = tpu.vector_load %arg9[%swap3A_428, %swap3A_429] {strides = array<i32>} : memref<80x128xf32, #tpu.memory_space<vmem>>, vector<1x16xf32>,
          %swap3A_431 = vector.shape_cast %swap3A_430 : vector<1x16xf32> to vector<16xf32>
          %swap3A_432 = vector.shape_cast %max3A_427 : vector<16xf32> to vector<1x16xf32>
          tpu.vector_store %arg9[%swap3A_428, %swap3A_429], %swap3A_432 {strides = array<i32>} : memref<80x128xf32, #tpu.memory_space<vmem>>, vector<1x16xf32>,
          %get3A_433 = arith.constant 0 : i32
          %get3A_434 = arith.index_cast %get3A_433 : i32 to index
          %get3A_435 = arith.index_cast %scan3A_235 : i32 to index
          %get3A_436 = arith.constant 80 : index
          %get3A_437 = tpu.vector_load %arg11[%get3A_434, %get3A_435, %get3A_436] {strides = array<i32>} : memref<4x80x128xf32, #tpu.memory_space<vmem>>, vector<1x1x16xf32>,
          %get3A_438 = vector.shape_cast %get3A_437 : vector<1x1x16xf32> to vector<16xf32>
          %get3A_439 = arith.constant 1 : i32
          %get3A_440 = arith.index_cast %get3A_439 : i32 to index
          %get3A_441 = arith.index_cast %scan3A_235 : i32 to index
          %get3A_442 = arith.constant 80 : index
          %get3A_443 = tpu.vector_load %arg11[%get3A_440, %get3A_441, %get3A_442] {strides = array<i32>} : memref<4x80x128xf32, #tpu.memory_space<vmem>>, vector<1x1x16xf32>,
          %get3A_444 = vector.shape_cast %get3A_443 : vector<1x1x16xf32> to vector<16xf32>
          %add3A_445 = arith.addf %get3A_438, %get3A_444 : vector<16xf32>
          %get3A_446 = arith.constant 2 : i32
          %get3A_447 = arith.index_cast %get3A_446 : i32 to index
          %get3A_448 = arith.index_cast %scan3A_235 : i32 to index
          %get3A_449 = arith.constant 80 : index
          %get3A_450 = tpu.vector_load %arg11[%get3A_447, %get3A_448, %get3A_449] {strides = array<i32>} : memref<4x80x128xf32, #tpu.memory_space<vmem>>, vector<1x1x16xf32>,
          %get3A_451 = vector.shape_cast %get3A_450 : vector<1x1x16xf32> to vector<16xf32>
          %get3A_452 = arith.constant 3 : i32
          %get3A_453 = arith.index_cast %get3A_452 : i32 to index
          %get3A_454 = arith.index_cast %scan3A_235 : i32 to index
          %get3A_455 = arith.constant 80 : index
          %get3A_456 = tpu.vector_load %arg11[%get3A_453, %get3A_454, %get3A_455] {strides = array<i32>} : memref<4x80x128xf32, #tpu.memory_space<vmem>>, vector<1x1x16xf32>,
          %get3A_457 = vector.shape_cast %get3A_456 : vector<1x1x16xf32> to vector<16xf32>
          %add3A_458 = arith.addf %get3A_451, %get3A_457 : vector<16xf32>
          %get3A_459 = arith.index_cast %scan3A_235 : i32 to index
          %get3A_460 = arith.constant 80 : index
          %get3A_461 = tpu.vector_load %arg9[%get3A_459, %get3A_460] {strides = array<i32>} : memref<80x128xf32, #tpu.memory_space<vmem>>, vector<1x16xf32>,
          %get3A_462 = vector.shape_cast %get3A_461 : vector<1x16xf32> to vector<16xf32>
          %add3A_463 = arith.addf %add3A_445, %add3A_458 : vector<16xf32>
          %add3A_464 = arith.addf %get3A_462, %add3A_463 : vector<16xf32>
          %max3A_465 = arith.constant 0.000000e+00 : f32
          %max3A_466 = vector.broadcast %max3A_465 : f32 to vector<16xf32>
          %max3A_467 = arith.maximumf %add3A_464, %max3A_466 : vector<16xf32>
          %swap3A_468 = arith.index_cast %scan3A_235 : i32 to index
          %swap3A_469 = arith.constant 80 : index
          %swap3A_470 = tpu.vector_load %arg9[%swap3A_468, %swap3A_469] {strides = array<i32>} : memref<80x128xf32, #tpu.memory_space<vmem>>, vector<1x16xf32>,
          %swap3A_471 = vector.shape_cast %swap3A_470 : vector<1x16xf32> to vector<16xf32>
          %swap3A_472 = vector.shape_cast %max3A_467 : vector<16xf32> to vector<1x16xf32>
          tpu.vector_store %arg9[%swap3A_468, %swap3A_469], %swap3A_472 {strides = array<i32>} : memref<80x128xf32, #tpu.memory_space<vmem>>, vector<1x16xf32>,
          %get3A_473 = arith.constant 0 : i32
          %get3A_474 = arith.index_cast %get3A_473 : i32 to index
          %get3A_475 = arith.index_cast %scan3A_235 : i32 to index
          %get3A_476 = arith.constant 96 : index
          %get3A_477 = tpu.vector_load %arg11[%get3A_474, %get3A_475, %get3A_476] {strides = array<i32>} : memref<4x80x128xf32, #tpu.memory_space<vmem>>, vector<1x1x16xf32>,
          %get3A_478 = vector.shape_cast %get3A_477 : vector<1x1x16xf32> to vector<16xf32>
          %get3A_479 = arith.constant 1 : i32
          %get3A_480 = arith.index_cast %get3A_479 : i32 to index
          %get3A_481 = arith.index_cast %scan3A_235 : i32 to index
          %get3A_482 = arith.constant 96 : index
          %get3A_483 = tpu.vector_load %arg11[%get3A_480, %get3A_481, %get3A_482] {strides = array<i32>} : memref<4x80x128xf32, #tpu.memory_space<vmem>>, vector<1x1x16xf32>,
          %get3A_484 = vector.shape_cast %get3A_483 : vector<1x1x16xf32> to vector<16xf32>
          %add3A_485 = arith.addf %get3A_478, %get3A_484 : vector<16xf32>
          %get3A_486 = arith.constant 2 : i32
          %get3A_487 = arith.index_cast %get3A_486 : i32 to index
          %get3A_488 = arith.index_cast %scan3A_235 : i32 to index
          %get3A_489 = arith.constant 96 : index
          %get3A_490 = tpu.vector_load %arg11[%get3A_487, %get3A_488, %get3A_489] {strides = array<i32>} : memref<4x80x128xf32, #tpu.memory_space<vmem>>, vector<1x1x16xf32>,
          %get3A_491 = vector.shape_cast %get3A_490 : vector<1x1x16xf32> to vector<16xf32>
          %get3A_492 = arith.constant 3 : i32
          %get3A_493 = arith.index_cast %get3A_492 : i32 to index
          %get3A_494 = arith.index_cast %scan3A_235 : i32 to index
          %get3A_495 = arith.constant 96 : index
          %get3A_496 = tpu.vector_load %arg11[%get3A_493, %get3A_494, %get3A_495] {strides = array<i32>} : memref<4x80x128xf32, #tpu.memory_space<vmem>>, vector<1x1x16xf32>,
          %get3A_497 = vector.shape_cast %get3A_496 : vector<1x1x16xf32> to vector<16xf32>
          %add3A_498 = arith.addf %get3A_491, %get3A_497 : vector<16xf32>
          %get3A_499 = arith.index_cast %scan3A_235 : i32 to index
          %get3A_500 = arith.constant 96 : index
          %get3A_501 = tpu.vector_load %arg9[%get3A_499, %get3A_500] {strides = array<i32>} : memref<80x128xf32, #tpu.memory_space<vmem>>, vector<1x16xf32>,
          %get3A_502 = vector.shape_cast %get3A_501 : vector<1x16xf32> to vector<16xf32>
          %add3A_503 = arith.addf %add3A_485, %add3A_498 : vector<16xf32>
          %add3A_504 = arith.addf %get3A_502, %add3A_503 : vector<16xf32>
          %max3A_505 = arith.constant 0.000000e+00 : f32
          %max3A_506 = vector.broadcast %max3A_505 : f32 to vector<16xf32>
          %max3A_507 = arith.maximumf %add3A_504, %max3A_506 : vector<16xf32>
          %swap3A_508 = arith.index_cast %scan3A_235 : i32 to index
          %swap3A_509 = arith.constant 96 : index
          %swap3A_510 = tpu.vector_load %arg9[%swap3A_508, %swap3A_509] {strides = array<i32>} : memref<80x128xf32, #tpu.memory_space<vmem>>, vector<1x16xf32>,
          %swap3A_511 = vector.shape_cast %swap3A_510 : vector<1x16xf32> to vector<16xf32>
          %swap3A_512 = vector.shape_cast %max3A_507 : vector<16xf32> to vector<1x16xf32>
          tpu.vector_store %arg9[%swap3A_508, %swap3A_509], %swap3A_512 {strides = array<i32>} : memref<80x128xf32, #tpu.memory_space<vmem>>, vector<1x16xf32>,
          %get3A_513 = arith.constant 0 : i32
          %get3A_514 = arith.index_cast %get3A_513 : i32 to index
          %get3A_515 = arith.index_cast %scan3A_235 : i32 to index
          %get3A_516 = arith.constant 112 : index
          %get3A_517 = tpu.vector_load %arg11[%get3A_514, %get3A_515, %get3A_516] {strides = array<i32>} : memref<4x80x128xf32, #tpu.memory_space<vmem>>, vector<1x1x16xf32>,
          %get3A_518 = vector.shape_cast %get3A_517 : vector<1x1x16xf32> to vector<16xf32>
          %get3A_519 = arith.constant 1 : i32
          %get3A_520 = arith.index_cast %get3A_519 : i32 to index
          %get3A_521 = arith.index_cast %scan3A_235 : i32 to index
          %get3A_522 = arith.constant 112 : index
          %get3A_523 = tpu.vector_load %arg11[%get3A_520, %get3A_521, %get3A_522] {strides = array<i32>} : memref<4x80x128xf32, #tpu.memory_space<vmem>>, vector<1x1x16xf32>,
          %get3A_524 = vector.shape_cast %get3A_523 : vector<1x1x16xf32> to vector<16xf32>
          %add3A_525 = arith.addf %get3A_518, %get3A_524 : vector<16xf32>
          %get3A_526 = arith.constant 2 : i32
          %get3A_527 = arith.index_cast %get3A_526 : i32 to index
          %get3A_528 = arith.index_cast %scan3A_235 : i32 to index
          %get3A_529 = arith.constant 112 : index
          %get3A_530 = tpu.vector_load %arg11[%get3A_527, %get3A_528, %get3A_529] {strides = array<i32>} : memref<4x80x128xf32, #tpu.memory_space<vmem>>, vector<1x1x16xf32>,
          %get3A_531 = vector.shape_cast %get3A_530 : vector<1x1x16xf32> to vector<16xf32>
          %get3A_532 = arith.constant 3 : i32
          %get3A_533 = arith.index_cast %get3A_532 : i32 to index
          %get3A_534 = arith.index_cast %scan3A_235 : i32 to index
          %get3A_535 = arith.constant 112 : index
          %get3A_536 = tpu.vector_load %arg11[%get3A_533, %get3A_534, %get3A_535] {strides = array<i32>} : memref<4x80x128xf32, #tpu.memory_space<vmem>>, vector<1x1x16xf32>,
          %get3A_537 = vector.shape_cast %get3A_536 : vector<1x1x16xf32> to vector<16xf32>
          %add3A_538 = arith.addf %get3A_531, %get3A_537 : vector<16xf32>
          %get3A_539 = arith.index_cast %scan3A_235 : i32 to index
          %get3A_540 = arith.constant 112 : index
          %get3A_541 = tpu.vector_load %arg9[%get3A_539, %get3A_540] {strides = array<i32>} : memref<80x128xf32, #tpu.memory_space<vmem>>, vector<1x16xf32>,
          %get3A_542 = vector.shape_cast %get3A_541 : vector<1x16xf32> to vector<16xf32>
          %add3A_543 = arith.addf %add3A_525, %add3A_538 : vector<16xf32>
          %add3A_544 = arith.addf %get3A_542, %add3A_543 : vector<16xf32>
          %max3A_545 = arith.constant 0.000000e+00 : f32
          %max3A_546 = vector.broadcast %max3A_545 : f32 to vector<16xf32>
          %max3A_547 = arith.maximumf %add3A_544, %max3A_546 : vector<16xf32>
          %swap3A_548 = arith.index_cast %scan3A_235 : i32 to index
          %swap3A_549 = arith.constant 112 : index
          %swap3A_550 = tpu.vector_load %arg9[%swap3A_548, %swap3A_549] {strides = array<i32>} : memref<80x128xf32, #tpu.memory_space<vmem>>, vector<1x16xf32>,
          %swap3A_551 = vector.shape_cast %swap3A_550 : vector<1x16xf32> to vector<16xf32>
          %swap3A_552 = vector.shape_cast %max3A_547 : vector<16xf32> to vector<1x16xf32>
          tpu.vector_store %arg9[%swap3A_548, %swap3A_549], %swap3A_552 {strides = array<i32>} : memref<80x128xf32, #tpu.memory_space<vmem>>, vector<1x16xf32>,
        }
        %scan3A_231 = arith.constant 80 : i32
        %add3A_232 = arith.addi %mul3A_2, %add3A_157 : i32
        %mul3A_233 = arith.constant 80 : i32
        %mul3A_234 = arith.muli %add3A_232, %mul3A_233 : i32
        "tpu.region"() ({
          %run_scoped3A = tpu.sem_alloc : memref<!tpu.dma_semaphore, #tpu.memory_space<semaphore_mem>>
          %dma_start3A_235 = arith.constant 0 : i32
          %dma_start3A_236 = tpu.memref_slice %arg5[%mul3A_234, %dma_start3A_235] : memref<320000x128xf32, #tpu.memory_space<hbm>> -> memref<80x128xf32, #tpu.memory_space<hbm>>
          %dma_start3A_237 = arith.constant 0 : i32
          %dma_start3A_238 = tpu.memref_slice %arg5[%mul3A_234, %dma_start3A_237] : memref<320000x128xf32, #tpu.memory_space<hbm>> -> memref<80x128xf32, #tpu.memory_space<hbm>>
          tpu.enqueue_dma source(%arg9 : memref<80x128xf32, #tpu.memory_space<vmem>>) target(%dma_start3A_238 : memref<80x128xf32, #tpu.memory_space<hbm>>) target_semaphore(%run_scoped3A : memref<!tpu.dma_semaphore, #tpu.memory_space<semaphore_mem>>)
          %dma_wait3A_239 = arith.constant 0 : i32
          %dma_wait3A_240 = tpu.memref_slice %arg5[%mul3A_234, %dma_wait3A_239] : memref<320000x128xf32, #tpu.memory_space<hbm>> -> memref<80x128xf32, #tpu.memory_space<hbm>>
          %dma_wait3A_241 = arith.constant 0 : i32
          %dma_wait3A_242 = tpu.memref_slice %arg5[%mul3A_234, %dma_wait3A_241] : memref<320000x128xf32, #tpu.memory_space<hbm>> -> memref<80x128xf32, #tpu.memory_space<hbm>>
          tpu.wait_dma2 semaphore(%run_scoped3A : memref<!tpu.dma_semaphore, #tpu.memory_space<semaphore_mem>>) src(%arg9 : memref<80x128xf32, #tpu.memory_space<vmem>>) dst(%dma_wait3A_242 : memref<80x128xf32, #tpu.memory_space<hbm>>)
          tpu.yield
        }) : () -> ()
      } else {
      }
    }
    %scan3A_72 = arith.constant 63 : i32
    return
  }
}

module attributes {stable_mosaic.version = 14 : i64} {
  func.func @_proj_body(%arg0: i32, %arg1: memref<3200x128xf32, #tpu.memory_space<vmem>>, %arg2: memref<128x128xf32, #tpu.memory_space<vmem>>, %arg3: memref<4x128x128xf32, #tpu.memory_space<vmem>>, %arg4: memref<1x128xf32, #tpu.memory_space<vmem>>, %arg5: memref<3200x128xf32, #tpu.memory_space<vmem>>, %arg6: memref<4x3200x128xf32, #tpu.memory_space<vmem>>) attributes {dimension_semantics = [#tpu.dimension_semantics<arbitrary>], iteration_bounds = array<i64: 100>, scalar_prefetch = 0 : i64, scratch_operands = 0 : i64, tpu.core_type = #tpu.core_type<tc>, window_params = [{transform_indices = @transform_0, window_bounds = array<i64: 3200, 128>}, {pipeline_mode = #tpu.pipeline_mode<synchronous>, transform_indices = @transform_1, window_bounds = array<i64: 128, 128>}, {pipeline_mode = #tpu.pipeline_mode<synchronous>, transform_indices = @transform_2, window_bounds = array<i64: 4, 128, 128>}, {pipeline_mode = #tpu.pipeline_mode<synchronous>, transform_indices = @transform_3, window_bounds = array<i64: 1, 128>}, {transform_indices = @transform_4, window_bounds = array<i64: 3200, 128>}, {transform_indices = @transform_5, window_bounds = array<i64: 4, 3200, 128>}]} {
    %get3A = arith.constant 0 : index
    %get3A_0 = arith.constant 0 : index
    %get3A_1 = vector.load %arg1[%get3A, %get3A_0] : memref<3200x128xf32, #tpu.memory_space<vmem>>, vector<3200x128xf32>
    %get3A_2 = arith.constant 0 : index
    %get3A_3 = arith.constant 0 : index
    %get3A_4 = vector.load %arg2[%get3A_2, %get3A_3] : memref<128x128xf32, #tpu.memory_space<vmem>>, vector<128x128xf32>
    %dot_general3A = arith.constant dense<0.000000e+00> : vector<3200x128xf32>
    %dot_general3A_5 = tpu.matmul %get3A_1, %get3A_4, %dot_general3A {dimension_numbers = #tpu.dot_dimension_numbers<[1], [0], [0], [1], [0, 0, 1, 1], [], []>, transpose_lhs_hint = false} : vector<3200x128xf32>, vector<128x128xf32>, vector<3200x128xf32> -> vector<3200x128xf32>
    %get3A_6 = arith.constant 0 : index
    %get3A_7 = arith.constant 0 : index
    %get3A_8 = vector.load %arg4[%get3A_6, %get3A_7] : memref<1x128xf32, #tpu.memory_space<vmem>>, vector<1x128xf32>
    %add3A = vector.broadcast %get3A_8 : vector<1x128xf32> to vector<3200x128xf32>
    %add3A_9 = arith.addf %dot_general3A_5, %add3A : vector<3200x128xf32>
    %swap3A = arith.constant 0 : index
    %swap3A_10 = arith.constant 0 : index
    %swap3A_11 = vector.load %arg5[%swap3A, %swap3A_10] : memref<3200x128xf32, #tpu.memory_space<vmem>>, vector<3200x128xf32>
    tpu.vector_store %arg5[%swap3A, %swap3A_10], %add3A_9 {strides = array<i32>} : memref<3200x128xf32, #tpu.memory_space<vmem>>, vector<3200x128xf32>,
    %get3A_12 = arith.constant 0 : index
    %get3A_13 = arith.constant 0 : index
    %get3A_14 = arith.constant 0 : index
    %get3A_15 = vector.load %arg3[%get3A_12, %get3A_13, %get3A_14] : memref<4x128x128xf32, #tpu.memory_space<vmem>>, vector<1x128x128xf32>
    %get3A_16 = vector.shape_cast %get3A_15 : vector<1x128x128xf32> to vector<128x128xf32>
    %dot_general3A_17 = arith.constant dense<0.000000e+00> : vector<3200x128xf32>
    %dot_general3A_18 = tpu.matmul %get3A_1, %get3A_16, %dot_general3A_17 {dimension_numbers = #tpu.dot_dimension_numbers<[1], [0], [0], [1], [0, 0, 1, 1], [], []>, transpose_lhs_hint = false} : vector<3200x128xf32>, vector<128x128xf32>, vector<3200x128xf32> -> vector<3200x128xf32>
    %swap3A_19 = arith.constant 0 : index
    %swap3A_20 = arith.constant 0 : index
    %swap3A_21 = arith.constant 0 : index
    %swap3A_22 = vector.load %arg6[%swap3A_19, %swap3A_20, %swap3A_21] : memref<4x3200x128xf32, #tpu.memory_space<vmem>>, vector<1x3200x128xf32>
    %swap3A_23 = vector.shape_cast %swap3A_22 : vector<1x3200x128xf32> to vector<3200x128xf32>
    %swap3A_24 = vector.shape_cast %dot_general3A_18 : vector<3200x128xf32> to vector<1x3200x128xf32>
    tpu.vector_store %arg6[%swap3A_19, %swap3A_20, %swap3A_21], %swap3A_24 {strides = array<i32>} : memref<4x3200x128xf32, #tpu.memory_space<vmem>>, vector<1x3200x128xf32>,
    %get3A_25 = arith.constant 1 : index
    %get3A_26 = arith.constant 0 : index
    %get3A_27 = arith.constant 0 : index
    %get3A_28 = vector.load %arg3[%get3A_25, %get3A_26, %get3A_27] : memref<4x128x128xf32, #tpu.memory_space<vmem>>, vector<1x128x128xf32>
    %get3A_29 = vector.shape_cast %get3A_28 : vector<1x128x128xf32> to vector<128x128xf32>
    %dot_general3A_30 = arith.constant dense<0.000000e+00> : vector<3200x128xf32>
    %dot_general3A_31 = tpu.matmul %get3A_1, %get3A_29, %dot_general3A_30 {dimension_numbers = #tpu.dot_dimension_numbers<[1], [0], [0], [1], [0, 0, 1, 1], [], []>, transpose_lhs_hint = false} : vector<3200x128xf32>, vector<128x128xf32>, vector<3200x128xf32> -> vector<3200x128xf32>
    %swap3A_32 = arith.constant 1 : index
    %swap3A_33 = arith.constant 0 : index
    %swap3A_34 = arith.constant 0 : index
    %swap3A_35 = vector.load %arg6[%swap3A_32, %swap3A_33, %swap3A_34] : memref<4x3200x128xf32, #tpu.memory_space<vmem>>, vector<1x3200x128xf32>
    %swap3A_36 = vector.shape_cast %swap3A_35 : vector<1x3200x128xf32> to vector<3200x128xf32>
    %swap3A_37 = vector.shape_cast %dot_general3A_31 : vector<3200x128xf32> to vector<1x3200x128xf32>
    tpu.vector_store %arg6[%swap3A_32, %swap3A_33, %swap3A_34], %swap3A_37 {strides = array<i32>} : memref<4x3200x128xf32, #tpu.memory_space<vmem>>, vector<1x3200x128xf32>,
    %get3A_38 = arith.constant 2 : index
    %get3A_39 = arith.constant 0 : index
    %get3A_40 = arith.constant 0 : index
    %get3A_41 = vector.load %arg3[%get3A_38, %get3A_39, %get3A_40] : memref<4x128x128xf32, #tpu.memory_space<vmem>>, vector<1x128x128xf32>
    %get3A_42 = vector.shape_cast %get3A_41 : vector<1x128x128xf32> to vector<128x128xf32>
    %dot_general3A_43 = arith.constant dense<0.000000e+00> : vector<3200x128xf32>
    %dot_general3A_44 = tpu.matmul %get3A_1, %get3A_42, %dot_general3A_43 {dimension_numbers = #tpu.dot_dimension_numbers<[1], [0], [0], [1], [0, 0, 1, 1], [], []>, transpose_lhs_hint = false} : vector<3200x128xf32>, vector<128x128xf32>, vector<3200x128xf32> -> vector<3200x128xf32>
    %swap3A_45 = arith.constant 2 : index
    %swap3A_46 = arith.constant 0 : index
    %swap3A_47 = arith.constant 0 : index
    %swap3A_48 = vector.load %arg6[%swap3A_45, %swap3A_46, %swap3A_47] : memref<4x3200x128xf32, #tpu.memory_space<vmem>>, vector<1x3200x128xf32>
    %swap3A_49 = vector.shape_cast %swap3A_48 : vector<1x3200x128xf32> to vector<3200x128xf32>
    %swap3A_50 = vector.shape_cast %dot_general3A_44 : vector<3200x128xf32> to vector<1x3200x128xf32>
    tpu.vector_store %arg6[%swap3A_45, %swap3A_46, %swap3A_47], %swap3A_50 {strides = array<i32>} : memref<4x3200x128xf32, #tpu.memory_space<vmem>>, vector<1x3200x128xf32>,
    %get3A_51 = arith.constant 3 : index
    %get3A_52 = arith.constant 0 : index
    %get3A_53 = arith.constant 0 : index
    %get3A_54 = vector.load %arg3[%get3A_51, %get3A_52, %get3A_53] : memref<4x128x128xf32, #tpu.memory_space<vmem>>, vector<1x128x128xf32>
    %get3A_55 = vector.shape_cast %get3A_54 : vector<1x128x128xf32> to vector<128x128xf32>
    %dot_general3A_56 = arith.constant dense<0.000000e+00> : vector<3200x128xf32>
    %dot_general3A_57 = tpu.matmul %get3A_1, %get3A_55, %dot_general3A_56 {dimension_numbers = #tpu.dot_dimension_numbers<[1], [0], [0], [1], [0, 0, 1, 1], [], []>, transpose_lhs_hint = false} : vector<3200x128xf32>, vector<128x128xf32>, vector<3200x128xf32> -> vector<3200x128xf32>
    %swap3A_58 = arith.constant 3 : index
    %swap3A_59 = arith.constant 0 : index
    %swap3A_60 = arith.constant 0 : index
    %swap3A_61 = vector.load %arg6[%swap3A_58, %swap3A_59, %swap3A_60] : memref<4x3200x128xf32, #tpu.memory_space<vmem>>, vector<1x3200x128xf32>
    %swap3A_62 = vector.shape_cast %swap3A_61 : vector<1x3200x128xf32> to vector<3200x128xf32>
    %swap3A_63 = vector.shape_cast %dot_general3A_57 : vector<3200x128xf32> to vector<1x3200x128xf32>
    tpu.vector_store %arg6[%swap3A_58, %swap3A_59, %swap3A_60], %swap3A_63 {strides = array<i32>} : memref<4x3200x128xf32, #tpu.memory_space<vmem>>, vector<1x3200x128xf32>,
    return
  }
  func.func @transform_0(%arg0: i32) -> (i32, i32) {
    %c0_i32 = arith.constant 0 : i32
    %c0_i32_0 = arith.constant 0 : i32
    return %arg0, %c0_i32 : i32, i32
  }
  func.func @transform_1(%arg0: i32) -> (i32, i32) {
    %c0_i32 = arith.constant 0 : i32
    %c0_i32_0 = arith.constant 0 : i32
    %c0_i32_1 = arith.constant 0 : i32
    return %c0_i32, %c0_i32_0 : i32, i32
  }
  func.func @transform_2(%arg0: i32) -> (i32, i32, i32) {
    %c0_i32 = arith.constant 0 : i32
    %c0_i32_0 = arith.constant 0 : i32
    %c0_i32_1 = arith.constant 0 : i32
    %c0_i32_2 = arith.constant 0 : i32
    return %c0_i32, %c0_i32_0, %c0_i32_1 : i32, i32, i32
  }
  func.func @transform_3(%arg0: i32) -> (i32, i32) {
    %c0_i32 = arith.constant 0 : i32
    %c0_i32_0 = arith.constant 0 : i32
    %c0_i32_1 = arith.constant 0 : i32
    return %c0_i32, %c0_i32_0 : i32, i32
  }
  func.func @transform_4(%arg0: i32) -> (i32, i32) {
    %c0_i32 = arith.constant 0 : i32
    %c0_i32_0 = arith.constant 0 : i32
    return %arg0, %c0_i32 : i32, i32
  }
  func.func @transform_5(%arg0: i32) -> (i32, i32, i32) {
    %c0_i32 = arith.constant 0 : i32
    %c0_i32_0 = arith.constant 0 : i32
    %c0_i32_1 = arith.constant 0 : i32
    return %c0_i32, %arg0, %c0_i32_0 : i32, i32, i32
  }
}

module attributes {stable_mosaic.version = 14 : i64} {
  func.func @_pool_fc_body(%arg0: i32, %arg1: memref<4000x128xf32, #tpu.memory_space<vmem>>, %arg2: memref<16x128x32xf32, #tpu.memory_space<vmem>>, %arg3: memref<1x32xf32, #tpu.memory_space<vmem>>, %arg4: memref<1x32xf32, #tpu.memory_space<vmem>>, %arg5: memref<16x128xf32, #tpu.memory_space<vmem>>) attributes {dimension_semantics = [#tpu.dimension_semantics<arbitrary>], iteration_bounds = array<i64: 80>, scalar_prefetch = 0 : i64, scratch_operands = 1 : i64, tpu.core_type = #tpu.core_type<tc>, window_params = [{transform_indices = @transform_0, window_bounds = array<i64: 4000, 128>}, {pipeline_mode = #tpu.pipeline_mode<synchronous>, transform_indices = @transform_1, window_bounds = array<i64: 16, 128, 32>}, {pipeline_mode = #tpu.pipeline_mode<synchronous>, transform_indices = @transform_2, window_bounds = array<i64: 1, 32>}, {pipeline_mode = #tpu.pipeline_mode<synchronous>, transform_indices = @transform_3, window_bounds = array<i64: 1, 32>}]} {
    %jit3A = arith.constant 5 : i32
    %div3A = arith.divsi %arg0, %jit3A : i32
    %sign3A = arith.constant 0 : i32
    %sign3A_0 = arith.cmpi sgt, %arg0, %sign3A : i32
    %sign3A_1 = arith.extui %sign3A_0 : i1 to i32
    %sign3A_2 = arith.constant 0 : i32
    %sign3A_3 = arith.cmpi slt, %arg0, %sign3A_2 : i32
    %sign3A_4 = arith.extui %sign3A_3 : i1 to i32
    %sign3A_5 = arith.subi %sign3A_1, %sign3A_4 : i32
    %sign3A_6 = arith.constant 0 : i32
    %sign3A_7 = arith.cmpi sgt, %jit3A, %sign3A_6 : i32
    %sign3A_8 = arith.extui %sign3A_7 : i1 to i32
    %sign3A_9 = arith.constant 0 : i32
    %sign3A_10 = arith.cmpi slt, %jit3A, %sign3A_9 : i32
    %sign3A_11 = arith.extui %sign3A_10 : i1 to i32
    %sign3A_12 = arith.subi %sign3A_8, %sign3A_11 : i32
    %ne3A = arith.cmpi ne, %sign3A_5, %sign3A_12 : i32
    %rem3A = arith.remsi %arg0, %jit3A : i32
    %ne3A_13 = arith.constant 0 : i32
    %ne3A_14 = arith.cmpi ne, %rem3A, %ne3A_13 : i32
    %and3A = arith.andi %ne3A, %ne3A_14 : i1
    %sub3A = arith.constant 1 : i32
    %sub3A_15 = arith.subi %div3A, %sub3A : i32
    %select_n3A = arith.select %and3A, %sub3A_15, %div3A : i32
    %get3A = arith.constant 0 : index
    %get3A_16 = arith.constant 0 : index
    %get3A_17 = vector.load %arg1[%get3A, %get3A_16] : memref<4000x128xf32, #tpu.memory_space<vmem>>, vector<4000x128xf32>
    %reduce_sum3A = arith.constant dense<0.000000e+00> : vector<128xf32>
    %reduce_sum3A_18 = vector.multi_reduction <add>, %get3A_17, %reduce_sum3A [0] : vector<4000x128xf32> to vector<128xf32>
    %broadcast_in_dim3A = vector.shape_cast %reduce_sum3A_18 : vector<128xf32> to vector<1x128xf32>
    %jit3A_19 = arith.constant 5 : i32
    %eq3A = arith.constant 0 : i32
    %eq3A_20 = arith.cmpi eq, %jit3A_19, %eq3A : i32
    %jit3A_21 = arith.constant 1 : i32
    %select_n3A_22 = arith.select %eq3A_20, %jit3A_21, %jit3A_19 : i32
    %rem3A_23 = arith.remsi %arg0, %select_n3A_22 : i32
    %ne3A_24 = arith.constant 0 : i32
    %ne3A_25 = arith.cmpi ne, %rem3A_23, %ne3A_24 : i32
    %lt3A = arith.constant 0 : i32
    %lt3A_26 = arith.cmpi slt, %rem3A_23, %lt3A : i32
    %lt3A_27 = arith.constant 0 : i32
    %lt3A_28 = arith.cmpi slt, %select_n3A_22, %lt3A_27 : i32
    %ne3A_29 = arith.xori %lt3A_26, %lt3A_28 : i1
    %and3A_30 = arith.andi %ne3A_29, %ne3A_25 : i1
    %add3A = arith.addi %rem3A_23, %select_n3A_22 : i32
    %select_n3A_31 = arith.select %and3A_30, %add3A, %rem3A_23 : i32
    %eq3A_32 = arith.constant 0 : i32
    %eq3A_33 = arith.cmpi eq, %select_n3A_31, %eq3A_32 : i32
    %convert_element_type3A = arith.extui %eq3A_33 : i1 to i32
    %cond3A = arith.constant 0 : i32
    %cond3A_34 = arith.cmpi ne, %convert_element_type3A, %cond3A : i32
    scf.if %cond3A_34 {
      %swap3A = arith.index_cast %select_n3A : i32 to index
      %swap3A_61 = arith.constant 0 : index
      %swap3A_62 = vector.load %arg5[%swap3A, %swap3A_61] : memref<16x128xf32, #tpu.memory_space<vmem>>, vector<1x128xf32>
      tpu.vector_store %arg5[%swap3A, %swap3A_61], %broadcast_in_dim3A {strides = array<i32>} : memref<16x128xf32, #tpu.memory_space<vmem>>, vector<1x128xf32>,
    } else {
    }
    %jit3A_35 = arith.constant 5 : i32
    %eq3A_36 = arith.constant 0 : i32
    %eq3A_37 = arith.cmpi eq, %jit3A_35, %eq3A_36 : i32
    %jit3A_38 = arith.constant 1 : i32
    %select_n3A_39 = arith.select %eq3A_37, %jit3A_38, %jit3A_35 : i32
    %rem3A_40 = arith.remsi %arg0, %select_n3A_39 : i32
    %ne3A_41 = arith.constant 0 : i32
    %ne3A_42 = arith.cmpi ne, %rem3A_40, %ne3A_41 : i32
    %lt3A_43 = arith.constant 0 : i32
    %lt3A_44 = arith.cmpi slt, %rem3A_40, %lt3A_43 : i32
    %lt3A_45 = arith.constant 0 : i32
    %lt3A_46 = arith.cmpi slt, %select_n3A_39, %lt3A_45 : i32
    %ne3A_47 = arith.xori %lt3A_44, %lt3A_46 : i1
    %and3A_48 = arith.andi %ne3A_47, %ne3A_42 : i1
    %add3A_49 = arith.addi %rem3A_40, %select_n3A_39 : i32
    %select_n3A_50 = arith.select %and3A_48, %add3A_49, %rem3A_40 : i32
    %ne3A_51 = arith.constant 0 : i32
    %ne3A_52 = arith.cmpi ne, %select_n3A_50, %ne3A_51 : i32
    %convert_element_type3A_53 = arith.extui %ne3A_52 : i1 to i32
    %cond3A_54 = arith.constant 0 : i32
    %cond3A_55 = arith.cmpi ne, %convert_element_type3A_53, %cond3A_54 : i32
    scf.if %cond3A_55 {
      %get3A_61 = arith.index_cast %select_n3A : i32 to index
      %get3A_62 = arith.constant 0 : index
      %get3A_63 = vector.load %arg5[%get3A_61, %get3A_62] : memref<16x128xf32, #tpu.memory_space<vmem>>, vector<1x128xf32>
      %add3A_64 = arith.addf %get3A_63, %broadcast_in_dim3A : vector<1x128xf32>
      %swap3A = arith.index_cast %select_n3A : i32 to index
      %swap3A_65 = arith.constant 0 : index
      %swap3A_66 = vector.load %arg5[%swap3A, %swap3A_65] : memref<16x128xf32, #tpu.memory_space<vmem>>, vector<1x128xf32>
      tpu.vector_store %arg5[%swap3A, %swap3A_65], %add3A_64 {strides = array<i32>} : memref<16x128xf32, #tpu.memory_space<vmem>>, vector<1x128xf32>,
    } else {
    }
    %eq3A_56 = arith.constant 79 : i32
    %eq3A_57 = arith.cmpi eq, %arg0, %eq3A_56 : i32
    %convert_element_type3A_58 = arith.extui %eq3A_57 : i1 to i32
    %cond3A_59 = arith.constant 0 : i32
    %cond3A_60 = arith.cmpi ne, %convert_element_type3A_58, %cond3A_59 : i32
    scf.if %cond3A_60 {
      %get3A_61 = arith.constant 0 : index
      %get3A_62 = arith.constant 0 : index
      %get3A_63 = vector.load %arg3[%get3A_61, %get3A_62] : memref<1x32xf32, #tpu.memory_space<vmem>>, vector<1x32xf32>
      %get3A_64 = arith.constant 0 : index
      %get3A_65 = arith.constant 0 : index
      %get3A_66 = vector.load %arg5[%get3A_64, %get3A_65] : memref<16x128xf32, #tpu.memory_space<vmem>>, vector<1x128xf32>
      %get3A_67 = arith.constant 0 : index
      %get3A_68 = arith.constant 0 : index
      %get3A_69 = arith.constant 0 : index
      %get3A_70 = vector.load %arg2[%get3A_67, %get3A_68, %get3A_69] : memref<16x128x32xf32, #tpu.memory_space<vmem>>, vector<1x128x32xf32>
      %get3A_71 = vector.shape_cast %get3A_70 : vector<1x128x32xf32> to vector<128x32xf32>
      %dot_general3A = arith.constant dense<0.000000e+00> : vector<1x32xf32>
      %dot_general3A_72 = tpu.matmul %get3A_66, %get3A_71, %dot_general3A {dimension_numbers = #tpu.dot_dimension_numbers<[1], [0], [0], [1], [0, 0, 1, 1], [], []>, transpose_lhs_hint = false} : vector<1x128xf32>, vector<128x32xf32>, vector<1x32xf32> -> vector<1x32xf32>
      %add3A_73 = arith.addf %get3A_63, %dot_general3A_72 : vector<1x32xf32>
      %get3A_74 = arith.constant 1 : index
      %get3A_75 = arith.constant 0 : index
      %get3A_76 = vector.load %arg5[%get3A_74, %get3A_75] : memref<16x128xf32, #tpu.memory_space<vmem>>, vector<1x128xf32>
      %get3A_77 = arith.constant 1 : index
      %get3A_78 = arith.constant 0 : index
      %get3A_79 = arith.constant 0 : index
      %get3A_80 = vector.load %arg2[%get3A_77, %get3A_78, %get3A_79] : memref<16x128x32xf32, #tpu.memory_space<vmem>>, vector<1x128x32xf32>
      %get3A_81 = vector.shape_cast %get3A_80 : vector<1x128x32xf32> to vector<128x32xf32>
      %dot_general3A_82 = arith.constant dense<0.000000e+00> : vector<1x32xf32>
      %dot_general3A_83 = tpu.matmul %get3A_76, %get3A_81, %dot_general3A_82 {dimension_numbers = #tpu.dot_dimension_numbers<[1], [0], [0], [1], [0, 0, 1, 1], [], []>, transpose_lhs_hint = false} : vector<1x128xf32>, vector<128x32xf32>, vector<1x32xf32> -> vector<1x32xf32>
      %add3A_84 = arith.addf %add3A_73, %dot_general3A_83 : vector<1x32xf32>
      %get3A_85 = arith.constant 2 : index
      %get3A_86 = arith.constant 0 : index
      %get3A_87 = vector.load %arg5[%get3A_85, %get3A_86] : memref<16x128xf32, #tpu.memory_space<vmem>>, vector<1x128xf32>
      %get3A_88 = arith.constant 2 : index
      %get3A_89 = arith.constant 0 : index
      %get3A_90 = arith.constant 0 : index
      %get3A_91 = vector.load %arg2[%get3A_88, %get3A_89, %get3A_90] : memref<16x128x32xf32, #tpu.memory_space<vmem>>, vector<1x128x32xf32>
      %get3A_92 = vector.shape_cast %get3A_91 : vector<1x128x32xf32> to vector<128x32xf32>
      %dot_general3A_93 = arith.constant dense<0.000000e+00> : vector<1x32xf32>
      %dot_general3A_94 = tpu.matmul %get3A_87, %get3A_92, %dot_general3A_93 {dimension_numbers = #tpu.dot_dimension_numbers<[1], [0], [0], [1], [0, 0, 1, 1], [], []>, transpose_lhs_hint = false} : vector<1x128xf32>, vector<128x32xf32>, vector<1x32xf32> -> vector<1x32xf32>
      %add3A_95 = arith.addf %add3A_84, %dot_general3A_94 : vector<1x32xf32>
      %get3A_96 = arith.constant 3 : index
      %get3A_97 = arith.constant 0 : index
      %get3A_98 = vector.load %arg5[%get3A_96, %get3A_97] : memref<16x128xf32, #tpu.memory_space<vmem>>, vector<1x128xf32>
      %get3A_99 = arith.constant 3 : index
      %get3A_100 = arith.constant 0 : index
      %get3A_101 = arith.constant 0 : index
      %get3A_102 = vector.load %arg2[%get3A_99, %get3A_100, %get3A_101] : memref<16x128x32xf32, #tpu.memory_space<vmem>>, vector<1x128x32xf32>
      %get3A_103 = vector.shape_cast %get3A_102 : vector<1x128x32xf32> to vector<128x32xf32>
      %dot_general3A_104 = arith.constant dense<0.000000e+00> : vector<1x32xf32>
      %dot_general3A_105 = tpu.matmul %get3A_98, %get3A_103, %dot_general3A_104 {dimension_numbers = #tpu.dot_dimension_numbers<[1], [0], [0], [1], [0, 0, 1, 1], [], []>, transpose_lhs_hint = false} : vector<1x128xf32>, vector<128x32xf32>, vector<1x32xf32> -> vector<1x32xf32>
      %add3A_106 = arith.addf %add3A_95, %dot_general3A_105 : vector<1x32xf32>
      %get3A_107 = arith.constant 4 : index
      %get3A_108 = arith.constant 0 : index
      %get3A_109 = vector.load %arg5[%get3A_107, %get3A_108] : memref<16x128xf32, #tpu.memory_space<vmem>>, vector<1x128xf32>
      %get3A_110 = arith.constant 4 : index
      %get3A_111 = arith.constant 0 : index
      %get3A_112 = arith.constant 0 : index
      %get3A_113 = vector.load %arg2[%get3A_110, %get3A_111, %get3A_112] : memref<16x128x32xf32, #tpu.memory_space<vmem>>, vector<1x128x32xf32>
      %get3A_114 = vector.shape_cast %get3A_113 : vector<1x128x32xf32> to vector<128x32xf32>
      %dot_general3A_115 = arith.constant dense<0.000000e+00> : vector<1x32xf32>
      %dot_general3A_116 = tpu.matmul %get3A_109, %get3A_114, %dot_general3A_115 {dimension_numbers = #tpu.dot_dimension_numbers<[1], [0], [0], [1], [0, 0, 1, 1], [], []>, transpose_lhs_hint = false} : vector<1x128xf32>, vector<128x32xf32>, vector<1x32xf32> -> vector<1x32xf32>
      %add3A_117 = arith.addf %add3A_106, %dot_general3A_116 : vector<1x32xf32>
      %get3A_118 = arith.constant 5 : index
      %get3A_119 = arith.constant 0 : index
      %get3A_120 = vector.load %arg5[%get3A_118, %get3A_119] : memref<16x128xf32, #tpu.memory_space<vmem>>, vector<1x128xf32>
      %get3A_121 = arith.constant 5 : index
      %get3A_122 = arith.constant 0 : index
      %get3A_123 = arith.constant 0 : index
      %get3A_124 = vector.load %arg2[%get3A_121, %get3A_122, %get3A_123] : memref<16x128x32xf32, #tpu.memory_space<vmem>>, vector<1x128x32xf32>
      %get3A_125 = vector.shape_cast %get3A_124 : vector<1x128x32xf32> to vector<128x32xf32>
      %dot_general3A_126 = arith.constant dense<0.000000e+00> : vector<1x32xf32>
      %dot_general3A_127 = tpu.matmul %get3A_120, %get3A_125, %dot_general3A_126 {dimension_numbers = #tpu.dot_dimension_numbers<[1], [0], [0], [1], [0, 0, 1, 1], [], []>, transpose_lhs_hint = false} : vector<1x128xf32>, vector<128x32xf32>, vector<1x32xf32> -> vector<1x32xf32>
      %add3A_128 = arith.addf %add3A_117, %dot_general3A_127 : vector<1x32xf32>
      %get3A_129 = arith.constant 6 : index
      %get3A_130 = arith.constant 0 : index
      %get3A_131 = vector.load %arg5[%get3A_129, %get3A_130] : memref<16x128xf32, #tpu.memory_space<vmem>>, vector<1x128xf32>
      %get3A_132 = arith.constant 6 : index
      %get3A_133 = arith.constant 0 : index
      %get3A_134 = arith.constant 0 : index
      %get3A_135 = vector.load %arg2[%get3A_132, %get3A_133, %get3A_134] : memref<16x128x32xf32, #tpu.memory_space<vmem>>, vector<1x128x32xf32>
      %get3A_136 = vector.shape_cast %get3A_135 : vector<1x128x32xf32> to vector<128x32xf32>
      %dot_general3A_137 = arith.constant dense<0.000000e+00> : vector<1x32xf32>
      %dot_general3A_138 = tpu.matmul %get3A_131, %get3A_136, %dot_general3A_137 {dimension_numbers = #tpu.dot_dimension_numbers<[1], [0], [0], [1], [0, 0, 1, 1], [], []>, transpose_lhs_hint = false} : vector<1x128xf32>, vector<128x32xf32>, vector<1x32xf32> -> vector<1x32xf32>
      %add3A_139 = arith.addf %add3A_128, %dot_general3A_138 : vector<1x32xf32>
      %get3A_140 = arith.constant 7 : index
      %get3A_141 = arith.constant 0 : index
      %get3A_142 = vector.load %arg5[%get3A_140, %get3A_141] : memref<16x128xf32, #tpu.memory_space<vmem>>, vector<1x128xf32>
      %get3A_143 = arith.constant 7 : index
      %get3A_144 = arith.constant 0 : index
      %get3A_145 = arith.constant 0 : index
      %get3A_146 = vector.load %arg2[%get3A_143, %get3A_144, %get3A_145] : memref<16x128x32xf32, #tpu.memory_space<vmem>>, vector<1x128x32xf32>
      %get3A_147 = vector.shape_cast %get3A_146 : vector<1x128x32xf32> to vector<128x32xf32>
      %dot_general3A_148 = arith.constant dense<0.000000e+00> : vector<1x32xf32>
      %dot_general3A_149 = tpu.matmul %get3A_142, %get3A_147, %dot_general3A_148 {dimension_numbers = #tpu.dot_dimension_numbers<[1], [0], [0], [1], [0, 0, 1, 1], [], []>, transpose_lhs_hint = false} : vector<1x128xf32>, vector<128x32xf32>, vector<1x32xf32> -> vector<1x32xf32>
      %add3A_150 = arith.addf %add3A_139, %dot_general3A_149 : vector<1x32xf32>
      %get3A_151 = arith.constant 8 : index
      %get3A_152 = arith.constant 0 : index
      %get3A_153 = vector.load %arg5[%get3A_151, %get3A_152] : memref<16x128xf32, #tpu.memory_space<vmem>>, vector<1x128xf32>
      %get3A_154 = arith.constant 8 : index
      %get3A_155 = arith.constant 0 : index
      %get3A_156 = arith.constant 0 : index
      %get3A_157 = vector.load %arg2[%get3A_154, %get3A_155, %get3A_156] : memref<16x128x32xf32, #tpu.memory_space<vmem>>, vector<1x128x32xf32>
      %get3A_158 = vector.shape_cast %get3A_157 : vector<1x128x32xf32> to vector<128x32xf32>
      %dot_general3A_159 = arith.constant dense<0.000000e+00> : vector<1x32xf32>
      %dot_general3A_160 = tpu.matmul %get3A_153, %get3A_158, %dot_general3A_159 {dimension_numbers = #tpu.dot_dimension_numbers<[1], [0], [0], [1], [0, 0, 1, 1], [], []>, transpose_lhs_hint = false} : vector<1x128xf32>, vector<128x32xf32>, vector<1x32xf32> -> vector<1x32xf32>
      %add3A_161 = arith.addf %add3A_150, %dot_general3A_160 : vector<1x32xf32>
      %get3A_162 = arith.constant 9 : index
      %get3A_163 = arith.constant 0 : index
      %get3A_164 = vector.load %arg5[%get3A_162, %get3A_163] : memref<16x128xf32, #tpu.memory_space<vmem>>, vector<1x128xf32>
      %get3A_165 = arith.constant 9 : index
      %get3A_166 = arith.constant 0 : index
      %get3A_167 = arith.constant 0 : index
      %get3A_168 = vector.load %arg2[%get3A_165, %get3A_166, %get3A_167] : memref<16x128x32xf32, #tpu.memory_space<vmem>>, vector<1x128x32xf32>
      %get3A_169 = vector.shape_cast %get3A_168 : vector<1x128x32xf32> to vector<128x32xf32>
      %dot_general3A_170 = arith.constant dense<0.000000e+00> : vector<1x32xf32>
      %dot_general3A_171 = tpu.matmul %get3A_164, %get3A_169, %dot_general3A_170 {dimension_numbers = #tpu.dot_dimension_numbers<[1], [0], [0], [1], [0, 0, 1, 1], [], []>, transpose_lhs_hint = false} : vector<1x128xf32>, vector<128x32xf32>, vector<1x32xf32> -> vector<1x32xf32>
      %add3A_172 = arith.addf %add3A_161, %dot_general3A_171 : vector<1x32xf32>
      %get3A_173 = arith.constant 10 : index
      %get3A_174 = arith.constant 0 : index
      %get3A_175 = vector.load %arg5[%get3A_173, %get3A_174] : memref<16x128xf32, #tpu.memory_space<vmem>>, vector<1x128xf32>
      %get3A_176 = arith.constant 10 : index
      %get3A_177 = arith.constant 0 : index
      %get3A_178 = arith.constant 0 : index
      %get3A_179 = vector.load %arg2[%get3A_176, %get3A_177, %get3A_178] : memref<16x128x32xf32, #tpu.memory_space<vmem>>, vector<1x128x32xf32>
      %get3A_180 = vector.shape_cast %get3A_179 : vector<1x128x32xf32> to vector<128x32xf32>
      %dot_general3A_181 = arith.constant dense<0.000000e+00> : vector<1x32xf32>
      %dot_general3A_182 = tpu.matmul %get3A_175, %get3A_180, %dot_general3A_181 {dimension_numbers = #tpu.dot_dimension_numbers<[1], [0], [0], [1], [0, 0, 1, 1], [], []>, transpose_lhs_hint = false} : vector<1x128xf32>, vector<128x32xf32>, vector<1x32xf32> -> vector<1x32xf32>
      %add3A_183 = arith.addf %add3A_172, %dot_general3A_182 : vector<1x32xf32>
      %get3A_184 = arith.constant 11 : index
      %get3A_185 = arith.constant 0 : index
      %get3A_186 = vector.load %arg5[%get3A_184, %get3A_185] : memref<16x128xf32, #tpu.memory_space<vmem>>, vector<1x128xf32>
      %get3A_187 = arith.constant 11 : index
      %get3A_188 = arith.constant 0 : index
      %get3A_189 = arith.constant 0 : index
      %get3A_190 = vector.load %arg2[%get3A_187, %get3A_188, %get3A_189] : memref<16x128x32xf32, #tpu.memory_space<vmem>>, vector<1x128x32xf32>
      %get3A_191 = vector.shape_cast %get3A_190 : vector<1x128x32xf32> to vector<128x32xf32>
      %dot_general3A_192 = arith.constant dense<0.000000e+00> : vector<1x32xf32>
      %dot_general3A_193 = tpu.matmul %get3A_186, %get3A_191, %dot_general3A_192 {dimension_numbers = #tpu.dot_dimension_numbers<[1], [0], [0], [1], [0, 0, 1, 1], [], []>, transpose_lhs_hint = false} : vector<1x128xf32>, vector<128x32xf32>, vector<1x32xf32> -> vector<1x32xf32>
      %add3A_194 = arith.addf %add3A_183, %dot_general3A_193 : vector<1x32xf32>
      %get3A_195 = arith.constant 12 : index
      %get3A_196 = arith.constant 0 : index
      %get3A_197 = vector.load %arg5[%get3A_195, %get3A_196] : memref<16x128xf32, #tpu.memory_space<vmem>>, vector<1x128xf32>
      %get3A_198 = arith.constant 12 : index
      %get3A_199 = arith.constant 0 : index
      %get3A_200 = arith.constant 0 : index
      %get3A_201 = vector.load %arg2[%get3A_198, %get3A_199, %get3A_200] : memref<16x128x32xf32, #tpu.memory_space<vmem>>, vector<1x128x32xf32>
      %get3A_202 = vector.shape_cast %get3A_201 : vector<1x128x32xf32> to vector<128x32xf32>
      %dot_general3A_203 = arith.constant dense<0.000000e+00> : vector<1x32xf32>
      %dot_general3A_204 = tpu.matmul %get3A_197, %get3A_202, %dot_general3A_203 {dimension_numbers = #tpu.dot_dimension_numbers<[1], [0], [0], [1], [0, 0, 1, 1], [], []>, transpose_lhs_hint = false} : vector<1x128xf32>, vector<128x32xf32>, vector<1x32xf32> -> vector<1x32xf32>
      %add3A_205 = arith.addf %add3A_194, %dot_general3A_204 : vector<1x32xf32>
      %get3A_206 = arith.constant 13 : index
      %get3A_207 = arith.constant 0 : index
      %get3A_208 = vector.load %arg5[%get3A_206, %get3A_207] : memref<16x128xf32, #tpu.memory_space<vmem>>, vector<1x128xf32>
      %get3A_209 = arith.constant 13 : index
      %get3A_210 = arith.constant 0 : index
      %get3A_211 = arith.constant 0 : index
      %get3A_212 = vector.load %arg2[%get3A_209, %get3A_210, %get3A_211] : memref<16x128x32xf32, #tpu.memory_space<vmem>>, vector<1x128x32xf32>
      %get3A_213 = vector.shape_cast %get3A_212 : vector<1x128x32xf32> to vector<128x32xf32>
      %dot_general3A_214 = arith.constant dense<0.000000e+00> : vector<1x32xf32>
      %dot_general3A_215 = tpu.matmul %get3A_208, %get3A_213, %dot_general3A_214 {dimension_numbers = #tpu.dot_dimension_numbers<[1], [0], [0], [1], [0, 0, 1, 1], [], []>, transpose_lhs_hint = false} : vector<1x128xf32>, vector<128x32xf32>, vector<1x32xf32> -> vector<1x32xf32>
      %add3A_216 = arith.addf %add3A_205, %dot_general3A_215 : vector<1x32xf32>
      %get3A_217 = arith.constant 14 : index
      %get3A_218 = arith.constant 0 : index
      %get3A_219 = vector.load %arg5[%get3A_217, %get3A_218] : memref<16x128xf32, #tpu.memory_space<vmem>>, vector<1x128xf32>
      %get3A_220 = arith.constant 14 : index
      %get3A_221 = arith.constant 0 : index
      %get3A_222 = arith.constant 0 : index
      %get3A_223 = vector.load %arg2[%get3A_220, %get3A_221, %get3A_222] : memref<16x128x32xf32, #tpu.memory_space<vmem>>, vector<1x128x32xf32>
      %get3A_224 = vector.shape_cast %get3A_223 : vector<1x128x32xf32> to vector<128x32xf32>
      %dot_general3A_225 = arith.constant dense<0.000000e+00> : vector<1x32xf32>
      %dot_general3A_226 = tpu.matmul %get3A_219, %get3A_224, %dot_general3A_225 {dimension_numbers = #tpu.dot_dimension_numbers<[1], [0], [0], [1], [0, 0, 1, 1], [], []>, transpose_lhs_hint = false} : vector<1x128xf32>, vector<128x32xf32>, vector<1x32xf32> -> vector<1x32xf32>
      %add3A_227 = arith.addf %add3A_216, %dot_general3A_226 : vector<1x32xf32>
      %get3A_228 = arith.constant 15 : index
      %get3A_229 = arith.constant 0 : index
      %get3A_230 = vector.load %arg5[%get3A_228, %get3A_229] : memref<16x128xf32, #tpu.memory_space<vmem>>, vector<1x128xf32>
      %get3A_231 = arith.constant 15 : index
      %get3A_232 = arith.constant 0 : index
      %get3A_233 = arith.constant 0 : index
      %get3A_234 = vector.load %arg2[%get3A_231, %get3A_232, %get3A_233] : memref<16x128x32xf32, #tpu.memory_space<vmem>>, vector<1x128x32xf32>
      %get3A_235 = vector.shape_cast %get3A_234 : vector<1x128x32xf32> to vector<128x32xf32>
      %dot_general3A_236 = arith.constant dense<0.000000e+00> : vector<1x32xf32>
      %dot_general3A_237 = tpu.matmul %get3A_230, %get3A_235, %dot_general3A_236 {dimension_numbers = #tpu.dot_dimension_numbers<[1], [0], [0], [1], [0, 0, 1, 1], [], []>, transpose_lhs_hint = false} : vector<1x128xf32>, vector<128x32xf32>, vector<1x32xf32> -> vector<1x32xf32>
      %add3A_238 = arith.addf %add3A_227, %dot_general3A_237 : vector<1x32xf32>
      %swap3A = arith.constant 0 : index
      %swap3A_239 = arith.constant 0 : index
      %swap3A_240 = vector.load %arg4[%swap3A, %swap3A_239] : memref<1x32xf32, #tpu.memory_space<vmem>>, vector<1x32xf32>
      tpu.vector_store %arg4[%swap3A, %swap3A_239], %add3A_238 {strides = array<i32>} : memref<1x32xf32, #tpu.memory_space<vmem>>, vector<1x32xf32>,
    } else {
    }
    return
  }
  func.func @transform_0(%arg0: i32) -> (i32, i32) {
    %c0_i32 = arith.constant 0 : i32
    %c0_i32_0 = arith.constant 0 : i32
    return %arg0, %c0_i32 : i32, i32
  }
  func.func @transform_1(%arg0: i32) -> (i32, i32, i32) {
    %c0_i32 = arith.constant 0 : i32
    %c0_i32_0 = arith.constant 0 : i32
    %c0_i32_1 = arith.constant 0 : i32
    %c0_i32_2 = arith.constant 0 : i32
    return %c0_i32, %c0_i32_0, %c0_i32_1 : i32, i32, i32
  }
  func.func @transform_2(%arg0: i32) -> (i32, i32) {
    %c0_i32 = arith.constant 0 : i32
    %c0_i32_0 = arith.constant 0 : i32
    %c0_i32_1 = arith.constant 0 : i32
    return %c0_i32, %c0_i32_0 : i32, i32
  }
  func.func @transform_3(%arg0: i32) -> (i32, i32) {
    %c0_i32 = arith.constant 0 : i32
    %c0_i32_0 = arith.constant 0 : i32
    %c0_i32_1 = arith.constant 0 : i32
    return %c0_i32, %c0_i32_0 : i32, i32
  }
}

</mosaic_0001>

<sc_bundles>
// kernel: kernel.12.cloned.1.call-start
scs
__scs_entry_jumppad:
0x0: {  	(pc) =	sbr.rel $0x88, $3  }
0x1: {  	(tag) =	ssettag $0x0;
	lr =	simm.s32 $0x1  }
0x2: {  	[smem:$0x3F97] =	sst lr;
	_ =	strace $0xD0000000  }
0x3: {  	_ = 	snop  }
0x4: {  	_ = 	snop  }
0x5: {  	_ = 	snop  }
0x6: {  	_ = 	snop  }
0x7: {  	_ = 	snop  }
__scs_overlays_trampoline_lowered:
0x8: {  	[smem:$0x3FA6] =	sst s0  }
0x9: {  	[smem:$0x3FA7] =	sst s1  }
0xa: {  	[smem:$0x3FA8] =	sst s2  }
0xb: {  	[smem:$0x3FA9] =	sst s3  }
0xc: {  	[smem:$0x3FAA] =	sst s4  }
0xd: {  	[smem:$0x3FAB] =	sst s5  }
0xe: {  	[smem:$0x3FAC] =	sst s6  }
0xf: {  	[smem:$0x3FAD] =	sst s7  }
0x10: {  	[smem:$0x3FAE] =	sst s8  }
0x11: {  	[smem:$0x3FAF] =	sst s9;
	s0 =	simm.s32 @!p0 $0x0  }
0x12: {  	s1 =	sld [smem:$0x3F95];
	s0 =	simm.s32 @p0 $0x1  }
0x13: {  	[smem:$0x3FB0] =	sst s0;
	s0 =	simm.s32 @!p1 $0x0  }
0x14: {  	s2 =	sld [smem:$0x3F94];
	s0 =	simm.s32 @p1 $0x1  }
0x15: {  	[smem:$0x3FB1] =	sst s0;
	s0 =	simm.s32 @!p2 $0x0  }
0x16: {  	s3 =	sld [smem:$0x3FDB];
	s0 =	simm.s32 @p2 $0x1  }
0x17: {  	s4 =	simm.s32 $0x1BF5;
	[smem:$0x3FB3] =	sst s0  }
0x18: {  	s0 =	sld [smem:$0x3F96];
	_ =	swait.ge [sflag:s4], $0x0  }
0x19: {  	s7 =	sld [smem:$0x3F97]  }
0x1a: {  	s8 =	sadd.s32 $0xFFFFE003, lr  }
0x1b: {  	s9 =	sadd.s32 $0xFFFFFEF7, lr;
	s5 =	simm.s32 $0xFFFFFFFF;
	p2 =	slt.u32 s8, $0xFFFFF086  }
0x1c: {  	p1 =	slt.u32 s9, $0xF7A;
	s5 =	simm.s32 @!p2 $0x0  }
0x1d: {  	s5 =	simm.s32 @p1 $0x1;
	p0 =	seq.s32 s7, s2  }
0x1e: {  	s7 =	smul.u32 @!p0 $0xF7A, s2;
	p2 =	seq.s32 @!p0 s5, $0x0  }
0x1f: {  	s9 =	smul.u32 $0xF7A, s1;
	s8 =	simm.s32 @!p0 $0x1BF5;
	p2 =	por !p2, p0  }
0x20: {  	[sflag:s8] =	ssyncset.s32 @!p0 $0xFFFFF086;
	s6 =	sadd.s32 @!p0 s3, s7;
	s7 =	simm.s32 @!p0 $0x108  }
0x21: {  	s3 =	sadd.s32 s3, s9;
	s6 =	sadd.s32 @!p0 $0x88, s6;
	s7 =	simm.s32 @p2 $0x1082  }
0x22: {  	[simem:s7], [sflag:s8] =	dma.local @!p0 [hbm:s6], $0xF7A  }
0x23: {  	s9 =	sor.u32 $0xD0000000, s2;
	s6 =	simm.s32 $0x108;
	_ =	swait.ge @!p0 [sflag:s8], $0x0  }
0x24: {  	s3 =	sadd.s32 $0x88, s3;
	s6 =	simm.s32 @!p1 $0x1082;
	[sflag:s4] =	ssyncset.s32 $0xFFFFF086  }
0x25: {  	[simem:s6], [sflag:s4] =	dma.local [hbm:s3], $0xF7A  }
0x26: {  	[smem:$0x3F97] =	sst s1;
	(tag) =	ssettag s2;
	_ =	strace s9  }
0x27: {  	s1 =	sld [smem:$0x3FA7]  }
0x28: {  	s2 =	sld [smem:$0x3FA8]  }
0x29: {  	s4 =	sld [smem:$0x3FAA]  }
0x2a: {  	p0 =	seq.s32 s5, $0x0;
	s5 =	sld [smem:$0x3FAB]  }
0x2b: {  	s6 =	sld [smem:$0x3FAC]  }
0x2c: {  	s7 =	sld [smem:$0x3FAD]  }
0x2d: {  	s3 =	simm.s32 $0x108;
	s8 =	sld [smem:$0x3FAE]  }
0x2e: {  	s3 =	simm.s32 @!p0 $0x1082;
	s9 =	sld [smem:$0x3FAF]  }
0x2f: {  	lr =	sadd.s32 s0, s3;
	s0 =	sld [smem:$0x3FA6]  }
0x30: {  	s3 =	sld [smem:$0x3FA9]  }
0x31: {  	[smem:$0x3FB2] =	sst s10  }
0x32: {  	s10 =	sld [smem:$0x3FB0];
	_ =	sdelay $0x3  }
0x33: {  	p0 =	seq.s32 s10, $0x1;
	s10 =	sld [smem:$0x3FB2];
	_ =	sdelay $0x3  }
0x34: {  	[smem:$0x3FB2] =	sst s10  }
0x35: {  	s10 =	sld [smem:$0x3FB1];
	_ =	sdelay $0x3  }
0x36: {  	p1 =	seq.s32 s10, $0x1;
	s10 =	sld [smem:$0x3FB2];
	_ =	sdelay $0x3  }
0x37: {  	[smem:$0x3FB2] =	sst s10  }
0x38: {  	s10 =	sld [smem:$0x3FB3]  }
0x39: {  	_ = 	snop;
	(pc) =	sbr.ind lr, $3  }
0x3a: {  	_ = 	snop  }
0x3b: {  	_ = 	snop  }
0x3c: {  	p2 =	seq.s32 s10, $0x1;
	s10 =	sld [smem:$0x3FB2]  }
0x3d: {  	_ =	shalt  }
0x3e: {  	_ =	shalt  }
0x3f: {  	_ =	shalt  }
0x40: {  	_ =	shalt  }
0x41: {  	_ =	shalt  }
0x42: {  	_ =	shalt  }
0x43: {  	_ =	shalt  }
0x44: {  	_ =	shalt  }
0x45: {  	_ =	shalt  }
0x46: {  	_ =	shalt  }
0x47: {  	_ =	shalt  }
0x48: {  	_ =	shalt  }
0x49: {  	_ =	shalt  }
0x4a: {  	_ =	shalt  }
0x4b: {  	_ =	shalt  }
0x4c: {  	_ =	shalt  }
0x4d: {  	_ =	shalt  }
0x4e: {  	_ =	shalt  }
0x4f: {  	_ =	shalt  }
0x50: {  	_ =	shalt  }
0x51: {  	_ =	shalt  }
0x52: {  	_ =	shalt  }
0x53: {  	_ =	shalt  }
0x54: {  	_ =	shalt  }
0x55: {  	_ =	shalt  }
0x56: {  	_ =	shalt  }
0x57: {  	_ =	shalt  }
0x58: {  	_ =	shalt  }
0x59: {  	_ =	shalt  }
0x5a: {  	_ =	shalt  }
0x5b: {  	_ =	shalt  }
0x5c: {  	_ =	shalt  }
0x5d: {  	_ =	shalt  }
0x5e: {  	_ =	shalt  }
0x5f: {  	_ =	shalt  }
0x60: {  	_ =	shalt  }
0x61: {  	_ =	shalt  }
0x62: {  	_ =	shalt  }
0x63: {  	_ =	shalt  }
0x64: {  	_ =	shalt  }
0x65: {  	_ =	shalt  }
0x66: {  	_ =	shalt  }
0x67: {  	_ =	shalt  }
0x68: {  	_ =	shalt  }
0x69: {  	_ =	shalt  }
0x6a: {  	_ =	shalt  }
0x6b: {  	_ =	shalt  }
0x6c: {  	_ =	shalt  }
0x6d: {  	_ =	shalt  }
0x6e: {  	_ =	shalt  }
0x6f: {  	_ =	shalt  }
0x70: {  	_ =	shalt  }
0x71: {  	_ =	shalt  }
0x72: {  	_ =	shalt  }
0x73: {  	_ =	shalt  }
0x74: {  	_ =	shalt  }
0x75: {  	_ =	shalt  }
0x76: {  	_ =	shalt  }
0x77: {  	_ =	shalt  }
0x78: {  	_ =	shalt  }
0x79: {  	_ =	shalt  }
0x7a: {  	_ =	shalt  }
0x7b: {  	_ =	shalt  }
0x7c: {  	_ =	shalt  }
0x7d: {  	_ =	shalt  }
0x7e: {  	_ =	shalt  }
0x7f: {  	_ =	shalt  }
0x80: {  	_ =	shalt  }
0x81: {  	_ =	shalt  }
0x82: {  	_ =	shalt  }
0x83: {  	_ =	shalt  }
0x84: {  	_ =	shalt  }
0x85: {  	_ =	shalt  }
0x86: {  	_ =	shalt  }
0x87: {  	_ =	shalt  }
.Lfunc_end0:
.L_simem_size_0:
called_computation.1_lowered:
.L_overlay_start_0:
0x88: {  	s2 =	sld [smem:$0x3FD9]  }
0x89: {  	s3 =	sld [smem:$0x3FFE];
	_ =	sdelay $0x1  }
0x8a: {  	s1 =	srdreg.scid  }
0x8b: {  	s0 =	sand.u32 $0x1, s1  }
0x8c: {  	s16 =	sshll.u32 s0, $0xA;
	s2 =	sadd.s32 s3, s2  }
0x8d: {  	s2 =	sadd.s32 s2, s16  }
0x8e: {  	[smem:$0x3FBE] =	sst s2  }
0x8f: {  	_ = 	snop  }
0x90: {  	(tm) =	ssettm $0x1  }
0x91: {  	s17 =	sld [smem:$0x3FFB];
	_ =	sdelay $0x3  }
0x92: {  	_ =	strace s17  }
0x93: {  	s2 =	sld [smem:$0x3FFC];
	_ =	sdelay $0x3  }
0x94: {  	_ =	strace s2  }
0x95: {  	s2 =	sld [smem:$0x3FFD];
	_ =	sdelay $0x3  }
0x96: {  	_ =	strace s2  }
0x97: {  	_ =	strace $0x8FFFFFFF  }
0x98: {  	s18 =	sld [smem:$0x3FDB];
	_ =	sdelay $0x1  }
0x99: {  	s19 =	simm.s32 $_scs_section_size  }
0x9a: {  	s4 =	simm.s32 $_size__tile_overlayer_lowered;
	s5 =	simm.s32 $_tile_overlayer_lowered  }
0x9b: {  	s22 =	simm.s32 $0x1BFF;
	s21 =	sshll.u32 s5, $0x1;
	s2 =	sadd.s32 s19, s18  }
0x9c: {  	s6 =	simm.s32 $0x0;
	s20 =	sshll.u32 s4, $0x1;
	s4 =	sadd.s32 s21, s2  }
0x9d: {  	[timem:s6], [sflag:s22] =	dma.local [hbm:s4], s20  }
0x9e: {  	_ =	swait.ge [sflag:s22], s20  }
0x9f: {  	s3 =	ssub.s32 $0x0, s20;
	[sflag:s22] =	ssyncset.done $0x0  }
0xa0: {  	[sflag:s22] =	ssyncadd.s32 s3;
	_ =	sdelay $0x1  }
0xa1: {  	s23 =	simm.s32 $0x1B8B  }
0xa2: {  	_ =	swait.ge [sflag:s23], $0x1  }
0xa3: {  	[sflag:s23] =	ssyncset.done $0x0  }
0xa4: {  	s25 =	simm.s32 $0x1B8E;
	s24 =	sld [smem:$0x3FFE];
	[sflag:s23] =	ssyncadd.s32 $0xFFFFFFFF  }
0xa5: {  	s26 =	simm.s32 $execute0_lowered;
	[smem:$0x3FD2] =	sst s25  }
0xa6: {  	s4 =	sshll.u32 s26, $0x1;
	_ =	strace $0x80000049;
	[dreg:$0x1] =	wrdreg $0xFFFFFFFF  }
0xa7: {  	s28 =	simm.s32 $_size_execute0_lowered;
	s2 =	sadd.s32 s2, s4;
	[dreg:$0x0] =	wrdreg $0x0  }
0xa8: {  	s4 =	sshll.u32 s28, $0x1;
	[dreg:$0x2] =	wrdreg s2  }
0xa9: {  	[dreg:$0x3] =	wrdreg s4  }
0xaa: {  	[dreg:$0x4] =	wrdreg $0xC0  }
0xab: {  	_ =	task [dreg:s6], $0x5FFFF  }
0xac: {  	[dreg:$0x1] =	wrdreg $0xFFFFFFFF  }
0xad: {  	[dreg:$0x0] =	wrdreg $0x60  }
0xae: {  	[dreg:$0x2] =	wrdreg s24  }
0xaf: {  	[dreg:$0x3] =	wrdreg $0x9  }
0xb0: {  	_ =	task.clear_ibuf [dreg:s6], $0x4FFFF;
	_ =	strace $0x90000049  }
0xb1: {  	s29 =	simm.s32 $0x9;
	_ =	strace $0x8000004B  }
0xb2: {  	_ =	swait.ge [sflag:s29], $0x1  }
0xb3: {  	[sflag:s29] =	ssyncadd.s32 $0xFFFFFFFF  }
0xb4: {  	_ =	strace $0x9000004B  }
0xb5: {  	_ =	sfence  }
0xb6: {  	s30 =	sld [smem:$0x0];
	_ =	sdelay $0x2  }
0xb7: {  	s31 =	sshll.u32 s1, $0xD;
	s1 =	sshrl.u32 s1, $0x2  }
0xb8: {  	s3 =	sand.u32 $0x4000, s31;
	s1 =	sadd.s32 s1, s30  }
0xb9: {  	s0 =	sor.u32 s3, s0;
	s1 =	sshll.u32 s1, $0x11  }
0xba: {  	s0 =	sor.u32 s1, s0  }
0xbb: {  	s0 =	sadd.s32 $0x8F2B, s0  }
0xbc: {  	[sflag:s0] =	ssyncadd.remote.s32 $0x1  }
0xbd: {  	_ =	sfence.sel $0xFFFF  }
0xbe: {  	[dreg:$0x0] =	wrdreg $0xFFFFFFFF;
	(pc) =	sbr.abs _section_cstart, $3  }
0xbf: {  	[dreg:$0x1] =	wrdreg $0xFFFFFFFF  }
0xc0: {  	_ =	task.clear_ibuf [dreg:s6], $0x2FFFF;
	_ =	strace $0x9FFFFFFF  }
0xc1: {  	(tm) =	ssettm $0x7FFFFFFF  }
tec
execute0_lowered:
.L_overlay_start_1:
0x0: {  	(tag) =	ssettag $0x1  }
0x1: {  	s0 =	rddreg [dreg:$0x0];
	s1 =	srdreg.scid  }
0x2: {  	s3 =	stileid.u32;
	s2 =	simm.s32 $0x0;
	s13 =	simm.s32 $0x5  }
0x3: {  	s14 =	simm.s32 $0x50;
	s15 =	simm.s32 $0x5400;
	s16 =	simm.s32 $0x80  }
0x4: {  	s17 =	simm.s32 $0x7C00;
	s18 =	simm.s32 $0x100;
	s19 =	simm.s32 $0xA400  }
0x5: {  	s20 =	simm.s32 $0x180;
	s21 =	simm.s32 $0xCC00;
	s22 =	simm.s32 $0x400  }
0x6: {  	s24 =	simm.s32 $0x1;
	s1 =	sand.u32 $0x1, s1;
	s3 =	sshll.u32 s3, $0x1  }
0x7: {  	s28 =	simm.s32 $0x3;
	s29 =	simm.s32 $0x2C00;
	s8 =	sor.u32 s1, s3  }
0x8: {  	s30 =	simm.s32 $0x0;
	[smem:$0x7FF] =	sst s2;
	s4 =	smul.u32 $0x7D, s8  }
0x9: {  	s5 =	sadd.s32 $0x522800, s0;
	s6 =	sadd.s32 $0x2000, s0;
	s9 =	smul.u32 $0xFA00, s8  }
0xa: {  	s7 =	sadd.s32 $0x18AA800, s0;
	s25 =	ssub.s32 $0x2, s1;
	s26 =	smul.u32 $0x1F40, s8  }
0xb: {  	_ =	strace $0x8000004A;
	s10 =	sshrl.u32 s25, $0x1;
	s8 =	smul.u32 $0x27100, s8  }
.Ltmp0:
0xc: {  	s3 =	sadd.s32 $0x40800, s0;
	s0 =	ssub.s32 s25, s10;
	(pc) =	sbr.rel .LBB2_1-.Ltmp0, $4  }
0xd: {  	s25 =	simm.s32 $0x6;
	s9 =	sshrl.u32 s9, $0x3;
	s1 =	sadd.s32 s6, s26  }
0xe: {  	s8 =	sadd.s32 s3, s8;
	[dreg:$0x2] =	wrdreg s1;
	s31 =	sadd.s32 s6, s9  }
0xf: {  	s11 =	sadd.s32 $0x3, s4;
	[dreg:$0x3] =	wrdreg s8;
	s1 =	sadd.s32 $0x40, s31  }
0x10: {  	s12 =	smax.u32 s0, $0x1;
	s26 =	simm.s32 $0x2;
	[dreg:$0x4] =	wrdreg s1  }
.LBB2_9:
0x11: {  	s30 =	sadd.s32 $0x1, s30  }
0x12: {  	p0 =	sne.s32 s30, s12  }
.Ltmp1:
0x13: {  	_ = 	snop;
	(pc) =	sbr.rel @!p0 .LBB2_10-.Ltmp1, $1  }
0x14: {  	_ =	sdelay $0x3  }
.LBB2_1:
0x15: {  	s0 =	rddreg [dreg:$0x2]  }
0x16: {  	[tilespmem:s2], [sflag:$0x5] =	stream.linear.gather [hbm4b:s0+s2], $0x200, $0x38;
	[tilespmem:$0x19400] =	vst v63  }
0x17: {  	_ =	swait.ge [sflag:s13], $0x200  }
0x18: {  	[sflag:s13] =	ssyncset.done $0x0  }
0x19: {  	[sflag:s13] =	ssyncadd.s32 $0xFFFFFE00  }
0x1a: {  	[tilespmem:s15], [sflag:$0x1] =	stream.indirect.gather [hbm4b:s5+s14], $0x80, s2, s14, $0xb8;
	[tilespmem:$0x19400] =	vst v63  }
0x1b: {  	_ = 	snop  }
0x1c: {  	[tilespmem:s17], [sflag:$0x1] =	stream.indirect.gather [hbm4b:s5+s14], $0x80, s16, s14, $0xb8;
	[tilespmem:$0x19400] =	vst v63  }
0x1d: {  	_ = 	snop  }
0x1e: {  	[tilespmem:s19], [sflag:$0x1] =	stream.indirect.gather [hbm4b:s5+s14], $0x80, s18, s14, $0xb8;
	[tilespmem:$0x19400] =	vst v63  }
0x1f: {  	_ = 	snop  }
0x20: {  	[tilespmem:s21], [sflag:$0x1] =	stream.indirect.gather [hbm4b:s5+s14], $0x80, s20, s14, $0xb8;
	[tilespmem:$0x19400] =	vst v63  }
.Ltmp2:
0x21: {  	_ = 	snop;
	(pc) =	sbr.rel .LBB2_2-.Ltmp2, $4  }
0x22: {  	s10 =	rddreg [dreg:$0x3]  }
0x23: {  	[tilespmem:s22], [sflag:$0x1] =	stream.linear.gather [hbm4b:s10+s2], $0x2800, $0x38;
	[tilespmem:$0x19400] =	vst v63  }
0x24: {  	s1 =	simm.s32 $0x200;
	s31 =	simm.s32 $0x0;
	s23 =	rddreg [dreg:$0x4]  }
0x25: {  	[tilespmem:s1], [sflag:$0x4] =	stream.linear.gather [hbm4b:s23+s2], $0x200, $0x38;
	[tilespmem:$0x19400] =	vst v63  }
.LBB2_8:
0x26: {  	s31 =	sadd.s32 $0x1, s31  }
0x27: {  	p0 =	sne.s32 s31, $0x3F  }
.Ltmp3:
0x28: {  	_ = 	snop;
	(pc) =	sbr.rel @!p0 .LBB2_9-.Ltmp3, $1  }
0x29: {  	_ =	sdelay $0x3  }
.LBB2_2:
0x2a: {  	_ =	swait.ge [sflag:s24], $0x2800  }
0x2b: {  	[sflag:s24] =	ssyncset.done $0x0  }
0x2c: {  	[sflag:s24] =	ssyncadd.s32 $0xFFFFD800  }
0x2d: {  	_ =	swait.ge [sflag:s24], $0x2800  }
0x2e: {  	[sflag:s24] =	ssyncset.done $0x0  }
0x2f: {  	[sflag:s24] =	ssyncadd.s32 $0xFFFFD800  }
0x30: {  	_ =	swait.ge [sflag:s24], $0x2800  }
0x31: {  	[sflag:s24] =	ssyncset.done $0x0  }
0x32: {  	[sflag:s24] =	ssyncadd.s32 $0xFFFFD800  }
0x33: {  	_ =	swait.ge [sflag:s24], $0x2800  }
0x34: {  	[sflag:s24] =	ssyncset.done $0x0  }
0x35: {  	[sflag:s24] =	ssyncadd.s32 $0xFFFFD800  }
0x36: {  	s0 =	sshllo.u32 s31, $0x1;
	_ =	swait.ge [sflag:s24], $0x2800  }
0x37: {  	p0 =	sgt.u32 s0, $0x7C;
	[sflag:s24] =	ssyncset.done $0x0  }
0x38: {  	s1 =	simm.s32 @!p0 $0x4;
	[sflag:s24] =	ssyncadd.s32 $0xFFFFD800  }
0x39: {  	_ =	swait.ge @!p0 [sflag:s1], $0x200  }
0x3a: {  	s8 =	simm.s32 @!p0 $0x200;
	[sflag:s1] =	ssyncset.done @!p0 $0x0  }
0x3b: {  	s9 =	simm.s32 @!p0 $0xF400;
	[sflag:s1] =	ssyncadd.s32 @!p0 $0xFFFFFE00;
	s1 =	simm.s32 @!p0 $0x50  }
0x3c: {  	[tilespmem:s9], [sflag:$0x2] =	stream.indirect.gather @!p0 [hbm4b:s5+s1], $0x80, s8, s1, $0xb8;
	[tilespmem:$0x19400] =	vst v63  }
0x3d: {  	s8 =	simm.s32 @!p0 $0x280;
	s9 =	simm.s32 @!p0 $0x11C00  }
0x3e: {  	[tilespmem:s9], [sflag:$0x2] =	stream.indirect.gather @!p0 [hbm4b:s5+s1], $0x80, s8, s1, $0xb8;
	[tilespmem:$0x19400] =	vst v63  }
0x3f: {  	s8 =	simm.s32 @!p0 $0x300;
	s9 =	simm.s32 @!p0 $0x14400  }
0x40: {  	[tilespmem:s9], [sflag:$0x2] =	stream.indirect.gather @!p0 [hbm4b:s5+s1], $0x80, s8, s1, $0xb8;
	[tilespmem:$0x19400] =	vst v63  }
0x41: {  	s8 =	simm.s32 @!p0 $0x380;
	s9 =	simm.s32 @!p0 $0x16C00  }
0x42: {  	[tilespmem:s9], [sflag:$0x2] =	stream.indirect.gather @!p0 [hbm4b:s5+s1], $0x80, s8, s1, $0xb8;
	[tilespmem:$0x19400] =	vst v63  }
0x43: {  	s1 =	sadd.s32 @!p0 s4, s0  }
0x44: {  	s8 =	smul.u32 @!p0 $0x500, s1  }
0x45: {  	s23 =	simm.s32 @!p0 $0x2C00  }
0x46: {  	s9 =	simm.s32 @!p0 $0x0;
	s1 =	sshll.u32 s31, $0x1;
	s8 =	sadd.s32 @!p0 s3, s8  }
0x47: {  	[tilespmem:s23], [sflag:$0x2] =	stream.linear.gather @!p0 [hbm4b:s8+s9], $0x2800, $0x38;
	[tilespmem:$0x19400] =	vst v63  }
0x48: {  	p1 =	seq.s32 s31, $0x3E;
	s23 =	sadd.s32 $0x2, s1  }
0x49: {  	s8 =	sadd.s32 @!p1 s4, s23  }
0x4a: {  	s8 =	sshll.u32 @!p1 s8, $0x6  }
0x4b: {  	s8 =	sand.u32 @!p1 $0x1FFFFFC0, s8  }
0x4c: {  	s9 =	simm.s32 @!p1 $0x0;
	s8 =	sadd.s32 @!p1 s6, s8  }
0x4d: {  	[tilespmem:s9], [sflag:$0x3] =	stream.linear.gather @!p1 [hbm4b:s8+s9], $0x200, $0x38;
	[tilespmem:$0x19400] =	vst v63  }
0x4e: {  	s8 =	simm.s32 $0x0  }
0x4f: {  	v0 =	vld [tilespmem:s8+$0x5400]  }
0x50: {  	v1 =	vld [tilespmem:s8+$0x7C00]  }
0x51: {  	v2 =	vld [tilespmem:s8+$0xA400]  }
0x52: {  	v3 =	vld [tilespmem:s8+$0xCC00]  }
0x53: {  	v4 =	vld [tilespmem:s8+$0x5410]  }
0x54: {  	v5 =	vld [tilespmem:s8+$0x7C10]  }
0x55: {  	v6 =	vld [tilespmem:s8+$0xA410]  }
0x56: {  	v7 =	vld [tilespmem:s8+$0xCC10]  }
0x57: {  	v11 =	vld [tilespmem:s8+$0x5420]  }
0x58: {  	v12 =	vld [tilespmem:s8+$0x7C20]  }
0x59: {  	v16 =	vld [tilespmem:s8+$0xA420]  }
0x5a: {  	v17 =	vld [tilespmem:s8+$0xCC20]  }
0x5b: {  	v18 =	vld [tilespmem:s8+$0x5430]  }
0x5c: {  	v19 =	vld [tilespmem:s8+$0x7C30]  }
0x5d: {  	v20 =	vld [tilespmem:s8+$0xA430]  }
0x5e: {  	v21 =	vld [tilespmem:s8+$0xCC30]  }
0x5f: {  	v22 =	vld [tilespmem:s8+$0x5440]  }
0x60: {  	v23 =	vld [tilespmem:s8+$0x7C40]  }
0x61: {  	v24 =	vld [tilespmem:s8+$0xA440]  }
0x62: {  	v25 =	vld [tilespmem:s8+$0xCC40]  }
0x63: {  	v26 =	vld [tilespmem:s8+$0x5450]  }
0x64: {  	v27 =	vld [tilespmem:s8+$0x7C50]  }
0x65: {  	v28 =	vld [tilespmem:s8+$0xA450]  }
0x66: {  	v29 =	vld [tilespmem:s8+$0xCC50]  }
0x67: {  	v30 =	vld [tilespmem:s8+$0x5460]  }
0x68: {  	v31 =	vld [tilespmem:s8+$0x7C60]  }
0x69: {  	v32 =	vld [tilespmem:s8+$0xA460]  }
0x6a: {  	v33 =	vld [tilespmem:s8+$0xCC60]  }
0x6b: {  	v9 =	vld [tilespmem:s8+$0x5470];
	v8 =	vadd.f32 v1, v0;
	v13 =	vadd.f32 v3, v2  }
0x6c: {  	v15 =	vld [tilespmem:s8+$0x7C70];
	v10 =	vadd.f32 v5, v4;
	v14 =	vadd.f32 v7, v6  }
0x6d: {  	v5 =	vadd.f32 v12, v11;
	v11 =	vadd.f32 v17, v16;
	v16 =	vld [tilespmem:s8+$0xA470]  }
0x6e: {  	v6 =	vadd.f32 v19, v18;
	v12 =	vadd.f32 v21, v20;
	v18 =	vld [tilespmem:s8+$0xCC70]  }
0x6f: {  	v19 =	vld [tilespmem:s8+$0x400];
	v4 =	vadd.f32 v23, v22;
	v7 =	vadd.f32 v25, v24  }
0x70: {  	v20 =	vld [tilespmem:s8+$0x410];
	v2 =	vadd.f32 v27, v26;
	v3 =	vadd.f32 v29, v28  }
0x71: {  	s9 =	simm.s32 $0x200;
	v17 =	vld [tilespmem:s8+$0x420];
	v0 =	vadd.f32 v31, v30;
	v1 =	vadd.f32 v33, v32  }
.LBB2_3:
0x72: {  	p1 =	sne.s32 s9, $0x9E00;
	v8 =	vadd.f32 v13, v8;
	v13 =	vld [tilespmem:s8+$0x430];
	v9 =	vadd.f32 v15, v9  }
0x73: {  	v10 =	vadd.f32 v14, v10;
	v14 =	vld [tilespmem:s8+$0x440];
	v15 =	vadd.f32 v18, v16  }
0x74: {  	v5 =	vadd.f32 v11, v5;
	v8 =	vadd.f32 v8, v19;
	v11 =	vld [tilespmem:s8+$0x450]  }
0x75: {  	v6 =	vadd.f32 v12, v6;
	v10 =	vadd.f32 v10, v20;
	v12 =	vld [tilespmem:s8+$0x460]  }
0x76: {  	s10 =	sshra.s32 s9, $0x2;
	v4 =	vadd.f32 v7, v4;
	v8 =	vmax.f32 v8, $0.0e+00;
	v5 =	vadd.f32 v5, v17;
	v7 =	vld [tilespmem:s8+$0x470]  }
0x77: {  	v2 =	vadd.f32 v3, v2;
	v16 =	vld [tilespmem:s10+$0x5400];
	[tilespmem:s8+$0x400] =	vst v8;
	v8 =	vmax.f32 v10, $0.0e+00;
	v6 =	vadd.f32 v6, v13  }
0x78: {  	v0 =	vadd.f32 v1, v0;
	v3 =	vld [tilespmem:s10+$0x7C00];
	[tilespmem:s8+$0x410] =	vst v8;
	v5 =	vmax.f32 v5, $0.0e+00;
	v4 =	vadd.f32 v4, v14  }
0x79: {  	v1 =	vld [tilespmem:s10+$0xA400];
	[tilespmem:s8+$0x420] =	vst v5;
	v5 =	vmax.f32 v6, $0.0e+00;
	v2 =	vadd.f32 v2, v11;
	v6 =	vadd.f32 v15, v9  }
0x7a: {  	v9 =	vld [tilespmem:s10+$0xCC00];
	[tilespmem:s8+$0x430] =	vst v5;
	v4 =	vmax.f32 v4, $0.0e+00;
	v0 =	vadd.f32 v0, v12  }
0x7b: {  	v5 =	vld [tilespmem:s10+$0x5410];
	[tilespmem:s8+$0x440] =	vst v4;
	v2 =	vmax.f32 v2, $0.0e+00;
	v4 =	vadd.f32 v6, v7  }
0x7c: {  	v6 =	vld [tilespmem:s10+$0x7C10];
	[tilespmem:s8+$0x450] =	vst v2;
	v0 =	vmax.f32 v0, $0.0e+00  }
0x7d: {  	v2 =	vld [tilespmem:s10+$0xA410];
	[tilespmem:s8+$0x460] =	vst v0;
	v0 =	vmax.f32 v4, $0.0e+00  }
0x7e: {  	v4 =	vld [tilespmem:s10+$0xCC10];
	[tilespmem:s8+$0x470] =	vst v0;
	s8 =	smov.u32 s10  }
0x7f: {  	v0 =	vld [tilespmem:s8+$0x5420]  }
0x80: {  	v7 =	vld [tilespmem:s8+$0x7C20]  }
0x81: {  	v11 =	vld [tilespmem:s8+$0xA420]  }
0x82: {  	v12 =	vld [tilespmem:s8+$0xCC20]  }
0x83: {  	v17 =	vld [tilespmem:s8+$0x5430]  }
0x84: {  	v18 =	vld [tilespmem:s8+$0x7C30]  }
0x85: {  	v19 =	vld [tilespmem:s8+$0xA430]  }
0x86: {  	v20 =	vld [tilespmem:s8+$0xCC30]  }
0x87: {  	v21 =	vld [tilespmem:s8+$0x5440]  }
0x88: {  	v22 =	vld [tilespmem:s8+$0x7C40]  }
0x89: {  	v23 =	vld [tilespmem:s8+$0xA440]  }
0x8a: {  	v24 =	vld [tilespmem:s8+$0xCC40]  }
0x8b: {  	v25 =	vld [tilespmem:s8+$0x5450]  }
0x8c: {  	v26 =	vld [tilespmem:s8+$0x7C50]  }
0x8d: {  	v27 =	vld [tilespmem:s8+$0xA450]  }
0x8e: {  	v28 =	vld [tilespmem:s8+$0xCC50]  }
0x8f: {  	v29 =	vld [tilespmem:s8+$0x5460]  }
0x90: {  	v30 =	vld [tilespmem:s8+$0x7C60]  }
0x91: {  	v31 =	vld [tilespmem:s8+$0xA460]  }
0x92: {  	v32 =	vld [tilespmem:s8+$0xCC60]  }
0x93: {  	v8 =	vadd.f32 v3, v16;
	v13 =	vadd.f32 v9, v1;
	v9 =	vld [tilespmem:s8+$0x5470]  }
0x94: {  	v10 =	vadd.f32 v6, v5;
	v14 =	vadd.f32 v4, v2;
	v15 =	vld [tilespmem:s8+$0x7C70]  }
.Ltmp4:
0x95: {  	v5 =	vadd.f32 v7, v0;
	v11 =	vadd.f32 v12, v11;
	v16 =	vld [tilespmem:s8+$0xA470];
	(pc) =	sbr.rel @p1 .LBB2_3-.Ltmp4, $4  }
0x96: {  	v6 =	vadd.f32 v18, v17;
	v12 =	vadd.f32 v20, v19;
	v18 =	vld [tilespmem:s8+$0xCC70]  }
0x97: {  	v4 =	vadd.f32 v22, v21;
	v7 =	vadd.f32 v24, v23;
	v19 =	vld [tilespmem:s8+$0x400]  }
0x98: {  	v2 =	vadd.f32 v26, v25;
	v3 =	vadd.f32 v28, v27;
	v20 =	vld [tilespmem:s8+$0x410]  }
0x99: {  	s9 =	sadd.s32 $0x200, s9;
	v0 =	vadd.f32 v30, v29;
	v1 =	vadd.f32 v32, v31;
	v17 =	vld [tilespmem:s8+$0x420]  }
0x9a: {  	v8 =	vadd.f32 v13, v8;
	v50 =	vld [tilespmem:s8+$0x430];
	v9 =	vadd.f32 v15, v9  }
0x9b: {  	v10 =	vadd.f32 v14, v10;
	v51 =	vld [tilespmem:s8+$0x440];
	v5 =	vadd.f32 v11, v5  }
0x9c: {  	v53 =	vld [tilespmem:s8+$0x450];
	v6 =	vadd.f32 v12, v6;
	v8 =	vadd.f32 v8, v19  }
0x9d: {  	v54 =	vld [tilespmem:s8+$0x460];
	v4 =	vadd.f32 v7, v4;
	v10 =	vadd.f32 v10, v20  }
0x9e: {  	v55 =	vld [tilespmem:s8+$0x470];
	v2 =	vadd.f32 v3, v2;
	v8 =	vmax.f32 v8, $0.0e+00;
	v5 =	vadd.f32 v5, v17  }
0x9f: {  	v52 =	vadd.f32 v18, v16;
	[tilespmem:s8+$0x400] =	vst v8;
	v56 =	vmax.f32 v10, $0.0e+00;
	v6 =	vadd.f32 v6, v50  }
0xa0: {  	v0 =	vadd.f32 v1, v0;
	v4 =	vadd.f32 v4, v51;
	[tilespmem:s8+$0x410] =	vst v56;
	v57 =	vmax.f32 v5, $0.0e+00  }
0xa1: {  	v59 =	vadd.f32 v52, v9;
	v2 =	vadd.f32 v2, v53;
	[tilespmem:s8+$0x420] =	vst v57;
	v58 =	vmax.f32 v6, $0.0e+00  }
0xa2: {  	v0 =	vadd.f32 v0, v54;
	v60 =	vmax.f32 v4, $0.0e+00;
	[tilespmem:s8+$0x430] =	vst v58  }
0xa3: {  	s9 =	sadd.s32 s4, s1;
	v62 =	vadd.f32 v59, v55;
	v61 =	vmax.f32 v2, $0.0e+00;
	[tilespmem:s8+$0x440] =	vst v60  }
0xa4: {  	s9 =	smul.u32 $0x500, s9;
	v0 =	vmax.f32 v0, $0.0e+00;
	[tilespmem:s8+$0x450] =	vst v61  }
0xa5: {  	v63 =	vmax.f32 v62, $0.0e+00;
	[tilespmem:s8+$0x460] =	vst v0  }
.Ltmp5:
0xa6: {  	s10 =	sadd.s32 s7, s9;
	[tilespmem:s8+$0x470] =	vst v63;
	(pc) =	sbr.rel @p0 .LBB2_8-.Ltmp5, $4  }
0xa7: {  	[hbm4b:s10+s2] =	stream.linear.scatter [tilespmem:s22], [sflag:$0x6], $0x2800, $0x38;
	[tilespmem:$0x19400] =	vst v63  }
0xa8: {  	_ =	swait.ge [sflag:s25], $0x2800  }
0xa9: {  	[sflag:s25] =	ssyncset.done $0x0  }
0xaa: {  	[sflag:s25] =	ssyncadd.s32 $0xFFFFD800  }
0xab: {  	_ =	swait.ge [sflag:s26], $0x2800  }
0xac: {  	[sflag:s26] =	ssyncset.done $0x0  }
0xad: {  	[sflag:s26] =	ssyncadd.s32 $0xFFFFD800  }
0xae: {  	_ =	swait.ge [sflag:s26], $0x2800  }
0xaf: {  	[sflag:s26] =	ssyncset.done $0x0  }
0xb0: {  	[sflag:s26] =	ssyncadd.s32 $0xFFFFD800  }
0xb1: {  	_ =	swait.ge [sflag:s26], $0x2800  }
0xb2: {  	[sflag:s26] =	ssyncset.done $0x0  }
0xb3: {  	[sflag:s26] =	ssyncadd.s32 $0xFFFFD800  }
0xb4: {  	_ =	swait.ge [sflag:s26], $0x2800  }
0xb5: {  	[sflag:s26] =	ssyncset.done $0x0  }
0xb6: {  	[sflag:s26] =	ssyncadd.s32 $0xFFFFD800  }
0xb7: {  	_ =	swait.ge [sflag:s26], $0x2800  }
0xb8: {  	[sflag:s26] =	ssyncset.done $0x0  }
0xb9: {  	[sflag:s26] =	ssyncadd.s32 $0xFFFFD800  }
0xba: {  	_ =	swait.ge [sflag:s28], $0x200  }
0xbb: {  	[sflag:s28] =	ssyncset.done $0x0  }
0xbc: {  	[sflag:s28] =	ssyncadd.s32 $0xFFFFFE00  }
0xbd: {  	[tilespmem:s15], [sflag:$0x1] =	stream.indirect.gather [hbm4b:s5+s14], $0x80, s2, s14, $0xb8;
	[tilespmem:$0x19400] =	vst v63  }
0xbe: {  	p0 =	sgt.u32 s31, $0x3C  }
0xbf: {  	[tilespmem:s17], [sflag:$0x1] =	stream.indirect.gather [hbm4b:s5+s14], $0x80, s16, s14, $0xb8;
	[tilespmem:$0x19400] =	vst v63  }
0xc0: {  	s8 =	sadd.s32 s4, s23;
	s1 =	sadd.s32 @!p0 s1, s11  }
0xc1: {  	[tilespmem:s19], [sflag:$0x1] =	stream.indirect.gather [hbm4b:s5+s14], $0x80, s18, s14, $0xb8;
	[tilespmem:$0x19400] =	vst v63  }
0xc2: {  	s8 =	smul.u32 $0x500, s8;
	s1 =	sshll.u32 @!p0 s1, $0x6  }
0xc3: {  	[tilespmem:s21], [sflag:$0x1] =	stream.indirect.gather [hbm4b:s5+s14], $0x80, s20, s14, $0xb8;
	[tilespmem:$0x19400] =	vst v63  }
0xc4: {  	s8 =	sadd.s32 s3, s8;
	s1 =	sand.u32 @!p0 $0x1FFFFFC0, s1  }
0xc5: {  	[tilespmem:s22], [sflag:$0x1] =	stream.linear.gather [hbm4b:s8+s2], $0x2800, $0x38;
	[tilespmem:$0x19400] =	vst v63  }
0xc6: {  	s9 =	simm.s32 @!p0 $0x200;
	s1 =	sadd.s32 @!p0 s6, s1;
	s8 =	simm.s32 @!p0 $0x0  }
0xc7: {  	[tilespmem:s9], [sflag:$0x4] =	stream.linear.gather @!p0 [hbm4b:s1+s8], $0x200, $0x38;
	[tilespmem:$0x19400] =	vst v63  }
0xc8: {  	s1 =	simm.s32 $0x0  }
0xc9: {  	v0 =	vld [tilespmem:s1+$0xF400]  }
0xca: {  	v1 =	vld [tilespmem:s1+$0x11C00]  }
0xcb: {  	v2 =	vld [tilespmem:s1+$0x14400]  }
0xcc: {  	v3 =	vld [tilespmem:s1+$0x16C00]  }
0xcd: {  	v4 =	vld [tilespmem:s1+$0xF410]  }
0xce: {  	v5 =	vld [tilespmem:s1+$0x11C10]  }
0xcf: {  	v6 =	vld [tilespmem:s1+$0x14410]  }
0xd0: {  	v7 =	vld [tilespmem:s1+$0x16C10]  }
0xd1: {  	v11 =	vld [tilespmem:s1+$0xF420]  }
0xd2: {  	v12 =	vld [tilespmem:s1+$0x11C20]  }
0xd3: {  	v16 =	vld [tilespmem:s1+$0x14420]  }
0xd4: {  	v17 =	vld [tilespmem:s1+$0x16C20]  }
0xd5: {  	v18 =	vld [tilespmem:s1+$0xF430]  }
0xd6: {  	v19 =	vld [tilespmem:s1+$0x11C30]  }
0xd7: {  	v20 =	vld [tilespmem:s1+$0x14430]  }
0xd8: {  	v21 =	vld [tilespmem:s1+$0x16C30]  }
0xd9: {  	v22 =	vld [tilespmem:s1+$0xF440]  }
0xda: {  	v23 =	vld [tilespmem:s1+$0x11C40]  }
0xdb: {  	v24 =	vld [tilespmem:s1+$0x14440]  }
0xdc: {  	v25 =	vld [tilespmem:s1+$0x16C40]  }
0xdd: {  	v26 =	vld [tilespmem:s1+$0xF450]  }
0xde: {  	v27 =	vld [tilespmem:s1+$0x11C50]  }
0xdf: {  	v28 =	vld [tilespmem:s1+$0x14450]  }
0xe0: {  	v29 =	vld [tilespmem:s1+$0x16C50]  }
0xe1: {  	v30 =	vld [tilespmem:s1+$0xF460]  }
0xe2: {  	v31 =	vld [tilespmem:s1+$0x11C60]  }
0xe3: {  	v32 =	vld [tilespmem:s1+$0x14460]  }
0xe4: {  	v33 =	vld [tilespmem:s1+$0x16C60]  }
0xe5: {  	v9 =	vld [tilespmem:s1+$0xF470];
	v8 =	vadd.f32 v1, v0;
	v13 =	vadd.f32 v3, v2  }
0xe6: {  	v15 =	vld [tilespmem:s1+$0x11C70];
	v10 =	vadd.f32 v5, v4;
	v14 =	vadd.f32 v7, v6  }
0xe7: {  	v5 =	vadd.f32 v12, v11;
	v11 =	vadd.f32 v17, v16;
	v16 =	vld [tilespmem:s1+$0x14470]  }
0xe8: {  	v6 =	vadd.f32 v19, v18;
	v12 =	vadd.f32 v21, v20;
	v18 =	vld [tilespmem:s1+$0x16C70]  }
0xe9: {  	v19 =	vld [tilespmem:s1+$0x2C00];
	v4 =	vadd.f32 v23, v22;
	v7 =	vadd.f32 v25, v24  }
0xea: {  	v20 =	vld [tilespmem:s1+$0x2C10];
	v2 =	vadd.f32 v27, v26;
	v3 =	vadd.f32 v29, v28  }
0xeb: {  	s8 =	simm.s32 $0x200;
	v17 =	vld [tilespmem:s1+$0x2C20];
	v0 =	vadd.f32 v31, v30;
	v1 =	vadd.f32 v33, v32  }
.LBB2_6:
0xec: {  	p0 =	sne.s32 s8, $0x9E00;
	v8 =	vadd.f32 v13, v8;
	v13 =	vld [tilespmem:s1+$0x2C30];
	v9 =	vadd.f32 v15, v9  }
0xed: {  	v10 =	vadd.f32 v14, v10;
	v14 =	vld [tilespmem:s1+$0x2C40];
	v15 =	vadd.f32 v18, v16  }
0xee: {  	v5 =	vadd.f32 v11, v5;
	v8 =	vadd.f32 v8, v19;
	v11 =	vld [tilespmem:s1+$0x2C50]  }
0xef: {  	v6 =	vadd.f32 v12, v6;
	v10 =	vadd.f32 v10, v20;
	v12 =	vld [tilespmem:s1+$0x2C60]  }
0xf0: {  	s9 =	sshra.s32 s8, $0x2;
	v4 =	vadd.f32 v7, v4;
	v8 =	vmax.f32 v8, $0.0e+00;
	v5 =	vadd.f32 v5, v17;
	v7 =	vld [tilespmem:s1+$0x2C70]  }
0xf1: {  	v2 =	vadd.f32 v3, v2;
	v16 =	vld [tilespmem:s9+$0xF400];
	[tilespmem:s1+$0x2C00] =	vst v8;
	v8 =	vmax.f32 v10, $0.0e+00;
	v6 =	vadd.f32 v6, v13  }
0xf2: {  	v0 =	vadd.f32 v1, v0;
	v3 =	vld [tilespmem:s9+$0x11C00];
	[tilespmem:s1+$0x2C10] =	vst v8;
	v5 =	vmax.f32 v5, $0.0e+00;
	v4 =	vadd.f32 v4, v14  }
0xf3: {  	v1 =	vld [tilespmem:s9+$0x14400];
	[tilespmem:s1+$0x2C20] =	vst v5;
	v5 =	vmax.f32 v6, $0.0e+00;
	v2 =	vadd.f32 v2, v11;
	v6 =	vadd.f32 v15, v9  }
0xf4: {  	v9 =	vld [tilespmem:s9+$0x16C00];
	[tilespmem:s1+$0x2C30] =	vst v5;
	v4 =	vmax.f32 v4, $0.0e+00;
	v0 =	vadd.f32 v0, v12  }
0xf5: {  	v5 =	vld [tilespmem:s9+$0xF410];
	[tilespmem:s1+$0x2C40] =	vst v4;
	v2 =	vmax.f32 v2, $0.0e+00;
	v4 =	vadd.f32 v6, v7  }
0xf6: {  	v6 =	vld [tilespmem:s9+$0x11C10];
	[tilespmem:s1+$0x2C50] =	vst v2;
	v0 =	vmax.f32 v0, $0.0e+00  }
0xf7: {  	v2 =	vld [tilespmem:s9+$0x14410];
	[tilespmem:s1+$0x2C60] =	vst v0;
	v0 =	vmax.f32 v4, $0.0e+00  }
0xf8: {  	v4 =	vld [tilespmem:s9+$0x16C10];
	[tilespmem:s1+$0x2C70] =	vst v0;
	s1 =	smov.u32 s9  }
0xf9: {  	v0 =	vld [tilespmem:s1+$0xF420]  }
0xfa: {  	v7 =	vld [tilespmem:s1+$0x11C20]  }
0xfb: {  	v11 =	vld [tilespmem:s1+$0x14420]  }
0xfc: {  	v12 =	vld [tilespmem:s1+$0x16C20]  }
0xfd: {  	v17 =	vld [tilespmem:s1+$0xF430]  }
0xfe: {  	v18 =	vld [tilespmem:s1+$0x11C30]  }
0xff: {  	v19 =	vld [tilespmem:s1+$0x14430]  }
0x100: {  	v20 =	vld [tilespmem:s1+$0x16C30]  }
0x101: {  	v21 =	vld [tilespmem:s1+$0xF440]  }
0x102: {  	v22 =	vld [tilespmem:s1+$0x11C40]  }
0x103: {  	v23 =	vld [tilespmem:s1+$0x14440]  }
0x104: {  	v24 =	vld [tilespmem:s1+$0x16C40]  }
0x105: {  	v25 =	vld [tilespmem:s1+$0xF450]  }
0x106: {  	v26 =	vld [tilespmem:s1+$0x11C50]  }
0x107: {  	v27 =	vld [tilespmem:s1+$0x14450]  }
0x108: {  	v28 =	vld [tilespmem:s1+$0x16C50]  }
0x109: {  	v29 =	vld [tilespmem:s1+$0xF460]  }
0x10a: {  	v30 =	vld [tilespmem:s1+$0x11C60]  }
0x10b: {  	v31 =	vld [tilespmem:s1+$0x14460]  }
0x10c: {  	v32 =	vld [tilespmem:s1+$0x16C60]  }
0x10d: {  	v8 =	vadd.f32 v3, v16;
	v13 =	vadd.f32 v9, v1;
	v9 =	vld [tilespmem:s1+$0xF470]  }
0x10e: {  	v10 =	vadd.f32 v6, v5;
	v14 =	vadd.f32 v4, v2;
	v15 =	vld [tilespmem:s1+$0x11C70]  }
.Ltmp6:
0x10f: {  	v5 =	vadd.f32 v7, v0;
	v11 =	vadd.f32 v12, v11;
	v16 =	vld [tilespmem:s1+$0x14470];
	(pc) =	sbr.rel @p0 .LBB2_6-.Ltmp6, $4  }
0x110: {  	v6 =	vadd.f32 v18, v17;
	v12 =	vadd.f32 v20, v19;
	v18 =	vld [tilespmem:s1+$0x16C70]  }
0x111: {  	v4 =	vadd.f32 v22, v21;
	v7 =	vadd.f32 v24, v23;
	v19 =	vld [tilespmem:s1+$0x2C00]  }
0x112: {  	v2 =	vadd.f32 v26, v25;
	v3 =	vadd.f32 v28, v27;
	v20 =	vld [tilespmem:s1+$0x2C10]  }
0x113: {  	s8 =	sadd.s32 $0x200, s8;
	v0 =	vadd.f32 v30, v29;
	v1 =	vadd.f32 v32, v31;
	v17 =	vld [tilespmem:s1+$0x2C20]  }
0x114: {  	v8 =	vadd.f32 v13, v8;
	v50 =	vld [tilespmem:s1+$0x2C30];
	v9 =	vadd.f32 v15, v9  }
0x115: {  	v10 =	vadd.f32 v14, v10;
	v51 =	vld [tilespmem:s1+$0x2C40];
	v5 =	vadd.f32 v11, v5  }
0x116: {  	v53 =	vld [tilespmem:s1+$0x2C50];
	v6 =	vadd.f32 v12, v6;
	v8 =	vadd.f32 v8, v19  }
0x117: {  	v54 =	vld [tilespmem:s1+$0x2C60];
	v4 =	vadd.f32 v7, v4;
	v10 =	vadd.f32 v10, v20  }
0x118: {  	v55 =	vld [tilespmem:s1+$0x2C70];
	v2 =	vadd.f32 v3, v2;
	v8 =	vmax.f32 v8, $0.0e+00;
	v5 =	vadd.f32 v5, v17  }
0x119: {  	v52 =	vadd.f32 v18, v16;
	[tilespmem:s1+$0x2C00] =	vst v8;
	v56 =	vmax.f32 v10, $0.0e+00;
	v6 =	vadd.f32 v6, v50  }
0x11a: {  	v0 =	vadd.f32 v1, v0;
	v4 =	vadd.f32 v4, v51;
	[tilespmem:s1+$0x2C10] =	vst v56;
	v57 =	vmax.f32 v5, $0.0e+00  }
0x11b: {  	v59 =	vadd.f32 v52, v9;
	v2 =	vadd.f32 v2, v53;
	[tilespmem:s1+$0x2C20] =	vst v57;
	v58 =	vmax.f32 v6, $0.0e+00  }
0x11c: {  	v0 =	vadd.f32 v0, v54;
	v60 =	vmax.f32 v4, $0.0e+00;
	[tilespmem:s1+$0x2C30] =	vst v58  }
0x11d: {  	s0 =	sadd.s32 s4, s0;
	v62 =	vadd.f32 v59, v55;
	v61 =	vmax.f32 v2, $0.0e+00;
	[tilespmem:s1+$0x2C40] =	vst v60  }
0x11e: {  	s0 =	smul.u32 $0x500, s0;
	v0 =	vmax.f32 v0, $0.0e+00;
	[tilespmem:s1+$0x2C50] =	vst v61  }
0x11f: {  	v63 =	vmax.f32 v62, $0.0e+00;
	[tilespmem:s1+$0x2C60] =	vst v0  }
.Ltmp7:
0x120: {  	s0 =	sadd.s32 s7, s0;
	[tilespmem:s1+$0x2C70] =	vst v63;
	(pc) =	sbr.rel .LBB2_8-.Ltmp7, $4  }
0x121: {  	[hbm4b:s0+s2] =	stream.linear.scatter [tilespmem:s29], [sflag:$0x5], $0x2800, $0x38;
	[tilespmem:$0x19400] =	vst v63  }
0x122: {  	_ =	swait.ge [sflag:s13], $0x2800  }
0x123: {  	[sflag:s13] =	ssyncset.done $0x0  }
0x124: {  	[sflag:s13] =	ssyncadd.s32 $0xFFFFD800  }
.LBB2_10:
0x125: {  	_ =	sfence.sel $0x180000  }
0x126: {  	[bflag:$0x0] =	sbarrier.arrive $0xFFFF  }
0x127: {  	_ =	strace $0x9000004A  }
0x128: {  	s0 =	stileid.u32;
	[bflag:$0x2] =	sbarrier.arrive $0xFFFF  }
0x129: {  	p0 =	sne.s32 s0, $0x0;
	s0 =	rddreg [dreg:$0x1]  }
0x12a: {  	s0 =	sadd.s32 @!p0 $0x100000, s0  }
0x12b: {  	[sflag:s0] =	ssyncadd.tile.s32 @!p0 $0x1;
	_ =	shalt  }
.Lfunc_end2:
_tile_overlayer_lowered:
.L_overlay_start_2:
0x12c: {  	(tag) =	ssettag $0x2  }
0x12d: {  	s0 =	rddreg [dreg:$0x0];
	s2 =	stileid.u32  }
0x12e: {  	s1 =	rddreg [dreg:$0x1];
	p0 =	sne.s32 s2, $0x0  }
0x12f: {  	s3 =	rddreg [dreg:$0x2];
	[bflag:$0x3] =	sbarrier.arrive $0xFFFF;
	s2 =	simm.s32 @!p0 $0x1C05  }
0x130: {  	[timem:s3], [sflag:s2] =	dma.local @!p0 [hbm:s0], s1  }
0x131: {  	s0 =	simm.s32 @!p0 $0x5  }
0x132: {  	_ =	swait.ge @!p0 [sflag:s0], s1  }
0x133: {  	s1 =	ssub.s32 @!p0 $0x0, s1;
	[sflag:s0] =	ssyncset.done @!p0 $0x0  }
0x134: {  	[sflag:s0] =	ssyncadd.s32 @!p0 s1  }
0x135: {  	[bflag:$0x3] =	sbarrier.arrive $0xFFFF  }
0x136: {  	_ =	shalt  }

// kernel: kernel.15.cloned.1.call-start
scs
__scs_entry_jumppad:
0x0: {  	(pc) =	sbr.rel $0x88, $3  }
0x1: {  	(tag) =	ssettag $0x0;
	lr =	simm.s32 $0x1  }
0x2: {  	[smem:$0x3F97] =	sst lr;
	_ =	strace $0xD0000000  }
0x3: {  	_ = 	snop  }
0x4: {  	_ = 	snop  }
0x5: {  	_ = 	snop  }
0x6: {  	_ = 	snop  }
0x7: {  	_ = 	snop  }
__scs_overlays_trampoline_lowered:
0x8: {  	[smem:$0x3FA6] =	sst s0  }
0x9: {  	[smem:$0x3FA7] =	sst s1  }
0xa: {  	[smem:$0x3FA8] =	sst s2  }
0xb: {  	[smem:$0x3FA9] =	sst s3  }
0xc: {  	[smem:$0x3FAA] =	sst s4  }
0xd: {  	[smem:$0x3FAB] =	sst s5  }
0xe: {  	[smem:$0x3FAC] =	sst s6  }
0xf: {  	[smem:$0x3FAD] =	sst s7  }
0x10: {  	[smem:$0x3FAE] =	sst s8  }
0x11: {  	[smem:$0x3FAF] =	sst s9;
	s0 =	simm.s32 @!p0 $0x0  }
0x12: {  	s1 =	sld [smem:$0x3F95];
	s0 =	simm.s32 @p0 $0x1  }
0x13: {  	[smem:$0x3FB0] =	sst s0;
	s0 =	simm.s32 @!p1 $0x0  }
0x14: {  	s2 =	sld [smem:$0x3F94];
	s0 =	simm.s32 @p1 $0x1  }
0x15: {  	[smem:$0x3FB1] =	sst s0;
	s0 =	simm.s32 @!p2 $0x0  }
0x16: {  	s3 =	sld [smem:$0x3FDB];
	s0 =	simm.s32 @p2 $0x1  }
0x17: {  	s4 =	simm.s32 $0x1BF5;
	[smem:$0x3FB3] =	sst s0  }
0x18: {  	s0 =	sld [smem:$0x3F96];
	_ =	swait.ge [sflag:s4], $0x0  }
0x19: {  	s7 =	sld [smem:$0x3F97]  }
0x1a: {  	s8 =	sadd.s32 $0xFFFFE003, lr  }
0x1b: {  	s9 =	sadd.s32 $0xFFFFFEF7, lr;
	s5 =	simm.s32 $0xFFFFFFFF;
	p2 =	slt.u32 s8, $0xFFFFF086  }
0x1c: {  	p1 =	slt.u32 s9, $0xF7A;
	s5 =	simm.s32 @!p2 $0x0  }
0x1d: {  	s5 =	simm.s32 @p1 $0x1;
	p0 =	seq.s32 s7, s2  }
0x1e: {  	s7 =	smul.u32 @!p0 $0xF7A, s2;
	p2 =	seq.s32 @!p0 s5, $0x0  }
0x1f: {  	s9 =	smul.u32 $0xF7A, s1;
	s8 =	simm.s32 @!p0 $0x1BF5;
	p2 =	por !p2, p0  }
0x20: {  	[sflag:s8] =	ssyncset.s32 @!p0 $0xFFFFF086;
	s6 =	sadd.s32 @!p0 s3, s7;
	s7 =	simm.s32 @!p0 $0x108  }
0x21: {  	s3 =	sadd.s32 s3, s9;
	s6 =	sadd.s32 @!p0 $0x88, s6;
	s7 =	simm.s32 @p2 $0x1082  }
0x22: {  	[simem:s7], [sflag:s8] =	dma.local @!p0 [hbm:s6], $0xF7A  }
0x23: {  	s9 =	sor.u32 $0xD0000000, s2;
	s6 =	simm.s32 $0x108;
	_ =	swait.ge @!p0 [sflag:s8], $0x0  }
0x24: {  	s3 =	sadd.s32 $0x88, s3;
	s6 =	simm.s32 @!p1 $0x1082;
	[sflag:s4] =	ssyncset.s32 $0xFFFFF086  }
0x25: {  	[simem:s6], [sflag:s4] =	dma.local [hbm:s3], $0xF7A  }
0x26: {  	[smem:$0x3F97] =	sst s1;
	(tag) =	ssettag s2;
	_ =	strace s9  }
0x27: {  	s1 =	sld [smem:$0x3FA7]  }
0x28: {  	s2 =	sld [smem:$0x3FA8]  }
0x29: {  	s4 =	sld [smem:$0x3FAA]  }
0x2a: {  	p0 =	seq.s32 s5, $0x0;
	s5 =	sld [smem:$0x3FAB]  }
0x2b: {  	s6 =	sld [smem:$0x3FAC]  }
0x2c: {  	s7 =	sld [smem:$0x3FAD]  }
0x2d: {  	s3 =	simm.s32 $0x108;
	s8 =	sld [smem:$0x3FAE]  }
0x2e: {  	s3 =	simm.s32 @!p0 $0x1082;
	s9 =	sld [smem:$0x3FAF]  }
0x2f: {  	lr =	sadd.s32 s0, s3;
	s0 =	sld [smem:$0x3FA6]  }
0x30: {  	s3 =	sld [smem:$0x3FA9]  }
0x31: {  	[smem:$0x3FB2] =	sst s10  }
0x32: {  	s10 =	sld [smem:$0x3FB0];
	_ =	sdelay $0x3  }
0x33: {  	p0 =	seq.s32 s10, $0x1;
	s10 =	sld [smem:$0x3FB2];
	_ =	sdelay $0x3  }
0x34: {  	[smem:$0x3FB2] =	sst s10  }
0x35: {  	s10 =	sld [smem:$0x3FB1];
	_ =	sdelay $0x3  }
0x36: {  	p1 =	seq.s32 s10, $0x1;
	s10 =	sld [smem:$0x3FB2];
	_ =	sdelay $0x3  }
0x37: {  	[smem:$0x3FB2] =	sst s10  }
0x38: {  	s10 =	sld [smem:$0x3FB3]  }
0x39: {  	_ = 	snop;
	(pc) =	sbr.ind lr, $3  }
0x3a: {  	_ = 	snop  }
0x3b: {  	_ = 	snop  }
0x3c: {  	p2 =	seq.s32 s10, $0x1;
	s10 =	sld [smem:$0x3FB2]  }
0x3d: {  	_ =	shalt  }
0x3e: {  	_ =	shalt  }
0x3f: {  	_ =	shalt  }
0x40: {  	_ =	shalt  }
0x41: {  	_ =	shalt  }
0x42: {  	_ =	shalt  }
0x43: {  	_ =	shalt  }
0x44: {  	_ =	shalt  }
0x45: {  	_ =	shalt  }
0x46: {  	_ =	shalt  }
0x47: {  	_ =	shalt  }
0x48: {  	_ =	shalt  }
0x49: {  	_ =	shalt  }
0x4a: {  	_ =	shalt  }
0x4b: {  	_ =	shalt  }
0x4c: {  	_ =	shalt  }
0x4d: {  	_ =	shalt  }
0x4e: {  	_ =	shalt  }
0x4f: {  	_ =	shalt  }
0x50: {  	_ =	shalt  }
0x51: {  	_ =	shalt  }
0x52: {  	_ =	shalt  }
0x53: {  	_ =	shalt  }
0x54: {  	_ =	shalt  }
0x55: {  	_ =	shalt  }
0x56: {  	_ =	shalt  }
0x57: {  	_ =	shalt  }
0x58: {  	_ =	shalt  }
0x59: {  	_ =	shalt  }
0x5a: {  	_ =	shalt  }
0x5b: {  	_ =	shalt  }
0x5c: {  	_ =	shalt  }
0x5d: {  	_ =	shalt  }
0x5e: {  	_ =	shalt  }
0x5f: {  	_ =	shalt  }
0x60: {  	_ =	shalt  }
0x61: {  	_ =	shalt  }
0x62: {  	_ =	shalt  }
0x63: {  	_ =	shalt  }
0x64: {  	_ =	shalt  }
0x65: {  	_ =	shalt  }
0x66: {  	_ =	shalt  }
0x67: {  	_ =	shalt  }
0x68: {  	_ =	shalt  }
0x69: {  	_ =	shalt  }
0x6a: {  	_ =	shalt  }
0x6b: {  	_ =	shalt  }
0x6c: {  	_ =	shalt  }
0x6d: {  	_ =	shalt  }
0x6e: {  	_ =	shalt  }
0x6f: {  	_ =	shalt  }
0x70: {  	_ =	shalt  }
0x71: {  	_ =	shalt  }
0x72: {  	_ =	shalt  }
0x73: {  	_ =	shalt  }
0x74: {  	_ =	shalt  }
0x75: {  	_ =	shalt  }
0x76: {  	_ =	shalt  }
0x77: {  	_ =	shalt  }
0x78: {  	_ =	shalt  }
0x79: {  	_ =	shalt  }
0x7a: {  	_ =	shalt  }
0x7b: {  	_ =	shalt  }
0x7c: {  	_ =	shalt  }
0x7d: {  	_ =	shalt  }
0x7e: {  	_ =	shalt  }
0x7f: {  	_ =	shalt  }
0x80: {  	_ =	shalt  }
0x81: {  	_ =	shalt  }
0x82: {  	_ =	shalt  }
0x83: {  	_ =	shalt  }
0x84: {  	_ =	shalt  }
0x85: {  	_ =	shalt  }
0x86: {  	_ =	shalt  }
0x87: {  	_ =	shalt  }
.Lfunc_end0:
.L_simem_size_0:
called_computation.2_lowered:
.L_overlay_start_0:
0x88: {  	s2 =	sld [smem:$0x3FD9]  }
0x89: {  	s3 =	sld [smem:$0x3FFE];
	_ =	sdelay $0x1  }
0x8a: {  	s1 =	srdreg.scid  }
0x8b: {  	s0 =	sand.u32 $0x1, s1  }
0x8c: {  	s16 =	sshll.u32 s0, $0xA;
	s2 =	sadd.s32 s3, s2  }
0x8d: {  	s2 =	sadd.s32 s2, s16  }
0x8e: {  	[smem:$0x3FBE] =	sst s2  }
0x8f: {  	_ = 	snop  }
0x90: {  	(tm) =	ssettm $0x1  }
0x91: {  	s17 =	sld [smem:$0x3FFB];
	_ =	sdelay $0x3  }
0x92: {  	_ =	strace s17  }
0x93: {  	s2 =	sld [smem:$0x3FFC];
	_ =	sdelay $0x3  }
0x94: {  	_ =	strace s2  }
0x95: {  	s2 =	sld [smem:$0x3FFD];
	_ =	sdelay $0x3  }
0x96: {  	_ =	strace s2  }
0x97: {  	_ =	strace $0x8FFFFFFF  }
0x98: {  	s18 =	sld [smem:$0x3FDB];
	_ =	sdelay $0x1  }
0x99: {  	s19 =	simm.s32 $_scs_section_size  }
0x9a: {  	s4 =	simm.s32 $_size__tile_overlayer_lowered;
	s5 =	simm.s32 $_tile_overlayer_lowered  }
0x9b: {  	s22 =	simm.s32 $0x1BFF;
	s21 =	sshll.u32 s5, $0x1;
	s2 =	sadd.s32 s19, s18  }
0x9c: {  	s6 =	simm.s32 $0x0;
	s20 =	sshll.u32 s4, $0x1;
	s4 =	sadd.s32 s21, s2  }
0x9d: {  	[timem:s6], [sflag:s22] =	dma.local [hbm:s4], s20  }
0x9e: {  	_ =	swait.ge [sflag:s22], s20  }
0x9f: {  	s3 =	ssub.s32 $0x0, s20;
	[sflag:s22] =	ssyncset.done $0x0  }
0xa0: {  	[sflag:s22] =	ssyncadd.s32 s3;
	_ =	sdelay $0x1  }
0xa1: {  	s23 =	simm.s32 $0x1B8B  }
0xa2: {  	_ =	swait.ge [sflag:s23], $0x1  }
0xa3: {  	[sflag:s23] =	ssyncset.done $0x0  }
0xa4: {  	s25 =	simm.s32 $0x1B8E;
	s24 =	sld [smem:$0x3FFE];
	[sflag:s23] =	ssyncadd.s32 $0xFFFFFFFF  }
0xa5: {  	s26 =	simm.s32 $execute0_lowered;
	[smem:$0x3FD2] =	sst s25  }
0xa6: {  	s4 =	sshll.u32 s26, $0x1;
	_ =	strace $0x8000004C;
	[dreg:$0x1] =	wrdreg $0xFFFFFFFF  }
0xa7: {  	s28 =	simm.s32 $_size_execute0_lowered;
	s2 =	sadd.s32 s2, s4;
	[dreg:$0x0] =	wrdreg $0x0  }
0xa8: {  	s4 =	sshll.u32 s28, $0x1;
	[dreg:$0x2] =	wrdreg s2  }
0xa9: {  	[dreg:$0x3] =	wrdreg s4  }
0xaa: {  	[dreg:$0x4] =	wrdreg $0xC0  }
0xab: {  	_ =	task [dreg:s6], $0x5FFFF  }
0xac: {  	[dreg:$0x1] =	wrdreg $0xFFFFFFFF  }
0xad: {  	[dreg:$0x0] =	wrdreg $0x60  }
0xae: {  	[dreg:$0x2] =	wrdreg s24  }
0xaf: {  	[dreg:$0x3] =	wrdreg $0x9  }
0xb0: {  	_ =	task.clear_ibuf [dreg:s6], $0x4FFFF;
	_ =	strace $0x9000004C  }
0xb1: {  	s29 =	simm.s32 $0x9;
	_ =	strace $0x8000004E  }
0xb2: {  	_ =	swait.ge [sflag:s29], $0x1  }
0xb3: {  	[sflag:s29] =	ssyncadd.s32 $0xFFFFFFFF  }
0xb4: {  	_ =	strace $0x9000004E  }
0xb5: {  	_ =	sfence  }
0xb6: {  	s30 =	sld [smem:$0x0];
	_ =	sdelay $0x2  }
0xb7: {  	s31 =	sshll.u32 s1, $0xD;
	s1 =	sshrl.u32 s1, $0x2  }
0xb8: {  	s3 =	sand.u32 $0x4000, s31;
	s1 =	sadd.s32 s1, s30  }
0xb9: {  	s0 =	sor.u32 s3, s0;
	s1 =	sshll.u32 s1, $0x11  }
0xba: {  	s0 =	sor.u32 s1, s0  }
0xbb: {  	s0 =	sadd.s32 $0x8F2B, s0  }
0xbc: {  	[sflag:s0] =	ssyncadd.remote.s32 $0x1  }
0xbd: {  	_ =	sfence.sel $0xFFFF  }
0xbe: {  	[dreg:$0x0] =	wrdreg $0xFFFFFFFF;
	(pc) =	sbr.abs _section_cstart, $3  }
0xbf: {  	[dreg:$0x1] =	wrdreg $0xFFFFFFFF  }
0xc0: {  	_ =	task.clear_ibuf [dreg:s6], $0x2FFFF;
	_ =	strace $0x9FFFFFFF  }
0xc1: {  	(tm) =	ssettm $0x7FFFFFFF  }
tec
execute0_lowered:
.L_overlay_start_1:
0x0: {  	(tag) =	ssettag $0x1  }
0x1: {  	s0 =	rddreg [dreg:$0x0];
	s1 =	srdreg.scid  }
0x2: {  	s3 =	stileid.u32;
	s2 =	simm.s32 $0x0;
	s13 =	simm.s32 $0x5  }
0x3: {  	s14 =	simm.s32 $0x50;
	s15 =	simm.s32 $0x5400;
	s16 =	simm.s32 $0x80  }
0x4: {  	s17 =	simm.s32 $0x7C00;
	s18 =	simm.s32 $0x100;
	s19 =	simm.s32 $0xA400  }
0x5: {  	s20 =	simm.s32 $0x180;
	s21 =	simm.s32 $0xCC00;
	s22 =	simm.s32 $0x400  }
0x6: {  	s24 =	simm.s32 $0x1;
	s1 =	sand.u32 $0x1, s1;
	s3 =	sshll.u32 s3, $0x1  }
0x7: {  	s28 =	simm.s32 $0x3;
	s29 =	simm.s32 $0x2C00;
	s8 =	sor.u32 s1, s3  }
0x8: {  	s30 =	simm.s32 $0x0;
	[smem:$0x7FF] =	sst s2;
	s4 =	smul.u32 $0x7D, s8  }
0x9: {  	s5 =	sadd.s32 $0x522800, s0;
	s6 =	sadd.s32 $0x2000, s0;
	s9 =	smul.u32 $0xFA00, s8  }
0xa: {  	s7 =	sadd.s32 $0x18AA800, s0;
	s25 =	ssub.s32 $0x2, s1;
	s26 =	smul.u32 $0x1F40, s8  }
0xb: {  	_ =	strace $0x8000004D;
	s10 =	sshrl.u32 s25, $0x1;
	s8 =	smul.u32 $0x27100, s8  }
.Ltmp0:
0xc: {  	s3 =	sadd.s32 $0x40800, s0;
	s0 =	ssub.s32 s25, s10;
	(pc) =	sbr.rel .LBB2_1-.Ltmp0, $4  }
0xd: {  	s25 =	simm.s32 $0x6;
	s9 =	sshrl.u32 s9, $0x3;
	s1 =	sadd.s32 s6, s26  }
0xe: {  	s8 =	sadd.s32 s3, s8;
	[dreg:$0x2] =	wrdreg s1;
	s31 =	sadd.s32 s6, s9  }
0xf: {  	s11 =	sadd.s32 $0x3, s4;
	[dreg:$0x3] =	wrdreg s8;
	s1 =	sadd.s32 $0x40, s31  }
0x10: {  	s12 =	smax.u32 s0, $0x1;
	s26 =	simm.s32 $0x2;
	[dreg:$0x4] =	wrdreg s1  }
.LBB2_9:
0x11: {  	s30 =	sadd.s32 $0x1, s30  }
0x12: {  	p0 =	sne.s32 s30, s12  }
.Ltmp1:
0x13: {  	_ = 	snop;
	(pc) =	sbr.rel @!p0 .LBB2_10-.Ltmp1, $1  }
0x14: {  	_ =	sdelay $0x3  }
.LBB2_1:
0x15: {  	s0 =	rddreg [dreg:$0x2]  }
0x16: {  	[tilespmem:s2], [sflag:$0x5] =	stream.linear.gather [hbm4b:s0+s2], $0x200, $0x38;
	[tilespmem:$0x19400] =	vst v63  }
0x17: {  	_ =	swait.ge [sflag:s13], $0x200  }
0x18: {  	[sflag:s13] =	ssyncset.done $0x0  }
0x19: {  	[sflag:s13] =	ssyncadd.s32 $0xFFFFFE00  }
0x1a: {  	[tilespmem:s15], [sflag:$0x1] =	stream.indirect.gather [hbm4b:s5+s14], $0x80, s2, s14, $0xb8;
	[tilespmem:$0x19400] =	vst v63  }
0x1b: {  	_ = 	snop  }
0x1c: {  	[tilespmem:s17], [sflag:$0x1] =	stream.indirect.gather [hbm4b:s5+s14], $0x80, s16, s14, $0xb8;
	[tilespmem:$0x19400] =	vst v63  }
0x1d: {  	_ = 	snop  }
0x1e: {  	[tilespmem:s19], [sflag:$0x1] =	stream.indirect.gather [hbm4b:s5+s14], $0x80, s18, s14, $0xb8;
	[tilespmem:$0x19400] =	vst v63  }
0x1f: {  	_ = 	snop  }
0x20: {  	[tilespmem:s21], [sflag:$0x1] =	stream.indirect.gather [hbm4b:s5+s14], $0x80, s20, s14, $0xb8;
	[tilespmem:$0x19400] =	vst v63  }
.Ltmp2:
0x21: {  	_ = 	snop;
	(pc) =	sbr.rel .LBB2_2-.Ltmp2, $4  }
0x22: {  	s10 =	rddreg [dreg:$0x3]  }
0x23: {  	[tilespmem:s22], [sflag:$0x1] =	stream.linear.gather [hbm4b:s10+s2], $0x2800, $0x38;
	[tilespmem:$0x19400] =	vst v63  }
0x24: {  	s1 =	simm.s32 $0x200;
	s31 =	simm.s32 $0x0;
	s23 =	rddreg [dreg:$0x4]  }
0x25: {  	[tilespmem:s1], [sflag:$0x4] =	stream.linear.gather [hbm4b:s23+s2], $0x200, $0x38;
	[tilespmem:$0x19400] =	vst v63  }
.LBB2_8:
0x26: {  	s31 =	sadd.s32 $0x1, s31  }
0x27: {  	p0 =	sne.s32 s31, $0x3F  }
.Ltmp3:
0x28: {  	_ = 	snop;
	(pc) =	sbr.rel @!p0 .LBB2_9-.Ltmp3, $1  }
0x29: {  	_ =	sdelay $0x3  }
.LBB2_2:
0x2a: {  	_ =	swait.ge [sflag:s24], $0x2800  }
0x2b: {  	[sflag:s24] =	ssyncset.done $0x0  }
0x2c: {  	[sflag:s24] =	ssyncadd.s32 $0xFFFFD800  }
0x2d: {  	_ =	swait.ge [sflag:s24], $0x2800  }
0x2e: {  	[sflag:s24] =	ssyncset.done $0x0  }
0x2f: {  	[sflag:s24] =	ssyncadd.s32 $0xFFFFD800  }
0x30: {  	_ =	swait.ge [sflag:s24], $0x2800  }
0x31: {  	[sflag:s24] =	ssyncset.done $0x0  }
0x32: {  	[sflag:s24] =	ssyncadd.s32 $0xFFFFD800  }
0x33: {  	_ =	swait.ge [sflag:s24], $0x2800  }
0x34: {  	[sflag:s24] =	ssyncset.done $0x0  }
0x35: {  	[sflag:s24] =	ssyncadd.s32 $0xFFFFD800  }
0x36: {  	s0 =	sshllo.u32 s31, $0x1;
	_ =	swait.ge [sflag:s24], $0x2800  }
0x37: {  	p0 =	sgt.u32 s0, $0x7C;
	[sflag:s24] =	ssyncset.done $0x0  }
0x38: {  	s1 =	simm.s32 @!p0 $0x4;
	[sflag:s24] =	ssyncadd.s32 $0xFFFFD800  }
0x39: {  	_ =	swait.ge @!p0 [sflag:s1], $0x200  }
0x3a: {  	s8 =	simm.s32 @!p0 $0x200;
	[sflag:s1] =	ssyncset.done @!p0 $0x0  }
0x3b: {  	s9 =	simm.s32 @!p0 $0xF400;
	[sflag:s1] =	ssyncadd.s32 @!p0 $0xFFFFFE00;
	s1 =	simm.s32 @!p0 $0x50  }
0x3c: {  	[tilespmem:s9], [sflag:$0x2] =	stream.indirect.gather @!p0 [hbm4b:s5+s1], $0x80, s8, s1, $0xb8;
	[tilespmem:$0x19400] =	vst v63  }
0x3d: {  	s8 =	simm.s32 @!p0 $0x280;
	s9 =	simm.s32 @!p0 $0x11C00  }
0x3e: {  	[tilespmem:s9], [sflag:$0x2] =	stream.indirect.gather @!p0 [hbm4b:s5+s1], $0x80, s8, s1, $0xb8;
	[tilespmem:$0x19400] =	vst v63  }
0x3f: {  	s8 =	simm.s32 @!p0 $0x300;
	s9 =	simm.s32 @!p0 $0x14400  }
0x40: {  	[tilespmem:s9], [sflag:$0x2] =	stream.indirect.gather @!p0 [hbm4b:s5+s1], $0x80, s8, s1, $0xb8;
	[tilespmem:$0x19400] =	vst v63  }
0x41: {  	s8 =	simm.s32 @!p0 $0x380;
	s9 =	simm.s32 @!p0 $0x16C00  }
0x42: {  	[tilespmem:s9], [sflag:$0x2] =	stream.indirect.gather @!p0 [hbm4b:s5+s1], $0x80, s8, s1, $0xb8;
	[tilespmem:$0x19400] =	vst v63  }
0x43: {  	s1 =	sadd.s32 @!p0 s4, s0  }
0x44: {  	s8 =	smul.u32 @!p0 $0x500, s1  }
0x45: {  	s23 =	simm.s32 @!p0 $0x2C00  }
0x46: {  	s9 =	simm.s32 @!p0 $0x0;
	s1 =	sshll.u32 s31, $0x1;
	s8 =	sadd.s32 @!p0 s3, s8  }
0x47: {  	[tilespmem:s23], [sflag:$0x2] =	stream.linear.gather @!p0 [hbm4b:s8+s9], $0x2800, $0x38;
	[tilespmem:$0x19400] =	vst v63  }
0x48: {  	p1 =	seq.s32 s31, $0x3E;
	s23 =	sadd.s32 $0x2, s1  }
0x49: {  	s8 =	sadd.s32 @!p1 s4, s23  }
0x4a: {  	s8 =	sshll.u32 @!p1 s8, $0x6  }
0x4b: {  	s8 =	sand.u32 @!p1 $0x1FFFFFC0, s8  }
0x4c: {  	s9 =	simm.s32 @!p1 $0x0;
	s8 =	sadd.s32 @!p1 s6, s8  }
0x4d: {  	[tilespmem:s9], [sflag:$0x3] =	stream.linear.gather @!p1 [hbm4b:s8+s9], $0x200, $0x38;
	[tilespmem:$0x19400] =	vst v63  }
0x4e: {  	s8 =	simm.s32 $0x0  }
0x4f: {  	v0 =	vld [tilespmem:s8+$0x5400]  }
0x50: {  	v1 =	vld [tilespmem:s8+$0x7C00]  }
0x51: {  	v2 =	vld [tilespmem:s8+$0xA400]  }
0x52: {  	v3 =	vld [tilespmem:s8+$0xCC00]  }
0x53: {  	v4 =	vld [tilespmem:s8+$0x5410]  }
0x54: {  	v5 =	vld [tilespmem:s8+$0x7C10]  }
0x55: {  	v6 =	vld [tilespmem:s8+$0xA410]  }
0x56: {  	v7 =	vld [tilespmem:s8+$0xCC10]  }
0x57: {  	v11 =	vld [tilespmem:s8+$0x5420]  }
0x58: {  	v12 =	vld [tilespmem:s8+$0x7C20]  }
0x59: {  	v16 =	vld [tilespmem:s8+$0xA420]  }
0x5a: {  	v17 =	vld [tilespmem:s8+$0xCC20]  }
0x5b: {  	v18 =	vld [tilespmem:s8+$0x5430]  }
0x5c: {  	v19 =	vld [tilespmem:s8+$0x7C30]  }
0x5d: {  	v20 =	vld [tilespmem:s8+$0xA430]  }
0x5e: {  	v21 =	vld [tilespmem:s8+$0xCC30]  }
0x5f: {  	v22 =	vld [tilespmem:s8+$0x5440]  }
0x60: {  	v23 =	vld [tilespmem:s8+$0x7C40]  }
0x61: {  	v24 =	vld [tilespmem:s8+$0xA440]  }
0x62: {  	v25 =	vld [tilespmem:s8+$0xCC40]  }
0x63: {  	v26 =	vld [tilespmem:s8+$0x5450]  }
0x64: {  	v27 =	vld [tilespmem:s8+$0x7C50]  }
0x65: {  	v28 =	vld [tilespmem:s8+$0xA450]  }
0x66: {  	v29 =	vld [tilespmem:s8+$0xCC50]  }
0x67: {  	v30 =	vld [tilespmem:s8+$0x5460]  }
0x68: {  	v31 =	vld [tilespmem:s8+$0x7C60]  }
0x69: {  	v32 =	vld [tilespmem:s8+$0xA460]  }
0x6a: {  	v33 =	vld [tilespmem:s8+$0xCC60]  }
0x6b: {  	v9 =	vld [tilespmem:s8+$0x5470];
	v8 =	vadd.f32 v1, v0;
	v13 =	vadd.f32 v3, v2  }
0x6c: {  	v15 =	vld [tilespmem:s8+$0x7C70];
	v10 =	vadd.f32 v5, v4;
	v14 =	vadd.f32 v7, v6  }
0x6d: {  	v5 =	vadd.f32 v12, v11;
	v11 =	vadd.f32 v17, v16;
	v16 =	vld [tilespmem:s8+$0xA470]  }
0x6e: {  	v6 =	vadd.f32 v19, v18;
	v12 =	vadd.f32 v21, v20;
	v18 =	vld [tilespmem:s8+$0xCC70]  }
0x6f: {  	v19 =	vld [tilespmem:s8+$0x400];
	v4 =	vadd.f32 v23, v22;
	v7 =	vadd.f32 v25, v24  }
0x70: {  	v20 =	vld [tilespmem:s8+$0x410];
	v2 =	vadd.f32 v27, v26;
	v3 =	vadd.f32 v29, v28  }
0x71: {  	s9 =	simm.s32 $0x200;
	v17 =	vld [tilespmem:s8+$0x420];
	v0 =	vadd.f32 v31, v30;
	v1 =	vadd.f32 v33, v32  }
.LBB2_3:
0x72: {  	p1 =	sne.s32 s9, $0x9E00;
	v8 =	vadd.f32 v13, v8;
	v13 =	vld [tilespmem:s8+$0x430];
	v9 =	vadd.f32 v15, v9  }
0x73: {  	v10 =	vadd.f32 v14, v10;
	v14 =	vld [tilespmem:s8+$0x440];
	v15 =	vadd.f32 v18, v16  }
0x74: {  	v5 =	vadd.f32 v11, v5;
	v8 =	vadd.f32 v8, v19;
	v11 =	vld [tilespmem:s8+$0x450]  }
0x75: {  	v6 =	vadd.f32 v12, v6;
	v10 =	vadd.f32 v10, v20;
	v12 =	vld [tilespmem:s8+$0x460]  }
0x76: {  	s10 =	sshra.s32 s9, $0x2;
	v4 =	vadd.f32 v7, v4;
	v8 =	vmax.f32 v8, $0.0e+00;
	v5 =	vadd.f32 v5, v17;
	v7 =	vld [tilespmem:s8+$0x470]  }
0x77: {  	v2 =	vadd.f32 v3, v2;
	v16 =	vld [tilespmem:s10+$0x5400];
	[tilespmem:s8+$0x400] =	vst v8;
	v8 =	vmax.f32 v10, $0.0e+00;
	v6 =	vadd.f32 v6, v13  }
0x78: {  	v0 =	vadd.f32 v1, v0;
	v3 =	vld [tilespmem:s10+$0x7C00];
	[tilespmem:s8+$0x410] =	vst v8;
	v5 =	vmax.f32 v5, $0.0e+00;
	v4 =	vadd.f32 v4, v14  }
0x79: {  	v1 =	vld [tilespmem:s10+$0xA400];
	[tilespmem:s8+$0x420] =	vst v5;
	v5 =	vmax.f32 v6, $0.0e+00;
	v2 =	vadd.f32 v2, v11;
	v6 =	vadd.f32 v15, v9  }
0x7a: {  	v9 =	vld [tilespmem:s10+$0xCC00];
	[tilespmem:s8+$0x430] =	vst v5;
	v4 =	vmax.f32 v4, $0.0e+00;
	v0 =	vadd.f32 v0, v12  }
0x7b: {  	v5 =	vld [tilespmem:s10+$0x5410];
	[tilespmem:s8+$0x440] =	vst v4;
	v2 =	vmax.f32 v2, $0.0e+00;
	v4 =	vadd.f32 v6, v7  }
0x7c: {  	v6 =	vld [tilespmem:s10+$0x7C10];
	[tilespmem:s8+$0x450] =	vst v2;
	v0 =	vmax.f32 v0, $0.0e+00  }
0x7d: {  	v2 =	vld [tilespmem:s10+$0xA410];
	[tilespmem:s8+$0x460] =	vst v0;
	v0 =	vmax.f32 v4, $0.0e+00  }
0x7e: {  	v4 =	vld [tilespmem:s10+$0xCC10];
	[tilespmem:s8+$0x470] =	vst v0;
	s8 =	smov.u32 s10  }
0x7f: {  	v0 =	vld [tilespmem:s8+$0x5420]  }
0x80: {  	v7 =	vld [tilespmem:s8+$0x7C20]  }
0x81: {  	v11 =	vld [tilespmem:s8+$0xA420]  }
0x82: {  	v12 =	vld [tilespmem:s8+$0xCC20]  }
0x83: {  	v17 =	vld [tilespmem:s8+$0x5430]  }
0x84: {  	v18 =	vld [tilespmem:s8+$0x7C30]  }
0x85: {  	v19 =	vld [tilespmem:s8+$0xA430]  }
0x86: {  	v20 =	vld [tilespmem:s8+$0xCC30]  }
0x87: {  	v21 =	vld [tilespmem:s8+$0x5440]  }
0x88: {  	v22 =	vld [tilespmem:s8+$0x7C40]  }
0x89: {  	v23 =	vld [tilespmem:s8+$0xA440]  }
0x8a: {  	v24 =	vld [tilespmem:s8+$0xCC40]  }
0x8b: {  	v25 =	vld [tilespmem:s8+$0x5450]  }
0x8c: {  	v26 =	vld [tilespmem:s8+$0x7C50]  }
0x8d: {  	v27 =	vld [tilespmem:s8+$0xA450]  }
0x8e: {  	v28 =	vld [tilespmem:s8+$0xCC50]  }
0x8f: {  	v29 =	vld [tilespmem:s8+$0x5460]  }
0x90: {  	v30 =	vld [tilespmem:s8+$0x7C60]  }
0x91: {  	v31 =	vld [tilespmem:s8+$0xA460]  }
0x92: {  	v32 =	vld [tilespmem:s8+$0xCC60]  }
0x93: {  	v8 =	vadd.f32 v3, v16;
	v13 =	vadd.f32 v9, v1;
	v9 =	vld [tilespmem:s8+$0x5470]  }
0x94: {  	v10 =	vadd.f32 v6, v5;
	v14 =	vadd.f32 v4, v2;
	v15 =	vld [tilespmem:s8+$0x7C70]  }
.Ltmp4:
0x95: {  	v5 =	vadd.f32 v7, v0;
	v11 =	vadd.f32 v12, v11;
	v16 =	vld [tilespmem:s8+$0xA470];
	(pc) =	sbr.rel @p1 .LBB2_3-.Ltmp4, $4  }
0x96: {  	v6 =	vadd.f32 v18, v17;
	v12 =	vadd.f32 v20, v19;
	v18 =	vld [tilespmem:s8+$0xCC70]  }
0x97: {  	v4 =	vadd.f32 v22, v21;
	v7 =	vadd.f32 v24, v23;
	v19 =	vld [tilespmem:s8+$0x400]  }
0x98: {  	v2 =	vadd.f32 v26, v25;
	v3 =	vadd.f32 v28, v27;
	v20 =	vld [tilespmem:s8+$0x410]  }
0x99: {  	s9 =	sadd.s32 $0x200, s9;
	v0 =	vadd.f32 v30, v29;
	v1 =	vadd.f32 v32, v31;
	v17 =	vld [tilespmem:s8+$0x420]  }
0x9a: {  	v8 =	vadd.f32 v13, v8;
	v50 =	vld [tilespmem:s8+$0x430];
	v9 =	vadd.f32 v15, v9  }
0x9b: {  	v10 =	vadd.f32 v14, v10;
	v51 =	vld [tilespmem:s8+$0x440];
	v5 =	vadd.f32 v11, v5  }
0x9c: {  	v53 =	vld [tilespmem:s8+$0x450];
	v6 =	vadd.f32 v12, v6;
	v8 =	vadd.f32 v8, v19  }
0x9d: {  	v54 =	vld [tilespmem:s8+$0x460];
	v4 =	vadd.f32 v7, v4;
	v10 =	vadd.f32 v10, v20  }
0x9e: {  	v55 =	vld [tilespmem:s8+$0x470];
	v2 =	vadd.f32 v3, v2;
	v8 =	vmax.f32 v8, $0.0e+00;
	v5 =	vadd.f32 v5, v17  }
0x9f: {  	v52 =	vadd.f32 v18, v16;
	[tilespmem:s8+$0x400] =	vst v8;
	v56 =	vmax.f32 v10, $0.0e+00;
	v6 =	vadd.f32 v6, v50  }
0xa0: {  	v0 =	vadd.f32 v1, v0;
	v4 =	vadd.f32 v4, v51;
	[tilespmem:s8+$0x410] =	vst v56;
	v57 =	vmax.f32 v5, $0.0e+00  }
0xa1: {  	v59 =	vadd.f32 v52, v9;
	v2 =	vadd.f32 v2, v53;
	[tilespmem:s8+$0x420] =	vst v57;
	v58 =	vmax.f32 v6, $0.0e+00  }
0xa2: {  	v0 =	vadd.f32 v0, v54;
	v60 =	vmax.f32 v4, $0.0e+00;
	[tilespmem:s8+$0x430] =	vst v58  }
0xa3: {  	s9 =	sadd.s32 s4, s1;
	v62 =	vadd.f32 v59, v55;
	v61 =	vmax.f32 v2, $0.0e+00;
	[tilespmem:s8+$0x440] =	vst v60  }
0xa4: {  	s9 =	smul.u32 $0x500, s9;
	v0 =	vmax.f32 v0, $0.0e+00;
	[tilespmem:s8+$0x450] =	vst v61  }
0xa5: {  	v63 =	vmax.f32 v62, $0.0e+00;
	[tilespmem:s8+$0x460] =	vst v0  }
.Ltmp5:
0xa6: {  	s10 =	sadd.s32 s7, s9;
	[tilespmem:s8+$0x470] =	vst v63;
	(pc) =	sbr.rel @p0 .LBB2_8-.Ltmp5, $4  }
0xa7: {  	[hbm4b:s10+s2] =	stream.linear.scatter [tilespmem:s22], [sflag:$0x6], $0x2800, $0x38;
	[tilespmem:$0x19400] =	vst v63  }
0xa8: {  	_ =	swait.ge [sflag:s25], $0x2800  }
0xa9: {  	[sflag:s25] =	ssyncset.done $0x0  }
0xaa: {  	[sflag:s25] =	ssyncadd.s32 $0xFFFFD800  }
0xab: {  	_ =	swait.ge [sflag:s26], $0x2800  }
0xac: {  	[sflag:s26] =	ssyncset.done $0x0  }
0xad: {  	[sflag:s26] =	ssyncadd.s32 $0xFFFFD800  }
0xae: {  	_ =	swait.ge [sflag:s26], $0x2800  }
0xaf: {  	[sflag:s26] =	ssyncset.done $0x0  }
0xb0: {  	[sflag:s26] =	ssyncadd.s32 $0xFFFFD800  }
0xb1: {  	_ =	swait.ge [sflag:s26], $0x2800  }
0xb2: {  	[sflag:s26] =	ssyncset.done $0x0  }
0xb3: {  	[sflag:s26] =	ssyncadd.s32 $0xFFFFD800  }
0xb4: {  	_ =	swait.ge [sflag:s26], $0x2800  }
0xb5: {  	[sflag:s26] =	ssyncset.done $0x0  }
0xb6: {  	[sflag:s26] =	ssyncadd.s32 $0xFFFFD800  }
0xb7: {  	_ =	swait.ge [sflag:s26], $0x2800  }
0xb8: {  	[sflag:s26] =	ssyncset.done $0x0  }
0xb9: {  	[sflag:s26] =	ssyncadd.s32 $0xFFFFD800  }
0xba: {  	_ =	swait.ge [sflag:s28], $0x200  }
0xbb: {  	[sflag:s28] =	ssyncset.done $0x0  }
0xbc: {  	[sflag:s28] =	ssyncadd.s32 $0xFFFFFE00  }
0xbd: {  	[tilespmem:s15], [sflag:$0x1] =	stream.indirect.gather [hbm4b:s5+s14], $0x80, s2, s14, $0xb8;
	[tilespmem:$0x19400] =	vst v63  }
0xbe: {  	p0 =	sgt.u32 s31, $0x3C  }
0xbf: {  	[tilespmem:s17], [sflag:$0x1] =	stream.indirect.gather [hbm4b:s5+s14], $0x80, s16, s14, $0xb8;
	[tilespmem:$0x19400] =	vst v63  }
0xc0: {  	s8 =	sadd.s32 s4, s23;
	s1 =	sadd.s32 @!p0 s1, s11  }
0xc1: {  	[tilespmem:s19], [sflag:$0x1] =	stream.indirect.gather [hbm4b:s5+s14], $0x80, s18, s14, $0xb8;
	[tilespmem:$0x19400] =	vst v63  }
0xc2: {  	s8 =	smul.u32 $0x500, s8;
	s1 =	sshll.u32 @!p0 s1, $0x6  }
0xc3: {  	[tilespmem:s21], [sflag:$0x1] =	stream.indirect.gather [hbm4b:s5+s14], $0x80, s20, s14, $0xb8;
	[tilespmem:$0x19400] =	vst v63  }
0xc4: {  	s8 =	sadd.s32 s3, s8;
	s1 =	sand.u32 @!p0 $0x1FFFFFC0, s1  }
0xc5: {  	[tilespmem:s22], [sflag:$0x1] =	stream.linear.gather [hbm4b:s8+s2], $0x2800, $0x38;
	[tilespmem:$0x19400] =	vst v63  }
0xc6: {  	s9 =	simm.s32 @!p0 $0x200;
	s1 =	sadd.s32 @!p0 s6, s1;
	s8 =	simm.s32 @!p0 $0x0  }
0xc7: {  	[tilespmem:s9], [sflag:$0x4] =	stream.linear.gather @!p0 [hbm4b:s1+s8], $0x200, $0x38;
	[tilespmem:$0x19400] =	vst v63  }
0xc8: {  	s1 =	simm.s32 $0x0  }
0xc9: {  	v0 =	vld [tilespmem:s1+$0xF400]  }
0xca: {  	v1 =	vld [tilespmem:s1+$0x11C00]  }
0xcb: {  	v2 =	vld [tilespmem:s1+$0x14400]  }
0xcc: {  	v3 =	vld [tilespmem:s1+$0x16C00]  }
0xcd: {  	v4 =	vld [tilespmem:s1+$0xF410]  }
0xce: {  	v5 =	vld [tilespmem:s1+$0x11C10]  }
0xcf: {  	v6 =	vld [tilespmem:s1+$0x14410]  }
0xd0: {  	v7 =	vld [tilespmem:s1+$0x16C10]  }
0xd1: {  	v11 =	vld [tilespmem:s1+$0xF420]  }
0xd2: {  	v12 =	vld [tilespmem:s1+$0x11C20]  }
0xd3: {  	v16 =	vld [tilespmem:s1+$0x14420]  }
0xd4: {  	v17 =	vld [tilespmem:s1+$0x16C20]  }
0xd5: {  	v18 =	vld [tilespmem:s1+$0xF430]  }
0xd6: {  	v19 =	vld [tilespmem:s1+$0x11C30]  }
0xd7: {  	v20 =	vld [tilespmem:s1+$0x14430]  }
0xd8: {  	v21 =	vld [tilespmem:s1+$0x16C30]  }
0xd9: {  	v22 =	vld [tilespmem:s1+$0xF440]  }
0xda: {  	v23 =	vld [tilespmem:s1+$0x11C40]  }
0xdb: {  	v24 =	vld [tilespmem:s1+$0x14440]  }
0xdc: {  	v25 =	vld [tilespmem:s1+$0x16C40]  }
0xdd: {  	v26 =	vld [tilespmem:s1+$0xF450]  }
0xde: {  	v27 =	vld [tilespmem:s1+$0x11C50]  }
0xdf: {  	v28 =	vld [tilespmem:s1+$0x14450]  }
0xe0: {  	v29 =	vld [tilespmem:s1+$0x16C50]  }
0xe1: {  	v30 =	vld [tilespmem:s1+$0xF460]  }
0xe2: {  	v31 =	vld [tilespmem:s1+$0x11C60]  }
0xe3: {  	v32 =	vld [tilespmem:s1+$0x14460]  }
0xe4: {  	v33 =	vld [tilespmem:s1+$0x16C60]  }
0xe5: {  	v9 =	vld [tilespmem:s1+$0xF470];
	v8 =	vadd.f32 v1, v0;
	v13 =	vadd.f32 v3, v2  }
0xe6: {  	v15 =	vld [tilespmem:s1+$0x11C70];
	v10 =	vadd.f32 v5, v4;
	v14 =	vadd.f32 v7, v6  }
0xe7: {  	v5 =	vadd.f32 v12, v11;
	v11 =	vadd.f32 v17, v16;
	v16 =	vld [tilespmem:s1+$0x14470]  }
0xe8: {  	v6 =	vadd.f32 v19, v18;
	v12 =	vadd.f32 v21, v20;
	v18 =	vld [tilespmem:s1+$0x16C70]  }
0xe9: {  	v19 =	vld [tilespmem:s1+$0x2C00];
	v4 =	vadd.f32 v23, v22;
	v7 =	vadd.f32 v25, v24  }
0xea: {  	v20 =	vld [tilespmem:s1+$0x2C10];
	v2 =	vadd.f32 v27, v26;
	v3 =	vadd.f32 v29, v28  }
0xeb: {  	s8 =	simm.s32 $0x200;
	v17 =	vld [tilespmem:s1+$0x2C20];
	v0 =	vadd.f32 v31, v30;
	v1 =	vadd.f32 v33, v32  }
.LBB2_6:
0xec: {  	p0 =	sne.s32 s8, $0x9E00;
	v8 =	vadd.f32 v13, v8;
	v13 =	vld [tilespmem:s1+$0x2C30];
	v9 =	vadd.f32 v15, v9  }
0xed: {  	v10 =	vadd.f32 v14, v10;
	v14 =	vld [tilespmem:s1+$0x2C40];
	v15 =	vadd.f32 v18, v16  }
0xee: {  	v5 =	vadd.f32 v11, v5;
	v8 =	vadd.f32 v8, v19;
	v11 =	vld [tilespmem:s1+$0x2C50]  }
0xef: {  	v6 =	vadd.f32 v12, v6;
	v10 =	vadd.f32 v10, v20;
	v12 =	vld [tilespmem:s1+$0x2C60]  }
0xf0: {  	s9 =	sshra.s32 s8, $0x2;
	v4 =	vadd.f32 v7, v4;
	v8 =	vmax.f32 v8, $0.0e+00;
	v5 =	vadd.f32 v5, v17;
	v7 =	vld [tilespmem:s1+$0x2C70]  }
0xf1: {  	v2 =	vadd.f32 v3, v2;
	v16 =	vld [tilespmem:s9+$0xF400];
	[tilespmem:s1+$0x2C00] =	vst v8;
	v8 =	vmax.f32 v10, $0.0e+00;
	v6 =	vadd.f32 v6, v13  }
0xf2: {  	v0 =	vadd.f32 v1, v0;
	v3 =	vld [tilespmem:s9+$0x11C00];
	[tilespmem:s1+$0x2C10] =	vst v8;
	v5 =	vmax.f32 v5, $0.0e+00;
	v4 =	vadd.f32 v4, v14  }
0xf3: {  	v1 =	vld [tilespmem:s9+$0x14400];
	[tilespmem:s1+$0x2C20] =	vst v5;
	v5 =	vmax.f32 v6, $0.0e+00;
	v2 =	vadd.f32 v2, v11;
	v6 =	vadd.f32 v15, v9  }
0xf4: {  	v9 =	vld [tilespmem:s9+$0x16C00];
	[tilespmem:s1+$0x2C30] =	vst v5;
	v4 =	vmax.f32 v4, $0.0e+00;
	v0 =	vadd.f32 v0, v12  }
0xf5: {  	v5 =	vld [tilespmem:s9+$0xF410];
	[tilespmem:s1+$0x2C40] =	vst v4;
	v2 =	vmax.f32 v2, $0.0e+00;
	v4 =	vadd.f32 v6, v7  }
0xf6: {  	v6 =	vld [tilespmem:s9+$0x11C10];
	[tilespmem:s1+$0x2C50] =	vst v2;
	v0 =	vmax.f32 v0, $0.0e+00  }
0xf7: {  	v2 =	vld [tilespmem:s9+$0x14410];
	[tilespmem:s1+$0x2C60] =	vst v0;
	v0 =	vmax.f32 v4, $0.0e+00  }
0xf8: {  	v4 =	vld [tilespmem:s9+$0x16C10];
	[tilespmem:s1+$0x2C70] =	vst v0;
	s1 =	smov.u32 s9  }
0xf9: {  	v0 =	vld [tilespmem:s1+$0xF420]  }
0xfa: {  	v7 =	vld [tilespmem:s1+$0x11C20]  }
0xfb: {  	v11 =	vld [tilespmem:s1+$0x14420]  }
0xfc: {  	v12 =	vld [tilespmem:s1+$0x16C20]  }
0xfd: {  	v17 =	vld [tilespmem:s1+$0xF430]  }
0xfe: {  	v18 =	vld [tilespmem:s1+$0x11C30]  }
0xff: {  	v19 =	vld [tilespmem:s1+$0x14430]  }
0x100: {  	v20 =	vld [tilespmem:s1+$0x16C30]  }
0x101: {  	v21 =	vld [tilespmem:s1+$0xF440]  }
0x102: {  	v22 =	vld [tilespmem:s1+$0x11C40]  }
0x103: {  	v23 =	vld [tilespmem:s1+$0x14440]  }
0x104: {  	v24 =	vld [tilespmem:s1+$0x16C40]  }
0x105: {  	v25 =	vld [tilespmem:s1+$0xF450]  }
0x106: {  	v26 =	vld [tilespmem:s1+$0x11C50]  }
0x107: {  	v27 =	vld [tilespmem:s1+$0x14450]  }
0x108: {  	v28 =	vld [tilespmem:s1+$0x16C50]  }
0x109: {  	v29 =	vld [tilespmem:s1+$0xF460]  }
0x10a: {  	v30 =	vld [tilespmem:s1+$0x11C60]  }
0x10b: {  	v31 =	vld [tilespmem:s1+$0x14460]  }
0x10c: {  	v32 =	vld [tilespmem:s1+$0x16C60]  }
0x10d: {  	v8 =	vadd.f32 v3, v16;
	v13 =	vadd.f32 v9, v1;
	v9 =	vld [tilespmem:s1+$0xF470]  }
0x10e: {  	v10 =	vadd.f32 v6, v5;
	v14 =	vadd.f32 v4, v2;
	v15 =	vld [tilespmem:s1+$0x11C70]  }
.Ltmp6:
0x10f: {  	v5 =	vadd.f32 v7, v0;
	v11 =	vadd.f32 v12, v11;
	v16 =	vld [tilespmem:s1+$0x14470];
	(pc) =	sbr.rel @p0 .LBB2_6-.Ltmp6, $4  }
0x110: {  	v6 =	vadd.f32 v18, v17;
	v12 =	vadd.f32 v20, v19;
	v18 =	vld [tilespmem:s1+$0x16C70]  }
0x111: {  	v4 =	vadd.f32 v22, v21;
	v7 =	vadd.f32 v24, v23;
	v19 =	vld [tilespmem:s1+$0x2C00]  }
0x112: {  	v2 =	vadd.f32 v26, v25;
	v3 =	vadd.f32 v28, v27;
	v20 =	vld [tilespmem:s1+$0x2C10]  }
0x113: {  	s8 =	sadd.s32 $0x200, s8;
	v0 =	vadd.f32 v30, v29;
	v1 =	vadd.f32 v32, v31;
	v17 =	vld [tilespmem:s1+$0x2C20]  }
0x114: {  	v8 =	vadd.f32 v13, v8;
	v50 =	vld [tilespmem:s1+$0x2C30];
	v9 =	vadd.f32 v15, v9  }
0x115: {  	v10 =	vadd.f32 v14, v10;
	v51 =	vld [tilespmem:s1+$0x2C40];
	v5 =	vadd.f32 v11, v5  }
0x116: {  	v53 =	vld [tilespmem:s1+$0x2C50];
	v6 =	vadd.f32 v12, v6;
	v8 =	vadd.f32 v8, v19  }
0x117: {  	v54 =	vld [tilespmem:s1+$0x2C60];
	v4 =	vadd.f32 v7, v4;
	v10 =	vadd.f32 v10, v20  }
0x118: {  	v55 =	vld [tilespmem:s1+$0x2C70];
	v2 =	vadd.f32 v3, v2;
	v8 =	vmax.f32 v8, $0.0e+00;
	v5 =	vadd.f32 v5, v17  }
0x119: {  	v52 =	vadd.f32 v18, v16;
	[tilespmem:s1+$0x2C00] =	vst v8;
	v56 =	vmax.f32 v10, $0.0e+00;
	v6 =	vadd.f32 v6, v50  }
0x11a: {  	v0 =	vadd.f32 v1, v0;
	v4 =	vadd.f32 v4, v51;
	[tilespmem:s1+$0x2C10] =	vst v56;
	v57 =	vmax.f32 v5, $0.0e+00  }
0x11b: {  	v59 =	vadd.f32 v52, v9;
	v2 =	vadd.f32 v2, v53;
	[tilespmem:s1+$0x2C20] =	vst v57;
	v58 =	vmax.f32 v6, $0.0e+00  }
0x11c: {  	v0 =	vadd.f32 v0, v54;
	v60 =	vmax.f32 v4, $0.0e+00;
	[tilespmem:s1+$0x2C30] =	vst v58  }
0x11d: {  	s0 =	sadd.s32 s4, s0;
	v62 =	vadd.f32 v59, v55;
	v61 =	vmax.f32 v2, $0.0e+00;
	[tilespmem:s1+$0x2C40] =	vst v60  }
0x11e: {  	s0 =	smul.u32 $0x500, s0;
	v0 =	vmax.f32 v0, $0.0e+00;
	[tilespmem:s1+$0x2C50] =	vst v61  }
0x11f: {  	v63 =	vmax.f32 v62, $0.0e+00;
	[tilespmem:s1+$0x2C60] =	vst v0  }
.Ltmp7:
0x120: {  	s0 =	sadd.s32 s7, s0;
	[tilespmem:s1+$0x2C70] =	vst v63;
	(pc) =	sbr.rel .LBB2_8-.Ltmp7, $4  }
0x121: {  	[hbm4b:s0+s2] =	stream.linear.scatter [tilespmem:s29], [sflag:$0x5], $0x2800, $0x38;
	[tilespmem:$0x19400] =	vst v63  }
0x122: {  	_ =	swait.ge [sflag:s13], $0x2800  }
0x123: {  	[sflag:s13] =	ssyncset.done $0x0  }
0x124: {  	[sflag:s13] =	ssyncadd.s32 $0xFFFFD800  }
.LBB2_10:
0x125: {  	_ =	sfence.sel $0x180000  }
0x126: {  	[bflag:$0x0] =	sbarrier.arrive $0xFFFF  }
0x127: {  	_ =	strace $0x9000004D  }
0x128: {  	s0 =	stileid.u32;
	[bflag:$0x2] =	sbarrier.arrive $0xFFFF  }
0x129: {  	p0 =	sne.s32 s0, $0x0;
	s0 =	rddreg [dreg:$0x1]  }
0x12a: {  	s0 =	sadd.s32 @!p0 $0x100000, s0  }
0x12b: {  	[sflag:s0] =	ssyncadd.tile.s32 @!p0 $0x1;
	_ =	shalt  }
.Lfunc_end2:
_tile_overlayer_lowered:
.L_overlay_start_2:
0x12c: {  	(tag) =	ssettag $0x2  }
0x12d: {  	s0 =	rddreg [dreg:$0x0];
	s2 =	stileid.u32  }
0x12e: {  	s1 =	rddreg [dreg:$0x1];
	p0 =	sne.s32 s2, $0x0  }
0x12f: {  	s3 =	rddreg [dreg:$0x2];
	[bflag:$0x3] =	sbarrier.arrive $0xFFFF;
	s2 =	simm.s32 @!p0 $0x1C05  }
0x130: {  	[timem:s3], [sflag:s2] =	dma.local @!p0 [hbm:s0], s1  }
0x131: {  	s0 =	simm.s32 @!p0 $0x5  }
0x132: {  	_ =	swait.ge @!p0 [sflag:s0], s1  }
0x133: {  	s1 =	ssub.s32 @!p0 $0x0, s1;
	[sflag:s0] =	ssyncset.done @!p0 $0x0  }
0x134: {  	[sflag:s0] =	ssyncadd.s32 @!p0 s1  }
0x135: {  	[bflag:$0x3] =	sbarrier.arrive $0xFFFF  }
0x136: {  	_ =	shalt  }

// kernel: kernel.9.cloned.1.call-start
scs
__scs_entry_jumppad:
0x0: {  	(pc) =	sbr.rel $0x88, $3  }
0x1: {  	(tag) =	ssettag $0x0;
	lr =	simm.s32 $0x1  }
0x2: {  	[smem:$0x3F97] =	sst lr;
	_ =	strace $0xD0000000  }
0x3: {  	_ = 	snop  }
0x4: {  	_ = 	snop  }
0x5: {  	_ = 	snop  }
0x6: {  	_ = 	snop  }
0x7: {  	_ = 	snop  }
__scs_overlays_trampoline_lowered:
0x8: {  	[smem:$0x3FA6] =	sst s0  }
0x9: {  	[smem:$0x3FA7] =	sst s1  }
0xa: {  	[smem:$0x3FA8] =	sst s2  }
0xb: {  	[smem:$0x3FA9] =	sst s3  }
0xc: {  	[smem:$0x3FAA] =	sst s4  }
0xd: {  	[smem:$0x3FAB] =	sst s5  }
0xe: {  	[smem:$0x3FAC] =	sst s6  }
0xf: {  	[smem:$0x3FAD] =	sst s7  }
0x10: {  	[smem:$0x3FAE] =	sst s8  }
0x11: {  	[smem:$0x3FAF] =	sst s9;
	s0 =	simm.s32 @!p0 $0x0  }
0x12: {  	s1 =	sld [smem:$0x3F95];
	s0 =	simm.s32 @p0 $0x1  }
0x13: {  	[smem:$0x3FB0] =	sst s0;
	s0 =	simm.s32 @!p1 $0x0  }
0x14: {  	s2 =	sld [smem:$0x3F94];
	s0 =	simm.s32 @p1 $0x1  }
0x15: {  	[smem:$0x3FB1] =	sst s0;
	s0 =	simm.s32 @!p2 $0x0  }
0x16: {  	s3 =	sld [smem:$0x3FDB];
	s0 =	simm.s32 @p2 $0x1  }
0x17: {  	s4 =	simm.s32 $0x1BF5;
	[smem:$0x3FB3] =	sst s0  }
0x18: {  	s0 =	sld [smem:$0x3F96];
	_ =	swait.ge [sflag:s4], $0x0  }
0x19: {  	s7 =	sld [smem:$0x3F97]  }
0x1a: {  	s8 =	sadd.s32 $0xFFFFE003, lr  }
0x1b: {  	s9 =	sadd.s32 $0xFFFFFEF7, lr;
	s5 =	simm.s32 $0xFFFFFFFF;
	p2 =	slt.u32 s8, $0xFFFFF086  }
0x1c: {  	p1 =	slt.u32 s9, $0xF7A;
	s5 =	simm.s32 @!p2 $0x0  }
0x1d: {  	s5 =	simm.s32 @p1 $0x1;
	p0 =	seq.s32 s7, s2  }
0x1e: {  	s7 =	smul.u32 @!p0 $0xF7A, s2;
	p2 =	seq.s32 @!p0 s5, $0x0  }
0x1f: {  	s9 =	smul.u32 $0xF7A, s1;
	s8 =	simm.s32 @!p0 $0x1BF5;
	p2 =	por !p2, p0  }
0x20: {  	[sflag:s8] =	ssyncset.s32 @!p0 $0xFFFFF086;
	s6 =	sadd.s32 @!p0 s3, s7;
	s7 =	simm.s32 @!p0 $0x108  }
0x21: {  	s3 =	sadd.s32 s3, s9;
	s6 =	sadd.s32 @!p0 $0x88, s6;
	s7 =	simm.s32 @p2 $0x1082  }
0x22: {  	[simem:s7], [sflag:s8] =	dma.local @!p0 [hbm:s6], $0xF7A  }
0x23: {  	s9 =	sor.u32 $0xD0000000, s2;
	s6 =	simm.s32 $0x108;
	_ =	swait.ge @!p0 [sflag:s8], $0x0  }
0x24: {  	s3 =	sadd.s32 $0x88, s3;
	s6 =	simm.s32 @!p1 $0x1082;
	[sflag:s4] =	ssyncset.s32 $0xFFFFF086  }
0x25: {  	[simem:s6], [sflag:s4] =	dma.local [hbm:s3], $0xF7A  }
0x26: {  	[smem:$0x3F97] =	sst s1;
	(tag) =	ssettag s2;
	_ =	strace s9  }
0x27: {  	s1 =	sld [smem:$0x3FA7]  }
0x28: {  	s2 =	sld [smem:$0x3FA8]  }
0x29: {  	s4 =	sld [smem:$0x3FAA]  }
0x2a: {  	p0 =	seq.s32 s5, $0x0;
	s5 =	sld [smem:$0x3FAB]  }
0x2b: {  	s6 =	sld [smem:$0x3FAC]  }
0x2c: {  	s7 =	sld [smem:$0x3FAD]  }
0x2d: {  	s3 =	simm.s32 $0x108;
	s8 =	sld [smem:$0x3FAE]  }
0x2e: {  	s3 =	simm.s32 @!p0 $0x1082;
	s9 =	sld [smem:$0x3FAF]  }
0x2f: {  	lr =	sadd.s32 s0, s3;
	s0 =	sld [smem:$0x3FA6]  }
0x30: {  	s3 =	sld [smem:$0x3FA9]  }
0x31: {  	[smem:$0x3FB2] =	sst s10  }
0x32: {  	s10 =	sld [smem:$0x3FB0];
	_ =	sdelay $0x3  }
0x33: {  	p0 =	seq.s32 s10, $0x1;
	s10 =	sld [smem:$0x3FB2];
	_ =	sdelay $0x3  }
0x34: {  	[smem:$0x3FB2] =	sst s10  }
0x35: {  	s10 =	sld [smem:$0x3FB1];
	_ =	sdelay $0x3  }
0x36: {  	p1 =	seq.s32 s10, $0x1;
	s10 =	sld [smem:$0x3FB2];
	_ =	sdelay $0x3  }
0x37: {  	[smem:$0x3FB2] =	sst s10  }
0x38: {  	s10 =	sld [smem:$0x3FB3]  }
0x39: {  	_ = 	snop;
	(pc) =	sbr.ind lr, $3  }
0x3a: {  	_ = 	snop  }
0x3b: {  	_ = 	snop  }
0x3c: {  	p2 =	seq.s32 s10, $0x1;
	s10 =	sld [smem:$0x3FB2]  }
0x3d: {  	_ =	shalt  }
0x3e: {  	_ =	shalt  }
0x3f: {  	_ =	shalt  }
0x40: {  	_ =	shalt  }
0x41: {  	_ =	shalt  }
0x42: {  	_ =	shalt  }
0x43: {  	_ =	shalt  }
0x44: {  	_ =	shalt  }
0x45: {  	_ =	shalt  }
0x46: {  	_ =	shalt  }
0x47: {  	_ =	shalt  }
0x48: {  	_ =	shalt  }
0x49: {  	_ =	shalt  }
0x4a: {  	_ =	shalt  }
0x4b: {  	_ =	shalt  }
0x4c: {  	_ =	shalt  }
0x4d: {  	_ =	shalt  }
0x4e: {  	_ =	shalt  }
0x4f: {  	_ =	shalt  }
0x50: {  	_ =	shalt  }
0x51: {  	_ =	shalt  }
0x52: {  	_ =	shalt  }
0x53: {  	_ =	shalt  }
0x54: {  	_ =	shalt  }
0x55: {  	_ =	shalt  }
0x56: {  	_ =	shalt  }
0x57: {  	_ =	shalt  }
0x58: {  	_ =	shalt  }
0x59: {  	_ =	shalt  }
0x5a: {  	_ =	shalt  }
0x5b: {  	_ =	shalt  }
0x5c: {  	_ =	shalt  }
0x5d: {  	_ =	shalt  }
0x5e: {  	_ =	shalt  }
0x5f: {  	_ =	shalt  }
0x60: {  	_ =	shalt  }
0x61: {  	_ =	shalt  }
0x62: {  	_ =	shalt  }
0x63: {  	_ =	shalt  }
0x64: {  	_ =	shalt  }
0x65: {  	_ =	shalt  }
0x66: {  	_ =	shalt  }
0x67: {  	_ =	shalt  }
0x68: {  	_ =	shalt  }
0x69: {  	_ =	shalt  }
0x6a: {  	_ =	shalt  }
0x6b: {  	_ =	shalt  }
0x6c: {  	_ =	shalt  }
0x6d: {  	_ =	shalt  }
0x6e: {  	_ =	shalt  }
0x6f: {  	_ =	shalt  }
0x70: {  	_ =	shalt  }
0x71: {  	_ =	shalt  }
0x72: {  	_ =	shalt  }
0x73: {  	_ =	shalt  }
0x74: {  	_ =	shalt  }
0x75: {  	_ =	shalt  }
0x76: {  	_ =	shalt  }
0x77: {  	_ =	shalt  }
0x78: {  	_ =	shalt  }
0x79: {  	_ =	shalt  }
0x7a: {  	_ =	shalt  }
0x7b: {  	_ =	shalt  }
0x7c: {  	_ =	shalt  }
0x7d: {  	_ =	shalt  }
0x7e: {  	_ =	shalt  }
0x7f: {  	_ =	shalt  }
0x80: {  	_ =	shalt  }
0x81: {  	_ =	shalt  }
0x82: {  	_ =	shalt  }
0x83: {  	_ =	shalt  }
0x84: {  	_ =	shalt  }
0x85: {  	_ =	shalt  }
0x86: {  	_ =	shalt  }
0x87: {  	_ =	shalt  }
.Lfunc_end0:
.L_simem_size_0:
called_computation_lowered:
.L_overlay_start_0:
0x88: {  	s2 =	sld [smem:$0x3FD9]  }
0x89: {  	s3 =	sld [smem:$0x3FFE];
	_ =	sdelay $0x1  }
0x8a: {  	s1 =	srdreg.scid  }
0x8b: {  	s0 =	sand.u32 $0x1, s1  }
0x8c: {  	s16 =	sshll.u32 s0, $0xA;
	s2 =	sadd.s32 s3, s2  }
0x8d: {  	s2 =	sadd.s32 s2, s16  }
0x8e: {  	[smem:$0x3FBE] =	sst s2  }
0x8f: {  	_ = 	snop  }
0x90: {  	(tm) =	ssettm $0x1  }
0x91: {  	s17 =	sld [smem:$0x3FFB];
	_ =	sdelay $0x3  }
0x92: {  	_ =	strace s17  }
0x93: {  	s2 =	sld [smem:$0x3FFC];
	_ =	sdelay $0x3  }
0x94: {  	_ =	strace s2  }
0x95: {  	s2 =	sld [smem:$0x3FFD];
	_ =	sdelay $0x3  }
0x96: {  	_ =	strace s2  }
0x97: {  	_ =	strace $0x8FFFFFFF  }
0x98: {  	s18 =	sld [smem:$0x3FDB];
	_ =	sdelay $0x1  }
0x99: {  	s19 =	simm.s32 $_scs_section_size  }
0x9a: {  	s4 =	simm.s32 $_size__tile_overlayer_lowered;
	s5 =	simm.s32 $_tile_overlayer_lowered  }
0x9b: {  	s22 =	simm.s32 $0x1BFF;
	s21 =	sshll.u32 s5, $0x1;
	s2 =	sadd.s32 s19, s18  }
0x9c: {  	s6 =	simm.s32 $0x0;
	s20 =	sshll.u32 s4, $0x1;
	s4 =	sadd.s32 s21, s2  }
0x9d: {  	[timem:s6], [sflag:s22] =	dma.local [hbm:s4], s20  }
0x9e: {  	_ =	swait.ge [sflag:s22], s20  }
0x9f: {  	s3 =	ssub.s32 $0x0, s20;
	[sflag:s22] =	ssyncset.done $0x0  }
0xa0: {  	[sflag:s22] =	ssyncadd.s32 s3;
	_ =	sdelay $0x1  }
0xa1: {  	s23 =	simm.s32 $0x1B8B  }
0xa2: {  	_ =	swait.ge [sflag:s23], $0x1  }
0xa3: {  	[sflag:s23] =	ssyncset.done $0x0  }
0xa4: {  	s25 =	simm.s32 $0x1B8E;
	s24 =	sld [smem:$0x3FFE];
	[sflag:s23] =	ssyncadd.s32 $0xFFFFFFFF  }
0xa5: {  	s26 =	simm.s32 $execute0_lowered;
	[smem:$0x3FD2] =	sst s25  }
0xa6: {  	s4 =	sshll.u32 s26, $0x1;
	_ =	strace $0x80000046;
	[dreg:$0x1] =	wrdreg $0xFFFFFFFF  }
0xa7: {  	s28 =	simm.s32 $_size_execute0_lowered;
	s2 =	sadd.s32 s2, s4;
	[dreg:$0x0] =	wrdreg $0x0  }
0xa8: {  	s4 =	sshll.u32 s28, $0x1;
	[dreg:$0x2] =	wrdreg s2  }
0xa9: {  	[dreg:$0x3] =	wrdreg s4  }
0xaa: {  	[dreg:$0x4] =	wrdreg $0xC0  }
0xab: {  	_ =	task [dreg:s6], $0x5FFFF  }
0xac: {  	[dreg:$0x1] =	wrdreg $0xFFFFFFFF  }
0xad: {  	[dreg:$0x0] =	wrdreg $0x60  }
0xae: {  	[dreg:$0x2] =	wrdreg s24  }
0xaf: {  	[dreg:$0x3] =	wrdreg $0x9  }
0xb0: {  	_ =	task.clear_ibuf [dreg:s6], $0x4FFFF;
	_ =	strace $0x90000046  }
0xb1: {  	s29 =	simm.s32 $0x9;
	_ =	strace $0x80000048  }
0xb2: {  	_ =	swait.ge [sflag:s29], $0x1  }
0xb3: {  	[sflag:s29] =	ssyncadd.s32 $0xFFFFFFFF  }
0xb4: {  	_ =	strace $0x90000048  }
0xb5: {  	_ =	sfence  }
0xb6: {  	s30 =	sld [smem:$0x0];
	_ =	sdelay $0x2  }
0xb7: {  	s31 =	sshll.u32 s1, $0xD;
	s1 =	sshrl.u32 s1, $0x2  }
0xb8: {  	s3 =	sand.u32 $0x4000, s31;
	s1 =	sadd.s32 s1, s30  }
0xb9: {  	s0 =	sor.u32 s3, s0;
	s1 =	sshll.u32 s1, $0x11  }
0xba: {  	s0 =	sor.u32 s1, s0  }
0xbb: {  	s0 =	sadd.s32 $0x8F2B, s0  }
0xbc: {  	[sflag:s0] =	ssyncadd.remote.s32 $0x1  }
0xbd: {  	_ =	sfence.sel $0xFFFF  }
0xbe: {  	[dreg:$0x0] =	wrdreg $0xFFFFFFFF;
	(pc) =	sbr.abs _section_cstart, $3  }
0xbf: {  	[dreg:$0x1] =	wrdreg $0xFFFFFFFF  }
0xc0: {  	_ =	task.clear_ibuf [dreg:s6], $0x2FFFF;
	_ =	strace $0x9FFFFFFF  }
0xc1: {  	(tm) =	ssettm $0x7FFFFFFF  }
tec
execute0_lowered:
.L_overlay_start_1:
0x0: {  	(tag) =	ssettag $0x1  }
0x1: {  	s0 =	rddreg [dreg:$0x0];
	s1 =	srdreg.scid  }
0x2: {  	s3 =	stileid.u32;
	s2 =	simm.s32 $0x0;
	s13 =	simm.s32 $0x5  }
0x3: {  	s14 =	simm.s32 $0x50;
	s15 =	simm.s32 $0x5400;
	s16 =	simm.s32 $0x80  }
0x4: {  	s17 =	simm.s32 $0x7C00;
	s18 =	simm.s32 $0x100;
	s19 =	simm.s32 $0xA400  }
0x5: {  	s20 =	simm.s32 $0x180;
	s21 =	simm.s32 $0xCC00;
	s22 =	simm.s32 $0x400  }
0x6: {  	s24 =	simm.s32 $0x1;
	s1 =	sand.u32 $0x1, s1;
	s3 =	sshll.u32 s3, $0x1  }
0x7: {  	s28 =	simm.s32 $0x3;
	s29 =	simm.s32 $0x2C00;
	s8 =	sor.u32 s1, s3  }
0x8: {  	s30 =	simm.s32 $0x0;
	[smem:$0x7FF] =	sst s2;
	s4 =	smul.u32 $0x7D, s8  }
0x9: {  	s5 =	sadd.s32 $0x522800, s0;
	s6 =	sadd.s32 $0x2000, s0;
	s9 =	smul.u32 $0xFA00, s8  }
0xa: {  	s7 =	sadd.s32 $0x18AA800, s0;
	s25 =	ssub.s32 $0x2, s1;
	s26 =	smul.u32 $0x1F40, s8  }
0xb: {  	_ =	strace $0x80000047;
	s10 =	sshrl.u32 s25, $0x1;
	s8 =	smul.u32 $0x27100, s8  }
.Ltmp0:
0xc: {  	s3 =	sadd.s32 $0x40800, s0;
	s0 =	ssub.s32 s25, s10;
	(pc) =	sbr.rel .LBB2_1-.Ltmp0, $4  }
0xd: {  	s25 =	simm.s32 $0x6;
	s9 =	sshrl.u32 s9, $0x3;
	s1 =	sadd.s32 s6, s26  }
0xe: {  	s8 =	sadd.s32 s3, s8;
	[dreg:$0x2] =	wrdreg s1;
	s31 =	sadd.s32 s6, s9  }
0xf: {  	s11 =	sadd.s32 $0x3, s4;
	[dreg:$0x3] =	wrdreg s8;
	s1 =	sadd.s32 $0x40, s31  }
0x10: {  	s12 =	smax.u32 s0, $0x1;
	s26 =	simm.s32 $0x2;
	[dreg:$0x4] =	wrdreg s1  }
.LBB2_9:
0x11: {  	s30 =	sadd.s32 $0x1, s30  }
0x12: {  	p0 =	sne.s32 s30, s12  }
.Ltmp1:
0x13: {  	_ = 	snop;
	(pc) =	sbr.rel @!p0 .LBB2_10-.Ltmp1, $1  }
0x14: {  	_ =	sdelay $0x3  }
.LBB2_1:
0x15: {  	s0 =	rddreg [dreg:$0x2]  }
0x16: {  	[tilespmem:s2], [sflag:$0x5] =	stream.linear.gather [hbm4b:s0+s2], $0x200, $0x38;
	[tilespmem:$0x19400] =	vst v63  }
0x17: {  	_ =	swait.ge [sflag:s13], $0x200  }
0x18: {  	[sflag:s13] =	ssyncset.done $0x0  }
0x19: {  	[sflag:s13] =	ssyncadd.s32 $0xFFFFFE00  }
0x1a: {  	[tilespmem:s15], [sflag:$0x1] =	stream.indirect.gather [hbm4b:s5+s14], $0x80, s2, s14, $0xb8;
	[tilespmem:$0x19400] =	vst v63  }
0x1b: {  	_ = 	snop  }
0x1c: {  	[tilespmem:s17], [sflag:$0x1] =	stream.indirect.gather [hbm4b:s5+s14], $0x80, s16, s14, $0xb8;
	[tilespmem:$0x19400] =	vst v63  }
0x1d: {  	_ = 	snop  }
0x1e: {  	[tilespmem:s19], [sflag:$0x1] =	stream.indirect.gather [hbm4b:s5+s14], $0x80, s18, s14, $0xb8;
	[tilespmem:$0x19400] =	vst v63  }
0x1f: {  	_ = 	snop  }
0x20: {  	[tilespmem:s21], [sflag:$0x1] =	stream.indirect.gather [hbm4b:s5+s14], $0x80, s20, s14, $0xb8;
	[tilespmem:$0x19400] =	vst v63  }
.Ltmp2:
0x21: {  	_ = 	snop;
	(pc) =	sbr.rel .LBB2_2-.Ltmp2, $4  }
0x22: {  	s10 =	rddreg [dreg:$0x3]  }
0x23: {  	[tilespmem:s22], [sflag:$0x1] =	stream.linear.gather [hbm4b:s10+s2], $0x2800, $0x38;
	[tilespmem:$0x19400] =	vst v63  }
0x24: {  	s1 =	simm.s32 $0x200;
	s31 =	simm.s32 $0x0;
	s23 =	rddreg [dreg:$0x4]  }
0x25: {  	[tilespmem:s1], [sflag:$0x4] =	stream.linear.gather [hbm4b:s23+s2], $0x200, $0x38;
	[tilespmem:$0x19400] =	vst v63  }
.LBB2_8:
0x26: {  	s31 =	sadd.s32 $0x1, s31  }
0x27: {  	p0 =	sne.s32 s31, $0x3F  }
.Ltmp3:
0x28: {  	_ = 	snop;
	(pc) =	sbr.rel @!p0 .LBB2_9-.Ltmp3, $1  }
0x29: {  	_ =	sdelay $0x3  }
.LBB2_2:
0x2a: {  	_ =	swait.ge [sflag:s24], $0x2800  }
0x2b: {  	[sflag:s24] =	ssyncset.done $0x0  }
0x2c: {  	[sflag:s24] =	ssyncadd.s32 $0xFFFFD800  }
0x2d: {  	_ =	swait.ge [sflag:s24], $0x2800  }
0x2e: {  	[sflag:s24] =	ssyncset.done $0x0  }
0x2f: {  	[sflag:s24] =	ssyncadd.s32 $0xFFFFD800  }
0x30: {  	_ =	swait.ge [sflag:s24], $0x2800  }
0x31: {  	[sflag:s24] =	ssyncset.done $0x0  }
0x32: {  	[sflag:s24] =	ssyncadd.s32 $0xFFFFD800  }
0x33: {  	_ =	swait.ge [sflag:s24], $0x2800  }
0x34: {  	[sflag:s24] =	ssyncset.done $0x0  }
0x35: {  	[sflag:s24] =	ssyncadd.s32 $0xFFFFD800  }
0x36: {  	s0 =	sshllo.u32 s31, $0x1;
	_ =	swait.ge [sflag:s24], $0x2800  }
0x37: {  	p0 =	sgt.u32 s0, $0x7C;
	[sflag:s24] =	ssyncset.done $0x0  }
0x38: {  	s1 =	simm.s32 @!p0 $0x4;
	[sflag:s24] =	ssyncadd.s32 $0xFFFFD800  }
0x39: {  	_ =	swait.ge @!p0 [sflag:s1], $0x200  }
0x3a: {  	s8 =	simm.s32 @!p0 $0x200;
	[sflag:s1] =	ssyncset.done @!p0 $0x0  }
0x3b: {  	s9 =	simm.s32 @!p0 $0xF400;
	[sflag:s1] =	ssyncadd.s32 @!p0 $0xFFFFFE00;
	s1 =	simm.s32 @!p0 $0x50  }
0x3c: {  	[tilespmem:s9], [sflag:$0x2] =	stream.indirect.gather @!p0 [hbm4b:s5+s1], $0x80, s8, s1, $0xb8;
	[tilespmem:$0x19400] =	vst v63  }
0x3d: {  	s8 =	simm.s32 @!p0 $0x280;
	s9 =	simm.s32 @!p0 $0x11C00  }
0x3e: {  	[tilespmem:s9], [sflag:$0x2] =	stream.indirect.gather @!p0 [hbm4b:s5+s1], $0x80, s8, s1, $0xb8;
	[tilespmem:$0x19400] =	vst v63  }
0x3f: {  	s8 =	simm.s32 @!p0 $0x300;
	s9 =	simm.s32 @!p0 $0x14400  }
0x40: {  	[tilespmem:s9], [sflag:$0x2] =	stream.indirect.gather @!p0 [hbm4b:s5+s1], $0x80, s8, s1, $0xb8;
	[tilespmem:$0x19400] =	vst v63  }
0x41: {  	s8 =	simm.s32 @!p0 $0x380;
	s9 =	simm.s32 @!p0 $0x16C00  }
0x42: {  	[tilespmem:s9], [sflag:$0x2] =	stream.indirect.gather @!p0 [hbm4b:s5+s1], $0x80, s8, s1, $0xb8;
	[tilespmem:$0x19400] =	vst v63  }
0x43: {  	s1 =	sadd.s32 @!p0 s4, s0  }
0x44: {  	s8 =	smul.u32 @!p0 $0x500, s1  }
0x45: {  	s23 =	simm.s32 @!p0 $0x2C00  }
0x46: {  	s9 =	simm.s32 @!p0 $0x0;
	s1 =	sshll.u32 s31, $0x1;
	s8 =	sadd.s32 @!p0 s3, s8  }
0x47: {  	[tilespmem:s23], [sflag:$0x2] =	stream.linear.gather @!p0 [hbm4b:s8+s9], $0x2800, $0x38;
	[tilespmem:$0x19400] =	vst v63  }
0x48: {  	p1 =	seq.s32 s31, $0x3E;
	s23 =	sadd.s32 $0x2, s1  }
0x49: {  	s8 =	sadd.s32 @!p1 s4, s23  }
0x4a: {  	s8 =	sshll.u32 @!p1 s8, $0x6  }
0x4b: {  	s8 =	sand.u32 @!p1 $0x1FFFFFC0, s8  }
0x4c: {  	s9 =	simm.s32 @!p1 $0x0;
	s8 =	sadd.s32 @!p1 s6, s8  }
0x4d: {  	[tilespmem:s9], [sflag:$0x3] =	stream.linear.gather @!p1 [hbm4b:s8+s9], $0x200, $0x38;
	[tilespmem:$0x19400] =	vst v63  }
0x4e: {  	s8 =	simm.s32 $0x0  }
0x4f: {  	v0 =	vld [tilespmem:s8+$0x5400]  }
0x50: {  	v1 =	vld [tilespmem:s8+$0x7C00]  }
0x51: {  	v2 =	vld [tilespmem:s8+$0xA400]  }
0x52: {  	v3 =	vld [tilespmem:s8+$0xCC00]  }
0x53: {  	v4 =	vld [tilespmem:s8+$0x5410]  }
0x54: {  	v5 =	vld [tilespmem:s8+$0x7C10]  }
0x55: {  	v6 =	vld [tilespmem:s8+$0xA410]  }
0x56: {  	v7 =	vld [tilespmem:s8+$0xCC10]  }
0x57: {  	v11 =	vld [tilespmem:s8+$0x5420]  }
0x58: {  	v12 =	vld [tilespmem:s8+$0x7C20]  }
0x59: {  	v16 =	vld [tilespmem:s8+$0xA420]  }
0x5a: {  	v17 =	vld [tilespmem:s8+$0xCC20]  }
0x5b: {  	v18 =	vld [tilespmem:s8+$0x5430]  }
0x5c: {  	v19 =	vld [tilespmem:s8+$0x7C30]  }
0x5d: {  	v20 =	vld [tilespmem:s8+$0xA430]  }
0x5e: {  	v21 =	vld [tilespmem:s8+$0xCC30]  }
0x5f: {  	v22 =	vld [tilespmem:s8+$0x5440]  }
0x60: {  	v23 =	vld [tilespmem:s8+$0x7C40]  }
0x61: {  	v24 =	vld [tilespmem:s8+$0xA440]  }
0x62: {  	v25 =	vld [tilespmem:s8+$0xCC40]  }
0x63: {  	v26 =	vld [tilespmem:s8+$0x5450]  }
0x64: {  	v27 =	vld [tilespmem:s8+$0x7C50]  }
0x65: {  	v28 =	vld [tilespmem:s8+$0xA450]  }
0x66: {  	v29 =	vld [tilespmem:s8+$0xCC50]  }
0x67: {  	v30 =	vld [tilespmem:s8+$0x5460]  }
0x68: {  	v31 =	vld [tilespmem:s8+$0x7C60]  }
0x69: {  	v32 =	vld [tilespmem:s8+$0xA460]  }
0x6a: {  	v33 =	vld [tilespmem:s8+$0xCC60]  }
0x6b: {  	v9 =	vld [tilespmem:s8+$0x5470];
	v8 =	vadd.f32 v1, v0;
	v13 =	vadd.f32 v3, v2  }
0x6c: {  	v15 =	vld [tilespmem:s8+$0x7C70];
	v10 =	vadd.f32 v5, v4;
	v14 =	vadd.f32 v7, v6  }
0x6d: {  	v5 =	vadd.f32 v12, v11;
	v11 =	vadd.f32 v17, v16;
	v16 =	vld [tilespmem:s8+$0xA470]  }
0x6e: {  	v6 =	vadd.f32 v19, v18;
	v12 =	vadd.f32 v21, v20;
	v18 =	vld [tilespmem:s8+$0xCC70]  }
0x6f: {  	v19 =	vld [tilespmem:s8+$0x400];
	v4 =	vadd.f32 v23, v22;
	v7 =	vadd.f32 v25, v24  }
0x70: {  	v20 =	vld [tilespmem:s8+$0x410];
	v2 =	vadd.f32 v27, v26;
	v3 =	vadd.f32 v29, v28  }
0x71: {  	s9 =	simm.s32 $0x200;
	v17 =	vld [tilespmem:s8+$0x420];
	v0 =	vadd.f32 v31, v30;
	v1 =	vadd.f32 v33, v32  }
.LBB2_3:
0x72: {  	p1 =	sne.s32 s9, $0x9E00;
	v8 =	vadd.f32 v13, v8;
	v13 =	vld [tilespmem:s8+$0x430];
	v9 =	vadd.f32 v15, v9  }
0x73: {  	v10 =	vadd.f32 v14, v10;
	v14 =	vld [tilespmem:s8+$0x440];
	v15 =	vadd.f32 v18, v16  }
0x74: {  	v5 =	vadd.f32 v11, v5;
	v8 =	vadd.f32 v8, v19;
	v11 =	vld [tilespmem:s8+$0x450]  }
0x75: {  	v6 =	vadd.f32 v12, v6;
	v10 =	vadd.f32 v10, v20;
	v12 =	vld [tilespmem:s8+$0x460]  }
0x76: {  	s10 =	sshra.s32 s9, $0x2;
	v4 =	vadd.f32 v7, v4;
	v8 =	vmax.f32 v8, $0.0e+00;
	v5 =	vadd.f32 v5, v17;
	v7 =	vld [tilespmem:s8+$0x470]  }
0x77: {  	v2 =	vadd.f32 v3, v2;
	v16 =	vld [tilespmem:s10+$0x5400];
	[tilespmem:s8+$0x400] =	vst v8;
	v8 =	vmax.f32 v10, $0.0e+00;
	v6 =	vadd.f32 v6, v13  }
0x78: {  	v0 =	vadd.f32 v1, v0;
	v3 =	vld [tilespmem:s10+$0x7C00];
	[tilespmem:s8+$0x410] =	vst v8;
	v5 =	vmax.f32 v5, $0.0e+00;
	v4 =	vadd.f32 v4, v14  }
0x79: {  	v1 =	vld [tilespmem:s10+$0xA400];
	[tilespmem:s8+$0x420] =	vst v5;
	v5 =	vmax.f32 v6, $0.0e+00;
	v2 =	vadd.f32 v2, v11;
	v6 =	vadd.f32 v15, v9  }
0x7a: {  	v9 =	vld [tilespmem:s10+$0xCC00];
	[tilespmem:s8+$0x430] =	vst v5;
	v4 =	vmax.f32 v4, $0.0e+00;
	v0 =	vadd.f32 v0, v12  }
0x7b: {  	v5 =	vld [tilespmem:s10+$0x5410];
	[tilespmem:s8+$0x440] =	vst v4;
	v2 =	vmax.f32 v2, $0.0e+00;
	v4 =	vadd.f32 v6, v7  }
0x7c: {  	v6 =	vld [tilespmem:s10+$0x7C10];
	[tilespmem:s8+$0x450] =	vst v2;
	v0 =	vmax.f32 v0, $0.0e+00  }
0x7d: {  	v2 =	vld [tilespmem:s10+$0xA410];
	[tilespmem:s8+$0x460] =	vst v0;
	v0 =	vmax.f32 v4, $0.0e+00  }
0x7e: {  	v4 =	vld [tilespmem:s10+$0xCC10];
	[tilespmem:s8+$0x470] =	vst v0;
	s8 =	smov.u32 s10  }
0x7f: {  	v0 =	vld [tilespmem:s8+$0x5420]  }
0x80: {  	v7 =	vld [tilespmem:s8+$0x7C20]  }
0x81: {  	v11 =	vld [tilespmem:s8+$0xA420]  }
0x82: {  	v12 =	vld [tilespmem:s8+$0xCC20]  }
0x83: {  	v17 =	vld [tilespmem:s8+$0x5430]  }
0x84: {  	v18 =	vld [tilespmem:s8+$0x7C30]  }
0x85: {  	v19 =	vld [tilespmem:s8+$0xA430]  }
0x86: {  	v20 =	vld [tilespmem:s8+$0xCC30]  }
0x87: {  	v21 =	vld [tilespmem:s8+$0x5440]  }
0x88: {  	v22 =	vld [tilespmem:s8+$0x7C40]  }
0x89: {  	v23 =	vld [tilespmem:s8+$0xA440]  }
0x8a: {  	v24 =	vld [tilespmem:s8+$0xCC40]  }
0x8b: {  	v25 =	vld [tilespmem:s8+$0x5450]  }
0x8c: {  	v26 =	vld [tilespmem:s8+$0x7C50]  }
0x8d: {  	v27 =	vld [tilespmem:s8+$0xA450]  }
0x8e: {  	v28 =	vld [tilespmem:s8+$0xCC50]  }
0x8f: {  	v29 =	vld [tilespmem:s8+$0x5460]  }
0x90: {  	v30 =	vld [tilespmem:s8+$0x7C60]  }
0x91: {  	v31 =	vld [tilespmem:s8+$0xA460]  }
0x92: {  	v32 =	vld [tilespmem:s8+$0xCC60]  }
0x93: {  	v8 =	vadd.f32 v3, v16;
	v13 =	vadd.f32 v9, v1;
	v9 =	vld [tilespmem:s8+$0x5470]  }
0x94: {  	v10 =	vadd.f32 v6, v5;
	v14 =	vadd.f32 v4, v2;
	v15 =	vld [tilespmem:s8+$0x7C70]  }
.Ltmp4:
0x95: {  	v5 =	vadd.f32 v7, v0;
	v11 =	vadd.f32 v12, v11;
	v16 =	vld [tilespmem:s8+$0xA470];
	(pc) =	sbr.rel @p1 .LBB2_3-.Ltmp4, $4  }
0x96: {  	v6 =	vadd.f32 v18, v17;
	v12 =	vadd.f32 v20, v19;
	v18 =	vld [tilespmem:s8+$0xCC70]  }
0x97: {  	v4 =	vadd.f32 v22, v21;
	v7 =	vadd.f32 v24, v23;
	v19 =	vld [tilespmem:s8+$0x400]  }
0x98: {  	v2 =	vadd.f32 v26, v25;
	v3 =	vadd.f32 v28, v27;
	v20 =	vld [tilespmem:s8+$0x410]  }
0x99: {  	s9 =	sadd.s32 $0x200, s9;
	v0 =	vadd.f32 v30, v29;
	v1 =	vadd.f32 v32, v31;
	v17 =	vld [tilespmem:s8+$0x420]  }
0x9a: {  	v8 =	vadd.f32 v13, v8;
	v50 =	vld [tilespmem:s8+$0x430];
	v9 =	vadd.f32 v15, v9  }
0x9b: {  	v10 =	vadd.f32 v14, v10;
	v51 =	vld [tilespmem:s8+$0x440];
	v5 =	vadd.f32 v11, v5  }
0x9c: {  	v53 =	vld [tilespmem:s8+$0x450];
	v6 =	vadd.f32 v12, v6;
	v8 =	vadd.f32 v8, v19  }
0x9d: {  	v54 =	vld [tilespmem:s8+$0x460];
	v4 =	vadd.f32 v7, v4;
	v10 =	vadd.f32 v10, v20  }
0x9e: {  	v55 =	vld [tilespmem:s8+$0x470];
	v2 =	vadd.f32 v3, v2;
	v8 =	vmax.f32 v8, $0.0e+00;
	v5 =	vadd.f32 v5, v17  }
0x9f: {  	v52 =	vadd.f32 v18, v16;
	[tilespmem:s8+$0x400] =	vst v8;
	v56 =	vmax.f32 v10, $0.0e+00;
	v6 =	vadd.f32 v6, v50  }
0xa0: {  	v0 =	vadd.f32 v1, v0;
	v4 =	vadd.f32 v4, v51;
	[tilespmem:s8+$0x410] =	vst v56;
	v57 =	vmax.f32 v5, $0.0e+00  }
0xa1: {  	v59 =	vadd.f32 v52, v9;
	v2 =	vadd.f32 v2, v53;
	[tilespmem:s8+$0x420] =	vst v57;
	v58 =	vmax.f32 v6, $0.0e+00  }
0xa2: {  	v0 =	vadd.f32 v0, v54;
	v60 =	vmax.f32 v4, $0.0e+00;
	[tilespmem:s8+$0x430] =	vst v58  }
0xa3: {  	s9 =	sadd.s32 s4, s1;
	v62 =	vadd.f32 v59, v55;
	v61 =	vmax.f32 v2, $0.0e+00;
	[tilespmem:s8+$0x440] =	vst v60  }
0xa4: {  	s9 =	smul.u32 $0x500, s9;
	v0 =	vmax.f32 v0, $0.0e+00;
	[tilespmem:s8+$0x450] =	vst v61  }
0xa5: {  	v63 =	vmax.f32 v62, $0.0e+00;
	[tilespmem:s8+$0x460] =	vst v0  }
.Ltmp5:
0xa6: {  	s10 =	sadd.s32 s7, s9;
	[tilespmem:s8+$0x470] =	vst v63;
	(pc) =	sbr.rel @p0 .LBB2_8-.Ltmp5, $4  }
0xa7: {  	[hbm4b:s10+s2] =	stream.linear.scatter [tilespmem:s22], [sflag:$0x6], $0x2800, $0x38;
	[tilespmem:$0x19400] =	vst v63  }
0xa8: {  	_ =	swait.ge [sflag:s25], $0x2800  }
0xa9: {  	[sflag:s25] =	ssyncset.done $0x0  }
0xaa: {  	[sflag:s25] =	ssyncadd.s32 $0xFFFFD800  }
0xab: {  	_ =	swait.ge [sflag:s26], $0x2800  }
0xac: {  	[sflag:s26] =	ssyncset.done $0x0  }
0xad: {  	[sflag:s26] =	ssyncadd.s32 $0xFFFFD800  }
0xae: {  	_ =	swait.ge [sflag:s26], $0x2800  }
0xaf: {  	[sflag:s26] =	ssyncset.done $0x0  }
0xb0: {  	[sflag:s26] =	ssyncadd.s32 $0xFFFFD800  }
0xb1: {  	_ =	swait.ge [sflag:s26], $0x2800  }
0xb2: {  	[sflag:s26] =	ssyncset.done $0x0  }
0xb3: {  	[sflag:s26] =	ssyncadd.s32 $0xFFFFD800  }
0xb4: {  	_ =	swait.ge [sflag:s26], $0x2800  }
0xb5: {  	[sflag:s26] =	ssyncset.done $0x0  }
0xb6: {  	[sflag:s26] =	ssyncadd.s32 $0xFFFFD800  }
0xb7: {  	_ =	swait.ge [sflag:s26], $0x2800  }
0xb8: {  	[sflag:s26] =	ssyncset.done $0x0  }
0xb9: {  	[sflag:s26] =	ssyncadd.s32 $0xFFFFD800  }
0xba: {  	_ =	swait.ge [sflag:s28], $0x200  }
0xbb: {  	[sflag:s28] =	ssyncset.done $0x0  }
0xbc: {  	[sflag:s28] =	ssyncadd.s32 $0xFFFFFE00  }
0xbd: {  	[tilespmem:s15], [sflag:$0x1] =	stream.indirect.gather [hbm4b:s5+s14], $0x80, s2, s14, $0xb8;
	[tilespmem:$0x19400] =	vst v63  }
0xbe: {  	p0 =	sgt.u32 s31, $0x3C  }
0xbf: {  	[tilespmem:s17], [sflag:$0x1] =	stream.indirect.gather [hbm4b:s5+s14], $0x80, s16, s14, $0xb8;
	[tilespmem:$0x19400] =	vst v63  }
0xc0: {  	s8 =	sadd.s32 s4, s23;
	s1 =	sadd.s32 @!p0 s1, s11  }
0xc1: {  	[tilespmem:s19], [sflag:$0x1] =	stream.indirect.gather [hbm4b:s5+s14], $0x80, s18, s14, $0xb8;
	[tilespmem:$0x19400] =	vst v63  }
0xc2: {  	s8 =	smul.u32 $0x500, s8;
	s1 =	sshll.u32 @!p0 s1, $0x6  }
0xc3: {  	[tilespmem:s21], [sflag:$0x1] =	stream.indirect.gather [hbm4b:s5+s14], $0x80, s20, s14, $0xb8;
	[tilespmem:$0x19400] =	vst v63  }
0xc4: {  	s8 =	sadd.s32 s3, s8;
	s1 =	sand.u32 @!p0 $0x1FFFFFC0, s1  }
0xc5: {  	[tilespmem:s22], [sflag:$0x1] =	stream.linear.gather [hbm4b:s8+s2], $0x2800, $0x38;
	[tilespmem:$0x19400] =	vst v63  }
0xc6: {  	s9 =	simm.s32 @!p0 $0x200;
	s1 =	sadd.s32 @!p0 s6, s1;
	s8 =	simm.s32 @!p0 $0x0  }
0xc7: {  	[tilespmem:s9], [sflag:$0x4] =	stream.linear.gather @!p0 [hbm4b:s1+s8], $0x200, $0x38;
	[tilespmem:$0x19400] =	vst v63  }
0xc8: {  	s1 =	simm.s32 $0x0  }
0xc9: {  	v0 =	vld [tilespmem:s1+$0xF400]  }
0xca: {  	v1 =	vld [tilespmem:s1+$0x11C00]  }
0xcb: {  	v2 =	vld [tilespmem:s1+$0x14400]  }
0xcc: {  	v3 =	vld [tilespmem:s1+$0x16C00]  }
0xcd: {  	v4 =	vld [tilespmem:s1+$0xF410]  }
0xce: {  	v5 =	vld [tilespmem:s1+$0x11C10]  }
0xcf: {  	v6 =	vld [tilespmem:s1+$0x14410]  }
0xd0: {  	v7 =	vld [tilespmem:s1+$0x16C10]  }
0xd1: {  	v11 =	vld [tilespmem:s1+$0xF420]  }
0xd2: {  	v12 =	vld [tilespmem:s1+$0x11C20]  }
0xd3: {  	v16 =	vld [tilespmem:s1+$0x14420]  }
0xd4: {  	v17 =	vld [tilespmem:s1+$0x16C20]  }
0xd5: {  	v18 =	vld [tilespmem:s1+$0xF430]  }
0xd6: {  	v19 =	vld [tilespmem:s1+$0x11C30]  }
0xd7: {  	v20 =	vld [tilespmem:s1+$0x14430]  }
0xd8: {  	v21 =	vld [tilespmem:s1+$0x16C30]  }
0xd9: {  	v22 =	vld [tilespmem:s1+$0xF440]  }
0xda: {  	v23 =	vld [tilespmem:s1+$0x11C40]  }
0xdb: {  	v24 =	vld [tilespmem:s1+$0x14440]  }
0xdc: {  	v25 =	vld [tilespmem:s1+$0x16C40]  }
0xdd: {  	v26 =	vld [tilespmem:s1+$0xF450]  }
0xde: {  	v27 =	vld [tilespmem:s1+$0x11C50]  }
0xdf: {  	v28 =	vld [tilespmem:s1+$0x14450]  }
0xe0: {  	v29 =	vld [tilespmem:s1+$0x16C50]  }
0xe1: {  	v30 =	vld [tilespmem:s1+$0xF460]  }
0xe2: {  	v31 =	vld [tilespmem:s1+$0x11C60]  }
0xe3: {  	v32 =	vld [tilespmem:s1+$0x14460]  }
0xe4: {  	v33 =	vld [tilespmem:s1+$0x16C60]  }
0xe5: {  	v9 =	vld [tilespmem:s1+$0xF470];
	v8 =	vadd.f32 v1, v0;
	v13 =	vadd.f32 v3, v2  }
0xe6: {  	v15 =	vld [tilespmem:s1+$0x11C70];
	v10 =	vadd.f32 v5, v4;
	v14 =	vadd.f32 v7, v6  }
0xe7: {  	v5 =	vadd.f32 v12, v11;
	v11 =	vadd.f32 v17, v16;
	v16 =	vld [tilespmem:s1+$0x14470]  }
0xe8: {  	v6 =	vadd.f32 v19, v18;
	v12 =	vadd.f32 v21, v20;
	v18 =	vld [tilespmem:s1+$0x16C70]  }
0xe9: {  	v19 =	vld [tilespmem:s1+$0x2C00];
	v4 =	vadd.f32 v23, v22;
	v7 =	vadd.f32 v25, v24  }
0xea: {  	v20 =	vld [tilespmem:s1+$0x2C10];
	v2 =	vadd.f32 v27, v26;
	v3 =	vadd.f32 v29, v28  }
0xeb: {  	s8 =	simm.s32 $0x200;
	v17 =	vld [tilespmem:s1+$0x2C20];
	v0 =	vadd.f32 v31, v30;
	v1 =	vadd.f32 v33, v32  }
.LBB2_6:
0xec: {  	p0 =	sne.s32 s8, $0x9E00;
	v8 =	vadd.f32 v13, v8;
	v13 =	vld [tilespmem:s1+$0x2C30];
	v9 =	vadd.f32 v15, v9  }
0xed: {  	v10 =	vadd.f32 v14, v10;
	v14 =	vld [tilespmem:s1+$0x2C40];
	v15 =	vadd.f32 v18, v16  }
0xee: {  	v5 =	vadd.f32 v11, v5;
	v8 =	vadd.f32 v8, v19;
	v11 =	vld [tilespmem:s1+$0x2C50]  }
0xef: {  	v6 =	vadd.f32 v12, v6;
	v10 =	vadd.f32 v10, v20;
	v12 =	vld [tilespmem:s1+$0x2C60]  }
0xf0: {  	s9 =	sshra.s32 s8, $0x2;
	v4 =	vadd.f32 v7, v4;
	v8 =	vmax.f32 v8, $0.0e+00;
	v5 =	vadd.f32 v5, v17;
	v7 =	vld [tilespmem:s1+$0x2C70]  }
0xf1: {  	v2 =	vadd.f32 v3, v2;
	v16 =	vld [tilespmem:s9+$0xF400];
	[tilespmem:s1+$0x2C00] =	vst v8;
	v8 =	vmax.f32 v10, $0.0e+00;
	v6 =	vadd.f32 v6, v13  }
0xf2: {  	v0 =	vadd.f32 v1, v0;
	v3 =	vld [tilespmem:s9+$0x11C00];
	[tilespmem:s1+$0x2C10] =	vst v8;
	v5 =	vmax.f32 v5, $0.0e+00;
	v4 =	vadd.f32 v4, v14  }
0xf3: {  	v1 =	vld [tilespmem:s9+$0x14400];
	[tilespmem:s1+$0x2C20] =	vst v5;
	v5 =	vmax.f32 v6, $0.0e+00;
	v2 =	vadd.f32 v2, v11;
	v6 =	vadd.f32 v15, v9  }
0xf4: {  	v9 =	vld [tilespmem:s9+$0x16C00];
	[tilespmem:s1+$0x2C30] =	vst v5;
	v4 =	vmax.f32 v4, $0.0e+00;
	v0 =	vadd.f32 v0, v12  }
0xf5: {  	v5 =	vld [tilespmem:s9+$0xF410];
	[tilespmem:s1+$0x2C40] =	vst v4;
	v2 =	vmax.f32 v2, $0.0e+00;
	v4 =	vadd.f32 v6, v7  }
0xf6: {  	v6 =	vld [tilespmem:s9+$0x11C10];
	[tilespmem:s1+$0x2C50] =	vst v2;
	v0 =	vmax.f32 v0, $0.0e+00  }
0xf7: {  	v2 =	vld [tilespmem:s9+$0x14410];
	[tilespmem:s1+$0x2C60] =	vst v0;
	v0 =	vmax.f32 v4, $0.0e+00  }
0xf8: {  	v4 =	vld [tilespmem:s9+$0x16C10];
	[tilespmem:s1+$0x2C70] =	vst v0;
	s1 =	smov.u32 s9  }
0xf9: {  	v0 =	vld [tilespmem:s1+$0xF420]  }
0xfa: {  	v7 =	vld [tilespmem:s1+$0x11C20]  }
0xfb: {  	v11 =	vld [tilespmem:s1+$0x14420]  }
0xfc: {  	v12 =	vld [tilespmem:s1+$0x16C20]  }
0xfd: {  	v17 =	vld [tilespmem:s1+$0xF430]  }
0xfe: {  	v18 =	vld [tilespmem:s1+$0x11C30]  }
0xff: {  	v19 =	vld [tilespmem:s1+$0x14430]  }
0x100: {  	v20 =	vld [tilespmem:s1+$0x16C30]  }
0x101: {  	v21 =	vld [tilespmem:s1+$0xF440]  }
0x102: {  	v22 =	vld [tilespmem:s1+$0x11C40]  }
0x103: {  	v23 =	vld [tilespmem:s1+$0x14440]  }
0x104: {  	v24 =	vld [tilespmem:s1+$0x16C40]  }
0x105: {  	v25 =	vld [tilespmem:s1+$0xF450]  }
0x106: {  	v26 =	vld [tilespmem:s1+$0x11C50]  }
0x107: {  	v27 =	vld [tilespmem:s1+$0x14450]  }
0x108: {  	v28 =	vld [tilespmem:s1+$0x16C50]  }
0x109: {  	v29 =	vld [tilespmem:s1+$0xF460]  }
0x10a: {  	v30 =	vld [tilespmem:s1+$0x11C60]  }
0x10b: {  	v31 =	vld [tilespmem:s1+$0x14460]  }
0x10c: {  	v32 =	vld [tilespmem:s1+$0x16C60]  }
0x10d: {  	v8 =	vadd.f32 v3, v16;
	v13 =	vadd.f32 v9, v1;
	v9 =	vld [tilespmem:s1+$0xF470]  }
0x10e: {  	v10 =	vadd.f32 v6, v5;
	v14 =	vadd.f32 v4, v2;
	v15 =	vld [tilespmem:s1+$0x11C70]  }
.Ltmp6:
0x10f: {  	v5 =	vadd.f32 v7, v0;
	v11 =	vadd.f32 v12, v11;
	v16 =	vld [tilespmem:s1+$0x14470];
	(pc) =	sbr.rel @p0 .LBB2_6-.Ltmp6, $4  }
0x110: {  	v6 =	vadd.f32 v18, v17;
	v12 =	vadd.f32 v20, v19;
	v18 =	vld [tilespmem:s1+$0x16C70]  }
0x111: {  	v4 =	vadd.f32 v22, v21;
	v7 =	vadd.f32 v24, v23;
	v19 =	vld [tilespmem:s1+$0x2C00]  }
0x112: {  	v2 =	vadd.f32 v26, v25;
	v3 =	vadd.f32 v28, v27;
	v20 =	vld [tilespmem:s1+$0x2C10]  }
0x113: {  	s8 =	sadd.s32 $0x200, s8;
	v0 =	vadd.f32 v30, v29;
	v1 =	vadd.f32 v32, v31;
	v17 =	vld [tilespmem:s1+$0x2C20]  }
0x114: {  	v8 =	vadd.f32 v13, v8;
	v50 =	vld [tilespmem:s1+$0x2C30];
	v9 =	vadd.f32 v15, v9  }
0x115: {  	v10 =	vadd.f32 v14, v10;
	v51 =	vld [tilespmem:s1+$0x2C40];
	v5 =	vadd.f32 v11, v5  }
0x116: {  	v53 =	vld [tilespmem:s1+$0x2C50];
	v6 =	vadd.f32 v12, v6;
	v8 =	vadd.f32 v8, v19  }
0x117: {  	v54 =	vld [tilespmem:s1+$0x2C60];
	v4 =	vadd.f32 v7, v4;
	v10 =	vadd.f32 v10, v20  }
0x118: {  	v55 =	vld [tilespmem:s1+$0x2C70];
	v2 =	vadd.f32 v3, v2;
	v8 =	vmax.f32 v8, $0.0e+00;
	v5 =	vadd.f32 v5, v17  }
0x119: {  	v52 =	vadd.f32 v18, v16;
	[tilespmem:s1+$0x2C00] =	vst v8;
	v56 =	vmax.f32 v10, $0.0e+00;
	v6 =	vadd.f32 v6, v50  }
0x11a: {  	v0 =	vadd.f32 v1, v0;
	v4 =	vadd.f32 v4, v51;
	[tilespmem:s1+$0x2C10] =	vst v56;
	v57 =	vmax.f32 v5, $0.0e+00  }
0x11b: {  	v59 =	vadd.f32 v52, v9;
	v2 =	vadd.f32 v2, v53;
	[tilespmem:s1+$0x2C20] =	vst v57;
	v58 =	vmax.f32 v6, $0.0e+00  }
0x11c: {  	v0 =	vadd.f32 v0, v54;
	v60 =	vmax.f32 v4, $0.0e+00;
	[tilespmem:s1+$0x2C30] =	vst v58  }
0x11d: {  	s0 =	sadd.s32 s4, s0;
	v62 =	vadd.f32 v59, v55;
	v61 =	vmax.f32 v2, $0.0e+00;
	[tilespmem:s1+$0x2C40] =	vst v60  }
0x11e: {  	s0 =	smul.u32 $0x500, s0;
	v0 =	vmax.f32 v0, $0.0e+00;
	[tilespmem:s1+$0x2C50] =	vst v61  }
0x11f: {  	v63 =	vmax.f32 v62, $0.0e+00;
	[tilespmem:s1+$0x2C60] =	vst v0  }
.Ltmp7:
0x120: {  	s0 =	sadd.s32 s7, s0;
	[tilespmem:s1+$0x2C70] =	vst v63;
	(pc) =	sbr.rel .LBB2_8-.Ltmp7, $4  }
0x121: {  	[hbm4b:s0+s2] =	stream.linear.scatter [tilespmem:s29], [sflag:$0x5], $0x2800, $0x38;
	[tilespmem:$0x19400] =	vst v63  }
0x122: {  	_ =	swait.ge [sflag:s13], $0x2800  }
0x123: {  	[sflag:s13] =	ssyncset.done $0x0  }
0x124: {  	[sflag:s13] =	ssyncadd.s32 $0xFFFFD800  }
.LBB2_10:
0x125: {  	_ =	sfence.sel $0x180000  }
0x126: {  	[bflag:$0x0] =	sbarrier.arrive $0xFFFF  }
0x127: {  	_ =	strace $0x90000047  }
0x128: {  	s0 =	stileid.u32;
	[bflag:$0x2] =	sbarrier.arrive $0xFFFF  }
0x129: {  	p0 =	sne.s32 s0, $0x0;
	s0 =	rddreg [dreg:$0x1]  }
0x12a: {  	s0 =	sadd.s32 @!p0 $0x100000, s0  }
0x12b: {  	[sflag:s0] =	ssyncadd.tile.s32 @!p0 $0x1;
	_ =	shalt  }
.Lfunc_end2:
_tile_overlayer_lowered:
.L_overlay_start_2:
0x12c: {  	(tag) =	ssettag $0x2  }
0x12d: {  	s0 =	rddreg [dreg:$0x0];
	s2 =	stileid.u32  }
0x12e: {  	s1 =	rddreg [dreg:$0x1];
	p0 =	sne.s32 s2, $0x0  }
0x12f: {  	s3 =	rddreg [dreg:$0x2];
	[bflag:$0x3] =	sbarrier.arrive $0xFFFF;
	s2 =	simm.s32 @!p0 $0x1C05  }
0x130: {  	[timem:s3], [sflag:s2] =	dma.local @!p0 [hbm:s0], s1  }
0x131: {  	s0 =	simm.s32 @!p0 $0x5  }
0x132: {  	_ =	swait.ge @!p0 [sflag:s0], s1  }
0x133: {  	s1 =	ssub.s32 @!p0 $0x0, s1;
	[sflag:s0] =	ssyncset.done @!p0 $0x0  }
0x134: {  	[sflag:s0] =	ssyncadd.s32 @!p0 s1  }
0x135: {  	[bflag:$0x3] =	sbarrier.arrive $0xFFFF  }
0x136: {  	_ =	shalt  }

</sc_bundles>
